<compile_context>
chip_gen: v7x
topology: tpu7x:2x2x1
jax: 0.10.2.dev20260603
libtpu: 0.0.44.dev20260713+nightly
codegen_flags: <defaults>
</compile_context>

<pallas_src>
import functools

import jax
import jax.numpy as jnp
from jax import lax
from jax.experimental import pallas as pl
from jax.experimental.pallas import tpu as pltpu
from jax.experimental.pallas import tpu_sc as plsc

NC = 2
NS = 16
NW = NC * NS


def _make_deg_kernel(NCHUNK, CH, N, NPAD):
    RT = NPAD // NS
    mesh = plsc.VectorSubcoreMesh(core_axis_name="c", subcore_axis_name="s", num_cores=NC, num_subcores=NS)

    @functools.partial(
        pl.kernel,
        out_type=(jax.ShapeDtypeStruct((NPAD, 16), jnp.float32),
                  jax.ShapeDtypeStruct((NPAD, 16), jnp.float32)),
        mesh=mesh,
        scratch_types=[
            pltpu.VMEM((NCHUNK, CH), jnp.int32),
            pltpu.VMEM((CH, 16), jnp.float32),
            pltpu.VMEM((CH, 16), jnp.float32),
            pltpu.VMEM_SHARED((NPAD, 16), jnp.float32),
        ],
    )
    def deg_kernel(dst_hbm, out0, out1, dstb, onesv, zb, acc_sh):
        cid = lax.axis_index("c")
        sid = lax.axis_index("s")
        wid = sid * NC + cid

        def fill(i, _):
            onesv[i, :] = jnp.ones((16,), jnp.float32)
            zb[i, :] = jnp.zeros((16,), jnp.float32)
            return _
        lax.fori_loop(0, CH, fill, None)

        assert RT % CH == 0
        for j in range(RT // CH):
            pltpu.sync_copy(zb, acc_sh.at[pl.ds(sid * RT + j * CH, CH)])

        pltpu.sync_copy(dst_hbm.at[pl.ds(wid * NCHUNK, NCHUNK)], dstb)
        plsc.subcore_barrier()

        def step(g, _):
            pltpu.sync_copy(onesv, acc_sh.at[dstb.at[g]], add=True)
            return _
        lax.fori_loop(0, NCHUNK, step, None)
        plsc.subcore_barrier()

        sl_a, sl_o = acc_sh.at[pl.ds(sid * RT, RT)], pl.ds(sid * RT, RT)
        @pl.when(cid == 0)
        def _():
            pltpu.sync_copy(sl_a, out0.at[sl_o])
        @pl.when(cid == 1)
        def _():
            pltpu.sync_copy(sl_a, out1.at[sl_o])

    return deg_kernel


def _make_agg_kernel(NCHUNK, CH, N, NPAD, F):
    RT = NPAD // NS
    mesh = plsc.VectorSubcoreMesh(core_axis_name="c", subcore_axis_name="s", num_cores=NC, num_subcores=NS)

    @functools.partial(
        pl.kernel,
        out_type=(jax.ShapeDtypeStruct((N, F), jnp.float32),
                  jax.ShapeDtypeStruct((N, F), jnp.float32)),
        mesh=mesh,
        scratch_types=[
            [pltpu.VMEM((2, CH), jnp.int32)] * 4,
            pltpu.VMEM((CH, F), jnp.float32),
            pltpu.VMEM((CH, F), jnp.float32),
            pltpu.VMEM_SHARED((NPAD, F), jnp.float32),
            [pltpu.SemaphoreType.DMA] * 4,
            pltpu.SemaphoreType.DMA,
            pltpu.SemaphoreType.DMA,
            pltpu.SemaphoreType.DMA,
            pltpu.SemaphoreType.DMA,
        ],
    )
    def agg_kernel(hp_hbm, sd_hbm, out0, out1,
                   pairs, rows_a, rows_b, acc_sh,
                   psems, sem_ga, sem_gb, sem_sa, sem_sb):
        cid = lax.axis_index("c")
        sid = lax.axis_index("s")
        wid = sid * NC + cid
        base = wid * NCHUNK

        def zrow(i, _):
            for c in range(F // 16):
                rows_a[i, pl.ds(c * 16, 16)] = jnp.zeros((16,), jnp.float32)
            return _
        lax.fori_loop(0, CH, zrow, None)
        assert RT % CH == 0
        for j in range(RT // CH):
            pltpu.sync_copy(rows_a, acc_sh.at[pl.ds(sid * RT + j * CH, CH)])
        plsc.subcore_barrier()

        assert NCHUNK % 4 == 0 and NCHUNK >= 8

        def issue_pair(c, sl):
            pltpu.async_copy(sd_hbm.at[base + c], pairs[sl], psems[sl])

        def wait_pair(sl):
            pltpu.make_async_copy(sd_hbm.at[base], pairs[sl], psems[sl]).wait()

        def issue_gather(sl, rows, sem):
            pltpu.async_copy(hp_hbm.at[pairs[sl].at[0]], rows, sem)

        def wait_gather(sl, rows, sem):
            pltpu.make_async_copy(hp_hbm.at[pairs[sl].at[0]], rows, sem).wait()

        def issue_scatter(sl, rows, sem):
            pltpu.async_copy(rows, acc_sh.at[pairs[sl].at[1]], sem, add=True)

        def wait_scatter(sl, rows, sem):
            pltpu.make_async_copy(rows, acc_sh.at[pairs[sl].at[1]], sem).wait()

        pltpu.sync_copy(sd_hbm.at[base], pairs[0])
        issue_gather(0, rows_a, sem_ga)
        issue_pair(1, 1)
        issue_pair(2, 2)

        def step(u, _):
            for k in range(4):
                rx, gx, sx = ((rows_a, sem_ga, sem_sa) if k % 2 == 0
                              else (rows_b, sem_gb, sem_sb))
                ry, gy, sy = ((rows_b, sem_gb, sem_sb) if k % 2 == 0
                              else (rows_a, sem_ga, sem_sa))
                c = 4 * u + k
                wait_gather(k, rx, gx)
                issue_scatter(k, rx, sx)

                @pl.when(c > 0)
                def _():
                    wait_scatter((k - 1) % 4, ry, sy)

                @pl.when(c + 1 < NCHUNK)
                def _():
                    wait_pair((k + 1) % 4)
                    issue_gather((k + 1) % 4, ry, gy)

                @pl.when(c + 3 < NCHUNK)
                def _():
                    issue_pair(c + 3, (k + 3) % 4)
            return _
        lax.fori_loop(0, NCHUNK // 4, step, None)
        wait_scatter(3, rows_b, sem_sb)
        plsc.subcore_barrier()

        q = -(-(N // NS) // 8) * 8
        sizes = [q] * (NS - 1) + [N - q * (NS - 1)]
        assert sizes[-1] > 0 and all(sz % 8 == 0 for sz in sizes)

        def copy_out(t):
            r0, nn = q * t, sizes[t]
            sl = acc_sh.at[pl.ds(r0, nn)]

            @pl.when(jnp.logical_and(sid == t, cid == 0))
            def _():
                pltpu.sync_copy(sl, out0.at[pl.ds(r0, nn)])

            @pl.when(jnp.logical_and(sid == t, cid == 1))
            def _():
                pltpu.sync_copy(sl, out1.at[pl.ds(r0, nn)])
        for t in range(NS):
            copy_out(t)

    return agg_kernel


def _dis(d0, d1):
    return lax.rsqrt(d0[0, 0, :] + d1[0, 0, :] + 1.0)


def _tc_mm1(x, W, deg0_3, deg1_3, R):
    N, F = x.shape
    G = N // R

    def body(x_ref, w_ref, d0_ref, d1_ref, o_ref):
        dis = _dis(d0_ref, d1_ref)
        xw = lax.dot_general(x_ref[...], w_ref[...], (((1,), (0,)), ((), ())),
                             preferred_element_type=jnp.float32)
        o_ref[...] = xw * dis[:, None]

    return pl.pallas_call(
        body,
        grid=(G,),
        in_specs=[
            pl.BlockSpec((R, F), lambda i: (i, 0)),
            pl.BlockSpec(W.shape, lambda i: (0, 0)),
            pl.BlockSpec((1, 1, R), lambda i: (i, 0, 0)),
            pl.BlockSpec((1, 1, R), lambda i: (i, 0, 0)),
        ],
        out_specs=pl.BlockSpec((R, W.shape[1]), lambda i: (i, 0)),
        out_shape=jax.ShapeDtypeStruct((N, W.shape[1]), jnp.float32),
    )(x, W, deg0_3, deg1_3)


def _tc_mid(acc0, acc1, hp, b_2d, W, deg0_3, deg1_3, R):
    N, F = hp.shape
    G = N // R

    def body(a0_ref, a1_ref, hp_ref, b_ref, w_ref, d0_ref, d1_ref, o_ref):
        dis = _dis(d0_ref, d1_ref)
        acc = a0_ref[...] + a1_ref[...] + hp_ref[...]
        h = jnp.maximum(acc * dis[:, None] + b_ref[...], 0.0)
        hw = lax.dot_general(h, w_ref[...], (((1,), (0,)), ((), ())),
                             preferred_element_type=jnp.float32)
        o_ref[...] = hw * dis[:, None]

    blk = pl.BlockSpec((R, F), lambda i: (i, 0))
    return pl.pallas_call(
        body,
        grid=(G,),
        in_specs=[
            blk, blk, blk,
            pl.BlockSpec((1, F), lambda i: (0, 0)),
            pl.BlockSpec(W.shape, lambda i: (0, 0)),
            pl.BlockSpec((1, 1, R), lambda i: (i, 0, 0)),
            pl.BlockSpec((1, 1, R), lambda i: (i, 0, 0)),
        ],
        out_specs=pl.BlockSpec((R, W.shape[1]), lambda i: (i, 0)),
        out_shape=jax.ShapeDtypeStruct((N, W.shape[1]), jnp.float32),
    )(acc0, acc1, hp, b_2d, W, deg0_3, deg1_3)


def _tc_final(acc0, acc1, hp, b_2d, batch_3, Wl_pad, bl_pad,
              deg0_3, deg1_3, R, NG):
    N, F = hp.shape
    G = N // R
    FP = Wl_pad.shape[1]

    def body(a0_ref, a1_ref, hp_ref, b_ref, bat_ref, wl_ref, bl_ref,
             d0_ref, d1_ref, o_ref, sums, counts):
        i = pl.program_id(0)

        @pl.when(i == 0)
        def _():
            sums[...] = jnp.zeros_like(sums)
            counts[...] = jnp.zeros_like(counts)

        dis = _dis(d0_ref, d1_ref)
        acc = a0_ref[...] + a1_ref[...] + hp_ref[...]
        h2 = jnp.maximum(acc * dis[:, None] + b_ref[...], 0.0)
        bat = bat_ref[0, 0, :]
        oh = (bat[:, None] ==
              lax.broadcasted_iota(jnp.int32, (R, NG), 1)).astype(jnp.float32)
        sums[...] += lax.dot_general(oh, h2, (((0,), (0,)), ((), ())),
                                     preferred_element_type=jnp.float32)
        counts[...] += jnp.sum(oh, axis=0)[:, None]

        @pl.when(i == G - 1)
        def _():
            g = sums[...] / jnp.maximum(counts[...], 1.0)
            o_ref[...] = lax.dot_general(
                g, wl_ref[...], (((1,), (0,)), ((), ())),
                preferred_element_type=jnp.float32) + bl_ref[...]

    blk = pl.BlockSpec((R, F), lambda i: (i, 0))
    return pl.pallas_call(
        body,
        grid=(G,),
        in_specs=[
            blk, blk, blk,
            pl.BlockSpec((1, F), lambda i: (0, 0)),
            pl.BlockSpec((1, 1, R), lambda i: (i, 0, 0)),
            pl.BlockSpec(Wl_pad.shape, lambda i: (0, 0)),
            pl.BlockSpec((1, FP), lambda i: (0, 0)),
            pl.BlockSpec((1, 1, R), lambda i: (i, 0, 0)),
            pl.BlockSpec((1, 1, R), lambda i: (i, 0, 0)),
        ],
        out_specs=pl.BlockSpec((NG, FP), lambda i: (0, 0)),
        out_shape=jax.ShapeDtypeStruct((NG, FP), jnp.float32),
        scratch_shapes=[
            pltpu.VMEM((NG, FP), jnp.float32),
            pltpu.VMEM((NG, FP), jnp.float32),
        ],
    )(acc0, acc1, hp, b_2d, batch_3, Wl_pad, bl_pad, deg0_3, deg1_3)


NUM_GRAPHS = 64


def kernel(x, edge_index, batch, W1, b1, W2, b2, Wl, bl):
    N, F = x.shape
    E = edge_index.shape[1]
    C = Wl.shape[1]
    R = 2000
    assert N % R == 0 and R % 8 == 0

    src = edge_index[0]
    dst = edge_index[1]

    CH = 128
    NCHUNK = -(-E // (CH * NW))
    NCHUNK = -(-NCHUNK // 8) * 8
    EP = NW * NCHUNK * CH
    NPAD = -(-N // (NS * CH)) * NS * CH
    assert NPAD > N
    pad_ix = jnp.arange(EP - E, dtype=jnp.int32)
    src_p = jnp.concatenate([src, pad_ix % N]).reshape(-1, CH)
    dst_p = jnp.concatenate([dst, pad_ix % (NPAD - N) + N]).reshape(-1, CH)
    sd_p = jnp.stack([src_p, dst_p], axis=1)

    deg_k = _make_deg_kernel(NCHUNK, CH, N, NPAD)
    deg0, deg1 = deg_k(dst_p)
    deg0_3 = deg0[:N, 0].reshape(N // R, 1, R)
    deg1_3 = deg1[:N, 0].reshape(N // R, 1, R)

    batch_3 = batch.reshape(N // R, 1, R)
    b1_2d = b1.reshape(1, -1)
    b2_2d = b2.reshape(1, -1)
    Wl_pad = jnp.pad(Wl, ((0, 0), (0, 128 - C)))
    bl_pad = jnp.pad(bl, (0, 128 - C)).reshape(1, -1)

    agg_k = _make_agg_kernel(NCHUNK, CH, N, NPAD, F)

    hp1 = _tc_mm1(x, W1, deg0_3, deg1_3, R)
    a0, a1 = agg_k(hp1, sd_p)
    hp2 = _tc_mid(a0, a1, hp1, b1_2d, W2, deg0_3, deg1_3, R)
    a0b, a1b = agg_k(hp2, sd_p)
    out = _tc_final(a0b, a1b, hp2, b2_2d, batch_3, Wl_pad, bl_pad,
                    deg0_3, deg1_3, R, NUM_GRAPHS)
    return out[:, :C]

# --- scband reference (transcript-rebuilt; emitter-appended) ---
"""Pipeline reference for scband-gcn-46256797777943 (READ-ONLY COPY).

The authoritative reference and input builder live on the scoring server;
editing this copy changes nothing except your own understanding.
"""

import jax, jax.numpy as jnp
import numpy as np

N = 10000
E = 320000
F_IN = 128
H = 128
C = 8
B = 64


def setup_inputs(seed: int = 0) -> dict:
    key = jax.random.key(seed)
    ks = jax.random.split(key, 10)
    x = jax.random.normal(ks[0], (N, F_IN), dtype=jnp.float32)
    edge_index = jax.random.randint(ks[1], (2, E), 0, N, dtype=jnp.int32)
    batch = jnp.sort(jax.random.randint(ks[2], (N,), 0, B, dtype=jnp.int32))
    W1 = jax.random.normal(ks[3], (F_IN, H), dtype=jnp.float32) * (1.0 / np.sqrt(F_IN))
    b1 = jnp.zeros((H,), dtype=jnp.float32)
    W2 = jax.random.normal(ks[4], (H, H), dtype=jnp.float32) * (1.0 / np.sqrt(H))
    b2 = jnp.zeros((H,), dtype=jnp.float32)
    Wl = jax.random.normal(ks[5], (H, C), dtype=jnp.float32) * (1.0 / np.sqrt(H))
    bl = jnp.zeros((C,), dtype=jnp.float32)
    return {"x": x, "edge_index": edge_index, "batch": batch,
            "W1": W1, "b1": b1, "W2": W2, "b2": b2, "Wl": Wl, "bl": bl}


def _gcn_conv(x, edge_index, W, b):
    # PyG GCNConv with add_self_loops=True, symmetric normalization
    n = x.shape[0]
    loops = jnp.arange(n, dtype=edge_index.dtype)
    src = jnp.concatenate([edge_index[0], loops])
    dst = jnp.concatenate([edge_index[1], loops])
    deg = jnp.zeros((n,), dtype=x.dtype).at[dst].add(1.0)
    deg_inv_sqrt = jnp.where(deg > 0, deg ** -0.5, 0.0)
    norm = deg_inv_sqrt[src] * deg_inv_sqrt[dst]
    h = x @ W
    msg = h[src] * norm[:, None]
    out = jnp.zeros((n, h.shape[1]), dtype=x.dtype).at[dst].add(msg)
    return out + b


def _global_mean_pool(x, batch, num_graphs):
    sums = jax.ops.segment_sum(x, batch, num_segments=num_graphs)
    counts = jax.ops.segment_sum(jnp.ones((x.shape[0],), dtype=x.dtype), batch, num_segments=num_graphs)
    return sums / jnp.clip(counts, 1.0)[:, None]


def reference(x, edge_index, batch, W1, b1, W2, b2, Wl, bl):
    h = _gcn_conv(x, edge_index, W1, b1)
    h = jax.nn.relu(h)
    h = _gcn_conv(h, edge_index, W2, b2)
    h = jax.nn.relu(h)
    g = _global_mean_pool(h, batch, B)
    # F.dropout with training=False is identity (eval mode)
    out = g @ Wl + bl
    return out

if __name__ == "__main__":
    import jax
    _d = setup_inputs()
    print(jax.jit(kernel)(*tuple(_d.values())))

</pallas_src>

<mosaic_0001>
#map = affine_map<(d0, d1) -> (0, 0)>
module attributes {stable_mosaic.version = 14 : i64} {
  func.func @deg_kernel(%arg0: i32, %arg1: i32, %arg2: memref<2560x128xi32, #tpu.memory_space<hbm>>, %arg3: memref<10240x16xf32, #tpu.memory_space<hbm>>, %arg4: memref<10240x16xf32, #tpu.memory_space<hbm>>, %arg5: memref<80x128xi32, #tpu.memory_space<vmem>>, %arg6: memref<128x16xf32, #tpu.memory_space<vmem>>, %arg7: memref<128x16xf32, #tpu.memory_space<vmem>>, %arg8: memref<10240x16xf32, #tpu.memory_space<vmem_shared>>) attributes {dimension_semantics = [#tpu.dimension_semantics<core_parallel>, #tpu.dimension_semantics<subcore_parallel>], iteration_bounds = array<i64: 2, 16>, scalar_prefetch = 0 : i64, scratch_operands = 4 : i64, tpu.core_type = #tpu.core_type<sc_vector_subcore>, window_params = [{transform_indices = #map}, {transform_indices = #map}, {transform_indices = #map}]} {
    %mul3A = arith.constant 2 : i32
    %mul3A_0 = arith.muli %arg1, %mul3A : i32
    %add3A = arith.addi %mul3A_0, %arg0 : i32
    %scan3A = arith.constant 0 : i32
    %scan3A_1 = arith.constant 128 : i32
    %scan3A_2 = arith.addi %scan3A, %scan3A_1 : i32
    %scan3A_3 = arith.constant 1 : i32
    scf.for %scan3A_44 = %scan3A to %scan3A_2 step %scan3A_3  : i32 {
      %broadcast_in_dim3A = arith.constant 1.000000e+00 : f32
      %broadcast_in_dim3A_45 = vector.broadcast %broadcast_in_dim3A : f32 to vector<16xf32>
      %swap3A = arith.index_cast %scan3A_44 : i32 to index
      %swap3A_46 = arith.constant 0 : index
      %swap3A_47 = tpu.vector_load %arg6[%swap3A, %swap3A_46] {strides = array<i32>} : memref<128x16xf32, #tpu.memory_space<vmem>>, vector<1x16xf32>,
      %swap3A_48 = vector.shape_cast %swap3A_47 : vector<1x16xf32> to vector<16xf32>
      %swap3A_49 = vector.shape_cast %broadcast_in_dim3A_45 : vector<16xf32> to vector<1x16xf32>
      tpu.vector_store %arg6[%swap3A, %swap3A_46], %swap3A_49 {strides = array<i32>} : memref<128x16xf32, #tpu.memory_space<vmem>>, vector<1x16xf32>,
      %broadcast_in_dim3A_50 = arith.constant 0.000000e+00 : f32
      %broadcast_in_dim3A_51 = vector.broadcast %broadcast_in_dim3A_50 : f32 to vector<16xf32>
      %swap3A_52 = arith.index_cast %scan3A_44 : i32 to index
      %swap3A_53 = arith.constant 0 : index
      %swap3A_54 = tpu.vector_load %arg7[%swap3A_52, %swap3A_53] {strides = array<i32>} : memref<128x16xf32, #tpu.memory_space<vmem>>, vector<1x16xf32>,
      %swap3A_55 = vector.shape_cast %swap3A_54 : vector<1x16xf32> to vector<16xf32>
      %swap3A_56 = vector.shape_cast %broadcast_in_dim3A_51 : vector<16xf32> to vector<1x16xf32>
      tpu.vector_store %arg7[%swap3A_52, %swap3A_53], %swap3A_56 {strides = array<i32>} : memref<128x16xf32, #tpu.memory_space<vmem>>, vector<1x16xf32>,
    }
    %scan3A_4 = arith.constant 128 : i32
    %mul3A_5 = arith.constant 640 : i32
    %mul3A_6 = arith.muli %arg1, %mul3A_5 : i32
    %add3A_7 = arith.constant 0 : i32
    %add3A_8 = arith.addi %mul3A_6, %add3A_7 : i32
    "tpu.region"() ({
      %run_scoped3A = tpu.sem_alloc : memref<!tpu.dma_semaphore, #tpu.memory_space<semaphore_mem>>
      %dma_start3A = arith.constant 0 : i32
      %dma_start3A_44 = tpu.memref_slice %arg8[%add3A_8, %dma_start3A] : memref<10240x16xf32, #tpu.memory_space<vmem_shared>> -> memref<128x16xf32, #tpu.memory_space<vmem_shared>>
      %dma_start3A_45 = arith.constant 0 : i32
      %dma_start3A_46 = tpu.memref_slice %arg8[%add3A_8, %dma_start3A_45] : memref<10240x16xf32, #tpu.memory_space<vmem_shared>> -> memref<128x16xf32, #tpu.memory_space<vmem_shared>>
      tpu.enqueue_dma source(%arg7 : memref<128x16xf32, #tpu.memory_space<vmem>>) target(%dma_start3A_46 : memref<128x16xf32, #tpu.memory_space<vmem_shared>>) target_semaphore(%run_scoped3A : memref<!tpu.dma_semaphore, #tpu.memory_space<semaphore_mem>>)
      %dma_wait3A = arith.constant 0 : i32
      %dma_wait3A_47 = tpu.memref_slice %arg8[%add3A_8, %dma_wait3A] : memref<10240x16xf32, #tpu.memory_space<vmem_shared>> -> memref<128x16xf32, #tpu.memory_space<vmem_shared>>
      %dma_wait3A_48 = arith.constant 0 : i32
      %dma_wait3A_49 = tpu.memref_slice %arg8[%add3A_8, %dma_wait3A_48] : memref<10240x16xf32, #tpu.memory_space<vmem_shared>> -> memref<128x16xf32, #tpu.memory_space<vmem_shared>>
      tpu.wait_dma2 semaphore(%run_scoped3A : memref<!tpu.dma_semaphore, #tpu.memory_space<semaphore_mem>>) src(%arg7 : memref<128x16xf32, #tpu.memory_space<vmem>>) dst(%dma_wait3A_49 : memref<128x16xf32, #tpu.memory_space<vmem_shared>>)
      tpu.yield
    }) : () -> ()
    %mul3A_9 = arith.constant 640 : i32
    %mul3A_10 = arith.muli %arg1, %mul3A_9 : i32
    %add3A_11 = arith.constant 128 : i32
    %add3A_12 = arith.addi %mul3A_10, %add3A_11 : i32
    "tpu.region"() ({
      %run_scoped3A = tpu.sem_alloc : memref<!tpu.dma_semaphore, #tpu.memory_space<semaphore_mem>>
      %dma_start3A = arith.constant 0 : i32
      %dma_start3A_44 = tpu.memref_slice %arg8[%add3A_12, %dma_start3A] : memref<10240x16xf32, #tpu.memory_space<vmem_shared>> -> memref<128x16xf32, #tpu.memory_space<vmem_shared>>
      %dma_start3A_45 = arith.constant 0 : i32
      %dma_start3A_46 = tpu.memref_slice %arg8[%add3A_12, %dma_start3A_45] : memref<10240x16xf32, #tpu.memory_space<vmem_shared>> -> memref<128x16xf32, #tpu.memory_space<vmem_shared>>
      tpu.enqueue_dma source(%arg7 : memref<128x16xf32, #tpu.memory_space<vmem>>) target(%dma_start3A_46 : memref<128x16xf32, #tpu.memory_space<vmem_shared>>) target_semaphore(%run_scoped3A : memref<!tpu.dma_semaphore, #tpu.memory_space<semaphore_mem>>)
      %dma_wait3A = arith.constant 0 : i32
      %dma_wait3A_47 = tpu.memref_slice %arg8[%add3A_12, %dma_wait3A] : memref<10240x16xf32, #tpu.memory_space<vmem_shared>> -> memref<128x16xf32, #tpu.memory_space<vmem_shared>>
      %dma_wait3A_48 = arith.constant 0 : i32
      %dma_wait3A_49 = tpu.memref_slice %arg8[%add3A_12, %dma_wait3A_48] : memref<10240x16xf32, #tpu.memory_space<vmem_shared>> -> memref<128x16xf32, #tpu.memory_space<vmem_shared>>
      tpu.wait_dma2 semaphore(%run_scoped3A : memref<!tpu.dma_semaphore, #tpu.memory_space<semaphore_mem>>) src(%arg7 : memref<128x16xf32, #tpu.memory_space<vmem>>) dst(%dma_wait3A_49 : memref<128x16xf32, #tpu.memory_space<vmem_shared>>)
      tpu.yield
    }) : () -> ()
    %mul3A_13 = arith.constant 640 : i32
    %mul3A_14 = arith.muli %arg1, %mul3A_13 : i32
    %add3A_15 = arith.constant 256 : i32
    %add3A_16 = arith.addi %mul3A_14, %add3A_15 : i32
    "tpu.region"() ({
      %run_scoped3A = tpu.sem_alloc : memref<!tpu.dma_semaphore, #tpu.memory_space<semaphore_mem>>
      %dma_start3A = arith.constant 0 : i32
      %dma_start3A_44 = tpu.memref_slice %arg8[%add3A_16, %dma_start3A] : memref<10240x16xf32, #tpu.memory_space<vmem_shared>> -> memref<128x16xf32, #tpu.memory_space<vmem_shared>>
      %dma_start3A_45 = arith.constant 0 : i32
      %dma_start3A_46 = tpu.memref_slice %arg8[%add3A_16, %dma_start3A_45] : memref<10240x16xf32, #tpu.memory_space<vmem_shared>> -> memref<128x16xf32, #tpu.memory_space<vmem_shared>>
      tpu.enqueue_dma source(%arg7 : memref<128x16xf32, #tpu.memory_space<vmem>>) target(%dma_start3A_46 : memref<128x16xf32, #tpu.memory_space<vmem_shared>>) target_semaphore(%run_scoped3A : memref<!tpu.dma_semaphore, #tpu.memory_space<semaphore_mem>>)
      %dma_wait3A = arith.constant 0 : i32
      %dma_wait3A_47 = tpu.memref_slice %arg8[%add3A_16, %dma_wait3A] : memref<10240x16xf32, #tpu.memory_space<vmem_shared>> -> memref<128x16xf32, #tpu.memory_space<vmem_shared>>
      %dma_wait3A_48 = arith.constant 0 : i32
      %dma_wait3A_49 = tpu.memref_slice %arg8[%add3A_16, %dma_wait3A_48] : memref<10240x16xf32, #tpu.memory_space<vmem_shared>> -> memref<128x16xf32, #tpu.memory_space<vmem_shared>>
      tpu.wait_dma2 semaphore(%run_scoped3A : memref<!tpu.dma_semaphore, #tpu.memory_space<semaphore_mem>>) src(%arg7 : memref<128x16xf32, #tpu.memory_space<vmem>>) dst(%dma_wait3A_49 : memref<128x16xf32, #tpu.memory_space<vmem_shared>>)
      tpu.yield
    }) : () -> ()
    %mul3A_17 = arith.constant 640 : i32
    %mul3A_18 = arith.muli %arg1, %mul3A_17 : i32
    %add3A_19 = arith.constant 384 : i32
    %add3A_20 = arith.addi %mul3A_18, %add3A_19 : i32
    "tpu.region"() ({
      %run_scoped3A = tpu.sem_alloc : memref<!tpu.dma_semaphore, #tpu.memory_space<semaphore_mem>>
      %dma_start3A = arith.constant 0 : i32
      %dma_start3A_44 = tpu.memref_slice %arg8[%add3A_20, %dma_start3A] : memref<10240x16xf32, #tpu.memory_space<vmem_shared>> -> memref<128x16xf32, #tpu.memory_space<vmem_shared>>
      %dma_start3A_45 = arith.constant 0 : i32
      %dma_start3A_46 = tpu.memref_slice %arg8[%add3A_20, %dma_start3A_45] : memref<10240x16xf32, #tpu.memory_space<vmem_shared>> -> memref<128x16xf32, #tpu.memory_space<vmem_shared>>
      tpu.enqueue_dma source(%arg7 : memref<128x16xf32, #tpu.memory_space<vmem>>) target(%dma_start3A_46 : memref<128x16xf32, #tpu.memory_space<vmem_shared>>) target_semaphore(%run_scoped3A : memref<!tpu.dma_semaphore, #tpu.memory_space<semaphore_mem>>)
      %dma_wait3A = arith.constant 0 : i32
      %dma_wait3A_47 = tpu.memref_slice %arg8[%add3A_20, %dma_wait3A] : memref<10240x16xf32, #tpu.memory_space<vmem_shared>> -> memref<128x16xf32, #tpu.memory_space<vmem_shared>>
      %dma_wait3A_48 = arith.constant 0 : i32
      %dma_wait3A_49 = tpu.memref_slice %arg8[%add3A_20, %dma_wait3A_48] : memref<10240x16xf32, #tpu.memory_space<vmem_shared>> -> memref<128x16xf32, #tpu.memory_space<vmem_shared>>
      tpu.wait_dma2 semaphore(%run_scoped3A : memref<!tpu.dma_semaphore, #tpu.memory_space<semaphore_mem>>) src(%arg7 : memref<128x16xf32, #tpu.memory_space<vmem>>) dst(%dma_wait3A_49 : memref<128x16xf32, #tpu.memory_space<vmem_shared>>)
      tpu.yield
    }) : () -> ()
    %mul3A_21 = arith.constant 640 : i32
    %mul3A_22 = arith.muli %arg1, %mul3A_21 : i32
    %add3A_23 = arith.constant 512 : i32
    %add3A_24 = arith.addi %mul3A_22, %add3A_23 : i32
    "tpu.region"() ({
      %run_scoped3A = tpu.sem_alloc : memref<!tpu.dma_semaphore, #tpu.memory_space<semaphore_mem>>
      %dma_start3A = arith.constant 0 : i32
      %dma_start3A_44 = tpu.memref_slice %arg8[%add3A_24, %dma_start3A] : memref<10240x16xf32, #tpu.memory_space<vmem_shared>> -> memref<128x16xf32, #tpu.memory_space<vmem_shared>>
      %dma_start3A_45 = arith.constant 0 : i32
      %dma_start3A_46 = tpu.memref_slice %arg8[%add3A_24, %dma_start3A_45] : memref<10240x16xf32, #tpu.memory_space<vmem_shared>> -> memref<128x16xf32, #tpu.memory_space<vmem_shared>>
      tpu.enqueue_dma source(%arg7 : memref<128x16xf32, #tpu.memory_space<vmem>>) target(%dma_start3A_46 : memref<128x16xf32, #tpu.memory_space<vmem_shared>>) target_semaphore(%run_scoped3A : memref<!tpu.dma_semaphore, #tpu.memory_space<semaphore_mem>>)
      %dma_wait3A = arith.constant 0 : i32
      %dma_wait3A_47 = tpu.memref_slice %arg8[%add3A_24, %dma_wait3A] : memref<10240x16xf32, #tpu.memory_space<vmem_shared>> -> memref<128x16xf32, #tpu.memory_space<vmem_shared>>
      %dma_wait3A_48 = arith.constant 0 : i32
      %dma_wait3A_49 = tpu.memref_slice %arg8[%add3A_24, %dma_wait3A_48] : memref<10240x16xf32, #tpu.memory_space<vmem_shared>> -> memref<128x16xf32, #tpu.memory_space<vmem_shared>>
      tpu.wait_dma2 semaphore(%run_scoped3A : memref<!tpu.dma_semaphore, #tpu.memory_space<semaphore_mem>>) src(%arg7 : memref<128x16xf32, #tpu.memory_space<vmem>>) dst(%dma_wait3A_49 : memref<128x16xf32, #tpu.memory_space<vmem_shared>>)
      tpu.yield
    }) : () -> ()
    %mul3A_25 = arith.constant 80 : i32
    %mul3A_26 = arith.muli %add3A, %mul3A_25 : i32
    "tpu.region"() ({
      %run_scoped3A = tpu.sem_alloc : memref<!tpu.dma_semaphore, #tpu.memory_space<semaphore_mem>>
      %dma_start3A = arith.constant 0 : i32
      %dma_start3A_44 = tpu.memref_slice %arg2[%mul3A_26, %dma_start3A] : memref<2560x128xi32, #tpu.memory_space<hbm>> -> memref<80x128xi32, #tpu.memory_space<hbm>>
      %dma_start3A_45 = arith.constant 0 : i32
      %dma_start3A_46 = tpu.memref_slice %arg2[%mul3A_26, %dma_start3A_45] : memref<2560x128xi32, #tpu.memory_space<hbm>> -> memref<80x128xi32, #tpu.memory_space<hbm>>
      tpu.enqueue_dma source(%dma_start3A_46 : memref<80x128xi32, #tpu.memory_space<hbm>>) target(%arg5 : memref<80x128xi32, #tpu.memory_space<vmem>>) target_semaphore(%run_scoped3A : memref<!tpu.dma_semaphore, #tpu.memory_space<semaphore_mem>>)
      %dma_wait3A = arith.constant 0 : i32
      %dma_wait3A_47 = tpu.memref_slice %arg2[%mul3A_26, %dma_wait3A] : memref<2560x128xi32, #tpu.memory_space<hbm>> -> memref<80x128xi32, #tpu.memory_space<hbm>>
      %dma_wait3A_48 = arith.constant 0 : i32
      %dma_wait3A_49 = tpu.memref_slice %arg2[%mul3A_26, %dma_wait3A_48] : memref<2560x128xi32, #tpu.memory_space<hbm>> -> memref<80x128xi32, #tpu.memory_space<hbm>>
      tpu.wait_dma2 semaphore(%run_scoped3A : memref<!tpu.dma_semaphore, #tpu.memory_space<semaphore_mem>>) src(%dma_wait3A_49 : memref<80x128xi32, #tpu.memory_space<hbm>>) dst(%arg5 : memref<80x128xi32, #tpu.memory_space<vmem>>)
      tpu.yield
    }) : () -> ()
    %barrier3A = arith.constant 0 : index
    tpu.barrier barrier_id(%barrier3A)
    %scan3A_27 = arith.constant 0 : i32
    %scan3A_28 = arith.constant 80 : i32
    %scan3A_29 = arith.addi %scan3A_27, %scan3A_28 : i32
    %scan3A_30 = arith.constant 1 : i32
    scf.for %scan3A_44 = %scan3A_27 to %scan3A_29 step %scan3A_30  : i32 {
      "tpu.region"() ({
        %run_scoped3A = tpu.sem_alloc : memref<!tpu.dma_semaphore, #tpu.memory_space<semaphore_mem>>
        %dma_start3A = arith.constant 0 : i32
        %dma_start3A_45 = tpu.memref_slice %arg5[%scan3A_44, %dma_start3A] : memref<80x128xi32, #tpu.memory_space<vmem>> -> memref<1x128xi32, #tpu.memory_space<vmem>>
        %dma_start3A_46 = tpu.memref_squeeze %dma_start3A_45 : memref<1x128xi32, #tpu.memory_space<vmem>> -> memref<128xi32, #tpu.memory_space<vmem>>
        %dma_start3A_47 = arith.constant 0 : i32
        %dma_start3A_48 = arith.constant 0 : i32
        %dma_start3A_49 = tpu.memref_slice %arg8[%dma_start3A_47, %dma_start3A_48] : memref<10240x16xf32, #tpu.memory_space<vmem_shared>> -> memref<10240x16xf32, #tpu.memory_space<vmem_shared>>
        tpu.enqueue_indirect_dma source(%arg6 : memref<128x16xf32, #tpu.memory_space<vmem>>) target(%dma_start3A_49 : memref<10240x16xf32, #tpu.memory_space<vmem_shared>>) offsets(%dma_start3A_46 : memref<128xi32, #tpu.memory_space<vmem>>) semaphore(%run_scoped3A : memref<!tpu.dma_semaphore, #tpu.memory_space<semaphore_mem>>) {add = true}
        %dma_wait3A = arith.constant 0 : i32
        %dma_wait3A_50 = tpu.memref_slice %arg5[%scan3A_44, %dma_wait3A] : memref<80x128xi32, #tpu.memory_space<vmem>> -> memref<1x128xi32, #tpu.memory_space<vmem>>
        %dma_wait3A_51 = tpu.memref_squeeze %dma_wait3A_50 : memref<1x128xi32, #tpu.memory_space<vmem>> -> memref<128xi32, #tpu.memory_space<vmem>>
        %dma_wait3A_52 = arith.constant 0 : i32
        %dma_wait3A_53 = arith.constant 0 : i32
        %dma_wait3A_54 = tpu.memref_slice %arg8[%dma_wait3A_52, %dma_wait3A_53] : memref<10240x16xf32, #tpu.memory_space<vmem_shared>> -> memref<10240x16xf32, #tpu.memory_space<vmem_shared>>
        tpu.wait_indirect_dma semaphore(%run_scoped3A : memref<!tpu.dma_semaphore, #tpu.memory_space<semaphore_mem>>) src(%arg6 : memref<128x16xf32, #tpu.memory_space<vmem>>) dst(%dma_wait3A_54 : memref<10240x16xf32, #tpu.memory_space<vmem_shared>>)
        tpu.yield
      }) : () -> ()
    }
    %scan3A_31 = arith.constant 80 : i32
    %barrier3A_32 = arith.constant 0 : index
    tpu.barrier barrier_id(%barrier3A_32)
    %mul3A_33 = arith.constant 640 : i32
    %mul3A_34 = arith.muli %arg1, %mul3A_33 : i32
    %mul3A_35 = arith.constant 640 : i32
    %mul3A_36 = arith.muli %arg1, %mul3A_35 : i32
    %eq3A = arith.constant 0 : i32
    %eq3A_37 = arith.cmpi eq, %arg0, %eq3A : i32
    %convert_element_type3A = arith.extui %eq3A_37 : i1 to i32
    %cond3A = arith.constant 0 : i32
    %cond3A_38 = arith.cmpi ne, %convert_element_type3A, %cond3A : i32
    scf.if %cond3A_38 {
      "tpu.region"() ({
        %run_scoped3A = tpu.sem_alloc : memref<!tpu.dma_semaphore, #tpu.memory_space<semaphore_mem>>
        %dma_start3A = arith.constant 0 : i32
        %dma_start3A_44 = tpu.memref_slice %arg3[%mul3A_36, %dma_start3A] : memref<10240x16xf32, #tpu.memory_space<hbm>> -> memref<640x16xf32, #tpu.memory_space<hbm>>
        %dma_start3A_45 = arith.constant 0 : i32
        %dma_start3A_46 = tpu.memref_slice %arg8[%mul3A_34, %dma_start3A_45] : memref<10240x16xf32, #tpu.memory_space<vmem_shared>> -> memref<640x16xf32, #tpu.memory_space<vmem_shared>>
        tpu.enqueue_dma source(%dma_start3A_46 : memref<640x16xf32, #tpu.memory_space<vmem_shared>>) target(%dma_start3A_44 : memref<640x16xf32, #tpu.memory_space<hbm>>) target_semaphore(%run_scoped3A : memref<!tpu.dma_semaphore, #tpu.memory_space<semaphore_mem>>)
        %dma_wait3A = arith.constant 0 : i32
        %dma_wait3A_47 = tpu.memref_slice %arg3[%mul3A_36, %dma_wait3A] : memref<10240x16xf32, #tpu.memory_space<hbm>> -> memref<640x16xf32, #tpu.memory_space<hbm>>
        %dma_wait3A_48 = arith.constant 0 : i32
        %dma_wait3A_49 = tpu.memref_slice %arg8[%mul3A_34, %dma_wait3A_48] : memref<10240x16xf32, #tpu.memory_space<vmem_shared>> -> memref<640x16xf32, #tpu.memory_space<vmem_shared>>
        tpu.wait_dma2 semaphore(%run_scoped3A : memref<!tpu.dma_semaphore, #tpu.memory_space<semaphore_mem>>) src(%dma_wait3A_49 : memref<640x16xf32, #tpu.memory_space<vmem_shared>>) dst(%dma_wait3A_47 : memref<640x16xf32, #tpu.memory_space<hbm>>)
        tpu.yield
      }) : () -> ()
    } else {
    }
    %eq3A_39 = arith.constant 1 : i32
    %eq3A_40 = arith.cmpi eq, %arg0, %eq3A_39 : i32
    %convert_element_type3A_41 = arith.extui %eq3A_40 : i1 to i32
    %cond3A_42 = arith.constant 0 : i32
    %cond3A_43 = arith.cmpi ne, %convert_element_type3A_41, %cond3A_42 : i32
    scf.if %cond3A_43 {
      "tpu.region"() ({
        %run_scoped3A = tpu.sem_alloc : memref<!tpu.dma_semaphore, #tpu.memory_space<semaphore_mem>>
        %dma_start3A = arith.constant 0 : i32
        %dma_start3A_44 = tpu.memref_slice %arg4[%mul3A_36, %dma_start3A] : memref<10240x16xf32, #tpu.memory_space<hbm>> -> memref<640x16xf32, #tpu.memory_space<hbm>>
        %dma_start3A_45 = arith.constant 0 : i32
        %dma_start3A_46 = tpu.memref_slice %arg8[%mul3A_34, %dma_start3A_45] : memref<10240x16xf32, #tpu.memory_space<vmem_shared>> -> memref<640x16xf32, #tpu.memory_space<vmem_shared>>
        tpu.enqueue_dma source(%dma_start3A_46 : memref<640x16xf32, #tpu.memory_space<vmem_shared>>) target(%dma_start3A_44 : memref<640x16xf32, #tpu.memory_space<hbm>>) target_semaphore(%run_scoped3A : memref<!tpu.dma_semaphore, #tpu.memory_space<semaphore_mem>>)
        %dma_wait3A = arith.constant 0 : i32
        %dma_wait3A_47 = tpu.memref_slice %arg4[%mul3A_36, %dma_wait3A] : memref<10240x16xf32, #tpu.memory_space<hbm>> -> memref<640x16xf32, #tpu.memory_space<hbm>>
        %dma_wait3A_48 = arith.constant 0 : i32
        %dma_wait3A_49 = tpu.memref_slice %arg8[%mul3A_34, %dma_wait3A_48] : memref<10240x16xf32, #tpu.memory_space<vmem_shared>> -> memref<640x16xf32, #tpu.memory_space<vmem_shared>>
        tpu.wait_dma2 semaphore(%run_scoped3A : memref<!tpu.dma_semaphore, #tpu.memory_space<semaphore_mem>>) src(%dma_wait3A_49 : memref<640x16xf32, #tpu.memory_space<vmem_shared>>) dst(%dma_wait3A_47 : memref<640x16xf32, #tpu.memory_space<hbm>>)
        tpu.yield
      }) : () -> ()
    } else {
    }
    return
  }
}

#map = affine_map<(d0, d1) -> (0, 0)>
#map1 = affine_map<(d0, d1) -> (0, 0, 0)>
module attributes {stable_mosaic.version = 14 : i64} {
  func.func @agg_kernel(%arg0: i32, %arg1: i32, %arg2: memref<10000x128xf32, #tpu.memory_space<hbm>>, %arg3: memref<2560x2x128xi32, #tpu.memory_space<hbm>>, %arg4: memref<10000x128xf32, #tpu.memory_space<hbm>>, %arg5: memref<10000x128xf32, #tpu.memory_space<hbm>>, %arg6: memref<2x128xi32, #tpu.memory_space<vmem>>, %arg7: memref<2x128xi32, #tpu.memory_space<vmem>>, %arg8: memref<2x128xi32, #tpu.memory_space<vmem>>, %arg9: memref<2x128xi32, #tpu.memory_space<vmem>>, %arg10: memref<128x128xf32, #tpu.memory_space<vmem>>, %arg11: memref<128x128xf32, #tpu.memory_space<vmem>>, %arg12: memref<10240x128xf32, #tpu.memory_space<vmem_shared>>, %arg13: memref<!tpu.dma_semaphore, #tpu.memory_space<semaphore_mem>>, %arg14: memref<!tpu.dma_semaphore, #tpu.memory_space<semaphore_mem>>, %arg15: memref<!tpu.dma_semaphore, #tpu.memory_space<semaphore_mem>>, %arg16: memref<!tpu.dma_semaphore, #tpu.memory_space<semaphore_mem>>, %arg17: memref<!tpu.dma_semaphore, #tpu.memory_space<semaphore_mem>>, %arg18: memref<!tpu.dma_semaphore, #tpu.memory_space<semaphore_mem>>, %arg19: memref<!tpu.dma_semaphore, #tpu.memory_space<semaphore_mem>>, %arg20: memref<!tpu.dma_semaphore, #tpu.memory_space<semaphore_mem>>) attributes {dimension_semantics = [#tpu.dimension_semantics<core_parallel>, #tpu.dimension_semantics<subcore_parallel>], iteration_bounds = array<i64: 2, 16>, scalar_prefetch = 0 : i64, scratch_operands = 15 : i64, tpu.core_type = #tpu.core_type<sc_vector_subcore>, window_params = [{transform_indices = #map}, {transform_indices = #map1}, {transform_indices = #map}, {transform_indices = #map}]} {
    %mul3A = arith.constant 2 : i32
    %mul3A_0 = arith.muli %arg1, %mul3A : i32
    %add3A = arith.addi %mul3A_0, %arg0 : i32
    %mul3A_1 = arith.constant 80 : i32
    %mul3A_2 = arith.muli %add3A, %mul3A_1 : i32
    %scan3A = arith.constant 0 : i32
    %scan3A_3 = arith.constant 128 : i32
    %scan3A_4 = arith.addi %scan3A, %scan3A_3 : i32
    %scan3A_5 = arith.constant 1 : i32
    scf.for %scan3A_317 = %scan3A to %scan3A_4 step %scan3A_5  : i32 {
      %broadcast_in_dim3A = arith.constant 0.000000e+00 : f32
      %broadcast_in_dim3A_318 = vector.broadcast %broadcast_in_dim3A : f32 to vector<16xf32>
      %swap3A = arith.index_cast %scan3A_317 : i32 to index
      %swap3A_319 = arith.constant 0 : index
      %swap3A_320 = tpu.vector_load %arg10[%swap3A, %swap3A_319] {strides = array<i32>} : memref<128x128xf32, #tpu.memory_space<vmem>>, vector<1x16xf32>,
      %swap3A_321 = vector.shape_cast %swap3A_320 : vector<1x16xf32> to vector<16xf32>
      %swap3A_322 = vector.shape_cast %broadcast_in_dim3A_318 : vector<16xf32> to vector<1x16xf32>
      tpu.vector_store %arg10[%swap3A, %swap3A_319], %swap3A_322 {strides = array<i32>} : memref<128x128xf32, #tpu.memory_space<vmem>>, vector<1x16xf32>,
      %broadcast_in_dim3A_323 = arith.constant 0.000000e+00 : f32
      %broadcast_in_dim3A_324 = vector.broadcast %broadcast_in_dim3A_323 : f32 to vector<16xf32>
      %swap3A_325 = arith.index_cast %scan3A_317 : i32 to index
      %swap3A_326 = arith.constant 16 : index
      %swap3A_327 = tpu.vector_load %arg10[%swap3A_325, %swap3A_326] {strides = array<i32>} : memref<128x128xf32, #tpu.memory_space<vmem>>, vector<1x16xf32>,
      %swap3A_328 = vector.shape_cast %swap3A_327 : vector<1x16xf32> to vector<16xf32>
      %swap3A_329 = vector.shape_cast %broadcast_in_dim3A_324 : vector<16xf32> to vector<1x16xf32>
      tpu.vector_store %arg10[%swap3A_325, %swap3A_326], %swap3A_329 {strides = array<i32>} : memref<128x128xf32, #tpu.memory_space<vmem>>, vector<1x16xf32>,
      %broadcast_in_dim3A_330 = arith.constant 0.000000e+00 : f32
      %broadcast_in_dim3A_331 = vector.broadcast %broadcast_in_dim3A_330 : f32 to vector<16xf32>
      %swap3A_332 = arith.index_cast %scan3A_317 : i32 to index
      %swap3A_333 = arith.constant 32 : index
      %swap3A_334 = tpu.vector_load %arg10[%swap3A_332, %swap3A_333] {strides = array<i32>} : memref<128x128xf32, #tpu.memory_space<vmem>>, vector<1x16xf32>,
      %swap3A_335 = vector.shape_cast %swap3A_334 : vector<1x16xf32> to vector<16xf32>
      %swap3A_336 = vector.shape_cast %broadcast_in_dim3A_331 : vector<16xf32> to vector<1x16xf32>
      tpu.vector_store %arg10[%swap3A_332, %swap3A_333], %swap3A_336 {strides = array<i32>} : memref<128x128xf32, #tpu.memory_space<vmem>>, vector<1x16xf32>,
      %broadcast_in_dim3A_337 = arith.constant 0.000000e+00 : f32
      %broadcast_in_dim3A_338 = vector.broadcast %broadcast_in_dim3A_337 : f32 to vector<16xf32>
      %swap3A_339 = arith.index_cast %scan3A_317 : i32 to index
      %swap3A_340 = arith.constant 48 : index
      %swap3A_341 = tpu.vector_load %arg10[%swap3A_339, %swap3A_340] {strides = array<i32>} : memref<128x128xf32, #tpu.memory_space<vmem>>, vector<1x16xf32>,
      %swap3A_342 = vector.shape_cast %swap3A_341 : vector<1x16xf32> to vector<16xf32>
      %swap3A_343 = vector.shape_cast %broadcast_in_dim3A_338 : vector<16xf32> to vector<1x16xf32>
      tpu.vector_store %arg10[%swap3A_339, %swap3A_340], %swap3A_343 {strides = array<i32>} : memref<128x128xf32, #tpu.memory_space<vmem>>, vector<1x16xf32>,
      %broadcast_in_dim3A_344 = arith.constant 0.000000e+00 : f32
      %broadcast_in_dim3A_345 = vector.broadcast %broadcast_in_dim3A_344 : f32 to vector<16xf32>
      %swap3A_346 = arith.index_cast %scan3A_317 : i32 to index
      %swap3A_347 = arith.constant 64 : index
      %swap3A_348 = tpu.vector_load %arg10[%swap3A_346, %swap3A_347] {strides = array<i32>} : memref<128x128xf32, #tpu.memory_space<vmem>>, vector<1x16xf32>,
      %swap3A_349 = vector.shape_cast %swap3A_348 : vector<1x16xf32> to vector<16xf32>
      %swap3A_350 = vector.shape_cast %broadcast_in_dim3A_345 : vector<16xf32> to vector<1x16xf32>
      tpu.vector_store %arg10[%swap3A_346, %swap3A_347], %swap3A_350 {strides = array<i32>} : memref<128x128xf32, #tpu.memory_space<vmem>>, vector<1x16xf32>,
      %broadcast_in_dim3A_351 = arith.constant 0.000000e+00 : f32
      %broadcast_in_dim3A_352 = vector.broadcast %broadcast_in_dim3A_351 : f32 to vector<16xf32>
      %swap3A_353 = arith.index_cast %scan3A_317 : i32 to index
      %swap3A_354 = arith.constant 80 : index
      %swap3A_355 = tpu.vector_load %arg10[%swap3A_353, %swap3A_354] {strides = array<i32>} : memref<128x128xf32, #tpu.memory_space<vmem>>, vector<1x16xf32>,
      %swap3A_356 = vector.shape_cast %swap3A_355 : vector<1x16xf32> to vector<16xf32>
      %swap3A_357 = vector.shape_cast %broadcast_in_dim3A_352 : vector<16xf32> to vector<1x16xf32>
      tpu.vector_store %arg10[%swap3A_353, %swap3A_354], %swap3A_357 {strides = array<i32>} : memref<128x128xf32, #tpu.memory_space<vmem>>, vector<1x16xf32>,
      %broadcast_in_dim3A_358 = arith.constant 0.000000e+00 : f32
      %broadcast_in_dim3A_359 = vector.broadcast %broadcast_in_dim3A_358 : f32 to vector<16xf32>
      %swap3A_360 = arith.index_cast %scan3A_317 : i32 to index
      %swap3A_361 = arith.constant 96 : index
      %swap3A_362 = tpu.vector_load %arg10[%swap3A_360, %swap3A_361] {strides = array<i32>} : memref<128x128xf32, #tpu.memory_space<vmem>>, vector<1x16xf32>,
      %swap3A_363 = vector.shape_cast %swap3A_362 : vector<1x16xf32> to vector<16xf32>
      %swap3A_364 = vector.shape_cast %broadcast_in_dim3A_359 : vector<16xf32> to vector<1x16xf32>
      tpu.vector_store %arg10[%swap3A_360, %swap3A_361], %swap3A_364 {strides = array<i32>} : memref<128x128xf32, #tpu.memory_space<vmem>>, vector<1x16xf32>,
      %broadcast_in_dim3A_365 = arith.constant 0.000000e+00 : f32
      %broadcast_in_dim3A_366 = vector.broadcast %broadcast_in_dim3A_365 : f32 to vector<16xf32>
      %swap3A_367 = arith.index_cast %scan3A_317 : i32 to index
      %swap3A_368 = arith.constant 112 : index
      %swap3A_369 = tpu.vector_load %arg10[%swap3A_367, %swap3A_368] {strides = array<i32>} : memref<128x128xf32, #tpu.memory_space<vmem>>, vector<1x16xf32>,
      %swap3A_370 = vector.shape_cast %swap3A_369 : vector<1x16xf32> to vector<16xf32>
      %swap3A_371 = vector.shape_cast %broadcast_in_dim3A_366 : vector<16xf32> to vector<1x16xf32>
      tpu.vector_store %arg10[%swap3A_367, %swap3A_368], %swap3A_371 {strides = array<i32>} : memref<128x128xf32, #tpu.memory_space<vmem>>, vector<1x16xf32>,
    }
    %scan3A_6 = arith.constant 128 : i32
    %mul3A_7 = arith.constant 640 : i32
    %mul3A_8 = arith.muli %arg1, %mul3A_7 : i32
    %add3A_9 = arith.constant 0 : i32
    %add3A_10 = arith.addi %mul3A_8, %add3A_9 : i32
    "tpu.region"() ({
      %run_scoped3A = tpu.sem_alloc : memref<!tpu.dma_semaphore, #tpu.memory_space<semaphore_mem>>
      %dma_start3A_317 = arith.constant 0 : i32
      %dma_start3A_318 = tpu.memref_slice %arg12[%add3A_10, %dma_start3A_317] : memref<10240x128xf32, #tpu.memory_space<vmem_shared>> -> memref<128x128xf32, #tpu.memory_space<vmem_shared>>
      %dma_start3A_319 = arith.constant 0 : i32
      %dma_start3A_320 = tpu.memref_slice %arg12[%add3A_10, %dma_start3A_319] : memref<10240x128xf32, #tpu.memory_space<vmem_shared>> -> memref<128x128xf32, #tpu.memory_space<vmem_shared>>
      tpu.enqueue_dma source(%arg10 : memref<128x128xf32, #tpu.memory_space<vmem>>) target(%dma_start3A_320 : memref<128x128xf32, #tpu.memory_space<vmem_shared>>) target_semaphore(%run_scoped3A : memref<!tpu.dma_semaphore, #tpu.memory_space<semaphore_mem>>)
      %dma_wait3A_321 = arith.constant 0 : i32
      %dma_wait3A_322 = tpu.memref_slice %arg12[%add3A_10, %dma_wait3A_321] : memref<10240x128xf32, #tpu.memory_space<vmem_shared>> -> memref<128x128xf32, #tpu.memory_space<vmem_shared>>
      %dma_wait3A_323 = arith.constant 0 : i32
      %dma_wait3A_324 = tpu.memref_slice %arg12[%add3A_10, %dma_wait3A_323] : memref<10240x128xf32, #tpu.memory_space<vmem_shared>> -> memref<128x128xf32, #tpu.memory_space<vmem_shared>>
      tpu.wait_dma2 semaphore(%run_scoped3A : memref<!tpu.dma_semaphore, #tpu.memory_space<semaphore_mem>>) src(%arg10 : memref<128x128xf32, #tpu.memory_space<vmem>>) dst(%dma_wait3A_324 : memref<128x128xf32, #tpu.memory_space<vmem_shared>>)
      tpu.yield
    }) : () -> ()
    %mul3A_11 = arith.constant 640 : i32
    %mul3A_12 = arith.muli %arg1, %mul3A_11 : i32
    %add3A_13 = arith.constant 128 : i32
    %add3A_14 = arith.addi %mul3A_12, %add3A_13 : i32
    "tpu.region"() ({
      %run_scoped3A = tpu.sem_alloc : memref<!tpu.dma_semaphore, #tpu.memory_space<semaphore_mem>>
      %dma_start3A_317 = arith.constant 0 : i32
      %dma_start3A_318 = tpu.memref_slice %arg12[%add3A_14, %dma_start3A_317] : memref<10240x128xf32, #tpu.memory_space<vmem_shared>> -> memref<128x128xf32, #tpu.memory_space<vmem_shared>>
      %dma_start3A_319 = arith.constant 0 : i32
      %dma_start3A_320 = tpu.memref_slice %arg12[%add3A_14, %dma_start3A_319] : memref<10240x128xf32, #tpu.memory_space<vmem_shared>> -> memref<128x128xf32, #tpu.memory_space<vmem_shared>>
      tpu.enqueue_dma source(%arg10 : memref<128x128xf32, #tpu.memory_space<vmem>>) target(%dma_start3A_320 : memref<128x128xf32, #tpu.memory_space<vmem_shared>>) target_semaphore(%run_scoped3A : memref<!tpu.dma_semaphore, #tpu.memory_space<semaphore_mem>>)
      %dma_wait3A_321 = arith.constant 0 : i32
      %dma_wait3A_322 = tpu.memref_slice %arg12[%add3A_14, %dma_wait3A_321] : memref<10240x128xf32, #tpu.memory_space<vmem_shared>> -> memref<128x128xf32, #tpu.memory_space<vmem_shared>>
      %dma_wait3A_323 = arith.constant 0 : i32
      %dma_wait3A_324 = tpu.memref_slice %arg12[%add3A_14, %dma_wait3A_323] : memref<10240x128xf32, #tpu.memory_space<vmem_shared>> -> memref<128x128xf32, #tpu.memory_space<vmem_shared>>
      tpu.wait_dma2 semaphore(%run_scoped3A : memref<!tpu.dma_semaphore, #tpu.memory_space<semaphore_mem>>) src(%arg10 : memref<128x128xf32, #tpu.memory_space<vmem>>) dst(%dma_wait3A_324 : memref<128x128xf32, #tpu.memory_space<vmem_shared>>)
      tpu.yield
    }) : () -> ()
    %mul3A_15 = arith.constant 640 : i32
    %mul3A_16 = arith.muli %arg1, %mul3A_15 : i32
    %add3A_17 = arith.constant 256 : i32
    %add3A_18 = arith.addi %mul3A_16, %add3A_17 : i32
    "tpu.region"() ({
      %run_scoped3A = tpu.sem_alloc : memref<!tpu.dma_semaphore, #tpu.memory_space<semaphore_mem>>
      %dma_start3A_317 = arith.constant 0 : i32
      %dma_start3A_318 = tpu.memref_slice %arg12[%add3A_18, %dma_start3A_317] : memref<10240x128xf32, #tpu.memory_space<vmem_shared>> -> memref<128x128xf32, #tpu.memory_space<vmem_shared>>
      %dma_start3A_319 = arith.constant 0 : i32
      %dma_start3A_320 = tpu.memref_slice %arg12[%add3A_18, %dma_start3A_319] : memref<10240x128xf32, #tpu.memory_space<vmem_shared>> -> memref<128x128xf32, #tpu.memory_space<vmem_shared>>
      tpu.enqueue_dma source(%arg10 : memref<128x128xf32, #tpu.memory_space<vmem>>) target(%dma_start3A_320 : memref<128x128xf32, #tpu.memory_space<vmem_shared>>) target_semaphore(%run_scoped3A : memref<!tpu.dma_semaphore, #tpu.memory_space<semaphore_mem>>)
      %dma_wait3A_321 = arith.constant 0 : i32
      %dma_wait3A_322 = tpu.memref_slice %arg12[%add3A_18, %dma_wait3A_321] : memref<10240x128xf32, #tpu.memory_space<vmem_shared>> -> memref<128x128xf32, #tpu.memory_space<vmem_shared>>
      %dma_wait3A_323 = arith.constant 0 : i32
      %dma_wait3A_324 = tpu.memref_slice %arg12[%add3A_18, %dma_wait3A_323] : memref<10240x128xf32, #tpu.memory_space<vmem_shared>> -> memref<128x128xf32, #tpu.memory_space<vmem_shared>>
      tpu.wait_dma2 semaphore(%run_scoped3A : memref<!tpu.dma_semaphore, #tpu.memory_space<semaphore_mem>>) src(%arg10 : memref<128x128xf32, #tpu.memory_space<vmem>>) dst(%dma_wait3A_324 : memref<128x128xf32, #tpu.memory_space<vmem_shared>>)
      tpu.yield
    }) : () -> ()
    %mul3A_19 = arith.constant 640 : i32
    %mul3A_20 = arith.muli %arg1, %mul3A_19 : i32
    %add3A_21 = arith.constant 384 : i32
    %add3A_22 = arith.addi %mul3A_20, %add3A_21 : i32
    "tpu.region"() ({
      %run_scoped3A = tpu.sem_alloc : memref<!tpu.dma_semaphore, #tpu.memory_space<semaphore_mem>>
      %dma_start3A_317 = arith.constant 0 : i32
      %dma_start3A_318 = tpu.memref_slice %arg12[%add3A_22, %dma_start3A_317] : memref<10240x128xf32, #tpu.memory_space<vmem_shared>> -> memref<128x128xf32, #tpu.memory_space<vmem_shared>>
      %dma_start3A_319 = arith.constant 0 : i32
      %dma_start3A_320 = tpu.memref_slice %arg12[%add3A_22, %dma_start3A_319] : memref<10240x128xf32, #tpu.memory_space<vmem_shared>> -> memref<128x128xf32, #tpu.memory_space<vmem_shared>>
      tpu.enqueue_dma source(%arg10 : memref<128x128xf32, #tpu.memory_space<vmem>>) target(%dma_start3A_320 : memref<128x128xf32, #tpu.memory_space<vmem_shared>>) target_semaphore(%run_scoped3A : memref<!tpu.dma_semaphore, #tpu.memory_space<semaphore_mem>>)
      %dma_wait3A_321 = arith.constant 0 : i32
      %dma_wait3A_322 = tpu.memref_slice %arg12[%add3A_22, %dma_wait3A_321] : memref<10240x128xf32, #tpu.memory_space<vmem_shared>> -> memref<128x128xf32, #tpu.memory_space<vmem_shared>>
      %dma_wait3A_323 = arith.constant 0 : i32
      %dma_wait3A_324 = tpu.memref_slice %arg12[%add3A_22, %dma_wait3A_323] : memref<10240x128xf32, #tpu.memory_space<vmem_shared>> -> memref<128x128xf32, #tpu.memory_space<vmem_shared>>
      tpu.wait_dma2 semaphore(%run_scoped3A : memref<!tpu.dma_semaphore, #tpu.memory_space<semaphore_mem>>) src(%arg10 : memref<128x128xf32, #tpu.memory_space<vmem>>) dst(%dma_wait3A_324 : memref<128x128xf32, #tpu.memory_space<vmem_shared>>)
      tpu.yield
    }) : () -> ()
    %mul3A_23 = arith.constant 640 : i32
    %mul3A_24 = arith.muli %arg1, %mul3A_23 : i32
    %add3A_25 = arith.constant 512 : i32
    %add3A_26 = arith.addi %mul3A_24, %add3A_25 : i32
    "tpu.region"() ({
      %run_scoped3A = tpu.sem_alloc : memref<!tpu.dma_semaphore, #tpu.memory_space<semaphore_mem>>
      %dma_start3A_317 = arith.constant 0 : i32
      %dma_start3A_318 = tpu.memref_slice %arg12[%add3A_26, %dma_start3A_317] : memref<10240x128xf32, #tpu.memory_space<vmem_shared>> -> memref<128x128xf32, #tpu.memory_space<vmem_shared>>
      %dma_start3A_319 = arith.constant 0 : i32
      %dma_start3A_320 = tpu.memref_slice %arg12[%add3A_26, %dma_start3A_319] : memref<10240x128xf32, #tpu.memory_space<vmem_shared>> -> memref<128x128xf32, #tpu.memory_space<vmem_shared>>
      tpu.enqueue_dma source(%arg10 : memref<128x128xf32, #tpu.memory_space<vmem>>) target(%dma_start3A_320 : memref<128x128xf32, #tpu.memory_space<vmem_shared>>) target_semaphore(%run_scoped3A : memref<!tpu.dma_semaphore, #tpu.memory_space<semaphore_mem>>)
      %dma_wait3A_321 = arith.constant 0 : i32
      %dma_wait3A_322 = tpu.memref_slice %arg12[%add3A_26, %dma_wait3A_321] : memref<10240x128xf32, #tpu.memory_space<vmem_shared>> -> memref<128x128xf32, #tpu.memory_space<vmem_shared>>
      %dma_wait3A_323 = arith.constant 0 : i32
      %dma_wait3A_324 = tpu.memref_slice %arg12[%add3A_26, %dma_wait3A_323] : memref<10240x128xf32, #tpu.memory_space<vmem_shared>> -> memref<128x128xf32, #tpu.memory_space<vmem_shared>>
      tpu.wait_dma2 semaphore(%run_scoped3A : memref<!tpu.dma_semaphore, #tpu.memory_space<semaphore_mem>>) src(%arg10 : memref<128x128xf32, #tpu.memory_space<vmem>>) dst(%dma_wait3A_324 : memref<128x128xf32, #tpu.memory_space<vmem_shared>>)
      tpu.yield
    }) : () -> ()
    %barrier3A = arith.constant 0 : index
    tpu.barrier barrier_id(%barrier3A)
    "tpu.region"() ({
      %run_scoped3A = tpu.sem_alloc : memref<!tpu.dma_semaphore, #tpu.memory_space<semaphore_mem>>
      %dma_start3A_317 = arith.constant 0 : i32
      %dma_start3A_318 = arith.constant 0 : i32
      %dma_start3A_319 = tpu.memref_slice %arg3[%mul3A_2, %dma_start3A_317, %dma_start3A_318] : memref<2560x2x128xi32, #tpu.memory_space<hbm>> -> memref<1x2x128xi32, #tpu.memory_space<hbm>>
      %dma_start3A_320 = tpu.memref_squeeze %dma_start3A_319 : memref<1x2x128xi32, #tpu.memory_space<hbm>> -> memref<2x128xi32, #tpu.memory_space<hbm>>
      %dma_start3A_321 = arith.constant 0 : i32
      %dma_start3A_322 = arith.constant 0 : i32
      %dma_start3A_323 = tpu.memref_slice %arg3[%mul3A_2, %dma_start3A_321, %dma_start3A_322] : memref<2560x2x128xi32, #tpu.memory_space<hbm>> -> memref<1x2x128xi32, #tpu.memory_space<hbm>>
      %dma_start3A_324 = tpu.memref_squeeze %dma_start3A_323 : memref<1x2x128xi32, #tpu.memory_space<hbm>> -> memref<2x128xi32, #tpu.memory_space<hbm>>
      tpu.enqueue_dma source(%dma_start3A_324 : memref<2x128xi32, #tpu.memory_space<hbm>>) target(%arg6 : memref<2x128xi32, #tpu.memory_space<vmem>>) target_semaphore(%run_scoped3A : memref<!tpu.dma_semaphore, #tpu.memory_space<semaphore_mem>>)
      %dma_wait3A_325 = arith.constant 0 : i32
      %dma_wait3A_326 = arith.constant 0 : i32
      %dma_wait3A_327 = tpu.memref_slice %arg3[%mul3A_2, %dma_wait3A_325, %dma_wait3A_326] : memref<2560x2x128xi32, #tpu.memory_space<hbm>> -> memref<1x2x128xi32, #tpu.memory_space<hbm>>
      %dma_wait3A_328 = tpu.memref_squeeze %dma_wait3A_327 : memref<1x2x128xi32, #tpu.memory_space<hbm>> -> memref<2x128xi32, #tpu.memory_space<hbm>>
      %dma_wait3A_329 = arith.constant 0 : i32
      %dma_wait3A_330 = arith.constant 0 : i32
      %dma_wait3A_331 = tpu.memref_slice %arg3[%mul3A_2, %dma_wait3A_329, %dma_wait3A_330] : memref<2560x2x128xi32, #tpu.memory_space<hbm>> -> memref<1x2x128xi32, #tpu.memory_space<hbm>>
      %dma_wait3A_332 = tpu.memref_squeeze %dma_wait3A_331 : memref<1x2x128xi32, #tpu.memory_space<hbm>> -> memref<2x128xi32, #tpu.memory_space<hbm>>
      tpu.wait_dma2 semaphore(%run_scoped3A : memref<!tpu.dma_semaphore, #tpu.memory_space<semaphore_mem>>) src(%dma_wait3A_332 : memref<2x128xi32, #tpu.memory_space<hbm>>) dst(%arg6 : memref<2x128xi32, #tpu.memory_space<vmem>>)
      tpu.yield
    }) : () -> ()
    %dma_start3A = arith.constant 0 : i32
    %dma_start3A_27 = arith.constant 0 : i32
    %dma_start3A_28 = tpu.memref_slice %arg6[%dma_start3A, %dma_start3A_27] : memref<2x128xi32, #tpu.memory_space<vmem>> -> memref<1x128xi32, #tpu.memory_space<vmem>>
    %dma_start3A_29 = tpu.memref_squeeze %dma_start3A_28 : memref<1x128xi32, #tpu.memory_space<vmem>> -> memref<128xi32, #tpu.memory_space<vmem>>
    %dma_start3A_30 = arith.constant 0 : i32
    %dma_start3A_31 = arith.constant 0 : i32
    %dma_start3A_32 = tpu.memref_slice %arg2[%dma_start3A_30, %dma_start3A_31] : memref<10000x128xf32, #tpu.memory_space<hbm>> -> memref<10000x128xf32, #tpu.memory_space<hbm>>
    tpu.enqueue_indirect_dma source(%dma_start3A_32 : memref<10000x128xf32, #tpu.memory_space<hbm>>) target(%arg10 : memref<128x128xf32, #tpu.memory_space<vmem>>) offsets(%dma_start3A_29 : memref<128xi32, #tpu.memory_space<vmem>>) semaphore(%arg17 : memref<!tpu.dma_semaphore, #tpu.memory_space<semaphore_mem>>)
    %add3A_33 = arith.constant 1 : i32
    %add3A_34 = arith.addi %mul3A_2, %add3A_33 : i32
    %dma_start3A_35 = arith.constant 0 : i32
    %dma_start3A_36 = arith.constant 0 : i32
    %dma_start3A_37 = tpu.memref_slice %arg3[%add3A_34, %dma_start3A_35, %dma_start3A_36] : memref<2560x2x128xi32, #tpu.memory_space<hbm>> -> memref<1x2x128xi32, #tpu.memory_space<hbm>>
    %dma_start3A_38 = tpu.memref_squeeze %dma_start3A_37 : memref<1x2x128xi32, #tpu.memory_space<hbm>> -> memref<2x128xi32, #tpu.memory_space<hbm>>
    %dma_start3A_39 = arith.constant 0 : i32
    %dma_start3A_40 = arith.constant 0 : i32
    %dma_start3A_41 = tpu.memref_slice %arg3[%add3A_34, %dma_start3A_39, %dma_start3A_40] : memref<2560x2x128xi32, #tpu.memory_space<hbm>> -> memref<1x2x128xi32, #tpu.memory_space<hbm>>
    %dma_start3A_42 = tpu.memref_squeeze %dma_start3A_41 : memref<1x2x128xi32, #tpu.memory_space<hbm>> -> memref<2x128xi32, #tpu.memory_space<hbm>>
    tpu.enqueue_dma source(%dma_start3A_42 : memref<2x128xi32, #tpu.memory_space<hbm>>) target(%arg7 : memref<2x128xi32, #tpu.memory_space<vmem>>) target_semaphore(%arg14 : memref<!tpu.dma_semaphore, #tpu.memory_space<semaphore_mem>>)
    %add3A_43 = arith.constant 2 : i32
    %add3A_44 = arith.addi %mul3A_2, %add3A_43 : i32
    %dma_start3A_45 = arith.constant 0 : i32
    %dma_start3A_46 = arith.constant 0 : i32
    %dma_start3A_47 = tpu.memref_slice %arg3[%add3A_44, %dma_start3A_45, %dma_start3A_46] : memref<2560x2x128xi32, #tpu.memory_space<hbm>> -> memref<1x2x128xi32, #tpu.memory_space<hbm>>
    %dma_start3A_48 = tpu.memref_squeeze %dma_start3A_47 : memref<1x2x128xi32, #tpu.memory_space<hbm>> -> memref<2x128xi32, #tpu.memory_space<hbm>>
    %dma_start3A_49 = arith.constant 0 : i32
    %dma_start3A_50 = arith.constant 0 : i32
    %dma_start3A_51 = tpu.memref_slice %arg3[%add3A_44, %dma_start3A_49, %dma_start3A_50] : memref<2560x2x128xi32, #tpu.memory_space<hbm>> -> memref<1x2x128xi32, #tpu.memory_space<hbm>>
    %dma_start3A_52 = tpu.memref_squeeze %dma_start3A_51 : memref<1x2x128xi32, #tpu.memory_space<hbm>> -> memref<2x128xi32, #tpu.memory_space<hbm>>
    tpu.enqueue_dma source(%dma_start3A_52 : memref<2x128xi32, #tpu.memory_space<hbm>>) target(%arg8 : memref<2x128xi32, #tpu.memory_space<vmem>>) target_semaphore(%arg15 : memref<!tpu.dma_semaphore, #tpu.memory_space<semaphore_mem>>)
    %scan3A_53 = arith.constant 0 : i32
    %scan3A_54 = arith.constant 20 : i32
    %scan3A_55 = arith.addi %scan3A_53, %scan3A_54 : i32
    %scan3A_56 = arith.constant 1 : i32
    scf.for %scan3A_317 = %scan3A_53 to %scan3A_55 step %scan3A_56  : i32 {
      %mul3A_318 = arith.constant 4 : i32
      %mul3A_319 = arith.muli %mul3A_318, %scan3A_317 : i32
      %add3A_320 = arith.constant 0 : i32
      %add3A_321 = arith.addi %mul3A_319, %add3A_320 : i32
      %dma_wait3A_322 = arith.constant 0 : i32
      %dma_wait3A_323 = arith.constant 0 : i32
      %dma_wait3A_324 = tpu.memref_slice %arg6[%dma_wait3A_322, %dma_wait3A_323] : memref<2x128xi32, #tpu.memory_space<vmem>> -> memref<1x128xi32, #tpu.memory_space<vmem>>
      %dma_wait3A_325 = tpu.memref_squeeze %dma_wait3A_324 : memref<1x128xi32, #tpu.memory_space<vmem>> -> memref<128xi32, #tpu.memory_space<vmem>>
      %dma_wait3A_326 = arith.constant 0 : i32
      %dma_wait3A_327 = arith.constant 0 : i32
      %dma_wait3A_328 = tpu.memref_slice %arg2[%dma_wait3A_326, %dma_wait3A_327] : memref<10000x128xf32, #tpu.memory_space<hbm>> -> memref<10000x128xf32, #tpu.memory_space<hbm>>
      tpu.wait_indirect_dma semaphore(%arg17 : memref<!tpu.dma_semaphore, #tpu.memory_space<semaphore_mem>>) src(%dma_wait3A_328 : memref<10000x128xf32, #tpu.memory_space<hbm>>) dst(%arg10 : memref<128x128xf32, #tpu.memory_space<vmem>>)
      %dma_start3A_329 = arith.constant 1 : i32
      %dma_start3A_330 = arith.constant 0 : i32
      %dma_start3A_331 = tpu.memref_slice %arg6[%dma_start3A_329, %dma_start3A_330] : memref<2x128xi32, #tpu.memory_space<vmem>> -> memref<1x128xi32, #tpu.memory_space<vmem>>
      %dma_start3A_332 = tpu.memref_squeeze %dma_start3A_331 : memref<1x128xi32, #tpu.memory_space<vmem>> -> memref<128xi32, #tpu.memory_space<vmem>>
      %dma_start3A_333 = arith.constant 0 : i32
      %dma_start3A_334 = arith.constant 0 : i32
      %dma_start3A_335 = tpu.memref_slice %arg12[%dma_start3A_333, %dma_start3A_334] : memref<10240x128xf32, #tpu.memory_space<vmem_shared>> -> memref<10240x128xf32, #tpu.memory_space<vmem_shared>>
      tpu.enqueue_indirect_dma source(%arg10 : memref<128x128xf32, #tpu.memory_space<vmem>>) target(%dma_start3A_335 : memref<10240x128xf32, #tpu.memory_space<vmem_shared>>) offsets(%dma_start3A_332 : memref<128xi32, #tpu.memory_space<vmem>>) semaphore(%arg19 : memref<!tpu.dma_semaphore, #tpu.memory_space<semaphore_mem>>) {add = true}
      %gt3A = arith.constant 0 : i32
      %gt3A_336 = arith.cmpi sgt, %add3A_321, %gt3A : i32
      %convert_element_type3A_337 = arith.extui %gt3A_336 : i1 to i32
      %cond3A_338 = arith.constant 0 : i32
      %cond3A_339 = arith.cmpi ne, %convert_element_type3A_337, %cond3A_338 : i32
      scf.if %cond3A_339 {
        %dma_wait3A_464 = arith.constant 1 : i32
        %dma_wait3A_465 = arith.constant 0 : i32
        %dma_wait3A_466 = tpu.memref_slice %arg9[%dma_wait3A_464, %dma_wait3A_465] : memref<2x128xi32, #tpu.memory_space<vmem>> -> memref<1x128xi32, #tpu.memory_space<vmem>>
        %dma_wait3A_467 = tpu.memref_squeeze %dma_wait3A_466 : memref<1x128xi32, #tpu.memory_space<vmem>> -> memref<128xi32, #tpu.memory_space<vmem>>
        %dma_wait3A_468 = arith.constant 0 : i32
        %dma_wait3A_469 = arith.constant 0 : i32
        %dma_wait3A_470 = tpu.memref_slice %arg12[%dma_wait3A_468, %dma_wait3A_469] : memref<10240x128xf32, #tpu.memory_space<vmem_shared>> -> memref<10240x128xf32, #tpu.memory_space<vmem_shared>>
        tpu.wait_indirect_dma semaphore(%arg20 : memref<!tpu.dma_semaphore, #tpu.memory_space<semaphore_mem>>) src(%arg11 : memref<128x128xf32, #tpu.memory_space<vmem>>) dst(%dma_wait3A_470 : memref<10240x128xf32, #tpu.memory_space<vmem_shared>>)
      } else {
      }
      %add3A_340 = arith.constant 1 : i32
      %add3A_341 = arith.addi %add3A_321, %add3A_340 : i32
      %lt3A = arith.constant 80 : i32
      %lt3A_342 = arith.cmpi slt, %add3A_341, %lt3A : i32
      %convert_element_type3A_343 = arith.extui %lt3A_342 : i1 to i32
      %cond3A_344 = arith.constant 0 : i32
      %cond3A_345 = arith.cmpi ne, %convert_element_type3A_343, %cond3A_344 : i32
      scf.if %cond3A_345 {
        %dma_wait3A_464 = arith.constant 0 : i32
        %dma_wait3A_465 = arith.constant 0 : i32
        %dma_wait3A_466 = tpu.memref_slice %arg3[%mul3A_2, %dma_wait3A_464, %dma_wait3A_465] : memref<2560x2x128xi32, #tpu.memory_space<hbm>> -> memref<1x2x128xi32, #tpu.memory_space<hbm>>
        %dma_wait3A_467 = tpu.memref_squeeze %dma_wait3A_466 : memref<1x2x128xi32, #tpu.memory_space<hbm>> -> memref<2x128xi32, #tpu.memory_space<hbm>>
        %dma_wait3A_468 = arith.constant 0 : i32
        %dma_wait3A_469 = arith.constant 0 : i32
        %dma_wait3A_470 = tpu.memref_slice %arg3[%mul3A_2, %dma_wait3A_468, %dma_wait3A_469] : memref<2560x2x128xi32, #tpu.memory_space<hbm>> -> memref<1x2x128xi32, #tpu.memory_space<hbm>>
        %dma_wait3A_471 = tpu.memref_squeeze %dma_wait3A_470 : memref<1x2x128xi32, #tpu.memory_space<hbm>> -> memref<2x128xi32, #tpu.memory_space<hbm>>
        tpu.wait_dma2 semaphore(%arg14 : memref<!tpu.dma_semaphore, #tpu.memory_space<semaphore_mem>>) src(%dma_wait3A_471 : memref<2x128xi32, #tpu.memory_space<hbm>>) dst(%arg7 : memref<2x128xi32, #tpu.memory_space<vmem>>)
        %dma_start3A_472 = arith.constant 0 : i32
        %dma_start3A_473 = arith.constant 0 : i32
        %dma_start3A_474 = tpu.memref_slice %arg7[%dma_start3A_472, %dma_start3A_473] : memref<2x128xi32, #tpu.memory_space<vmem>> -> memref<1x128xi32, #tpu.memory_space<vmem>>
        %dma_start3A_475 = tpu.memref_squeeze %dma_start3A_474 : memref<1x128xi32, #tpu.memory_space<vmem>> -> memref<128xi32, #tpu.memory_space<vmem>>
        %dma_start3A_476 = arith.constant 0 : i32
        %dma_start3A_477 = arith.constant 0 : i32
        %dma_start3A_478 = tpu.memref_slice %arg2[%dma_start3A_476, %dma_start3A_477] : memref<10000x128xf32, #tpu.memory_space<hbm>> -> memref<10000x128xf32, #tpu.memory_space<hbm>>
        tpu.enqueue_indirect_dma source(%dma_start3A_478 : memref<10000x128xf32, #tpu.memory_space<hbm>>) target(%arg11 : memref<128x128xf32, #tpu.memory_space<vmem>>) offsets(%dma_start3A_475 : memref<128xi32, #tpu.memory_space<vmem>>) semaphore(%arg18 : memref<!tpu.dma_semaphore, #tpu.memory_space<semaphore_mem>>)
      } else {
      }
      %add3A_346 = arith.constant 3 : i32
      %add3A_347 = arith.addi %add3A_321, %add3A_346 : i32
      %lt3A_348 = arith.constant 80 : i32
      %lt3A_349 = arith.cmpi slt, %add3A_347, %lt3A_348 : i32
      %convert_element_type3A_350 = arith.extui %lt3A_349 : i1 to i32
      %cond3A_351 = arith.constant 0 : i32
      %cond3A_352 = arith.cmpi ne, %convert_element_type3A_350, %cond3A_351 : i32
      scf.if %cond3A_352 {
        %add3A_464 = arith.constant 3 : i32
        %add3A_465 = arith.addi %add3A_321, %add3A_464 : i32
        %add3A_466 = arith.addi %mul3A_2, %add3A_465 : i32
        %dma_start3A_467 = arith.constant 0 : i32
        %dma_start3A_468 = arith.constant 0 : i32
        %dma_start3A_469 = tpu.memref_slice %arg3[%add3A_466, %dma_start3A_467, %dma_start3A_468] : memref<2560x2x128xi32, #tpu.memory_space<hbm>> -> memref<1x2x128xi32, #tpu.memory_space<hbm>>
        %dma_start3A_470 = tpu.memref_squeeze %dma_start3A_469 : memref<1x2x128xi32, #tpu.memory_space<hbm>> -> memref<2x128xi32, #tpu.memory_space<hbm>>
        %dma_start3A_471 = arith.constant 0 : i32
        %dma_start3A_472 = arith.constant 0 : i32
        %dma_start3A_473 = tpu.memref_slice %arg3[%add3A_466, %dma_start3A_471, %dma_start3A_472] : memref<2560x2x128xi32, #tpu.memory_space<hbm>> -> memref<1x2x128xi32, #tpu.memory_space<hbm>>
        %dma_start3A_474 = tpu.memref_squeeze %dma_start3A_473 : memref<1x2x128xi32, #tpu.memory_space<hbm>> -> memref<2x128xi32, #tpu.memory_space<hbm>>
        tpu.enqueue_dma source(%dma_start3A_474 : memref<2x128xi32, #tpu.memory_space<hbm>>) target(%arg9 : memref<2x128xi32, #tpu.memory_space<vmem>>) target_semaphore(%arg16 : memref<!tpu.dma_semaphore, #tpu.memory_space<semaphore_mem>>)
      } else {
      }
      %mul3A_353 = arith.constant 4 : i32
      %mul3A_354 = arith.muli %mul3A_353, %scan3A_317 : i32
      %add3A_355 = arith.constant 1 : i32
      %add3A_356 = arith.addi %mul3A_354, %add3A_355 : i32
      %dma_wait3A_357 = arith.constant 0 : i32
      %dma_wait3A_358 = arith.constant 0 : i32
      %dma_wait3A_359 = tpu.memref_slice %arg7[%dma_wait3A_357, %dma_wait3A_358] : memref<2x128xi32, #tpu.memory_space<vmem>> -> memref<1x128xi32, #tpu.memory_space<vmem>>
      %dma_wait3A_360 = tpu.memref_squeeze %dma_wait3A_359 : memref<1x128xi32, #tpu.memory_space<vmem>> -> memref<128xi32, #tpu.memory_space<vmem>>
      %dma_wait3A_361 = arith.constant 0 : i32
      %dma_wait3A_362 = arith.constant 0 : i32
      %dma_wait3A_363 = tpu.memref_slice %arg2[%dma_wait3A_361, %dma_wait3A_362] : memref<10000x128xf32, #tpu.memory_space<hbm>> -> memref<10000x128xf32, #tpu.memory_space<hbm>>
      tpu.wait_indirect_dma semaphore(%arg18 : memref<!tpu.dma_semaphore, #tpu.memory_space<semaphore_mem>>) src(%dma_wait3A_363 : memref<10000x128xf32, #tpu.memory_space<hbm>>) dst(%arg11 : memref<128x128xf32, #tpu.memory_space<vmem>>)
      %dma_start3A_364 = arith.constant 1 : i32
      %dma_start3A_365 = arith.constant 0 : i32
      %dma_start3A_366 = tpu.memref_slice %arg7[%dma_start3A_364, %dma_start3A_365] : memref<2x128xi32, #tpu.memory_space<vmem>> -> memref<1x128xi32, #tpu.memory_space<vmem>>
      %dma_start3A_367 = tpu.memref_squeeze %dma_start3A_366 : memref<1x128xi32, #tpu.memory_space<vmem>> -> memref<128xi32, #tpu.memory_space<vmem>>
      %dma_start3A_368 = arith.constant 0 : i32
      %dma_start3A_369 = arith.constant 0 : i32
      %dma_start3A_370 = tpu.memref_slice %arg12[%dma_start3A_368, %dma_start3A_369] : memref<10240x128xf32, #tpu.memory_space<vmem_shared>> -> memref<10240x128xf32, #tpu.memory_space<vmem_shared>>
      tpu.enqueue_indirect_dma source(%arg11 : memref<128x128xf32, #tpu.memory_space<vmem>>) target(%dma_start3A_370 : memref<10240x128xf32, #tpu.memory_space<vmem_shared>>) offsets(%dma_start3A_367 : memref<128xi32, #tpu.memory_space<vmem>>) semaphore(%arg20 : memref<!tpu.dma_semaphore, #tpu.memory_space<semaphore_mem>>) {add = true}
      %gt3A_371 = arith.constant 0 : i32
      %gt3A_372 = arith.cmpi sgt, %add3A_356, %gt3A_371 : i32
      %convert_element_type3A_373 = arith.extui %gt3A_372 : i1 to i32
      %cond3A_374 = arith.constant 0 : i32
      %cond3A_375 = arith.cmpi ne, %convert_element_type3A_373, %cond3A_374 : i32
      scf.if %cond3A_375 {
        %dma_wait3A_464 = arith.constant 1 : i32
        %dma_wait3A_465 = arith.constant 0 : i32
        %dma_wait3A_466 = tpu.memref_slice %arg6[%dma_wait3A_464, %dma_wait3A_465] : memref<2x128xi32, #tpu.memory_space<vmem>> -> memref<1x128xi32, #tpu.memory_space<vmem>>
        %dma_wait3A_467 = tpu.memref_squeeze %dma_wait3A_466 : memref<1x128xi32, #tpu.memory_space<vmem>> -> memref<128xi32, #tpu.memory_space<vmem>>
        %dma_wait3A_468 = arith.constant 0 : i32
        %dma_wait3A_469 = arith.constant 0 : i32
        %dma_wait3A_470 = tpu.memref_slice %arg12[%dma_wait3A_468, %dma_wait3A_469] : memref<10240x128xf32, #tpu.memory_space<vmem_shared>> -> memref<10240x128xf32, #tpu.memory_space<vmem_shared>>
        tpu.wait_indirect_dma semaphore(%arg19 : memref<!tpu.dma_semaphore, #tpu.memory_space<semaphore_mem>>) src(%arg10 : memref<128x128xf32, #tpu.memory_space<vmem>>) dst(%dma_wait3A_470 : memref<10240x128xf32, #tpu.memory_space<vmem_shared>>)
      } else {
      }
      %add3A_376 = arith.constant 1 : i32
      %add3A_377 = arith.addi %add3A_356, %add3A_376 : i32
      %lt3A_378 = arith.constant 80 : i32
      %lt3A_379 = arith.cmpi slt, %add3A_377, %lt3A_378 : i32
      %convert_element_type3A_380 = arith.extui %lt3A_379 : i1 to i32
      %cond3A_381 = arith.constant 0 : i32
      %cond3A_382 = arith.cmpi ne, %convert_element_type3A_380, %cond3A_381 : i32
      scf.if %cond3A_382 {
        %dma_wait3A_464 = arith.constant 0 : i32
        %dma_wait3A_465 = arith.constant 0 : i32
        %dma_wait3A_466 = tpu.memref_slice %arg3[%mul3A_2, %dma_wait3A_464, %dma_wait3A_465] : memref<2560x2x128xi32, #tpu.memory_space<hbm>> -> memref<1x2x128xi32, #tpu.memory_space<hbm>>
        %dma_wait3A_467 = tpu.memref_squeeze %dma_wait3A_466 : memref<1x2x128xi32, #tpu.memory_space<hbm>> -> memref<2x128xi32, #tpu.memory_space<hbm>>
        %dma_wait3A_468 = arith.constant 0 : i32
        %dma_wait3A_469 = arith.constant 0 : i32
        %dma_wait3A_470 = tpu.memref_slice %arg3[%mul3A_2, %dma_wait3A_468, %dma_wait3A_469] : memref<2560x2x128xi32, #tpu.memory_space<hbm>> -> memref<1x2x128xi32, #tpu.memory_space<hbm>>
        %dma_wait3A_471 = tpu.memref_squeeze %dma_wait3A_470 : memref<1x2x128xi32, #tpu.memory_space<hbm>> -> memref<2x128xi32, #tpu.memory_space<hbm>>
        tpu.wait_dma2 semaphore(%arg15 : memref<!tpu.dma_semaphore, #tpu.memory_space<semaphore_mem>>) src(%dma_wait3A_471 : memref<2x128xi32, #tpu.memory_space<hbm>>) dst(%arg8 : memref<2x128xi32, #tpu.memory_space<vmem>>)
        %dma_start3A_472 = arith.constant 0 : i32
        %dma_start3A_473 = arith.constant 0 : i32
        %dma_start3A_474 = tpu.memref_slice %arg8[%dma_start3A_472, %dma_start3A_473] : memref<2x128xi32, #tpu.memory_space<vmem>> -> memref<1x128xi32, #tpu.memory_space<vmem>>
        %dma_start3A_475 = tpu.memref_squeeze %dma_start3A_474 : memref<1x128xi32, #tpu.memory_space<vmem>> -> memref<128xi32, #tpu.memory_space<vmem>>
        %dma_start3A_476 = arith.constant 0 : i32
        %dma_start3A_477 = arith.constant 0 : i32
        %dma_start3A_478 = tpu.memref_slice %arg2[%dma_start3A_476, %dma_start3A_477] : memref<10000x128xf32, #tpu.memory_space<hbm>> -> memref<10000x128xf32, #tpu.memory_space<hbm>>
        tpu.enqueue_indirect_dma source(%dma_start3A_478 : memref<10000x128xf32, #tpu.memory_space<hbm>>) target(%arg10 : memref<128x128xf32, #tpu.memory_space<vmem>>) offsets(%dma_start3A_475 : memref<128xi32, #tpu.memory_space<vmem>>) semaphore(%arg17 : memref<!tpu.dma_semaphore, #tpu.memory_space<semaphore_mem>>)
      } else {
      }
      %add3A_383 = arith.constant 3 : i32
      %add3A_384 = arith.addi %add3A_356, %add3A_383 : i32
      %lt3A_385 = arith.constant 80 : i32
      %lt3A_386 = arith.cmpi slt, %add3A_384, %lt3A_385 : i32
      %convert_element_type3A_387 = arith.extui %lt3A_386 : i1 to i32
      %cond3A_388 = arith.constant 0 : i32
      %cond3A_389 = arith.cmpi ne, %convert_element_type3A_387, %cond3A_388 : i32
      scf.if %cond3A_389 {
        %add3A_464 = arith.constant 3 : i32
        %add3A_465 = arith.addi %add3A_356, %add3A_464 : i32
        %add3A_466 = arith.addi %mul3A_2, %add3A_465 : i32
        %dma_start3A_467 = arith.constant 0 : i32
        %dma_start3A_468 = arith.constant 0 : i32
        %dma_start3A_469 = tpu.memref_slice %arg3[%add3A_466, %dma_start3A_467, %dma_start3A_468] : memref<2560x2x128xi32, #tpu.memory_space<hbm>> -> memref<1x2x128xi32, #tpu.memory_space<hbm>>
        %dma_start3A_470 = tpu.memref_squeeze %dma_start3A_469 : memref<1x2x128xi32, #tpu.memory_space<hbm>> -> memref<2x128xi32, #tpu.memory_space<hbm>>
        %dma_start3A_471 = arith.constant 0 : i32
        %dma_start3A_472 = arith.constant 0 : i32
        %dma_start3A_473 = tpu.memref_slice %arg3[%add3A_466, %dma_start3A_471, %dma_start3A_472] : memref<2560x2x128xi32, #tpu.memory_space<hbm>> -> memref<1x2x128xi32, #tpu.memory_space<hbm>>
        %dma_start3A_474 = tpu.memref_squeeze %dma_start3A_473 : memref<1x2x128xi32, #tpu.memory_space<hbm>> -> memref<2x128xi32, #tpu.memory_space<hbm>>
        tpu.enqueue_dma source(%dma_start3A_474 : memref<2x128xi32, #tpu.memory_space<hbm>>) target(%arg6 : memref<2x128xi32, #tpu.memory_space<vmem>>) target_semaphore(%arg13 : memref<!tpu.dma_semaphore, #tpu.memory_space<semaphore_mem>>)
      } else {
      }
      %mul3A_390 = arith.constant 4 : i32
      %mul3A_391 = arith.muli %mul3A_390, %scan3A_317 : i32
      %add3A_392 = arith.constant 2 : i32
      %add3A_393 = arith.addi %mul3A_391, %add3A_392 : i32
      %dma_wait3A_394 = arith.constant 0 : i32
      %dma_wait3A_395 = arith.constant 0 : i32
      %dma_wait3A_396 = tpu.memref_slice %arg8[%dma_wait3A_394, %dma_wait3A_395] : memref<2x128xi32, #tpu.memory_space<vmem>> -> memref<1x128xi32, #tpu.memory_space<vmem>>
      %dma_wait3A_397 = tpu.memref_squeeze %dma_wait3A_396 : memref<1x128xi32, #tpu.memory_space<vmem>> -> memref<128xi32, #tpu.memory_space<vmem>>
      %dma_wait3A_398 = arith.constant 0 : i32
      %dma_wait3A_399 = arith.constant 0 : i32
      %dma_wait3A_400 = tpu.memref_slice %arg2[%dma_wait3A_398, %dma_wait3A_399] : memref<10000x128xf32, #tpu.memory_space<hbm>> -> memref<10000x128xf32, #tpu.memory_space<hbm>>
      tpu.wait_indirect_dma semaphore(%arg17 : memref<!tpu.dma_semaphore, #tpu.memory_space<semaphore_mem>>) src(%dma_wait3A_400 : memref<10000x128xf32, #tpu.memory_space<hbm>>) dst(%arg10 : memref<128x128xf32, #tpu.memory_space<vmem>>)
      %dma_start3A_401 = arith.constant 1 : i32
      %dma_start3A_402 = arith.constant 0 : i32
      %dma_start3A_403 = tpu.memref_slice %arg8[%dma_start3A_401, %dma_start3A_402] : memref<2x128xi32, #tpu.memory_space<vmem>> -> memref<1x128xi32, #tpu.memory_space<vmem>>
      %dma_start3A_404 = tpu.memref_squeeze %dma_start3A_403 : memref<1x128xi32, #tpu.memory_space<vmem>> -> memref<128xi32, #tpu.memory_space<vmem>>
      %dma_start3A_405 = arith.constant 0 : i32
      %dma_start3A_406 = arith.constant 0 : i32
      %dma_start3A_407 = tpu.memref_slice %arg12[%dma_start3A_405, %dma_start3A_406] : memref<10240x128xf32, #tpu.memory_space<vmem_shared>> -> memref<10240x128xf32, #tpu.memory_space<vmem_shared>>
      tpu.enqueue_indirect_dma source(%arg10 : memref<128x128xf32, #tpu.memory_space<vmem>>) target(%dma_start3A_407 : memref<10240x128xf32, #tpu.memory_space<vmem_shared>>) offsets(%dma_start3A_404 : memref<128xi32, #tpu.memory_space<vmem>>) semaphore(%arg19 : memref<!tpu.dma_semaphore, #tpu.memory_space<semaphore_mem>>) {add = true}
      %gt3A_408 = arith.constant 0 : i32
      %gt3A_409 = arith.cmpi sgt, %add3A_393, %gt3A_408 : i32
      %convert_element_type3A_410 = arith.extui %gt3A_409 : i1 to i32
      %cond3A_411 = arith.constant 0 : i32
      %cond3A_412 = arith.cmpi ne, %convert_element_type3A_410, %cond3A_411 : i32
      scf.if %cond3A_412 {
        %dma_wait3A_464 = arith.constant 1 : i32
        %dma_wait3A_465 = arith.constant 0 : i32
        %dma_wait3A_466 = tpu.memref_slice %arg7[%dma_wait3A_464, %dma_wait3A_465] : memref<2x128xi32, #tpu.memory_space<vmem>> -> memref<1x128xi32, #tpu.memory_space<vmem>>
        %dma_wait3A_467 = tpu.memref_squeeze %dma_wait3A_466 : memref<1x128xi32, #tpu.memory_space<vmem>> -> memref<128xi32, #tpu.memory_space<vmem>>
        %dma_wait3A_468 = arith.constant 0 : i32
        %dma_wait3A_469 = arith.constant 0 : i32
        %dma_wait3A_470 = tpu.memref_slice %arg12[%dma_wait3A_468, %dma_wait3A_469] : memref<10240x128xf32, #tpu.memory_space<vmem_shared>> -> memref<10240x128xf32, #tpu.memory_space<vmem_shared>>
        tpu.wait_indirect_dma semaphore(%arg20 : memref<!tpu.dma_semaphore, #tpu.memory_space<semaphore_mem>>) src(%arg11 : memref<128x128xf32, #tpu.memory_space<vmem>>) dst(%dma_wait3A_470 : memref<10240x128xf32, #tpu.memory_space<vmem_shared>>)
      } else {
      }
      %add3A_413 = arith.constant 1 : i32
      %add3A_414 = arith.addi %add3A_393, %add3A_413 : i32
      %lt3A_415 = arith.constant 80 : i32
      %lt3A_416 = arith.cmpi slt, %add3A_414, %lt3A_415 : i32
      %convert_element_type3A_417 = arith.extui %lt3A_416 : i1 to i32
      %cond3A_418 = arith.constant 0 : i32
      %cond3A_419 = arith.cmpi ne, %convert_element_type3A_417, %cond3A_418 : i32
      scf.if %cond3A_419 {
        %dma_wait3A_464 = arith.constant 0 : i32
        %dma_wait3A_465 = arith.constant 0 : i32
        %dma_wait3A_466 = tpu.memref_slice %arg3[%mul3A_2, %dma_wait3A_464, %dma_wait3A_465] : memref<2560x2x128xi32, #tpu.memory_space<hbm>> -> memref<1x2x128xi32, #tpu.memory_space<hbm>>
        %dma_wait3A_467 = tpu.memref_squeeze %dma_wait3A_466 : memref<1x2x128xi32, #tpu.memory_space<hbm>> -> memref<2x128xi32, #tpu.memory_space<hbm>>
        %dma_wait3A_468 = arith.constant 0 : i32
        %dma_wait3A_469 = arith.constant 0 : i32
        %dma_wait3A_470 = tpu.memref_slice %arg3[%mul3A_2, %dma_wait3A_468, %dma_wait3A_469] : memref<2560x2x128xi32, #tpu.memory_space<hbm>> -> memref<1x2x128xi32, #tpu.memory_space<hbm>>
        %dma_wait3A_471 = tpu.memref_squeeze %dma_wait3A_470 : memref<1x2x128xi32, #tpu.memory_space<hbm>> -> memref<2x128xi32, #tpu.memory_space<hbm>>
        tpu.wait_dma2 semaphore(%arg16 : memref<!tpu.dma_semaphore, #tpu.memory_space<semaphore_mem>>) src(%dma_wait3A_471 : memref<2x128xi32, #tpu.memory_space<hbm>>) dst(%arg9 : memref<2x128xi32, #tpu.memory_space<vmem>>)
        %dma_start3A_472 = arith.constant 0 : i32
        %dma_start3A_473 = arith.constant 0 : i32
        %dma_start3A_474 = tpu.memref_slice %arg9[%dma_start3A_472, %dma_start3A_473] : memref<2x128xi32, #tpu.memory_space<vmem>> -> memref<1x128xi32, #tpu.memory_space<vmem>>
        %dma_start3A_475 = tpu.memref_squeeze %dma_start3A_474 : memref<1x128xi32, #tpu.memory_space<vmem>> -> memref<128xi32, #tpu.memory_space<vmem>>
        %dma_start3A_476 = arith.constant 0 : i32
        %dma_start3A_477 = arith.constant 0 : i32
        %dma_start3A_478 = tpu.memref_slice %arg2[%dma_start3A_476, %dma_start3A_477] : memref<10000x128xf32, #tpu.memory_space<hbm>> -> memref<10000x128xf32, #tpu.memory_space<hbm>>
        tpu.enqueue_indirect_dma source(%dma_start3A_478 : memref<10000x128xf32, #tpu.memory_space<hbm>>) target(%arg11 : memref<128x128xf32, #tpu.memory_space<vmem>>) offsets(%dma_start3A_475 : memref<128xi32, #tpu.memory_space<vmem>>) semaphore(%arg18 : memref<!tpu.dma_semaphore, #tpu.memory_space<semaphore_mem>>)
      } else {
      }
      %add3A_420 = arith.constant 3 : i32
      %add3A_421 = arith.addi %add3A_393, %add3A_420 : i32
      %lt3A_422 = arith.constant 80 : i32
      %lt3A_423 = arith.cmpi slt, %add3A_421, %lt3A_422 : i32
      %convert_element_type3A_424 = arith.extui %lt3A_423 : i1 to i32
      %cond3A_425 = arith.constant 0 : i32
      %cond3A_426 = arith.cmpi ne, %convert_element_type3A_424, %cond3A_425 : i32
      scf.if %cond3A_426 {
        %add3A_464 = arith.constant 3 : i32
        %add3A_465 = arith.addi %add3A_393, %add3A_464 : i32
        %add3A_466 = arith.addi %mul3A_2, %add3A_465 : i32
        %dma_start3A_467 = arith.constant 0 : i32
        %dma_start3A_468 = arith.constant 0 : i32
        %dma_start3A_469 = tpu.memref_slice %arg3[%add3A_466, %dma_start3A_467, %dma_start3A_468] : memref<2560x2x128xi32, #tpu.memory_space<hbm>> -> memref<1x2x128xi32, #tpu.memory_space<hbm>>
        %dma_start3A_470 = tpu.memref_squeeze %dma_start3A_469 : memref<1x2x128xi32, #tpu.memory_space<hbm>> -> memref<2x128xi32, #tpu.memory_space<hbm>>
        %dma_start3A_471 = arith.constant 0 : i32
        %dma_start3A_472 = arith.constant 0 : i32
        %dma_start3A_473 = tpu.memref_slice %arg3[%add3A_466, %dma_start3A_471, %dma_start3A_472] : memref<2560x2x128xi32, #tpu.memory_space<hbm>> -> memref<1x2x128xi32, #tpu.memory_space<hbm>>
        %dma_start3A_474 = tpu.memref_squeeze %dma_start3A_473 : memref<1x2x128xi32, #tpu.memory_space<hbm>> -> memref<2x128xi32, #tpu.memory_space<hbm>>
        tpu.enqueue_dma source(%dma_start3A_474 : memref<2x128xi32, #tpu.memory_space<hbm>>) target(%arg7 : memref<2x128xi32, #tpu.memory_space<vmem>>) target_semaphore(%arg14 : memref<!tpu.dma_semaphore, #tpu.memory_space<semaphore_mem>>)
      } else {
      }
      %mul3A_427 = arith.constant 4 : i32
      %mul3A_428 = arith.muli %mul3A_427, %scan3A_317 : i32
      %add3A_429 = arith.constant 3 : i32
      %add3A_430 = arith.addi %mul3A_428, %add3A_429 : i32
      %dma_wait3A_431 = arith.constant 0 : i32
      %dma_wait3A_432 = arith.constant 0 : i32
      %dma_wait3A_433 = tpu.memref_slice %arg9[%dma_wait3A_431, %dma_wait3A_432] : memref<2x128xi32, #tpu.memory_space<vmem>> -> memref<1x128xi32, #tpu.memory_space<vmem>>
      %dma_wait3A_434 = tpu.memref_squeeze %dma_wait3A_433 : memref<1x128xi32, #tpu.memory_space<vmem>> -> memref<128xi32, #tpu.memory_space<vmem>>
      %dma_wait3A_435 = arith.constant 0 : i32
      %dma_wait3A_436 = arith.constant 0 : i32
      %dma_wait3A_437 = tpu.memref_slice %arg2[%dma_wait3A_435, %dma_wait3A_436] : memref<10000x128xf32, #tpu.memory_space<hbm>> -> memref<10000x128xf32, #tpu.memory_space<hbm>>
      tpu.wait_indirect_dma semaphore(%arg18 : memref<!tpu.dma_semaphore, #tpu.memory_space<semaphore_mem>>) src(%dma_wait3A_437 : memref<10000x128xf32, #tpu.memory_space<hbm>>) dst(%arg11 : memref<128x128xf32, #tpu.memory_space<vmem>>)
      %dma_start3A_438 = arith.constant 1 : i32
      %dma_start3A_439 = arith.constant 0 : i32
      %dma_start3A_440 = tpu.memref_slice %arg9[%dma_start3A_438, %dma_start3A_439] : memref<2x128xi32, #tpu.memory_space<vmem>> -> memref<1x128xi32, #tpu.memory_space<vmem>>
      %dma_start3A_441 = tpu.memref_squeeze %dma_start3A_440 : memref<1x128xi32, #tpu.memory_space<vmem>> -> memref<128xi32, #tpu.memory_space<vmem>>
      %dma_start3A_442 = arith.constant 0 : i32
      %dma_start3A_443 = arith.constant 0 : i32
      %dma_start3A_444 = tpu.memref_slice %arg12[%dma_start3A_442, %dma_start3A_443] : memref<10240x128xf32, #tpu.memory_space<vmem_shared>> -> memref<10240x128xf32, #tpu.memory_space<vmem_shared>>
      tpu.enqueue_indirect_dma source(%arg11 : memref<128x128xf32, #tpu.memory_space<vmem>>) target(%dma_start3A_444 : memref<10240x128xf32, #tpu.memory_space<vmem_shared>>) offsets(%dma_start3A_441 : memref<128xi32, #tpu.memory_space<vmem>>) semaphore(%arg20 : memref<!tpu.dma_semaphore, #tpu.memory_space<semaphore_mem>>) {add = true}
      %gt3A_445 = arith.constant 0 : i32
      %gt3A_446 = arith.cmpi sgt, %add3A_430, %gt3A_445 : i32
      %convert_element_type3A_447 = arith.extui %gt3A_446 : i1 to i32
      %cond3A_448 = arith.constant 0 : i32
      %cond3A_449 = arith.cmpi ne, %convert_element_type3A_447, %cond3A_448 : i32
      scf.if %cond3A_449 {
        %dma_wait3A_464 = arith.constant 1 : i32
        %dma_wait3A_465 = arith.constant 0 : i32
        %dma_wait3A_466 = tpu.memref_slice %arg8[%dma_wait3A_464, %dma_wait3A_465] : memref<2x128xi32, #tpu.memory_space<vmem>> -> memref<1x128xi32, #tpu.memory_space<vmem>>
        %dma_wait3A_467 = tpu.memref_squeeze %dma_wait3A_466 : memref<1x128xi32, #tpu.memory_space<vmem>> -> memref<128xi32, #tpu.memory_space<vmem>>
        %dma_wait3A_468 = arith.constant 0 : i32
        %dma_wait3A_469 = arith.constant 0 : i32
        %dma_wait3A_470 = tpu.memref_slice %arg12[%dma_wait3A_468, %dma_wait3A_469] : memref<10240x128xf32, #tpu.memory_space<vmem_shared>> -> memref<10240x128xf32, #tpu.memory_space<vmem_shared>>
        tpu.wait_indirect_dma semaphore(%arg19 : memref<!tpu.dma_semaphore, #tpu.memory_space<semaphore_mem>>) src(%arg10 : memref<128x128xf32, #tpu.memory_space<vmem>>) dst(%dma_wait3A_470 : memref<10240x128xf32, #tpu.memory_space<vmem_shared>>)
      } else {
      }
      %add3A_450 = arith.constant 1 : i32
      %add3A_451 = arith.addi %add3A_430, %add3A_450 : i32
      %lt3A_452 = arith.constant 80 : i32
      %lt3A_453 = arith.cmpi slt, %add3A_451, %lt3A_452 : i32
      %convert_element_type3A_454 = arith.extui %lt3A_453 : i1 to i32
      %cond3A_455 = arith.constant 0 : i32
      %cond3A_456 = arith.cmpi ne, %convert_element_type3A_454, %cond3A_455 : i32
      scf.if %cond3A_456 {
        %dma_wait3A_464 = arith.constant 0 : i32
        %dma_wait3A_465 = arith.constant 0 : i32
        %dma_wait3A_466 = tpu.memref_slice %arg3[%mul3A_2, %dma_wait3A_464, %dma_wait3A_465] : memref<2560x2x128xi32, #tpu.memory_space<hbm>> -> memref<1x2x128xi32, #tpu.memory_space<hbm>>
        %dma_wait3A_467 = tpu.memref_squeeze %dma_wait3A_466 : memref<1x2x128xi32, #tpu.memory_space<hbm>> -> memref<2x128xi32, #tpu.memory_space<hbm>>
        %dma_wait3A_468 = arith.constant 0 : i32
        %dma_wait3A_469 = arith.constant 0 : i32
        %dma_wait3A_470 = tpu.memref_slice %arg3[%mul3A_2, %dma_wait3A_468, %dma_wait3A_469] : memref<2560x2x128xi32, #tpu.memory_space<hbm>> -> memref<1x2x128xi32, #tpu.memory_space<hbm>>
        %dma_wait3A_471 = tpu.memref_squeeze %dma_wait3A_470 : memref<1x2x128xi32, #tpu.memory_space<hbm>> -> memref<2x128xi32, #tpu.memory_space<hbm>>
        tpu.wait_dma2 semaphore(%arg13 : memref<!tpu.dma_semaphore, #tpu.memory_space<semaphore_mem>>) src(%dma_wait3A_471 : memref<2x128xi32, #tpu.memory_space<hbm>>) dst(%arg6 : memref<2x128xi32, #tpu.memory_space<vmem>>)
        %dma_start3A_472 = arith.constant 0 : i32
        %dma_start3A_473 = arith.constant 0 : i32
        %dma_start3A_474 = tpu.memref_slice %arg6[%dma_start3A_472, %dma_start3A_473] : memref<2x128xi32, #tpu.memory_space<vmem>> -> memref<1x128xi32, #tpu.memory_space<vmem>>
        %dma_start3A_475 = tpu.memref_squeeze %dma_start3A_474 : memref<1x128xi32, #tpu.memory_space<vmem>> -> memref<128xi32, #tpu.memory_space<vmem>>
        %dma_start3A_476 = arith.constant 0 : i32
        %dma_start3A_477 = arith.constant 0 : i32
        %dma_start3A_478 = tpu.memref_slice %arg2[%dma_start3A_476, %dma_start3A_477] : memref<10000x128xf32, #tpu.memory_space<hbm>> -> memref<10000x128xf32, #tpu.memory_space<hbm>>
        tpu.enqueue_indirect_dma source(%dma_start3A_478 : memref<10000x128xf32, #tpu.memory_space<hbm>>) target(%arg10 : memref<128x128xf32, #tpu.memory_space<vmem>>) offsets(%dma_start3A_475 : memref<128xi32, #tpu.memory_space<vmem>>) semaphore(%arg17 : memref<!tpu.dma_semaphore, #tpu.memory_space<semaphore_mem>>)
      } else {
      }
      %add3A_457 = arith.constant 3 : i32
      %add3A_458 = arith.addi %add3A_430, %add3A_457 : i32
      %lt3A_459 = arith.constant 80 : i32
      %lt3A_460 = arith.cmpi slt, %add3A_458, %lt3A_459 : i32
      %convert_element_type3A_461 = arith.extui %lt3A_460 : i1 to i32
      %cond3A_462 = arith.constant 0 : i32
      %cond3A_463 = arith.cmpi ne, %convert_element_type3A_461, %cond3A_462 : i32
      scf.if %cond3A_463 {
        %add3A_464 = arith.constant 3 : i32
        %add3A_465 = arith.addi %add3A_430, %add3A_464 : i32
        %add3A_466 = arith.addi %mul3A_2, %add3A_465 : i32
        %dma_start3A_467 = arith.constant 0 : i32
        %dma_start3A_468 = arith.constant 0 : i32
        %dma_start3A_469 = tpu.memref_slice %arg3[%add3A_466, %dma_start3A_467, %dma_start3A_468] : memref<2560x2x128xi32, #tpu.memory_space<hbm>> -> memref<1x2x128xi32, #tpu.memory_space<hbm>>
        %dma_start3A_470 = tpu.memref_squeeze %dma_start3A_469 : memref<1x2x128xi32, #tpu.memory_space<hbm>> -> memref<2x128xi32, #tpu.memory_space<hbm>>
        %dma_start3A_471 = arith.constant 0 : i32
        %dma_start3A_472 = arith.constant 0 : i32
        %dma_start3A_473 = tpu.memref_slice %arg3[%add3A_466, %dma_start3A_471, %dma_start3A_472] : memref<2560x2x128xi32, #tpu.memory_space<hbm>> -> memref<1x2x128xi32, #tpu.memory_space<hbm>>
        %dma_start3A_474 = tpu.memref_squeeze %dma_start3A_473 : memref<1x2x128xi32, #tpu.memory_space<hbm>> -> memref<2x128xi32, #tpu.memory_space<hbm>>
        tpu.enqueue_dma source(%dma_start3A_474 : memref<2x128xi32, #tpu.memory_space<hbm>>) target(%arg8 : memref<2x128xi32, #tpu.memory_space<vmem>>) target_semaphore(%arg15 : memref<!tpu.dma_semaphore, #tpu.memory_space<semaphore_mem>>)
      } else {
      }
    }
    %scan3A_57 = arith.constant 20 : i32
    %dma_wait3A = arith.constant 1 : i32
    %dma_wait3A_58 = arith.constant 0 : i32
    %dma_wait3A_59 = tpu.memref_slice %arg9[%dma_wait3A, %dma_wait3A_58] : memref<2x128xi32, #tpu.memory_space<vmem>> -> memref<1x128xi32, #tpu.memory_space<vmem>>
    %dma_wait3A_60 = tpu.memref_squeeze %dma_wait3A_59 : memref<1x128xi32, #tpu.memory_space<vmem>> -> memref<128xi32, #tpu.memory_space<vmem>>
    %dma_wait3A_61 = arith.constant 0 : i32
    %dma_wait3A_62 = arith.constant 0 : i32
    %dma_wait3A_63 = tpu.memref_slice %arg12[%dma_wait3A_61, %dma_wait3A_62] : memref<10240x128xf32, #tpu.memory_space<vmem_shared>> -> memref<10240x128xf32, #tpu.memory_space<vmem_shared>>
    tpu.wait_indirect_dma semaphore(%arg20 : memref<!tpu.dma_semaphore, #tpu.memory_space<semaphore_mem>>) src(%arg11 : memref<128x128xf32, #tpu.memory_space<vmem>>) dst(%dma_wait3A_63 : memref<10240x128xf32, #tpu.memory_space<vmem_shared>>)
    %barrier3A_64 = arith.constant 0 : index
    tpu.barrier barrier_id(%barrier3A_64)
    %eq3A = arith.constant 0 : i32
    %eq3A_65 = arith.cmpi eq, %arg1, %eq3A : i32
    %eq3A_66 = arith.constant 0 : i32
    %eq3A_67 = arith.cmpi eq, %arg0, %eq3A_66 : i32
    %and3A = arith.andi %eq3A_65, %eq3A_67 : i1
    %convert_element_type3A = arith.extui %and3A : i1 to i32
    %cond3A = arith.constant 0 : i32
    %cond3A_68 = arith.cmpi ne, %convert_element_type3A, %cond3A : i32
    scf.if %cond3A_68 {
      "tpu.region"() ({
        %run_scoped3A = tpu.sem_alloc : memref<!tpu.dma_semaphore, #tpu.memory_space<semaphore_mem>>
        %dma_start3A_317 = arith.constant 0 : i32
        %dma_start3A_318 = arith.constant 0 : i32
        %dma_start3A_319 = tpu.memref_slice %arg4[%dma_start3A_317, %dma_start3A_318] : memref<10000x128xf32, #tpu.memory_space<hbm>> -> memref<632x128xf32, #tpu.memory_space<hbm>>
        %dma_start3A_320 = arith.constant 0 : i32
        %dma_start3A_321 = arith.constant 0 : i32
        %dma_start3A_322 = tpu.memref_slice %arg12[%dma_start3A_320, %dma_start3A_321] : memref<10240x128xf32, #tpu.memory_space<vmem_shared>> -> memref<632x128xf32, #tpu.memory_space<vmem_shared>>
        tpu.enqueue_dma source(%dma_start3A_322 : memref<632x128xf32, #tpu.memory_space<vmem_shared>>) target(%dma_start3A_319 : memref<632x128xf32, #tpu.memory_space<hbm>>) target_semaphore(%run_scoped3A : memref<!tpu.dma_semaphore, #tpu.memory_space<semaphore_mem>>)
        %dma_wait3A_323 = arith.constant 0 : i32
        %dma_wait3A_324 = arith.constant 0 : i32
        %dma_wait3A_325 = tpu.memref_slice %arg4[%dma_wait3A_323, %dma_wait3A_324] : memref<10000x128xf32, #tpu.memory_space<hbm>> -> memref<632x128xf32, #tpu.memory_space<hbm>>
        %dma_wait3A_326 = arith.constant 0 : i32
        %dma_wait3A_327 = arith.constant 0 : i32
        %dma_wait3A_328 = tpu.memref_slice %arg12[%dma_wait3A_326, %dma_wait3A_327] : memref<10240x128xf32, #tpu.memory_space<vmem_shared>> -> memref<632x128xf32, #tpu.memory_space<vmem_shared>>
        tpu.wait_dma2 semaphore(%run_scoped3A : memref<!tpu.dma_semaphore, #tpu.memory_space<semaphore_mem>>) src(%dma_wait3A_328 : memref<632x128xf32, #tpu.memory_space<vmem_shared>>) dst(%dma_wait3A_325 : memref<632x128xf32, #tpu.memory_space<hbm>>)
        tpu.yield
      }) : () -> ()
    } else {
    }
    %eq3A_69 = arith.constant 0 : i32
    %eq3A_70 = arith.cmpi eq, %arg1, %eq3A_69 : i32
    %eq3A_71 = arith.constant 1 : i32
    %eq3A_72 = arith.cmpi eq, %arg0, %eq3A_71 : i32
    %and3A_73 = arith.andi %eq3A_70, %eq3A_72 : i1
    %convert_element_type3A_74 = arith.extui %and3A_73 : i1 to i32
    %cond3A_75 = arith.constant 0 : i32
    %cond3A_76 = arith.cmpi ne, %convert_element_type3A_74, %cond3A_75 : i32
    scf.if %cond3A_76 {
      "tpu.region"() ({
        %run_scoped3A = tpu.sem_alloc : memref<!tpu.dma_semaphore, #tpu.memory_space<semaphore_mem>>
        %dma_start3A_317 = arith.constant 0 : i32
        %dma_start3A_318 = arith.constant 0 : i32
        %dma_start3A_319 = tpu.memref_slice %arg5[%dma_start3A_317, %dma_start3A_318] : memref<10000x128xf32, #tpu.memory_space<hbm>> -> memref<632x128xf32, #tpu.memory_space<hbm>>
        %dma_start3A_320 = arith.constant 0 : i32
        %dma_start3A_321 = arith.constant 0 : i32
        %dma_start3A_322 = tpu.memref_slice %arg12[%dma_start3A_320, %dma_start3A_321] : memref<10240x128xf32, #tpu.memory_space<vmem_shared>> -> memref<632x128xf32, #tpu.memory_space<vmem_shared>>
        tpu.enqueue_dma source(%dma_start3A_322 : memref<632x128xf32, #tpu.memory_space<vmem_shared>>) target(%dma_start3A_319 : memref<632x128xf32, #tpu.memory_space<hbm>>) target_semaphore(%run_scoped3A : memref<!tpu.dma_semaphore, #tpu.memory_space<semaphore_mem>>)
        %dma_wait3A_323 = arith.constant 0 : i32
        %dma_wait3A_324 = arith.constant 0 : i32
        %dma_wait3A_325 = tpu.memref_slice %arg5[%dma_wait3A_323, %dma_wait3A_324] : memref<10000x128xf32, #tpu.memory_space<hbm>> -> memref<632x128xf32, #tpu.memory_space<hbm>>
        %dma_wait3A_326 = arith.constant 0 : i32
        %dma_wait3A_327 = arith.constant 0 : i32
        %dma_wait3A_328 = tpu.memref_slice %arg12[%dma_wait3A_326, %dma_wait3A_327] : memref<10240x128xf32, #tpu.memory_space<vmem_shared>> -> memref<632x128xf32, #tpu.memory_space<vmem_shared>>
        tpu.wait_dma2 semaphore(%run_scoped3A : memref<!tpu.dma_semaphore, #tpu.memory_space<semaphore_mem>>) src(%dma_wait3A_328 : memref<632x128xf32, #tpu.memory_space<vmem_shared>>) dst(%dma_wait3A_325 : memref<632x128xf32, #tpu.memory_space<hbm>>)
        tpu.yield
      }) : () -> ()
    } else {
    }
    %eq3A_77 = arith.constant 1 : i32
    %eq3A_78 = arith.cmpi eq, %arg1, %eq3A_77 : i32
    %eq3A_79 = arith.constant 0 : i32
    %eq3A_80 = arith.cmpi eq, %arg0, %eq3A_79 : i32
    %and3A_81 = arith.andi %eq3A_78, %eq3A_80 : i1
    %convert_element_type3A_82 = arith.extui %and3A_81 : i1 to i32
    %cond3A_83 = arith.constant 0 : i32
    %cond3A_84 = arith.cmpi ne, %convert_element_type3A_82, %cond3A_83 : i32
    scf.if %cond3A_84 {
      "tpu.region"() ({
        %run_scoped3A = tpu.sem_alloc : memref<!tpu.dma_semaphore, #tpu.memory_space<semaphore_mem>>
        %dma_start3A_317 = arith.constant 632 : i32
        %dma_start3A_318 = arith.constant 0 : i32
        %dma_start3A_319 = tpu.memref_slice %arg4[%dma_start3A_317, %dma_start3A_318] : memref<10000x128xf32, #tpu.memory_space<hbm>> -> memref<632x128xf32, #tpu.memory_space<hbm>>
        %dma_start3A_320 = arith.constant 632 : i32
        %dma_start3A_321 = arith.constant 0 : i32
        %dma_start3A_322 = tpu.memref_slice %arg12[%dma_start3A_320, %dma_start3A_321] : memref<10240x128xf32, #tpu.memory_space<vmem_shared>> -> memref<632x128xf32, #tpu.memory_space<vmem_shared>>
        tpu.enqueue_dma source(%dma_start3A_322 : memref<632x128xf32, #tpu.memory_space<vmem_shared>>) target(%dma_start3A_319 : memref<632x128xf32, #tpu.memory_space<hbm>>) target_semaphore(%run_scoped3A : memref<!tpu.dma_semaphore, #tpu.memory_space<semaphore_mem>>)
        %dma_wait3A_323 = arith.constant 632 : i32
        %dma_wait3A_324 = arith.constant 0 : i32
        %dma_wait3A_325 = tpu.memref_slice %arg4[%dma_wait3A_323, %dma_wait3A_324] : memref<10000x128xf32, #tpu.memory_space<hbm>> -> memref<632x128xf32, #tpu.memory_space<hbm>>
        %dma_wait3A_326 = arith.constant 632 : i32
        %dma_wait3A_327 = arith.constant 0 : i32
        %dma_wait3A_328 = tpu.memref_slice %arg12[%dma_wait3A_326, %dma_wait3A_327] : memref<10240x128xf32, #tpu.memory_space<vmem_shared>> -> memref<632x128xf32, #tpu.memory_space<vmem_shared>>
        tpu.wait_dma2 semaphore(%run_scoped3A : memref<!tpu.dma_semaphore, #tpu.memory_space<semaphore_mem>>) src(%dma_wait3A_328 : memref<632x128xf32, #tpu.memory_space<vmem_shared>>) dst(%dma_wait3A_325 : memref<632x128xf32, #tpu.memory_space<hbm>>)
        tpu.yield
      }) : () -> ()
    } else {
    }
    %eq3A_85 = arith.constant 1 : i32
    %eq3A_86 = arith.cmpi eq, %arg1, %eq3A_85 : i32
    %eq3A_87 = arith.constant 1 : i32
    %eq3A_88 = arith.cmpi eq, %arg0, %eq3A_87 : i32
    %and3A_89 = arith.andi %eq3A_86, %eq3A_88 : i1
    %convert_element_type3A_90 = arith.extui %and3A_89 : i1 to i32
    %cond3A_91 = arith.constant 0 : i32
    %cond3A_92 = arith.cmpi ne, %convert_element_type3A_90, %cond3A_91 : i32
    scf.if %cond3A_92 {
      "tpu.region"() ({
        %run_scoped3A = tpu.sem_alloc : memref<!tpu.dma_semaphore, #tpu.memory_space<semaphore_mem>>
        %dma_start3A_317 = arith.constant 632 : i32
        %dma_start3A_318 = arith.constant 0 : i32
        %dma_start3A_319 = tpu.memref_slice %arg5[%dma_start3A_317, %dma_start3A_318] : memref<10000x128xf32, #tpu.memory_space<hbm>> -> memref<632x128xf32, #tpu.memory_space<hbm>>
        %dma_start3A_320 = arith.constant 632 : i32
        %dma_start3A_321 = arith.constant 0 : i32
        %dma_start3A_322 = tpu.memref_slice %arg12[%dma_start3A_320, %dma_start3A_321] : memref<10240x128xf32, #tpu.memory_space<vmem_shared>> -> memref<632x128xf32, #tpu.memory_space<vmem_shared>>
        tpu.enqueue_dma source(%dma_start3A_322 : memref<632x128xf32, #tpu.memory_space<vmem_shared>>) target(%dma_start3A_319 : memref<632x128xf32, #tpu.memory_space<hbm>>) target_semaphore(%run_scoped3A : memref<!tpu.dma_semaphore, #tpu.memory_space<semaphore_mem>>)
        %dma_wait3A_323 = arith.constant 632 : i32
        %dma_wait3A_324 = arith.constant 0 : i32
        %dma_wait3A_325 = tpu.memref_slice %arg5[%dma_wait3A_323, %dma_wait3A_324] : memref<10000x128xf32, #tpu.memory_space<hbm>> -> memref<632x128xf32, #tpu.memory_space<hbm>>
        %dma_wait3A_326 = arith.constant 632 : i32
        %dma_wait3A_327 = arith.constant 0 : i32
        %dma_wait3A_328 = tpu.memref_slice %arg12[%dma_wait3A_326, %dma_wait3A_327] : memref<10240x128xf32, #tpu.memory_space<vmem_shared>> -> memref<632x128xf32, #tpu.memory_space<vmem_shared>>
        tpu.wait_dma2 semaphore(%run_scoped3A : memref<!tpu.dma_semaphore, #tpu.memory_space<semaphore_mem>>) src(%dma_wait3A_328 : memref<632x128xf32, #tpu.memory_space<vmem_shared>>) dst(%dma_wait3A_325 : memref<632x128xf32, #tpu.memory_space<hbm>>)
        tpu.yield
      }) : () -> ()
    } else {
    }
    %eq3A_93 = arith.constant 2 : i32
    %eq3A_94 = arith.cmpi eq, %arg1, %eq3A_93 : i32
    %eq3A_95 = arith.constant 0 : i32
    %eq3A_96 = arith.cmpi eq, %arg0, %eq3A_95 : i32
    %and3A_97 = arith.andi %eq3A_94, %eq3A_96 : i1
    %convert_element_type3A_98 = arith.extui %and3A_97 : i1 to i32
    %cond3A_99 = arith.constant 0 : i32
    %cond3A_100 = arith.cmpi ne, %convert_element_type3A_98, %cond3A_99 : i32
    scf.if %cond3A_100 {
      "tpu.region"() ({
        %run_scoped3A = tpu.sem_alloc : memref<!tpu.dma_semaphore, #tpu.memory_space<semaphore_mem>>
        %dma_start3A_317 = arith.constant 1264 : i32
        %dma_start3A_318 = arith.constant 0 : i32
        %dma_start3A_319 = tpu.memref_slice %arg4[%dma_start3A_317, %dma_start3A_318] : memref<10000x128xf32, #tpu.memory_space<hbm>> -> memref<632x128xf32, #tpu.memory_space<hbm>>
        %dma_start3A_320 = arith.constant 1264 : i32
        %dma_start3A_321 = arith.constant 0 : i32
        %dma_start3A_322 = tpu.memref_slice %arg12[%dma_start3A_320, %dma_start3A_321] : memref<10240x128xf32, #tpu.memory_space<vmem_shared>> -> memref<632x128xf32, #tpu.memory_space<vmem_shared>>
        tpu.enqueue_dma source(%dma_start3A_322 : memref<632x128xf32, #tpu.memory_space<vmem_shared>>) target(%dma_start3A_319 : memref<632x128xf32, #tpu.memory_space<hbm>>) target_semaphore(%run_scoped3A : memref<!tpu.dma_semaphore, #tpu.memory_space<semaphore_mem>>)
        %dma_wait3A_323 = arith.constant 1264 : i32
        %dma_wait3A_324 = arith.constant 0 : i32
        %dma_wait3A_325 = tpu.memref_slice %arg4[%dma_wait3A_323, %dma_wait3A_324] : memref<10000x128xf32, #tpu.memory_space<hbm>> -> memref<632x128xf32, #tpu.memory_space<hbm>>
        %dma_wait3A_326 = arith.constant 1264 : i32
        %dma_wait3A_327 = arith.constant 0 : i32
        %dma_wait3A_328 = tpu.memref_slice %arg12[%dma_wait3A_326, %dma_wait3A_327] : memref<10240x128xf32, #tpu.memory_space<vmem_shared>> -> memref<632x128xf32, #tpu.memory_space<vmem_shared>>
        tpu.wait_dma2 semaphore(%run_scoped3A : memref<!tpu.dma_semaphore, #tpu.memory_space<semaphore_mem>>) src(%dma_wait3A_328 : memref<632x128xf32, #tpu.memory_space<vmem_shared>>) dst(%dma_wait3A_325 : memref<632x128xf32, #tpu.memory_space<hbm>>)
        tpu.yield
      }) : () -> ()
    } else {
    }
    %eq3A_101 = arith.constant 2 : i32
    %eq3A_102 = arith.cmpi eq, %arg1, %eq3A_101 : i32
    %eq3A_103 = arith.constant 1 : i32
    %eq3A_104 = arith.cmpi eq, %arg0, %eq3A_103 : i32
    %and3A_105 = arith.andi %eq3A_102, %eq3A_104 : i1
    %convert_element_type3A_106 = arith.extui %and3A_105 : i1 to i32
    %cond3A_107 = arith.constant 0 : i32
    %cond3A_108 = arith.cmpi ne, %convert_element_type3A_106, %cond3A_107 : i32
    scf.if %cond3A_108 {
      "tpu.region"() ({
        %run_scoped3A = tpu.sem_alloc : memref<!tpu.dma_semaphore, #tpu.memory_space<semaphore_mem>>
        %dma_start3A_317 = arith.constant 1264 : i32
        %dma_start3A_318 = arith.constant 0 : i32
        %dma_start3A_319 = tpu.memref_slice %arg5[%dma_start3A_317, %dma_start3A_318] : memref<10000x128xf32, #tpu.memory_space<hbm>> -> memref<632x128xf32, #tpu.memory_space<hbm>>
        %dma_start3A_320 = arith.constant 1264 : i32
        %dma_start3A_321 = arith.constant 0 : i32
        %dma_start3A_322 = tpu.memref_slice %arg12[%dma_start3A_320, %dma_start3A_321] : memref<10240x128xf32, #tpu.memory_space<vmem_shared>> -> memref<632x128xf32, #tpu.memory_space<vmem_shared>>
        tpu.enqueue_dma source(%dma_start3A_322 : memref<632x128xf32, #tpu.memory_space<vmem_shared>>) target(%dma_start3A_319 : memref<632x128xf32, #tpu.memory_space<hbm>>) target_semaphore(%run_scoped3A : memref<!tpu.dma_semaphore, #tpu.memory_space<semaphore_mem>>)
        %dma_wait3A_323 = arith.constant 1264 : i32
        %dma_wait3A_324 = arith.constant 0 : i32
        %dma_wait3A_325 = tpu.memref_slice %arg5[%dma_wait3A_323, %dma_wait3A_324] : memref<10000x128xf32, #tpu.memory_space<hbm>> -> memref<632x128xf32, #tpu.memory_space<hbm>>
        %dma_wait3A_326 = arith.constant 1264 : i32
        %dma_wait3A_327 = arith.constant 0 : i32
        %dma_wait3A_328 = tpu.memref_slice %arg12[%dma_wait3A_326, %dma_wait3A_327] : memref<10240x128xf32, #tpu.memory_space<vmem_shared>> -> memref<632x128xf32, #tpu.memory_space<vmem_shared>>
        tpu.wait_dma2 semaphore(%run_scoped3A : memref<!tpu.dma_semaphore, #tpu.memory_space<semaphore_mem>>) src(%dma_wait3A_328 : memref<632x128xf32, #tpu.memory_space<vmem_shared>>) dst(%dma_wait3A_325 : memref<632x128xf32, #tpu.memory_space<hbm>>)
        tpu.yield
      }) : () -> ()
    } else {
    }
    %eq3A_109 = arith.constant 3 : i32
    %eq3A_110 = arith.cmpi eq, %arg1, %eq3A_109 : i32
    %eq3A_111 = arith.constant 0 : i32
    %eq3A_112 = arith.cmpi eq, %arg0, %eq3A_111 : i32
    %and3A_113 = arith.andi %eq3A_110, %eq3A_112 : i1
    %convert_element_type3A_114 = arith.extui %and3A_113 : i1 to i32
    %cond3A_115 = arith.constant 0 : i32
    %cond3A_116 = arith.cmpi ne, %convert_element_type3A_114, %cond3A_115 : i32
    scf.if %cond3A_116 {
      "tpu.region"() ({
        %run_scoped3A = tpu.sem_alloc : memref<!tpu.dma_semaphore, #tpu.memory_space<semaphore_mem>>
        %dma_start3A_317 = arith.constant 1896 : i32
        %dma_start3A_318 = arith.constant 0 : i32
        %dma_start3A_319 = tpu.memref_slice %arg4[%dma_start3A_317, %dma_start3A_318] : memref<10000x128xf32, #tpu.memory_space<hbm>> -> memref<632x128xf32, #tpu.memory_space<hbm>>
        %dma_start3A_320 = arith.constant 1896 : i32
        %dma_start3A_321 = arith.constant 0 : i32
        %dma_start3A_322 = tpu.memref_slice %arg12[%dma_start3A_320, %dma_start3A_321] : memref<10240x128xf32, #tpu.memory_space<vmem_shared>> -> memref<632x128xf32, #tpu.memory_space<vmem_shared>>
        tpu.enqueue_dma source(%dma_start3A_322 : memref<632x128xf32, #tpu.memory_space<vmem_shared>>) target(%dma_start3A_319 : memref<632x128xf32, #tpu.memory_space<hbm>>) target_semaphore(%run_scoped3A : memref<!tpu.dma_semaphore, #tpu.memory_space<semaphore_mem>>)
        %dma_wait3A_323 = arith.constant 1896 : i32
        %dma_wait3A_324 = arith.constant 0 : i32
        %dma_wait3A_325 = tpu.memref_slice %arg4[%dma_wait3A_323, %dma_wait3A_324] : memref<10000x128xf32, #tpu.memory_space<hbm>> -> memref<632x128xf32, #tpu.memory_space<hbm>>
        %dma_wait3A_326 = arith.constant 1896 : i32
        %dma_wait3A_327 = arith.constant 0 : i32
        %dma_wait3A_328 = tpu.memref_slice %arg12[%dma_wait3A_326, %dma_wait3A_327] : memref<10240x128xf32, #tpu.memory_space<vmem_shared>> -> memref<632x128xf32, #tpu.memory_space<vmem_shared>>
        tpu.wait_dma2 semaphore(%run_scoped3A : memref<!tpu.dma_semaphore, #tpu.memory_space<semaphore_mem>>) src(%dma_wait3A_328 : memref<632x128xf32, #tpu.memory_space<vmem_shared>>) dst(%dma_wait3A_325 : memref<632x128xf32, #tpu.memory_space<hbm>>)
        tpu.yield
      }) : () -> ()
    } else {
    }
    %eq3A_117 = arith.constant 3 : i32
    %eq3A_118 = arith.cmpi eq, %arg1, %eq3A_117 : i32
    %eq3A_119 = arith.constant 1 : i32
    %eq3A_120 = arith.cmpi eq, %arg0, %eq3A_119 : i32
    %and3A_121 = arith.andi %eq3A_118, %eq3A_120 : i1
    %convert_element_type3A_122 = arith.extui %and3A_121 : i1 to i32
    %cond3A_123 = arith.constant 0 : i32
    %cond3A_124 = arith.cmpi ne, %convert_element_type3A_122, %cond3A_123 : i32
    scf.if %cond3A_124 {
      "tpu.region"() ({
        %run_scoped3A = tpu.sem_alloc : memref<!tpu.dma_semaphore, #tpu.memory_space<semaphore_mem>>
        %dma_start3A_317 = arith.constant 1896 : i32
        %dma_start3A_318 = arith.constant 0 : i32
        %dma_start3A_319 = tpu.memref_slice %arg5[%dma_start3A_317, %dma_start3A_318] : memref<10000x128xf32, #tpu.memory_space<hbm>> -> memref<632x128xf32, #tpu.memory_space<hbm>>
        %dma_start3A_320 = arith.constant 1896 : i32
        %dma_start3A_321 = arith.constant 0 : i32
        %dma_start3A_322 = tpu.memref_slice %arg12[%dma_start3A_320, %dma_start3A_321] : memref<10240x128xf32, #tpu.memory_space<vmem_shared>> -> memref<632x128xf32, #tpu.memory_space<vmem_shared>>
        tpu.enqueue_dma source(%dma_start3A_322 : memref<632x128xf32, #tpu.memory_space<vmem_shared>>) target(%dma_start3A_319 : memref<632x128xf32, #tpu.memory_space<hbm>>) target_semaphore(%run_scoped3A : memref<!tpu.dma_semaphore, #tpu.memory_space<semaphore_mem>>)
        %dma_wait3A_323 = arith.constant 1896 : i32
        %dma_wait3A_324 = arith.constant 0 : i32
        %dma_wait3A_325 = tpu.memref_slice %arg5[%dma_wait3A_323, %dma_wait3A_324] : memref<10000x128xf32, #tpu.memory_space<hbm>> -> memref<632x128xf32, #tpu.memory_space<hbm>>
        %dma_wait3A_326 = arith.constant 1896 : i32
        %dma_wait3A_327 = arith.constant 0 : i32
        %dma_wait3A_328 = tpu.memref_slice %arg12[%dma_wait3A_326, %dma_wait3A_327] : memref<10240x128xf32, #tpu.memory_space<vmem_shared>> -> memref<632x128xf32, #tpu.memory_space<vmem_shared>>
        tpu.wait_dma2 semaphore(%run_scoped3A : memref<!tpu.dma_semaphore, #tpu.memory_space<semaphore_mem>>) src(%dma_wait3A_328 : memref<632x128xf32, #tpu.memory_space<vmem_shared>>) dst(%dma_wait3A_325 : memref<632x128xf32, #tpu.memory_space<hbm>>)
        tpu.yield
      }) : () -> ()
    } else {
    }
    %eq3A_125 = arith.constant 4 : i32
    %eq3A_126 = arith.cmpi eq, %arg1, %eq3A_125 : i32
    %eq3A_127 = arith.constant 0 : i32
    %eq3A_128 = arith.cmpi eq, %arg0, %eq3A_127 : i32
    %and3A_129 = arith.andi %eq3A_126, %eq3A_128 : i1
    %convert_element_type3A_130 = arith.extui %and3A_129 : i1 to i32
    %cond3A_131 = arith.constant 0 : i32
    %cond3A_132 = arith.cmpi ne, %convert_element_type3A_130, %cond3A_131 : i32
    scf.if %cond3A_132 {
      "tpu.region"() ({
        %run_scoped3A = tpu.sem_alloc : memref<!tpu.dma_semaphore, #tpu.memory_space<semaphore_mem>>
        %dma_start3A_317 = arith.constant 2528 : i32
        %dma_start3A_318 = arith.constant 0 : i32
        %dma_start3A_319 = tpu.memref_slice %arg4[%dma_start3A_317, %dma_start3A_318] : memref<10000x128xf32, #tpu.memory_space<hbm>> -> memref<632x128xf32, #tpu.memory_space<hbm>>
        %dma_start3A_320 = arith.constant 2528 : i32
        %dma_start3A_321 = arith.constant 0 : i32
        %dma_start3A_322 = tpu.memref_slice %arg12[%dma_start3A_320, %dma_start3A_321] : memref<10240x128xf32, #tpu.memory_space<vmem_shared>> -> memref<632x128xf32, #tpu.memory_space<vmem_shared>>
        tpu.enqueue_dma source(%dma_start3A_322 : memref<632x128xf32, #tpu.memory_space<vmem_shared>>) target(%dma_start3A_319 : memref<632x128xf32, #tpu.memory_space<hbm>>) target_semaphore(%run_scoped3A : memref<!tpu.dma_semaphore, #tpu.memory_space<semaphore_mem>>)
        %dma_wait3A_323 = arith.constant 2528 : i32
        %dma_wait3A_324 = arith.constant 0 : i32
        %dma_wait3A_325 = tpu.memref_slice %arg4[%dma_wait3A_323, %dma_wait3A_324] : memref<10000x128xf32, #tpu.memory_space<hbm>> -> memref<632x128xf32, #tpu.memory_space<hbm>>
        %dma_wait3A_326 = arith.constant 2528 : i32
        %dma_wait3A_327 = arith.constant 0 : i32
        %dma_wait3A_328 = tpu.memref_slice %arg12[%dma_wait3A_326, %dma_wait3A_327] : memref<10240x128xf32, #tpu.memory_space<vmem_shared>> -> memref<632x128xf32, #tpu.memory_space<vmem_shared>>
        tpu.wait_dma2 semaphore(%run_scoped3A : memref<!tpu.dma_semaphore, #tpu.memory_space<semaphore_mem>>) src(%dma_wait3A_328 : memref<632x128xf32, #tpu.memory_space<vmem_shared>>) dst(%dma_wait3A_325 : memref<632x128xf32, #tpu.memory_space<hbm>>)
        tpu.yield
      }) : () -> ()
    } else {
    }
    %eq3A_133 = arith.constant 4 : i32
    %eq3A_134 = arith.cmpi eq, %arg1, %eq3A_133 : i32
    %eq3A_135 = arith.constant 1 : i32
    %eq3A_136 = arith.cmpi eq, %arg0, %eq3A_135 : i32
    %and3A_137 = arith.andi %eq3A_134, %eq3A_136 : i1
    %convert_element_type3A_138 = arith.extui %and3A_137 : i1 to i32
    %cond3A_139 = arith.constant 0 : i32
    %cond3A_140 = arith.cmpi ne, %convert_element_type3A_138, %cond3A_139 : i32
    scf.if %cond3A_140 {
      "tpu.region"() ({
        %run_scoped3A = tpu.sem_alloc : memref<!tpu.dma_semaphore, #tpu.memory_space<semaphore_mem>>
        %dma_start3A_317 = arith.constant 2528 : i32
        %dma_start3A_318 = arith.constant 0 : i32
        %dma_start3A_319 = tpu.memref_slice %arg5[%dma_start3A_317, %dma_start3A_318] : memref<10000x128xf32, #tpu.memory_space<hbm>> -> memref<632x128xf32, #tpu.memory_space<hbm>>
        %dma_start3A_320 = arith.constant 2528 : i32
        %dma_start3A_321 = arith.constant 0 : i32
        %dma_start3A_322 = tpu.memref_slice %arg12[%dma_start3A_320, %dma_start3A_321] : memref<10240x128xf32, #tpu.memory_space<vmem_shared>> -> memref<632x128xf32, #tpu.memory_space<vmem_shared>>
        tpu.enqueue_dma source(%dma_start3A_322 : memref<632x128xf32, #tpu.memory_space<vmem_shared>>) target(%dma_start3A_319 : memref<632x128xf32, #tpu.memory_space<hbm>>) target_semaphore(%run_scoped3A : memref<!tpu.dma_semaphore, #tpu.memory_space<semaphore_mem>>)
        %dma_wait3A_323 = arith.constant 2528 : i32
        %dma_wait3A_324 = arith.constant 0 : i32
        %dma_wait3A_325 = tpu.memref_slice %arg5[%dma_wait3A_323, %dma_wait3A_324] : memref<10000x128xf32, #tpu.memory_space<hbm>> -> memref<632x128xf32, #tpu.memory_space<hbm>>
        %dma_wait3A_326 = arith.constant 2528 : i32
        %dma_wait3A_327 = arith.constant 0 : i32
        %dma_wait3A_328 = tpu.memref_slice %arg12[%dma_wait3A_326, %dma_wait3A_327] : memref<10240x128xf32, #tpu.memory_space<vmem_shared>> -> memref<632x128xf32, #tpu.memory_space<vmem_shared>>
        tpu.wait_dma2 semaphore(%run_scoped3A : memref<!tpu.dma_semaphore, #tpu.memory_space<semaphore_mem>>) src(%dma_wait3A_328 : memref<632x128xf32, #tpu.memory_space<vmem_shared>>) dst(%dma_wait3A_325 : memref<632x128xf32, #tpu.memory_space<hbm>>)
        tpu.yield
      }) : () -> ()
    } else {
    }
    %eq3A_141 = arith.constant 5 : i32
    %eq3A_142 = arith.cmpi eq, %arg1, %eq3A_141 : i32
    %eq3A_143 = arith.constant 0 : i32
    %eq3A_144 = arith.cmpi eq, %arg0, %eq3A_143 : i32
    %and3A_145 = arith.andi %eq3A_142, %eq3A_144 : i1
    %convert_element_type3A_146 = arith.extui %and3A_145 : i1 to i32
    %cond3A_147 = arith.constant 0 : i32
    %cond3A_148 = arith.cmpi ne, %convert_element_type3A_146, %cond3A_147 : i32
    scf.if %cond3A_148 {
      "tpu.region"() ({
        %run_scoped3A = tpu.sem_alloc : memref<!tpu.dma_semaphore, #tpu.memory_space<semaphore_mem>>
        %dma_start3A_317 = arith.constant 3160 : i32
        %dma_start3A_318 = arith.constant 0 : i32
        %dma_start3A_319 = tpu.memref_slice %arg4[%dma_start3A_317, %dma_start3A_318] : memref<10000x128xf32, #tpu.memory_space<hbm>> -> memref<632x128xf32, #tpu.memory_space<hbm>>
        %dma_start3A_320 = arith.constant 3160 : i32
        %dma_start3A_321 = arith.constant 0 : i32
        %dma_start3A_322 = tpu.memref_slice %arg12[%dma_start3A_320, %dma_start3A_321] : memref<10240x128xf32, #tpu.memory_space<vmem_shared>> -> memref<632x128xf32, #tpu.memory_space<vmem_shared>>
        tpu.enqueue_dma source(%dma_start3A_322 : memref<632x128xf32, #tpu.memory_space<vmem_shared>>) target(%dma_start3A_319 : memref<632x128xf32, #tpu.memory_space<hbm>>) target_semaphore(%run_scoped3A : memref<!tpu.dma_semaphore, #tpu.memory_space<semaphore_mem>>)
        %dma_wait3A_323 = arith.constant 3160 : i32
        %dma_wait3A_324 = arith.constant 0 : i32
        %dma_wait3A_325 = tpu.memref_slice %arg4[%dma_wait3A_323, %dma_wait3A_324] : memref<10000x128xf32, #tpu.memory_space<hbm>> -> memref<632x128xf32, #tpu.memory_space<hbm>>
        %dma_wait3A_326 = arith.constant 3160 : i32
        %dma_wait3A_327 = arith.constant 0 : i32
        %dma_wait3A_328 = tpu.memref_slice %arg12[%dma_wait3A_326, %dma_wait3A_327] : memref<10240x128xf32, #tpu.memory_space<vmem_shared>> -> memref<632x128xf32, #tpu.memory_space<vmem_shared>>
        tpu.wait_dma2 semaphore(%run_scoped3A : memref<!tpu.dma_semaphore, #tpu.memory_space<semaphore_mem>>) src(%dma_wait3A_328 : memref<632x128xf32, #tpu.memory_space<vmem_shared>>) dst(%dma_wait3A_325 : memref<632x128xf32, #tpu.memory_space<hbm>>)
        tpu.yield
      }) : () -> ()
    } else {
    }
    %eq3A_149 = arith.constant 5 : i32
    %eq3A_150 = arith.cmpi eq, %arg1, %eq3A_149 : i32
    %eq3A_151 = arith.constant 1 : i32
    %eq3A_152 = arith.cmpi eq, %arg0, %eq3A_151 : i32
    %and3A_153 = arith.andi %eq3A_150, %eq3A_152 : i1
    %convert_element_type3A_154 = arith.extui %and3A_153 : i1 to i32
    %cond3A_155 = arith.constant 0 : i32
    %cond3A_156 = arith.cmpi ne, %convert_element_type3A_154, %cond3A_155 : i32
    scf.if %cond3A_156 {
      "tpu.region"() ({
        %run_scoped3A = tpu.sem_alloc : memref<!tpu.dma_semaphore, #tpu.memory_space<semaphore_mem>>
        %dma_start3A_317 = arith.constant 3160 : i32
        %dma_start3A_318 = arith.constant 0 : i32
        %dma_start3A_319 = tpu.memref_slice %arg5[%dma_start3A_317, %dma_start3A_318] : memref<10000x128xf32, #tpu.memory_space<hbm>> -> memref<632x128xf32, #tpu.memory_space<hbm>>
        %dma_start3A_320 = arith.constant 3160 : i32
        %dma_start3A_321 = arith.constant 0 : i32
        %dma_start3A_322 = tpu.memref_slice %arg12[%dma_start3A_320, %dma_start3A_321] : memref<10240x128xf32, #tpu.memory_space<vmem_shared>> -> memref<632x128xf32, #tpu.memory_space<vmem_shared>>
        tpu.enqueue_dma source(%dma_start3A_322 : memref<632x128xf32, #tpu.memory_space<vmem_shared>>) target(%dma_start3A_319 : memref<632x128xf32, #tpu.memory_space<hbm>>) target_semaphore(%run_scoped3A : memref<!tpu.dma_semaphore, #tpu.memory_space<semaphore_mem>>)
        %dma_wait3A_323 = arith.constant 3160 : i32
        %dma_wait3A_324 = arith.constant 0 : i32
        %dma_wait3A_325 = tpu.memref_slice %arg5[%dma_wait3A_323, %dma_wait3A_324] : memref<10000x128xf32, #tpu.memory_space<hbm>> -> memref<632x128xf32, #tpu.memory_space<hbm>>
        %dma_wait3A_326 = arith.constant 3160 : i32
        %dma_wait3A_327 = arith.constant 0 : i32
        %dma_wait3A_328 = tpu.memref_slice %arg12[%dma_wait3A_326, %dma_wait3A_327] : memref<10240x128xf32, #tpu.memory_space<vmem_shared>> -> memref<632x128xf32, #tpu.memory_space<vmem_shared>>
        tpu.wait_dma2 semaphore(%run_scoped3A : memref<!tpu.dma_semaphore, #tpu.memory_space<semaphore_mem>>) src(%dma_wait3A_328 : memref<632x128xf32, #tpu.memory_space<vmem_shared>>) dst(%dma_wait3A_325 : memref<632x128xf32, #tpu.memory_space<hbm>>)
        tpu.yield
      }) : () -> ()
    } else {
    }
    %eq3A_157 = arith.constant 6 : i32
    %eq3A_158 = arith.cmpi eq, %arg1, %eq3A_157 : i32
    %eq3A_159 = arith.constant 0 : i32
    %eq3A_160 = arith.cmpi eq, %arg0, %eq3A_159 : i32
    %and3A_161 = arith.andi %eq3A_158, %eq3A_160 : i1
    %convert_element_type3A_162 = arith.extui %and3A_161 : i1 to i32
    %cond3A_163 = arith.constant 0 : i32
    %cond3A_164 = arith.cmpi ne, %convert_element_type3A_162, %cond3A_163 : i32
    scf.if %cond3A_164 {
      "tpu.region"() ({
        %run_scoped3A = tpu.sem_alloc : memref<!tpu.dma_semaphore, #tpu.memory_space<semaphore_mem>>
        %dma_start3A_317 = arith.constant 3792 : i32
        %dma_start3A_318 = arith.constant 0 : i32
        %dma_start3A_319 = tpu.memref_slice %arg4[%dma_start3A_317, %dma_start3A_318] : memref<10000x128xf32, #tpu.memory_space<hbm>> -> memref<632x128xf32, #tpu.memory_space<hbm>>
        %dma_start3A_320 = arith.constant 3792 : i32
        %dma_start3A_321 = arith.constant 0 : i32
        %dma_start3A_322 = tpu.memref_slice %arg12[%dma_start3A_320, %dma_start3A_321] : memref<10240x128xf32, #tpu.memory_space<vmem_shared>> -> memref<632x128xf32, #tpu.memory_space<vmem_shared>>
        tpu.enqueue_dma source(%dma_start3A_322 : memref<632x128xf32, #tpu.memory_space<vmem_shared>>) target(%dma_start3A_319 : memref<632x128xf32, #tpu.memory_space<hbm>>) target_semaphore(%run_scoped3A : memref<!tpu.dma_semaphore, #tpu.memory_space<semaphore_mem>>)
        %dma_wait3A_323 = arith.constant 3792 : i32
        %dma_wait3A_324 = arith.constant 0 : i32
        %dma_wait3A_325 = tpu.memref_slice %arg4[%dma_wait3A_323, %dma_wait3A_324] : memref<10000x128xf32, #tpu.memory_space<hbm>> -> memref<632x128xf32, #tpu.memory_space<hbm>>
        %dma_wait3A_326 = arith.constant 3792 : i32
        %dma_wait3A_327 = arith.constant 0 : i32
        %dma_wait3A_328 = tpu.memref_slice %arg12[%dma_wait3A_326, %dma_wait3A_327] : memref<10240x128xf32, #tpu.memory_space<vmem_shared>> -> memref<632x128xf32, #tpu.memory_space<vmem_shared>>
        tpu.wait_dma2 semaphore(%run_scoped3A : memref<!tpu.dma_semaphore, #tpu.memory_space<semaphore_mem>>) src(%dma_wait3A_328 : memref<632x128xf32, #tpu.memory_space<vmem_shared>>) dst(%dma_wait3A_325 : memref<632x128xf32, #tpu.memory_space<hbm>>)
        tpu.yield
      }) : () -> ()
    } else {
    }
    %eq3A_165 = arith.constant 6 : i32
    %eq3A_166 = arith.cmpi eq, %arg1, %eq3A_165 : i32
    %eq3A_167 = arith.constant 1 : i32
    %eq3A_168 = arith.cmpi eq, %arg0, %eq3A_167 : i32
    %and3A_169 = arith.andi %eq3A_166, %eq3A_168 : i1
    %convert_element_type3A_170 = arith.extui %and3A_169 : i1 to i32
    %cond3A_171 = arith.constant 0 : i32
    %cond3A_172 = arith.cmpi ne, %convert_element_type3A_170, %cond3A_171 : i32
    scf.if %cond3A_172 {
      "tpu.region"() ({
        %run_scoped3A = tpu.sem_alloc : memref<!tpu.dma_semaphore, #tpu.memory_space<semaphore_mem>>
        %dma_start3A_317 = arith.constant 3792 : i32
        %dma_start3A_318 = arith.constant 0 : i32
        %dma_start3A_319 = tpu.memref_slice %arg5[%dma_start3A_317, %dma_start3A_318] : memref<10000x128xf32, #tpu.memory_space<hbm>> -> memref<632x128xf32, #tpu.memory_space<hbm>>
        %dma_start3A_320 = arith.constant 3792 : i32
        %dma_start3A_321 = arith.constant 0 : i32
        %dma_start3A_322 = tpu.memref_slice %arg12[%dma_start3A_320, %dma_start3A_321] : memref<10240x128xf32, #tpu.memory_space<vmem_shared>> -> memref<632x128xf32, #tpu.memory_space<vmem_shared>>
        tpu.enqueue_dma source(%dma_start3A_322 : memref<632x128xf32, #tpu.memory_space<vmem_shared>>) target(%dma_start3A_319 : memref<632x128xf32, #tpu.memory_space<hbm>>) target_semaphore(%run_scoped3A : memref<!tpu.dma_semaphore, #tpu.memory_space<semaphore_mem>>)
        %dma_wait3A_323 = arith.constant 3792 : i32
        %dma_wait3A_324 = arith.constant 0 : i32
        %dma_wait3A_325 = tpu.memref_slice %arg5[%dma_wait3A_323, %dma_wait3A_324] : memref<10000x128xf32, #tpu.memory_space<hbm>> -> memref<632x128xf32, #tpu.memory_space<hbm>>
        %dma_wait3A_326 = arith.constant 3792 : i32
        %dma_wait3A_327 = arith.constant 0 : i32
        %dma_wait3A_328 = tpu.memref_slice %arg12[%dma_wait3A_326, %dma_wait3A_327] : memref<10240x128xf32, #tpu.memory_space<vmem_shared>> -> memref<632x128xf32, #tpu.memory_space<vmem_shared>>
        tpu.wait_dma2 semaphore(%run_scoped3A : memref<!tpu.dma_semaphore, #tpu.memory_space<semaphore_mem>>) src(%dma_wait3A_328 : memref<632x128xf32, #tpu.memory_space<vmem_shared>>) dst(%dma_wait3A_325 : memref<632x128xf32, #tpu.memory_space<hbm>>)
        tpu.yield
      }) : () -> ()
    } else {
    }
    %eq3A_173 = arith.constant 7 : i32
    %eq3A_174 = arith.cmpi eq, %arg1, %eq3A_173 : i32
    %eq3A_175 = arith.constant 0 : i32
    %eq3A_176 = arith.cmpi eq, %arg0, %eq3A_175 : i32
    %and3A_177 = arith.andi %eq3A_174, %eq3A_176 : i1
    %convert_element_type3A_178 = arith.extui %and3A_177 : i1 to i32
    %cond3A_179 = arith.constant 0 : i32
    %cond3A_180 = arith.cmpi ne, %convert_element_type3A_178, %cond3A_179 : i32
    scf.if %cond3A_180 {
      "tpu.region"() ({
        %run_scoped3A = tpu.sem_alloc : memref<!tpu.dma_semaphore, #tpu.memory_space<semaphore_mem>>
        %dma_start3A_317 = arith.constant 4424 : i32
        %dma_start3A_318 = arith.constant 0 : i32
        %dma_start3A_319 = tpu.memref_slice %arg4[%dma_start3A_317, %dma_start3A_318] : memref<10000x128xf32, #tpu.memory_space<hbm>> -> memref<632x128xf32, #tpu.memory_space<hbm>>
        %dma_start3A_320 = arith.constant 4424 : i32
        %dma_start3A_321 = arith.constant 0 : i32
        %dma_start3A_322 = tpu.memref_slice %arg12[%dma_start3A_320, %dma_start3A_321] : memref<10240x128xf32, #tpu.memory_space<vmem_shared>> -> memref<632x128xf32, #tpu.memory_space<vmem_shared>>
        tpu.enqueue_dma source(%dma_start3A_322 : memref<632x128xf32, #tpu.memory_space<vmem_shared>>) target(%dma_start3A_319 : memref<632x128xf32, #tpu.memory_space<hbm>>) target_semaphore(%run_scoped3A : memref<!tpu.dma_semaphore, #tpu.memory_space<semaphore_mem>>)
        %dma_wait3A_323 = arith.constant 4424 : i32
        %dma_wait3A_324 = arith.constant 0 : i32
        %dma_wait3A_325 = tpu.memref_slice %arg4[%dma_wait3A_323, %dma_wait3A_324] : memref<10000x128xf32, #tpu.memory_space<hbm>> -> memref<632x128xf32, #tpu.memory_space<hbm>>
        %dma_wait3A_326 = arith.constant 4424 : i32
        %dma_wait3A_327 = arith.constant 0 : i32
        %dma_wait3A_328 = tpu.memref_slice %arg12[%dma_wait3A_326, %dma_wait3A_327] : memref<10240x128xf32, #tpu.memory_space<vmem_shared>> -> memref<632x128xf32, #tpu.memory_space<vmem_shared>>
        tpu.wait_dma2 semaphore(%run_scoped3A : memref<!tpu.dma_semaphore, #tpu.memory_space<semaphore_mem>>) src(%dma_wait3A_328 : memref<632x128xf32, #tpu.memory_space<vmem_shared>>) dst(%dma_wait3A_325 : memref<632x128xf32, #tpu.memory_space<hbm>>)
        tpu.yield
      }) : () -> ()
    } else {
    }
    %eq3A_181 = arith.constant 7 : i32
    %eq3A_182 = arith.cmpi eq, %arg1, %eq3A_181 : i32
    %eq3A_183 = arith.constant 1 : i32
    %eq3A_184 = arith.cmpi eq, %arg0, %eq3A_183 : i32
    %and3A_185 = arith.andi %eq3A_182, %eq3A_184 : i1
    %convert_element_type3A_186 = arith.extui %and3A_185 : i1 to i32
    %cond3A_187 = arith.constant 0 : i32
    %cond3A_188 = arith.cmpi ne, %convert_element_type3A_186, %cond3A_187 : i32
    scf.if %cond3A_188 {
      "tpu.region"() ({
        %run_scoped3A = tpu.sem_alloc : memref<!tpu.dma_semaphore, #tpu.memory_space<semaphore_mem>>
        %dma_start3A_317 = arith.constant 4424 : i32
        %dma_start3A_318 = arith.constant 0 : i32
        %dma_start3A_319 = tpu.memref_slice %arg5[%dma_start3A_317, %dma_start3A_318] : memref<10000x128xf32, #tpu.memory_space<hbm>> -> memref<632x128xf32, #tpu.memory_space<hbm>>
        %dma_start3A_320 = arith.constant 4424 : i32
        %dma_start3A_321 = arith.constant 0 : i32
        %dma_start3A_322 = tpu.memref_slice %arg12[%dma_start3A_320, %dma_start3A_321] : memref<10240x128xf32, #tpu.memory_space<vmem_shared>> -> memref<632x128xf32, #tpu.memory_space<vmem_shared>>
        tpu.enqueue_dma source(%dma_start3A_322 : memref<632x128xf32, #tpu.memory_space<vmem_shared>>) target(%dma_start3A_319 : memref<632x128xf32, #tpu.memory_space<hbm>>) target_semaphore(%run_scoped3A : memref<!tpu.dma_semaphore, #tpu.memory_space<semaphore_mem>>)
        %dma_wait3A_323 = arith.constant 4424 : i32
        %dma_wait3A_324 = arith.constant 0 : i32
        %dma_wait3A_325 = tpu.memref_slice %arg5[%dma_wait3A_323, %dma_wait3A_324] : memref<10000x128xf32, #tpu.memory_space<hbm>> -> memref<632x128xf32, #tpu.memory_space<hbm>>
        %dma_wait3A_326 = arith.constant 4424 : i32
        %dma_wait3A_327 = arith.constant 0 : i32
        %dma_wait3A_328 = tpu.memref_slice %arg12[%dma_wait3A_326, %dma_wait3A_327] : memref<10240x128xf32, #tpu.memory_space<vmem_shared>> -> memref<632x128xf32, #tpu.memory_space<vmem_shared>>
        tpu.wait_dma2 semaphore(%run_scoped3A : memref<!tpu.dma_semaphore, #tpu.memory_space<semaphore_mem>>) src(%dma_wait3A_328 : memref<632x128xf32, #tpu.memory_space<vmem_shared>>) dst(%dma_wait3A_325 : memref<632x128xf32, #tpu.memory_space<hbm>>)
        tpu.yield
      }) : () -> ()
    } else {
    }
    %eq3A_189 = arith.constant 8 : i32
    %eq3A_190 = arith.cmpi eq, %arg1, %eq3A_189 : i32
    %eq3A_191 = arith.constant 0 : i32
    %eq3A_192 = arith.cmpi eq, %arg0, %eq3A_191 : i32
    %and3A_193 = arith.andi %eq3A_190, %eq3A_192 : i1
    %convert_element_type3A_194 = arith.extui %and3A_193 : i1 to i32
    %cond3A_195 = arith.constant 0 : i32
    %cond3A_196 = arith.cmpi ne, %convert_element_type3A_194, %cond3A_195 : i32
    scf.if %cond3A_196 {
      "tpu.region"() ({
        %run_scoped3A = tpu.sem_alloc : memref<!tpu.dma_semaphore, #tpu.memory_space<semaphore_mem>>
        %dma_start3A_317 = arith.constant 5056 : i32
        %dma_start3A_318 = arith.constant 0 : i32
        %dma_start3A_319 = tpu.memref_slice %arg4[%dma_start3A_317, %dma_start3A_318] : memref<10000x128xf32, #tpu.memory_space<hbm>> -> memref<632x128xf32, #tpu.memory_space<hbm>>
        %dma_start3A_320 = arith.constant 5056 : i32
        %dma_start3A_321 = arith.constant 0 : i32
        %dma_start3A_322 = tpu.memref_slice %arg12[%dma_start3A_320, %dma_start3A_321] : memref<10240x128xf32, #tpu.memory_space<vmem_shared>> -> memref<632x128xf32, #tpu.memory_space<vmem_shared>>
        tpu.enqueue_dma source(%dma_start3A_322 : memref<632x128xf32, #tpu.memory_space<vmem_shared>>) target(%dma_start3A_319 : memref<632x128xf32, #tpu.memory_space<hbm>>) target_semaphore(%run_scoped3A : memref<!tpu.dma_semaphore, #tpu.memory_space<semaphore_mem>>)
        %dma_wait3A_323 = arith.constant 5056 : i32
        %dma_wait3A_324 = arith.constant 0 : i32
        %dma_wait3A_325 = tpu.memref_slice %arg4[%dma_wait3A_323, %dma_wait3A_324] : memref<10000x128xf32, #tpu.memory_space<hbm>> -> memref<632x128xf32, #tpu.memory_space<hbm>>
        %dma_wait3A_326 = arith.constant 5056 : i32
        %dma_wait3A_327 = arith.constant 0 : i32
        %dma_wait3A_328 = tpu.memref_slice %arg12[%dma_wait3A_326, %dma_wait3A_327] : memref<10240x128xf32, #tpu.memory_space<vmem_shared>> -> memref<632x128xf32, #tpu.memory_space<vmem_shared>>
        tpu.wait_dma2 semaphore(%run_scoped3A : memref<!tpu.dma_semaphore, #tpu.memory_space<semaphore_mem>>) src(%dma_wait3A_328 : memref<632x128xf32, #tpu.memory_space<vmem_shared>>) dst(%dma_wait3A_325 : memref<632x128xf32, #tpu.memory_space<hbm>>)
        tpu.yield
      }) : () -> ()
    } else {
    }
    %eq3A_197 = arith.constant 8 : i32
    %eq3A_198 = arith.cmpi eq, %arg1, %eq3A_197 : i32
    %eq3A_199 = arith.constant 1 : i32
    %eq3A_200 = arith.cmpi eq, %arg0, %eq3A_199 : i32
    %and3A_201 = arith.andi %eq3A_198, %eq3A_200 : i1
    %convert_element_type3A_202 = arith.extui %and3A_201 : i1 to i32
    %cond3A_203 = arith.constant 0 : i32
    %cond3A_204 = arith.cmpi ne, %convert_element_type3A_202, %cond3A_203 : i32
    scf.if %cond3A_204 {
      "tpu.region"() ({
        %run_scoped3A = tpu.sem_alloc : memref<!tpu.dma_semaphore, #tpu.memory_space<semaphore_mem>>
        %dma_start3A_317 = arith.constant 5056 : i32
        %dma_start3A_318 = arith.constant 0 : i32
        %dma_start3A_319 = tpu.memref_slice %arg5[%dma_start3A_317, %dma_start3A_318] : memref<10000x128xf32, #tpu.memory_space<hbm>> -> memref<632x128xf32, #tpu.memory_space<hbm>>
        %dma_start3A_320 = arith.constant 5056 : i32
        %dma_start3A_321 = arith.constant 0 : i32
        %dma_start3A_322 = tpu.memref_slice %arg12[%dma_start3A_320, %dma_start3A_321] : memref<10240x128xf32, #tpu.memory_space<vmem_shared>> -> memref<632x128xf32, #tpu.memory_space<vmem_shared>>
        tpu.enqueue_dma source(%dma_start3A_322 : memref<632x128xf32, #tpu.memory_space<vmem_shared>>) target(%dma_start3A_319 : memref<632x128xf32, #tpu.memory_space<hbm>>) target_semaphore(%run_scoped3A : memref<!tpu.dma_semaphore, #tpu.memory_space<semaphore_mem>>)
        %dma_wait3A_323 = arith.constant 5056 : i32
        %dma_wait3A_324 = arith.constant 0 : i32
        %dma_wait3A_325 = tpu.memref_slice %arg5[%dma_wait3A_323, %dma_wait3A_324] : memref<10000x128xf32, #tpu.memory_space<hbm>> -> memref<632x128xf32, #tpu.memory_space<hbm>>
        %dma_wait3A_326 = arith.constant 5056 : i32
        %dma_wait3A_327 = arith.constant 0 : i32
        %dma_wait3A_328 = tpu.memref_slice %arg12[%dma_wait3A_326, %dma_wait3A_327] : memref<10240x128xf32, #tpu.memory_space<vmem_shared>> -> memref<632x128xf32, #tpu.memory_space<vmem_shared>>
        tpu.wait_dma2 semaphore(%run_scoped3A : memref<!tpu.dma_semaphore, #tpu.memory_space<semaphore_mem>>) src(%dma_wait3A_328 : memref<632x128xf32, #tpu.memory_space<vmem_shared>>) dst(%dma_wait3A_325 : memref<632x128xf32, #tpu.memory_space<hbm>>)
        tpu.yield
      }) : () -> ()
    } else {
    }
    %eq3A_205 = arith.constant 9 : i32
    %eq3A_206 = arith.cmpi eq, %arg1, %eq3A_205 : i32
    %eq3A_207 = arith.constant 0 : i32
    %eq3A_208 = arith.cmpi eq, %arg0, %eq3A_207 : i32
    %and3A_209 = arith.andi %eq3A_206, %eq3A_208 : i1
    %convert_element_type3A_210 = arith.extui %and3A_209 : i1 to i32
    %cond3A_211 = arith.constant 0 : i32
    %cond3A_212 = arith.cmpi ne, %convert_element_type3A_210, %cond3A_211 : i32
    scf.if %cond3A_212 {
      "tpu.region"() ({
        %run_scoped3A = tpu.sem_alloc : memref<!tpu.dma_semaphore, #tpu.memory_space<semaphore_mem>>
        %dma_start3A_317 = arith.constant 5688 : i32
        %dma_start3A_318 = arith.constant 0 : i32
        %dma_start3A_319 = tpu.memref_slice %arg4[%dma_start3A_317, %dma_start3A_318] : memref<10000x128xf32, #tpu.memory_space<hbm>> -> memref<632x128xf32, #tpu.memory_space<hbm>>
        %dma_start3A_320 = arith.constant 5688 : i32
        %dma_start3A_321 = arith.constant 0 : i32
        %dma_start3A_322 = tpu.memref_slice %arg12[%dma_start3A_320, %dma_start3A_321] : memref<10240x128xf32, #tpu.memory_space<vmem_shared>> -> memref<632x128xf32, #tpu.memory_space<vmem_shared>>
        tpu.enqueue_dma source(%dma_start3A_322 : memref<632x128xf32, #tpu.memory_space<vmem_shared>>) target(%dma_start3A_319 : memref<632x128xf32, #tpu.memory_space<hbm>>) target_semaphore(%run_scoped3A : memref<!tpu.dma_semaphore, #tpu.memory_space<semaphore_mem>>)
        %dma_wait3A_323 = arith.constant 5688 : i32
        %dma_wait3A_324 = arith.constant 0 : i32
        %dma_wait3A_325 = tpu.memref_slice %arg4[%dma_wait3A_323, %dma_wait3A_324] : memref<10000x128xf32, #tpu.memory_space<hbm>> -> memref<632x128xf32, #tpu.memory_space<hbm>>
        %dma_wait3A_326 = arith.constant 5688 : i32
        %dma_wait3A_327 = arith.constant 0 : i32
        %dma_wait3A_328 = tpu.memref_slice %arg12[%dma_wait3A_326, %dma_wait3A_327] : memref<10240x128xf32, #tpu.memory_space<vmem_shared>> -> memref<632x128xf32, #tpu.memory_space<vmem_shared>>
        tpu.wait_dma2 semaphore(%run_scoped3A : memref<!tpu.dma_semaphore, #tpu.memory_space<semaphore_mem>>) src(%dma_wait3A_328 : memref<632x128xf32, #tpu.memory_space<vmem_shared>>) dst(%dma_wait3A_325 : memref<632x128xf32, #tpu.memory_space<hbm>>)
        tpu.yield
      }) : () -> ()
    } else {
    }
    %eq3A_213 = arith.constant 9 : i32
    %eq3A_214 = arith.cmpi eq, %arg1, %eq3A_213 : i32
    %eq3A_215 = arith.constant 1 : i32
    %eq3A_216 = arith.cmpi eq, %arg0, %eq3A_215 : i32
    %and3A_217 = arith.andi %eq3A_214, %eq3A_216 : i1
    %convert_element_type3A_218 = arith.extui %and3A_217 : i1 to i32
    %cond3A_219 = arith.constant 0 : i32
    %cond3A_220 = arith.cmpi ne, %convert_element_type3A_218, %cond3A_219 : i32
    scf.if %cond3A_220 {
      "tpu.region"() ({
        %run_scoped3A = tpu.sem_alloc : memref<!tpu.dma_semaphore, #tpu.memory_space<semaphore_mem>>
        %dma_start3A_317 = arith.constant 5688 : i32
        %dma_start3A_318 = arith.constant 0 : i32
        %dma_start3A_319 = tpu.memref_slice %arg5[%dma_start3A_317, %dma_start3A_318] : memref<10000x128xf32, #tpu.memory_space<hbm>> -> memref<632x128xf32, #tpu.memory_space<hbm>>
        %dma_start3A_320 = arith.constant 5688 : i32
        %dma_start3A_321 = arith.constant 0 : i32
        %dma_start3A_322 = tpu.memref_slice %arg12[%dma_start3A_320, %dma_start3A_321] : memref<10240x128xf32, #tpu.memory_space<vmem_shared>> -> memref<632x128xf32, #tpu.memory_space<vmem_shared>>
        tpu.enqueue_dma source(%dma_start3A_322 : memref<632x128xf32, #tpu.memory_space<vmem_shared>>) target(%dma_start3A_319 : memref<632x128xf32, #tpu.memory_space<hbm>>) target_semaphore(%run_scoped3A : memref<!tpu.dma_semaphore, #tpu.memory_space<semaphore_mem>>)
        %dma_wait3A_323 = arith.constant 5688 : i32
        %dma_wait3A_324 = arith.constant 0 : i32
        %dma_wait3A_325 = tpu.memref_slice %arg5[%dma_wait3A_323, %dma_wait3A_324] : memref<10000x128xf32, #tpu.memory_space<hbm>> -> memref<632x128xf32, #tpu.memory_space<hbm>>
        %dma_wait3A_326 = arith.constant 5688 : i32
        %dma_wait3A_327 = arith.constant 0 : i32
        %dma_wait3A_328 = tpu.memref_slice %arg12[%dma_wait3A_326, %dma_wait3A_327] : memref<10240x128xf32, #tpu.memory_space<vmem_shared>> -> memref<632x128xf32, #tpu.memory_space<vmem_shared>>
        tpu.wait_dma2 semaphore(%run_scoped3A : memref<!tpu.dma_semaphore, #tpu.memory_space<semaphore_mem>>) src(%dma_wait3A_328 : memref<632x128xf32, #tpu.memory_space<vmem_shared>>) dst(%dma_wait3A_325 : memref<632x128xf32, #tpu.memory_space<hbm>>)
        tpu.yield
      }) : () -> ()
    } else {
    }
    %eq3A_221 = arith.constant 10 : i32
    %eq3A_222 = arith.cmpi eq, %arg1, %eq3A_221 : i32
    %eq3A_223 = arith.constant 0 : i32
    %eq3A_224 = arith.cmpi eq, %arg0, %eq3A_223 : i32
    %and3A_225 = arith.andi %eq3A_222, %eq3A_224 : i1
    %convert_element_type3A_226 = arith.extui %and3A_225 : i1 to i32
    %cond3A_227 = arith.constant 0 : i32
    %cond3A_228 = arith.cmpi ne, %convert_element_type3A_226, %cond3A_227 : i32
    scf.if %cond3A_228 {
      "tpu.region"() ({
        %run_scoped3A = tpu.sem_alloc : memref<!tpu.dma_semaphore, #tpu.memory_space<semaphore_mem>>
        %dma_start3A_317 = arith.constant 6320 : i32
        %dma_start3A_318 = arith.constant 0 : i32
        %dma_start3A_319 = tpu.memref_slice %arg4[%dma_start3A_317, %dma_start3A_318] : memref<10000x128xf32, #tpu.memory_space<hbm>> -> memref<632x128xf32, #tpu.memory_space<hbm>>
        %dma_start3A_320 = arith.constant 6320 : i32
        %dma_start3A_321 = arith.constant 0 : i32
        %dma_start3A_322 = tpu.memref_slice %arg12[%dma_start3A_320, %dma_start3A_321] : memref<10240x128xf32, #tpu.memory_space<vmem_shared>> -> memref<632x128xf32, #tpu.memory_space<vmem_shared>>
        tpu.enqueue_dma source(%dma_start3A_322 : memref<632x128xf32, #tpu.memory_space<vmem_shared>>) target(%dma_start3A_319 : memref<632x128xf32, #tpu.memory_space<hbm>>) target_semaphore(%run_scoped3A : memref<!tpu.dma_semaphore, #tpu.memory_space<semaphore_mem>>)
        %dma_wait3A_323 = arith.constant 6320 : i32
        %dma_wait3A_324 = arith.constant 0 : i32
        %dma_wait3A_325 = tpu.memref_slice %arg4[%dma_wait3A_323, %dma_wait3A_324] : memref<10000x128xf32, #tpu.memory_space<hbm>> -> memref<632x128xf32, #tpu.memory_space<hbm>>
        %dma_wait3A_326 = arith.constant 6320 : i32
        %dma_wait3A_327 = arith.constant 0 : i32
        %dma_wait3A_328 = tpu.memref_slice %arg12[%dma_wait3A_326, %dma_wait3A_327] : memref<10240x128xf32, #tpu.memory_space<vmem_shared>> -> memref<632x128xf32, #tpu.memory_space<vmem_shared>>
        tpu.wait_dma2 semaphore(%run_scoped3A : memref<!tpu.dma_semaphore, #tpu.memory_space<semaphore_mem>>) src(%dma_wait3A_328 : memref<632x128xf32, #tpu.memory_space<vmem_shared>>) dst(%dma_wait3A_325 : memref<632x128xf32, #tpu.memory_space<hbm>>)
        tpu.yield
      }) : () -> ()
    } else {
    }
    %eq3A_229 = arith.constant 10 : i32
    %eq3A_230 = arith.cmpi eq, %arg1, %eq3A_229 : i32
    %eq3A_231 = arith.constant 1 : i32
    %eq3A_232 = arith.cmpi eq, %arg0, %eq3A_231 : i32
    %and3A_233 = arith.andi %eq3A_230, %eq3A_232 : i1
    %convert_element_type3A_234 = arith.extui %and3A_233 : i1 to i32
    %cond3A_235 = arith.constant 0 : i32
    %cond3A_236 = arith.cmpi ne, %convert_element_type3A_234, %cond3A_235 : i32
    scf.if %cond3A_236 {
      "tpu.region"() ({
        %run_scoped3A = tpu.sem_alloc : memref<!tpu.dma_semaphore, #tpu.memory_space<semaphore_mem>>
        %dma_start3A_317 = arith.constant 6320 : i32
        %dma_start3A_318 = arith.constant 0 : i32
        %dma_start3A_319 = tpu.memref_slice %arg5[%dma_start3A_317, %dma_start3A_318] : memref<10000x128xf32, #tpu.memory_space<hbm>> -> memref<632x128xf32, #tpu.memory_space<hbm>>
        %dma_start3A_320 = arith.constant 6320 : i32
        %dma_start3A_321 = arith.constant 0 : i32
        %dma_start3A_322 = tpu.memref_slice %arg12[%dma_start3A_320, %dma_start3A_321] : memref<10240x128xf32, #tpu.memory_space<vmem_shared>> -> memref<632x128xf32, #tpu.memory_space<vmem_shared>>
        tpu.enqueue_dma source(%dma_start3A_322 : memref<632x128xf32, #tpu.memory_space<vmem_shared>>) target(%dma_start3A_319 : memref<632x128xf32, #tpu.memory_space<hbm>>) target_semaphore(%run_scoped3A : memref<!tpu.dma_semaphore, #tpu.memory_space<semaphore_mem>>)
        %dma_wait3A_323 = arith.constant 6320 : i32
        %dma_wait3A_324 = arith.constant 0 : i32
        %dma_wait3A_325 = tpu.memref_slice %arg5[%dma_wait3A_323, %dma_wait3A_324] : memref<10000x128xf32, #tpu.memory_space<hbm>> -> memref<632x128xf32, #tpu.memory_space<hbm>>
        %dma_wait3A_326 = arith.constant 6320 : i32
        %dma_wait3A_327 = arith.constant 0 : i32
        %dma_wait3A_328 = tpu.memref_slice %arg12[%dma_wait3A_326, %dma_wait3A_327] : memref<10240x128xf32, #tpu.memory_space<vmem_shared>> -> memref<632x128xf32, #tpu.memory_space<vmem_shared>>
        tpu.wait_dma2 semaphore(%run_scoped3A : memref<!tpu.dma_semaphore, #tpu.memory_space<semaphore_mem>>) src(%dma_wait3A_328 : memref<632x128xf32, #tpu.memory_space<vmem_shared>>) dst(%dma_wait3A_325 : memref<632x128xf32, #tpu.memory_space<hbm>>)
        tpu.yield
      }) : () -> ()
    } else {
    }
    %eq3A_237 = arith.constant 11 : i32
    %eq3A_238 = arith.cmpi eq, %arg1, %eq3A_237 : i32
    %eq3A_239 = arith.constant 0 : i32
    %eq3A_240 = arith.cmpi eq, %arg0, %eq3A_239 : i32
    %and3A_241 = arith.andi %eq3A_238, %eq3A_240 : i1
    %convert_element_type3A_242 = arith.extui %and3A_241 : i1 to i32
    %cond3A_243 = arith.constant 0 : i32
    %cond3A_244 = arith.cmpi ne, %convert_element_type3A_242, %cond3A_243 : i32
    scf.if %cond3A_244 {
      "tpu.region"() ({
        %run_scoped3A = tpu.sem_alloc : memref<!tpu.dma_semaphore, #tpu.memory_space<semaphore_mem>>
        %dma_start3A_317 = arith.constant 6952 : i32
        %dma_start3A_318 = arith.constant 0 : i32
        %dma_start3A_319 = tpu.memref_slice %arg4[%dma_start3A_317, %dma_start3A_318] : memref<10000x128xf32, #tpu.memory_space<hbm>> -> memref<632x128xf32, #tpu.memory_space<hbm>>
        %dma_start3A_320 = arith.constant 6952 : i32
        %dma_start3A_321 = arith.constant 0 : i32
        %dma_start3A_322 = tpu.memref_slice %arg12[%dma_start3A_320, %dma_start3A_321] : memref<10240x128xf32, #tpu.memory_space<vmem_shared>> -> memref<632x128xf32, #tpu.memory_space<vmem_shared>>
        tpu.enqueue_dma source(%dma_start3A_322 : memref<632x128xf32, #tpu.memory_space<vmem_shared>>) target(%dma_start3A_319 : memref<632x128xf32, #tpu.memory_space<hbm>>) target_semaphore(%run_scoped3A : memref<!tpu.dma_semaphore, #tpu.memory_space<semaphore_mem>>)
        %dma_wait3A_323 = arith.constant 6952 : i32
        %dma_wait3A_324 = arith.constant 0 : i32
        %dma_wait3A_325 = tpu.memref_slice %arg4[%dma_wait3A_323, %dma_wait3A_324] : memref<10000x128xf32, #tpu.memory_space<hbm>> -> memref<632x128xf32, #tpu.memory_space<hbm>>
        %dma_wait3A_326 = arith.constant 6952 : i32
        %dma_wait3A_327 = arith.constant 0 : i32
        %dma_wait3A_328 = tpu.memref_slice %arg12[%dma_wait3A_326, %dma_wait3A_327] : memref<10240x128xf32, #tpu.memory_space<vmem_shared>> -> memref<632x128xf32, #tpu.memory_space<vmem_shared>>
        tpu.wait_dma2 semaphore(%run_scoped3A : memref<!tpu.dma_semaphore, #tpu.memory_space<semaphore_mem>>) src(%dma_wait3A_328 : memref<632x128xf32, #tpu.memory_space<vmem_shared>>) dst(%dma_wait3A_325 : memref<632x128xf32, #tpu.memory_space<hbm>>)
        tpu.yield
      }) : () -> ()
    } else {
    }
    %eq3A_245 = arith.constant 11 : i32
    %eq3A_246 = arith.cmpi eq, %arg1, %eq3A_245 : i32
    %eq3A_247 = arith.constant 1 : i32
    %eq3A_248 = arith.cmpi eq, %arg0, %eq3A_247 : i32
    %and3A_249 = arith.andi %eq3A_246, %eq3A_248 : i1
    %convert_element_type3A_250 = arith.extui %and3A_249 : i1 to i32
    %cond3A_251 = arith.constant 0 : i32
    %cond3A_252 = arith.cmpi ne, %convert_element_type3A_250, %cond3A_251 : i32
    scf.if %cond3A_252 {
      "tpu.region"() ({
        %run_scoped3A = tpu.sem_alloc : memref<!tpu.dma_semaphore, #tpu.memory_space<semaphore_mem>>
        %dma_start3A_317 = arith.constant 6952 : i32
        %dma_start3A_318 = arith.constant 0 : i32
        %dma_start3A_319 = tpu.memref_slice %arg5[%dma_start3A_317, %dma_start3A_318] : memref<10000x128xf32, #tpu.memory_space<hbm>> -> memref<632x128xf32, #tpu.memory_space<hbm>>
        %dma_start3A_320 = arith.constant 6952 : i32
        %dma_start3A_321 = arith.constant 0 : i32
        %dma_start3A_322 = tpu.memref_slice %arg12[%dma_start3A_320, %dma_start3A_321] : memref<10240x128xf32, #tpu.memory_space<vmem_shared>> -> memref<632x128xf32, #tpu.memory_space<vmem_shared>>
        tpu.enqueue_dma source(%dma_start3A_322 : memref<632x128xf32, #tpu.memory_space<vmem_shared>>) target(%dma_start3A_319 : memref<632x128xf32, #tpu.memory_space<hbm>>) target_semaphore(%run_scoped3A : memref<!tpu.dma_semaphore, #tpu.memory_space<semaphore_mem>>)
        %dma_wait3A_323 = arith.constant 6952 : i32
        %dma_wait3A_324 = arith.constant 0 : i32
        %dma_wait3A_325 = tpu.memref_slice %arg5[%dma_wait3A_323, %dma_wait3A_324] : memref<10000x128xf32, #tpu.memory_space<hbm>> -> memref<632x128xf32, #tpu.memory_space<hbm>>
        %dma_wait3A_326 = arith.constant 6952 : i32
        %dma_wait3A_327 = arith.constant 0 : i32
        %dma_wait3A_328 = tpu.memref_slice %arg12[%dma_wait3A_326, %dma_wait3A_327] : memref<10240x128xf32, #tpu.memory_space<vmem_shared>> -> memref<632x128xf32, #tpu.memory_space<vmem_shared>>
        tpu.wait_dma2 semaphore(%run_scoped3A : memref<!tpu.dma_semaphore, #tpu.memory_space<semaphore_mem>>) src(%dma_wait3A_328 : memref<632x128xf32, #tpu.memory_space<vmem_shared>>) dst(%dma_wait3A_325 : memref<632x128xf32, #tpu.memory_space<hbm>>)
        tpu.yield
      }) : () -> ()
    } else {
    }
    %eq3A_253 = arith.constant 12 : i32
    %eq3A_254 = arith.cmpi eq, %arg1, %eq3A_253 : i32
    %eq3A_255 = arith.constant 0 : i32
    %eq3A_256 = arith.cmpi eq, %arg0, %eq3A_255 : i32
    %and3A_257 = arith.andi %eq3A_254, %eq3A_256 : i1
    %convert_element_type3A_258 = arith.extui %and3A_257 : i1 to i32
    %cond3A_259 = arith.constant 0 : i32
    %cond3A_260 = arith.cmpi ne, %convert_element_type3A_258, %cond3A_259 : i32
    scf.if %cond3A_260 {
      "tpu.region"() ({
        %run_scoped3A = tpu.sem_alloc : memref<!tpu.dma_semaphore, #tpu.memory_space<semaphore_mem>>
        %dma_start3A_317 = arith.constant 7584 : i32
        %dma_start3A_318 = arith.constant 0 : i32
        %dma_start3A_319 = tpu.memref_slice %arg4[%dma_start3A_317, %dma_start3A_318] : memref<10000x128xf32, #tpu.memory_space<hbm>> -> memref<632x128xf32, #tpu.memory_space<hbm>>
        %dma_start3A_320 = arith.constant 7584 : i32
        %dma_start3A_321 = arith.constant 0 : i32
        %dma_start3A_322 = tpu.memref_slice %arg12[%dma_start3A_320, %dma_start3A_321] : memref<10240x128xf32, #tpu.memory_space<vmem_shared>> -> memref<632x128xf32, #tpu.memory_space<vmem_shared>>
        tpu.enqueue_dma source(%dma_start3A_322 : memref<632x128xf32, #tpu.memory_space<vmem_shared>>) target(%dma_start3A_319 : memref<632x128xf32, #tpu.memory_space<hbm>>) target_semaphore(%run_scoped3A : memref<!tpu.dma_semaphore, #tpu.memory_space<semaphore_mem>>)
        %dma_wait3A_323 = arith.constant 7584 : i32
        %dma_wait3A_324 = arith.constant 0 : i32
        %dma_wait3A_325 = tpu.memref_slice %arg4[%dma_wait3A_323, %dma_wait3A_324] : memref<10000x128xf32, #tpu.memory_space<hbm>> -> memref<632x128xf32, #tpu.memory_space<hbm>>
        %dma_wait3A_326 = arith.constant 7584 : i32
        %dma_wait3A_327 = arith.constant 0 : i32
        %dma_wait3A_328 = tpu.memref_slice %arg12[%dma_wait3A_326, %dma_wait3A_327] : memref<10240x128xf32, #tpu.memory_space<vmem_shared>> -> memref<632x128xf32, #tpu.memory_space<vmem_shared>>
        tpu.wait_dma2 semaphore(%run_scoped3A : memref<!tpu.dma_semaphore, #tpu.memory_space<semaphore_mem>>) src(%dma_wait3A_328 : memref<632x128xf32, #tpu.memory_space<vmem_shared>>) dst(%dma_wait3A_325 : memref<632x128xf32, #tpu.memory_space<hbm>>)
        tpu.yield
      }) : () -> ()
    } else {
    }
    %eq3A_261 = arith.constant 12 : i32
    %eq3A_262 = arith.cmpi eq, %arg1, %eq3A_261 : i32
    %eq3A_263 = arith.constant 1 : i32
    %eq3A_264 = arith.cmpi eq, %arg0, %eq3A_263 : i32
    %and3A_265 = arith.andi %eq3A_262, %eq3A_264 : i1
    %convert_element_type3A_266 = arith.extui %and3A_265 : i1 to i32
    %cond3A_267 = arith.constant 0 : i32
    %cond3A_268 = arith.cmpi ne, %convert_element_type3A_266, %cond3A_267 : i32
    scf.if %cond3A_268 {
      "tpu.region"() ({
        %run_scoped3A = tpu.sem_alloc : memref<!tpu.dma_semaphore, #tpu.memory_space<semaphore_mem>>
        %dma_start3A_317 = arith.constant 7584 : i32
        %dma_start3A_318 = arith.constant 0 : i32
        %dma_start3A_319 = tpu.memref_slice %arg5[%dma_start3A_317, %dma_start3A_318] : memref<10000x128xf32, #tpu.memory_space<hbm>> -> memref<632x128xf32, #tpu.memory_space<hbm>>
        %dma_start3A_320 = arith.constant 7584 : i32
        %dma_start3A_321 = arith.constant 0 : i32
        %dma_start3A_322 = tpu.memref_slice %arg12[%dma_start3A_320, %dma_start3A_321] : memref<10240x128xf32, #tpu.memory_space<vmem_shared>> -> memref<632x128xf32, #tpu.memory_space<vmem_shared>>
        tpu.enqueue_dma source(%dma_start3A_322 : memref<632x128xf32, #tpu.memory_space<vmem_shared>>) target(%dma_start3A_319 : memref<632x128xf32, #tpu.memory_space<hbm>>) target_semaphore(%run_scoped3A : memref<!tpu.dma_semaphore, #tpu.memory_space<semaphore_mem>>)
        %dma_wait3A_323 = arith.constant 7584 : i32
        %dma_wait3A_324 = arith.constant 0 : i32
        %dma_wait3A_325 = tpu.memref_slice %arg5[%dma_wait3A_323, %dma_wait3A_324] : memref<10000x128xf32, #tpu.memory_space<hbm>> -> memref<632x128xf32, #tpu.memory_space<hbm>>
        %dma_wait3A_326 = arith.constant 7584 : i32
        %dma_wait3A_327 = arith.constant 0 : i32
        %dma_wait3A_328 = tpu.memref_slice %arg12[%dma_wait3A_326, %dma_wait3A_327] : memref<10240x128xf32, #tpu.memory_space<vmem_shared>> -> memref<632x128xf32, #tpu.memory_space<vmem_shared>>
        tpu.wait_dma2 semaphore(%run_scoped3A : memref<!tpu.dma_semaphore, #tpu.memory_space<semaphore_mem>>) src(%dma_wait3A_328 : memref<632x128xf32, #tpu.memory_space<vmem_shared>>) dst(%dma_wait3A_325 : memref<632x128xf32, #tpu.memory_space<hbm>>)
        tpu.yield
      }) : () -> ()
    } else {
    }
    %eq3A_269 = arith.constant 13 : i32
    %eq3A_270 = arith.cmpi eq, %arg1, %eq3A_269 : i32
    %eq3A_271 = arith.constant 0 : i32
    %eq3A_272 = arith.cmpi eq, %arg0, %eq3A_271 : i32
    %and3A_273 = arith.andi %eq3A_270, %eq3A_272 : i1
    %convert_element_type3A_274 = arith.extui %and3A_273 : i1 to i32
    %cond3A_275 = arith.constant 0 : i32
    %cond3A_276 = arith.cmpi ne, %convert_element_type3A_274, %cond3A_275 : i32
    scf.if %cond3A_276 {
      "tpu.region"() ({
        %run_scoped3A = tpu.sem_alloc : memref<!tpu.dma_semaphore, #tpu.memory_space<semaphore_mem>>
        %dma_start3A_317 = arith.constant 8216 : i32
        %dma_start3A_318 = arith.constant 0 : i32
        %dma_start3A_319 = tpu.memref_slice %arg4[%dma_start3A_317, %dma_start3A_318] : memref<10000x128xf32, #tpu.memory_space<hbm>> -> memref<632x128xf32, #tpu.memory_space<hbm>>
        %dma_start3A_320 = arith.constant 8216 : i32
        %dma_start3A_321 = arith.constant 0 : i32
        %dma_start3A_322 = tpu.memref_slice %arg12[%dma_start3A_320, %dma_start3A_321] : memref<10240x128xf32, #tpu.memory_space<vmem_shared>> -> memref<632x128xf32, #tpu.memory_space<vmem_shared>>
        tpu.enqueue_dma source(%dma_start3A_322 : memref<632x128xf32, #tpu.memory_space<vmem_shared>>) target(%dma_start3A_319 : memref<632x128xf32, #tpu.memory_space<hbm>>) target_semaphore(%run_scoped3A : memref<!tpu.dma_semaphore, #tpu.memory_space<semaphore_mem>>)
        %dma_wait3A_323 = arith.constant 8216 : i32
        %dma_wait3A_324 = arith.constant 0 : i32
        %dma_wait3A_325 = tpu.memref_slice %arg4[%dma_wait3A_323, %dma_wait3A_324] : memref<10000x128xf32, #tpu.memory_space<hbm>> -> memref<632x128xf32, #tpu.memory_space<hbm>>
        %dma_wait3A_326 = arith.constant 8216 : i32
        %dma_wait3A_327 = arith.constant 0 : i32
        %dma_wait3A_328 = tpu.memref_slice %arg12[%dma_wait3A_326, %dma_wait3A_327] : memref<10240x128xf32, #tpu.memory_space<vmem_shared>> -> memref<632x128xf32, #tpu.memory_space<vmem_shared>>
        tpu.wait_dma2 semaphore(%run_scoped3A : memref<!tpu.dma_semaphore, #tpu.memory_space<semaphore_mem>>) src(%dma_wait3A_328 : memref<632x128xf32, #tpu.memory_space<vmem_shared>>) dst(%dma_wait3A_325 : memref<632x128xf32, #tpu.memory_space<hbm>>)
        tpu.yield
      }) : () -> ()
    } else {
    }
    %eq3A_277 = arith.constant 13 : i32
    %eq3A_278 = arith.cmpi eq, %arg1, %eq3A_277 : i32
    %eq3A_279 = arith.constant 1 : i32
    %eq3A_280 = arith.cmpi eq, %arg0, %eq3A_279 : i32
    %and3A_281 = arith.andi %eq3A_278, %eq3A_280 : i1
    %convert_element_type3A_282 = arith.extui %and3A_281 : i1 to i32
    %cond3A_283 = arith.constant 0 : i32
    %cond3A_284 = arith.cmpi ne, %convert_element_type3A_282, %cond3A_283 : i32
    scf.if %cond3A_284 {
      "tpu.region"() ({
        %run_scoped3A = tpu.sem_alloc : memref<!tpu.dma_semaphore, #tpu.memory_space<semaphore_mem>>
        %dma_start3A_317 = arith.constant 8216 : i32
        %dma_start3A_318 = arith.constant 0 : i32
        %dma_start3A_319 = tpu.memref_slice %arg5[%dma_start3A_317, %dma_start3A_318] : memref<10000x128xf32, #tpu.memory_space<hbm>> -> memref<632x128xf32, #tpu.memory_space<hbm>>
        %dma_start3A_320 = arith.constant 8216 : i32
        %dma_start3A_321 = arith.constant 0 : i32
        %dma_start3A_322 = tpu.memref_slice %arg12[%dma_start3A_320, %dma_start3A_321] : memref<10240x128xf32, #tpu.memory_space<vmem_shared>> -> memref<632x128xf32, #tpu.memory_space<vmem_shared>>
        tpu.enqueue_dma source(%dma_start3A_322 : memref<632x128xf32, #tpu.memory_space<vmem_shared>>) target(%dma_start3A_319 : memref<632x128xf32, #tpu.memory_space<hbm>>) target_semaphore(%run_scoped3A : memref<!tpu.dma_semaphore, #tpu.memory_space<semaphore_mem>>)
        %dma_wait3A_323 = arith.constant 8216 : i32
        %dma_wait3A_324 = arith.constant 0 : i32
        %dma_wait3A_325 = tpu.memref_slice %arg5[%dma_wait3A_323, %dma_wait3A_324] : memref<10000x128xf32, #tpu.memory_space<hbm>> -> memref<632x128xf32, #tpu.memory_space<hbm>>
        %dma_wait3A_326 = arith.constant 8216 : i32
        %dma_wait3A_327 = arith.constant 0 : i32
        %dma_wait3A_328 = tpu.memref_slice %arg12[%dma_wait3A_326, %dma_wait3A_327] : memref<10240x128xf32, #tpu.memory_space<vmem_shared>> -> memref<632x128xf32, #tpu.memory_space<vmem_shared>>
        tpu.wait_dma2 semaphore(%run_scoped3A : memref<!tpu.dma_semaphore, #tpu.memory_space<semaphore_mem>>) src(%dma_wait3A_328 : memref<632x128xf32, #tpu.memory_space<vmem_shared>>) dst(%dma_wait3A_325 : memref<632x128xf32, #tpu.memory_space<hbm>>)
        tpu.yield
      }) : () -> ()
    } else {
    }
    %eq3A_285 = arith.constant 14 : i32
    %eq3A_286 = arith.cmpi eq, %arg1, %eq3A_285 : i32
    %eq3A_287 = arith.constant 0 : i32
    %eq3A_288 = arith.cmpi eq, %arg0, %eq3A_287 : i32
    %and3A_289 = arith.andi %eq3A_286, %eq3A_288 : i1
    %convert_element_type3A_290 = arith.extui %and3A_289 : i1 to i32
    %cond3A_291 = arith.constant 0 : i32
    %cond3A_292 = arith.cmpi ne, %convert_element_type3A_290, %cond3A_291 : i32
    scf.if %cond3A_292 {
      "tpu.region"() ({
        %run_scoped3A = tpu.sem_alloc : memref<!tpu.dma_semaphore, #tpu.memory_space<semaphore_mem>>
        %dma_start3A_317 = arith.constant 8848 : i32
        %dma_start3A_318 = arith.constant 0 : i32
        %dma_start3A_319 = tpu.memref_slice %arg4[%dma_start3A_317, %dma_start3A_318] : memref<10000x128xf32, #tpu.memory_space<hbm>> -> memref<632x128xf32, #tpu.memory_space<hbm>>
        %dma_start3A_320 = arith.constant 8848 : i32
        %dma_start3A_321 = arith.constant 0 : i32
        %dma_start3A_322 = tpu.memref_slice %arg12[%dma_start3A_320, %dma_start3A_321] : memref<10240x128xf32, #tpu.memory_space<vmem_shared>> -> memref<632x128xf32, #tpu.memory_space<vmem_shared>>
        tpu.enqueue_dma source(%dma_start3A_322 : memref<632x128xf32, #tpu.memory_space<vmem_shared>>) target(%dma_start3A_319 : memref<632x128xf32, #tpu.memory_space<hbm>>) target_semaphore(%run_scoped3A : memref<!tpu.dma_semaphore, #tpu.memory_space<semaphore_mem>>)
        %dma_wait3A_323 = arith.constant 8848 : i32
        %dma_wait3A_324 = arith.constant 0 : i32
        %dma_wait3A_325 = tpu.memref_slice %arg4[%dma_wait3A_323, %dma_wait3A_324] : memref<10000x128xf32, #tpu.memory_space<hbm>> -> memref<632x128xf32, #tpu.memory_space<hbm>>
        %dma_wait3A_326 = arith.constant 8848 : i32
        %dma_wait3A_327 = arith.constant 0 : i32
        %dma_wait3A_328 = tpu.memref_slice %arg12[%dma_wait3A_326, %dma_wait3A_327] : memref<10240x128xf32, #tpu.memory_space<vmem_shared>> -> memref<632x128xf32, #tpu.memory_space<vmem_shared>>
        tpu.wait_dma2 semaphore(%run_scoped3A : memref<!tpu.dma_semaphore, #tpu.memory_space<semaphore_mem>>) src(%dma_wait3A_328 : memref<632x128xf32, #tpu.memory_space<vmem_shared>>) dst(%dma_wait3A_325 : memref<632x128xf32, #tpu.memory_space<hbm>>)
        tpu.yield
      }) : () -> ()
    } else {
    }
    %eq3A_293 = arith.constant 14 : i32
    %eq3A_294 = arith.cmpi eq, %arg1, %eq3A_293 : i32
    %eq3A_295 = arith.constant 1 : i32
    %eq3A_296 = arith.cmpi eq, %arg0, %eq3A_295 : i32
    %and3A_297 = arith.andi %eq3A_294, %eq3A_296 : i1
    %convert_element_type3A_298 = arith.extui %and3A_297 : i1 to i32
    %cond3A_299 = arith.constant 0 : i32
    %cond3A_300 = arith.cmpi ne, %convert_element_type3A_298, %cond3A_299 : i32
    scf.if %cond3A_300 {
      "tpu.region"() ({
        %run_scoped3A = tpu.sem_alloc : memref<!tpu.dma_semaphore, #tpu.memory_space<semaphore_mem>>
        %dma_start3A_317 = arith.constant 8848 : i32
        %dma_start3A_318 = arith.constant 0 : i32
        %dma_start3A_319 = tpu.memref_slice %arg5[%dma_start3A_317, %dma_start3A_318] : memref<10000x128xf32, #tpu.memory_space<hbm>> -> memref<632x128xf32, #tpu.memory_space<hbm>>
        %dma_start3A_320 = arith.constant 8848 : i32
        %dma_start3A_321 = arith.constant 0 : i32
        %dma_start3A_322 = tpu.memref_slice %arg12[%dma_start3A_320, %dma_start3A_321] : memref<10240x128xf32, #tpu.memory_space<vmem_shared>> -> memref<632x128xf32, #tpu.memory_space<vmem_shared>>
        tpu.enqueue_dma source(%dma_start3A_322 : memref<632x128xf32, #tpu.memory_space<vmem_shared>>) target(%dma_start3A_319 : memref<632x128xf32, #tpu.memory_space<hbm>>) target_semaphore(%run_scoped3A : memref<!tpu.dma_semaphore, #tpu.memory_space<semaphore_mem>>)
        %dma_wait3A_323 = arith.constant 8848 : i32
        %dma_wait3A_324 = arith.constant 0 : i32
        %dma_wait3A_325 = tpu.memref_slice %arg5[%dma_wait3A_323, %dma_wait3A_324] : memref<10000x128xf32, #tpu.memory_space<hbm>> -> memref<632x128xf32, #tpu.memory_space<hbm>>
        %dma_wait3A_326 = arith.constant 8848 : i32
        %dma_wait3A_327 = arith.constant 0 : i32
        %dma_wait3A_328 = tpu.memref_slice %arg12[%dma_wait3A_326, %dma_wait3A_327] : memref<10240x128xf32, #tpu.memory_space<vmem_shared>> -> memref<632x128xf32, #tpu.memory_space<vmem_shared>>
        tpu.wait_dma2 semaphore(%run_scoped3A : memref<!tpu.dma_semaphore, #tpu.memory_space<semaphore_mem>>) src(%dma_wait3A_328 : memref<632x128xf32, #tpu.memory_space<vmem_shared>>) dst(%dma_wait3A_325 : memref<632x128xf32, #tpu.memory_space<hbm>>)
        tpu.yield
      }) : () -> ()
    } else {
    }
    %eq3A_301 = arith.constant 15 : i32
    %eq3A_302 = arith.cmpi eq, %arg1, %eq3A_301 : i32
    %eq3A_303 = arith.constant 0 : i32
    %eq3A_304 = arith.cmpi eq, %arg0, %eq3A_303 : i32
    %and3A_305 = arith.andi %eq3A_302, %eq3A_304 : i1
    %convert_element_type3A_306 = arith.extui %and3A_305 : i1 to i32
    %cond3A_307 = arith.constant 0 : i32
    %cond3A_308 = arith.cmpi ne, %convert_element_type3A_306, %cond3A_307 : i32
    scf.if %cond3A_308 {
      "tpu.region"() ({
        %run_scoped3A = tpu.sem_alloc : memref<!tpu.dma_semaphore, #tpu.memory_space<semaphore_mem>>
        %dma_start3A_317 = arith.constant 9480 : i32
        %dma_start3A_318 = arith.constant 0 : i32
        %dma_start3A_319 = tpu.memref_slice %arg4[%dma_start3A_317, %dma_start3A_318] : memref<10000x128xf32, #tpu.memory_space<hbm>> -> memref<520x128xf32, #tpu.memory_space<hbm>>
        %dma_start3A_320 = arith.constant 9480 : i32
        %dma_start3A_321 = arith.constant 0 : i32
        %dma_start3A_322 = tpu.memref_slice %arg12[%dma_start3A_320, %dma_start3A_321] : memref<10240x128xf32, #tpu.memory_space<vmem_shared>> -> memref<520x128xf32, #tpu.memory_space<vmem_shared>>
        tpu.enqueue_dma source(%dma_start3A_322 : memref<520x128xf32, #tpu.memory_space<vmem_shared>>) target(%dma_start3A_319 : memref<520x128xf32, #tpu.memory_space<hbm>>) target_semaphore(%run_scoped3A : memref<!tpu.dma_semaphore, #tpu.memory_space<semaphore_mem>>)
        %dma_wait3A_323 = arith.constant 9480 : i32
        %dma_wait3A_324 = arith.constant 0 : i32
        %dma_wait3A_325 = tpu.memref_slice %arg4[%dma_wait3A_323, %dma_wait3A_324] : memref<10000x128xf32, #tpu.memory_space<hbm>> -> memref<520x128xf32, #tpu.memory_space<hbm>>
        %dma_wait3A_326 = arith.constant 9480 : i32
        %dma_wait3A_327 = arith.constant 0 : i32
        %dma_wait3A_328 = tpu.memref_slice %arg12[%dma_wait3A_326, %dma_wait3A_327] : memref<10240x128xf32, #tpu.memory_space<vmem_shared>> -> memref<520x128xf32, #tpu.memory_space<vmem_shared>>
        tpu.wait_dma2 semaphore(%run_scoped3A : memref<!tpu.dma_semaphore, #tpu.memory_space<semaphore_mem>>) src(%dma_wait3A_328 : memref<520x128xf32, #tpu.memory_space<vmem_shared>>) dst(%dma_wait3A_325 : memref<520x128xf32, #tpu.memory_space<hbm>>)
        tpu.yield
      }) : () -> ()
    } else {
    }
    %eq3A_309 = arith.constant 15 : i32
    %eq3A_310 = arith.cmpi eq, %arg1, %eq3A_309 : i32
    %eq3A_311 = arith.constant 1 : i32
    %eq3A_312 = arith.cmpi eq, %arg0, %eq3A_311 : i32
    %and3A_313 = arith.andi %eq3A_310, %eq3A_312 : i1
    %convert_element_type3A_314 = arith.extui %and3A_313 : i1 to i32
    %cond3A_315 = arith.constant 0 : i32
    %cond3A_316 = arith.cmpi ne, %convert_element_type3A_314, %cond3A_315 : i32
    scf.if %cond3A_316 {
      "tpu.region"() ({
        %run_scoped3A = tpu.sem_alloc : memref<!tpu.dma_semaphore, #tpu.memory_space<semaphore_mem>>
        %dma_start3A_317 = arith.constant 9480 : i32
        %dma_start3A_318 = arith.constant 0 : i32
        %dma_start3A_319 = tpu.memref_slice %arg5[%dma_start3A_317, %dma_start3A_318] : memref<10000x128xf32, #tpu.memory_space<hbm>> -> memref<520x128xf32, #tpu.memory_space<hbm>>
        %dma_start3A_320 = arith.constant 9480 : i32
        %dma_start3A_321 = arith.constant 0 : i32
        %dma_start3A_322 = tpu.memref_slice %arg12[%dma_start3A_320, %dma_start3A_321] : memref<10240x128xf32, #tpu.memory_space<vmem_shared>> -> memref<520x128xf32, #tpu.memory_space<vmem_shared>>
        tpu.enqueue_dma source(%dma_start3A_322 : memref<520x128xf32, #tpu.memory_space<vmem_shared>>) target(%dma_start3A_319 : memref<520x128xf32, #tpu.memory_space<hbm>>) target_semaphore(%run_scoped3A : memref<!tpu.dma_semaphore, #tpu.memory_space<semaphore_mem>>)
        %dma_wait3A_323 = arith.constant 9480 : i32
        %dma_wait3A_324 = arith.constant 0 : i32
        %dma_wait3A_325 = tpu.memref_slice %arg5[%dma_wait3A_323, %dma_wait3A_324] : memref<10000x128xf32, #tpu.memory_space<hbm>> -> memref<520x128xf32, #tpu.memory_space<hbm>>
        %dma_wait3A_326 = arith.constant 9480 : i32
        %dma_wait3A_327 = arith.constant 0 : i32
        %dma_wait3A_328 = tpu.memref_slice %arg12[%dma_wait3A_326, %dma_wait3A_327] : memref<10240x128xf32, #tpu.memory_space<vmem_shared>> -> memref<520x128xf32, #tpu.memory_space<vmem_shared>>
        tpu.wait_dma2 semaphore(%run_scoped3A : memref<!tpu.dma_semaphore, #tpu.memory_space<semaphore_mem>>) src(%dma_wait3A_328 : memref<520x128xf32, #tpu.memory_space<vmem_shared>>) dst(%dma_wait3A_325 : memref<520x128xf32, #tpu.memory_space<hbm>>)
        tpu.yield
      }) : () -> ()
    } else {
    }
    return
  }
}

#map = affine_map<(d0, d1) -> (0, 0)>
#map1 = affine_map<(d0, d1) -> (0, 0, 0)>
module attributes {stable_mosaic.version = 14 : i64} {
  func.func @agg_kernel(%arg0: i32, %arg1: i32, %arg2: memref<10000x128xf32, #tpu.memory_space<hbm>>, %arg3: memref<2560x2x128xi32, #tpu.memory_space<hbm>>, %arg4: memref<10000x128xf32, #tpu.memory_space<hbm>>, %arg5: memref<10000x128xf32, #tpu.memory_space<hbm>>, %arg6: memref<2x128xi32, #tpu.memory_space<vmem>>, %arg7: memref<2x128xi32, #tpu.memory_space<vmem>>, %arg8: memref<2x128xi32, #tpu.memory_space<vmem>>, %arg9: memref<2x128xi32, #tpu.memory_space<vmem>>, %arg10: memref<128x128xf32, #tpu.memory_space<vmem>>, %arg11: memref<128x128xf32, #tpu.memory_space<vmem>>, %arg12: memref<10240x128xf32, #tpu.memory_space<vmem_shared>>, %arg13: memref<!tpu.dma_semaphore, #tpu.memory_space<semaphore_mem>>, %arg14: memref<!tpu.dma_semaphore, #tpu.memory_space<semaphore_mem>>, %arg15: memref<!tpu.dma_semaphore, #tpu.memory_space<semaphore_mem>>, %arg16: memref<!tpu.dma_semaphore, #tpu.memory_space<semaphore_mem>>, %arg17: memref<!tpu.dma_semaphore, #tpu.memory_space<semaphore_mem>>, %arg18: memref<!tpu.dma_semaphore, #tpu.memory_space<semaphore_mem>>, %arg19: memref<!tpu.dma_semaphore, #tpu.memory_space<semaphore_mem>>, %arg20: memref<!tpu.dma_semaphore, #tpu.memory_space<semaphore_mem>>) attributes {dimension_semantics = [#tpu.dimension_semantics<core_parallel>, #tpu.dimension_semantics<subcore_parallel>], iteration_bounds = array<i64: 2, 16>, scalar_prefetch = 0 : i64, scratch_operands = 15 : i64, tpu.core_type = #tpu.core_type<sc_vector_subcore>, window_params = [{transform_indices = #map}, {transform_indices = #map1}, {transform_indices = #map}, {transform_indices = #map}]} {
    %mul3A = arith.constant 2 : i32
    %mul3A_0 = arith.muli %arg1, %mul3A : i32
    %add3A = arith.addi %mul3A_0, %arg0 : i32
    %mul3A_1 = arith.constant 80 : i32
    %mul3A_2 = arith.muli %add3A, %mul3A_1 : i32
    %scan3A = arith.constant 0 : i32
    %scan3A_3 = arith.constant 128 : i32
    %scan3A_4 = arith.addi %scan3A, %scan3A_3 : i32
    %scan3A_5 = arith.constant 1 : i32
    scf.for %scan3A_317 = %scan3A to %scan3A_4 step %scan3A_5  : i32 {
      %broadcast_in_dim3A = arith.constant 0.000000e+00 : f32
      %broadcast_in_dim3A_318 = vector.broadcast %broadcast_in_dim3A : f32 to vector<16xf32>
      %swap3A = arith.index_cast %scan3A_317 : i32 to index
      %swap3A_319 = arith.constant 0 : index
      %swap3A_320 = tpu.vector_load %arg10[%swap3A, %swap3A_319] {strides = array<i32>} : memref<128x128xf32, #tpu.memory_space<vmem>>, vector<1x16xf32>,
      %swap3A_321 = vector.shape_cast %swap3A_320 : vector<1x16xf32> to vector<16xf32>
      %swap3A_322 = vector.shape_cast %broadcast_in_dim3A_318 : vector<16xf32> to vector<1x16xf32>
      tpu.vector_store %arg10[%swap3A, %swap3A_319], %swap3A_322 {strides = array<i32>} : memref<128x128xf32, #tpu.memory_space<vmem>>, vector<1x16xf32>,
      %broadcast_in_dim3A_323 = arith.constant 0.000000e+00 : f32
      %broadcast_in_dim3A_324 = vector.broadcast %broadcast_in_dim3A_323 : f32 to vector<16xf32>
      %swap3A_325 = arith.index_cast %scan3A_317 : i32 to index
      %swap3A_326 = arith.constant 16 : index
      %swap3A_327 = tpu.vector_load %arg10[%swap3A_325, %swap3A_326] {strides = array<i32>} : memref<128x128xf32, #tpu.memory_space<vmem>>, vector<1x16xf32>,
      %swap3A_328 = vector.shape_cast %swap3A_327 : vector<1x16xf32> to vector<16xf32>
      %swap3A_329 = vector.shape_cast %broadcast_in_dim3A_324 : vector<16xf32> to vector<1x16xf32>
      tpu.vector_store %arg10[%swap3A_325, %swap3A_326], %swap3A_329 {strides = array<i32>} : memref<128x128xf32, #tpu.memory_space<vmem>>, vector<1x16xf32>,
      %broadcast_in_dim3A_330 = arith.constant 0.000000e+00 : f32
      %broadcast_in_dim3A_331 = vector.broadcast %broadcast_in_dim3A_330 : f32 to vector<16xf32>
      %swap3A_332 = arith.index_cast %scan3A_317 : i32 to index
      %swap3A_333 = arith.constant 32 : index
      %swap3A_334 = tpu.vector_load %arg10[%swap3A_332, %swap3A_333] {strides = array<i32>} : memref<128x128xf32, #tpu.memory_space<vmem>>, vector<1x16xf32>,
      %swap3A_335 = vector.shape_cast %swap3A_334 : vector<1x16xf32> to vector<16xf32>
      %swap3A_336 = vector.shape_cast %broadcast_in_dim3A_331 : vector<16xf32> to vector<1x16xf32>
      tpu.vector_store %arg10[%swap3A_332, %swap3A_333], %swap3A_336 {strides = array<i32>} : memref<128x128xf32, #tpu.memory_space<vmem>>, vector<1x16xf32>,
      %broadcast_in_dim3A_337 = arith.constant 0.000000e+00 : f32
      %broadcast_in_dim3A_338 = vector.broadcast %broadcast_in_dim3A_337 : f32 to vector<16xf32>
      %swap3A_339 = arith.index_cast %scan3A_317 : i32 to index
      %swap3A_340 = arith.constant 48 : index
      %swap3A_341 = tpu.vector_load %arg10[%swap3A_339, %swap3A_340] {strides = array<i32>} : memref<128x128xf32, #tpu.memory_space<vmem>>, vector<1x16xf32>,
      %swap3A_342 = vector.shape_cast %swap3A_341 : vector<1x16xf32> to vector<16xf32>
      %swap3A_343 = vector.shape_cast %broadcast_in_dim3A_338 : vector<16xf32> to vector<1x16xf32>
      tpu.vector_store %arg10[%swap3A_339, %swap3A_340], %swap3A_343 {strides = array<i32>} : memref<128x128xf32, #tpu.memory_space<vmem>>, vector<1x16xf32>,
      %broadcast_in_dim3A_344 = arith.constant 0.000000e+00 : f32
      %broadcast_in_dim3A_345 = vector.broadcast %broadcast_in_dim3A_344 : f32 to vector<16xf32>
      %swap3A_346 = arith.index_cast %scan3A_317 : i32 to index
      %swap3A_347 = arith.constant 64 : index
      %swap3A_348 = tpu.vector_load %arg10[%swap3A_346, %swap3A_347] {strides = array<i32>} : memref<128x128xf32, #tpu.memory_space<vmem>>, vector<1x16xf32>,
      %swap3A_349 = vector.shape_cast %swap3A_348 : vector<1x16xf32> to vector<16xf32>
      %swap3A_350 = vector.shape_cast %broadcast_in_dim3A_345 : vector<16xf32> to vector<1x16xf32>
      tpu.vector_store %arg10[%swap3A_346, %swap3A_347], %swap3A_350 {strides = array<i32>} : memref<128x128xf32, #tpu.memory_space<vmem>>, vector<1x16xf32>,
      %broadcast_in_dim3A_351 = arith.constant 0.000000e+00 : f32
      %broadcast_in_dim3A_352 = vector.broadcast %broadcast_in_dim3A_351 : f32 to vector<16xf32>
      %swap3A_353 = arith.index_cast %scan3A_317 : i32 to index
      %swap3A_354 = arith.constant 80 : index
      %swap3A_355 = tpu.vector_load %arg10[%swap3A_353, %swap3A_354] {strides = array<i32>} : memref<128x128xf32, #tpu.memory_space<vmem>>, vector<1x16xf32>,
      %swap3A_356 = vector.shape_cast %swap3A_355 : vector<1x16xf32> to vector<16xf32>
      %swap3A_357 = vector.shape_cast %broadcast_in_dim3A_352 : vector<16xf32> to vector<1x16xf32>
      tpu.vector_store %arg10[%swap3A_353, %swap3A_354], %swap3A_357 {strides = array<i32>} : memref<128x128xf32, #tpu.memory_space<vmem>>, vector<1x16xf32>,
      %broadcast_in_dim3A_358 = arith.constant 0.000000e+00 : f32
      %broadcast_in_dim3A_359 = vector.broadcast %broadcast_in_dim3A_358 : f32 to vector<16xf32>
      %swap3A_360 = arith.index_cast %scan3A_317 : i32 to index
      %swap3A_361 = arith.constant 96 : index
      %swap3A_362 = tpu.vector_load %arg10[%swap3A_360, %swap3A_361] {strides = array<i32>} : memref<128x128xf32, #tpu.memory_space<vmem>>, vector<1x16xf32>,
      %swap3A_363 = vector.shape_cast %swap3A_362 : vector<1x16xf32> to vector<16xf32>
      %swap3A_364 = vector.shape_cast %broadcast_in_dim3A_359 : vector<16xf32> to vector<1x16xf32>
      tpu.vector_store %arg10[%swap3A_360, %swap3A_361], %swap3A_364 {strides = array<i32>} : memref<128x128xf32, #tpu.memory_space<vmem>>, vector<1x16xf32>,
      %broadcast_in_dim3A_365 = arith.constant 0.000000e+00 : f32
      %broadcast_in_dim3A_366 = vector.broadcast %broadcast_in_dim3A_365 : f32 to vector<16xf32>
      %swap3A_367 = arith.index_cast %scan3A_317 : i32 to index
      %swap3A_368 = arith.constant 112 : index
      %swap3A_369 = tpu.vector_load %arg10[%swap3A_367, %swap3A_368] {strides = array<i32>} : memref<128x128xf32, #tpu.memory_space<vmem>>, vector<1x16xf32>,
      %swap3A_370 = vector.shape_cast %swap3A_369 : vector<1x16xf32> to vector<16xf32>
      %swap3A_371 = vector.shape_cast %broadcast_in_dim3A_366 : vector<16xf32> to vector<1x16xf32>
      tpu.vector_store %arg10[%swap3A_367, %swap3A_368], %swap3A_371 {strides = array<i32>} : memref<128x128xf32, #tpu.memory_space<vmem>>, vector<1x16xf32>,
    }
    %scan3A_6 = arith.constant 128 : i32
    %mul3A_7 = arith.constant 640 : i32
    %mul3A_8 = arith.muli %arg1, %mul3A_7 : i32
    %add3A_9 = arith.constant 0 : i32
    %add3A_10 = arith.addi %mul3A_8, %add3A_9 : i32
    "tpu.region"() ({
      %run_scoped3A = tpu.sem_alloc : memref<!tpu.dma_semaphore, #tpu.memory_space<semaphore_mem>>
      %dma_start3A_317 = arith.constant 0 : i32
      %dma_start3A_318 = tpu.memref_slice %arg12[%add3A_10, %dma_start3A_317] : memref<10240x128xf32, #tpu.memory_space<vmem_shared>> -> memref<128x128xf32, #tpu.memory_space<vmem_shared>>
      %dma_start3A_319 = arith.constant 0 : i32
      %dma_start3A_320 = tpu.memref_slice %arg12[%add3A_10, %dma_start3A_319] : memref<10240x128xf32, #tpu.memory_space<vmem_shared>> -> memref<128x128xf32, #tpu.memory_space<vmem_shared>>
      tpu.enqueue_dma source(%arg10 : memref<128x128xf32, #tpu.memory_space<vmem>>) target(%dma_start3A_320 : memref<128x128xf32, #tpu.memory_space<vmem_shared>>) target_semaphore(%run_scoped3A : memref<!tpu.dma_semaphore, #tpu.memory_space<semaphore_mem>>)
      %dma_wait3A_321 = arith.constant 0 : i32
      %dma_wait3A_322 = tpu.memref_slice %arg12[%add3A_10, %dma_wait3A_321] : memref<10240x128xf32, #tpu.memory_space<vmem_shared>> -> memref<128x128xf32, #tpu.memory_space<vmem_shared>>
      %dma_wait3A_323 = arith.constant 0 : i32
      %dma_wait3A_324 = tpu.memref_slice %arg12[%add3A_10, %dma_wait3A_323] : memref<10240x128xf32, #tpu.memory_space<vmem_shared>> -> memref<128x128xf32, #tpu.memory_space<vmem_shared>>
      tpu.wait_dma2 semaphore(%run_scoped3A : memref<!tpu.dma_semaphore, #tpu.memory_space<semaphore_mem>>) src(%arg10 : memref<128x128xf32, #tpu.memory_space<vmem>>) dst(%dma_wait3A_324 : memref<128x128xf32, #tpu.memory_space<vmem_shared>>)
      tpu.yield
    }) : () -> ()
    %mul3A_11 = arith.constant 640 : i32
    %mul3A_12 = arith.muli %arg1, %mul3A_11 : i32
    %add3A_13 = arith.constant 128 : i32
    %add3A_14 = arith.addi %mul3A_12, %add3A_13 : i32
    "tpu.region"() ({
      %run_scoped3A = tpu.sem_alloc : memref<!tpu.dma_semaphore, #tpu.memory_space<semaphore_mem>>
      %dma_start3A_317 = arith.constant 0 : i32
      %dma_start3A_318 = tpu.memref_slice %arg12[%add3A_14, %dma_start3A_317] : memref<10240x128xf32, #tpu.memory_space<vmem_shared>> -> memref<128x128xf32, #tpu.memory_space<vmem_shared>>
      %dma_start3A_319 = arith.constant 0 : i32
      %dma_start3A_320 = tpu.memref_slice %arg12[%add3A_14, %dma_start3A_319] : memref<10240x128xf32, #tpu.memory_space<vmem_shared>> -> memref<128x128xf32, #tpu.memory_space<vmem_shared>>
      tpu.enqueue_dma source(%arg10 : memref<128x128xf32, #tpu.memory_space<vmem>>) target(%dma_start3A_320 : memref<128x128xf32, #tpu.memory_space<vmem_shared>>) target_semaphore(%run_scoped3A : memref<!tpu.dma_semaphore, #tpu.memory_space<semaphore_mem>>)
      %dma_wait3A_321 = arith.constant 0 : i32
      %dma_wait3A_322 = tpu.memref_slice %arg12[%add3A_14, %dma_wait3A_321] : memref<10240x128xf32, #tpu.memory_space<vmem_shared>> -> memref<128x128xf32, #tpu.memory_space<vmem_shared>>
      %dma_wait3A_323 = arith.constant 0 : i32
      %dma_wait3A_324 = tpu.memref_slice %arg12[%add3A_14, %dma_wait3A_323] : memref<10240x128xf32, #tpu.memory_space<vmem_shared>> -> memref<128x128xf32, #tpu.memory_space<vmem_shared>>
      tpu.wait_dma2 semaphore(%run_scoped3A : memref<!tpu.dma_semaphore, #tpu.memory_space<semaphore_mem>>) src(%arg10 : memref<128x128xf32, #tpu.memory_space<vmem>>) dst(%dma_wait3A_324 : memref<128x128xf32, #tpu.memory_space<vmem_shared>>)
      tpu.yield
    }) : () -> ()
    %mul3A_15 = arith.constant 640 : i32
    %mul3A_16 = arith.muli %arg1, %mul3A_15 : i32
    %add3A_17 = arith.constant 256 : i32
    %add3A_18 = arith.addi %mul3A_16, %add3A_17 : i32
    "tpu.region"() ({
      %run_scoped3A = tpu.sem_alloc : memref<!tpu.dma_semaphore, #tpu.memory_space<semaphore_mem>>
      %dma_start3A_317 = arith.constant 0 : i32
      %dma_start3A_318 = tpu.memref_slice %arg12[%add3A_18, %dma_start3A_317] : memref<10240x128xf32, #tpu.memory_space<vmem_shared>> -> memref<128x128xf32, #tpu.memory_space<vmem_shared>>
      %dma_start3A_319 = arith.constant 0 : i32
      %dma_start3A_320 = tpu.memref_slice %arg12[%add3A_18, %dma_start3A_319] : memref<10240x128xf32, #tpu.memory_space<vmem_shared>> -> memref<128x128xf32, #tpu.memory_space<vmem_shared>>
      tpu.enqueue_dma source(%arg10 : memref<128x128xf32, #tpu.memory_space<vmem>>) target(%dma_start3A_320 : memref<128x128xf32, #tpu.memory_space<vmem_shared>>) target_semaphore(%run_scoped3A : memref<!tpu.dma_semaphore, #tpu.memory_space<semaphore_mem>>)
      %dma_wait3A_321 = arith.constant 0 : i32
      %dma_wait3A_322 = tpu.memref_slice %arg12[%add3A_18, %dma_wait3A_321] : memref<10240x128xf32, #tpu.memory_space<vmem_shared>> -> memref<128x128xf32, #tpu.memory_space<vmem_shared>>
      %dma_wait3A_323 = arith.constant 0 : i32
      %dma_wait3A_324 = tpu.memref_slice %arg12[%add3A_18, %dma_wait3A_323] : memref<10240x128xf32, #tpu.memory_space<vmem_shared>> -> memref<128x128xf32, #tpu.memory_space<vmem_shared>>
      tpu.wait_dma2 semaphore(%run_scoped3A : memref<!tpu.dma_semaphore, #tpu.memory_space<semaphore_mem>>) src(%arg10 : memref<128x128xf32, #tpu.memory_space<vmem>>) dst(%dma_wait3A_324 : memref<128x128xf32, #tpu.memory_space<vmem_shared>>)
      tpu.yield
    }) : () -> ()
    %mul3A_19 = arith.constant 640 : i32
    %mul3A_20 = arith.muli %arg1, %mul3A_19 : i32
    %add3A_21 = arith.constant 384 : i32
    %add3A_22 = arith.addi %mul3A_20, %add3A_21 : i32
    "tpu.region"() ({
      %run_scoped3A = tpu.sem_alloc : memref<!tpu.dma_semaphore, #tpu.memory_space<semaphore_mem>>
      %dma_start3A_317 = arith.constant 0 : i32
      %dma_start3A_318 = tpu.memref_slice %arg12[%add3A_22, %dma_start3A_317] : memref<10240x128xf32, #tpu.memory_space<vmem_shared>> -> memref<128x128xf32, #tpu.memory_space<vmem_shared>>
      %dma_start3A_319 = arith.constant 0 : i32
      %dma_start3A_320 = tpu.memref_slice %arg12[%add3A_22, %dma_start3A_319] : memref<10240x128xf32, #tpu.memory_space<vmem_shared>> -> memref<128x128xf32, #tpu.memory_space<vmem_shared>>
      tpu.enqueue_dma source(%arg10 : memref<128x128xf32, #tpu.memory_space<vmem>>) target(%dma_start3A_320 : memref<128x128xf32, #tpu.memory_space<vmem_shared>>) target_semaphore(%run_scoped3A : memref<!tpu.dma_semaphore, #tpu.memory_space<semaphore_mem>>)
      %dma_wait3A_321 = arith.constant 0 : i32
      %dma_wait3A_322 = tpu.memref_slice %arg12[%add3A_22, %dma_wait3A_321] : memref<10240x128xf32, #tpu.memory_space<vmem_shared>> -> memref<128x128xf32, #tpu.memory_space<vmem_shared>>
      %dma_wait3A_323 = arith.constant 0 : i32
      %dma_wait3A_324 = tpu.memref_slice %arg12[%add3A_22, %dma_wait3A_323] : memref<10240x128xf32, #tpu.memory_space<vmem_shared>> -> memref<128x128xf32, #tpu.memory_space<vmem_shared>>
      tpu.wait_dma2 semaphore(%run_scoped3A : memref<!tpu.dma_semaphore, #tpu.memory_space<semaphore_mem>>) src(%arg10 : memref<128x128xf32, #tpu.memory_space<vmem>>) dst(%dma_wait3A_324 : memref<128x128xf32, #tpu.memory_space<vmem_shared>>)
      tpu.yield
    }) : () -> ()
    %mul3A_23 = arith.constant 640 : i32
    %mul3A_24 = arith.muli %arg1, %mul3A_23 : i32
    %add3A_25 = arith.constant 512 : i32
    %add3A_26 = arith.addi %mul3A_24, %add3A_25 : i32
    "tpu.region"() ({
      %run_scoped3A = tpu.sem_alloc : memref<!tpu.dma_semaphore, #tpu.memory_space<semaphore_mem>>
      %dma_start3A_317 = arith.constant 0 : i32
      %dma_start3A_318 = tpu.memref_slice %arg12[%add3A_26, %dma_start3A_317] : memref<10240x128xf32, #tpu.memory_space<vmem_shared>> -> memref<128x128xf32, #tpu.memory_space<vmem_shared>>
      %dma_start3A_319 = arith.constant 0 : i32
      %dma_start3A_320 = tpu.memref_slice %arg12[%add3A_26, %dma_start3A_319] : memref<10240x128xf32, #tpu.memory_space<vmem_shared>> -> memref<128x128xf32, #tpu.memory_space<vmem_shared>>
      tpu.enqueue_dma source(%arg10 : memref<128x128xf32, #tpu.memory_space<vmem>>) target(%dma_start3A_320 : memref<128x128xf32, #tpu.memory_space<vmem_shared>>) target_semaphore(%run_scoped3A : memref<!tpu.dma_semaphore, #tpu.memory_space<semaphore_mem>>)
      %dma_wait3A_321 = arith.constant 0 : i32
      %dma_wait3A_322 = tpu.memref_slice %arg12[%add3A_26, %dma_wait3A_321] : memref<10240x128xf32, #tpu.memory_space<vmem_shared>> -> memref<128x128xf32, #tpu.memory_space<vmem_shared>>
      %dma_wait3A_323 = arith.constant 0 : i32
      %dma_wait3A_324 = tpu.memref_slice %arg12[%add3A_26, %dma_wait3A_323] : memref<10240x128xf32, #tpu.memory_space<vmem_shared>> -> memref<128x128xf32, #tpu.memory_space<vmem_shared>>
      tpu.wait_dma2 semaphore(%run_scoped3A : memref<!tpu.dma_semaphore, #tpu.memory_space<semaphore_mem>>) src(%arg10 : memref<128x128xf32, #tpu.memory_space<vmem>>) dst(%dma_wait3A_324 : memref<128x128xf32, #tpu.memory_space<vmem_shared>>)
      tpu.yield
    }) : () -> ()
    %barrier3A = arith.constant 0 : index
    tpu.barrier barrier_id(%barrier3A)
    "tpu.region"() ({
      %run_scoped3A = tpu.sem_alloc : memref<!tpu.dma_semaphore, #tpu.memory_space<semaphore_mem>>
      %dma_start3A_317 = arith.constant 0 : i32
      %dma_start3A_318 = arith.constant 0 : i32
      %dma_start3A_319 = tpu.memref_slice %arg3[%mul3A_2, %dma_start3A_317, %dma_start3A_318] : memref<2560x2x128xi32, #tpu.memory_space<hbm>> -> memref<1x2x128xi32, #tpu.memory_space<hbm>>
      %dma_start3A_320 = tpu.memref_squeeze %dma_start3A_319 : memref<1x2x128xi32, #tpu.memory_space<hbm>> -> memref<2x128xi32, #tpu.memory_space<hbm>>
      %dma_start3A_321 = arith.constant 0 : i32
      %dma_start3A_322 = arith.constant 0 : i32
      %dma_start3A_323 = tpu.memref_slice %arg3[%mul3A_2, %dma_start3A_321, %dma_start3A_322] : memref<2560x2x128xi32, #tpu.memory_space<hbm>> -> memref<1x2x128xi32, #tpu.memory_space<hbm>>
      %dma_start3A_324 = tpu.memref_squeeze %dma_start3A_323 : memref<1x2x128xi32, #tpu.memory_space<hbm>> -> memref<2x128xi32, #tpu.memory_space<hbm>>
      tpu.enqueue_dma source(%dma_start3A_324 : memref<2x128xi32, #tpu.memory_space<hbm>>) target(%arg6 : memref<2x128xi32, #tpu.memory_space<vmem>>) target_semaphore(%run_scoped3A : memref<!tpu.dma_semaphore, #tpu.memory_space<semaphore_mem>>)
      %dma_wait3A_325 = arith.constant 0 : i32
      %dma_wait3A_326 = arith.constant 0 : i32
      %dma_wait3A_327 = tpu.memref_slice %arg3[%mul3A_2, %dma_wait3A_325, %dma_wait3A_326] : memref<2560x2x128xi32, #tpu.memory_space<hbm>> -> memref<1x2x128xi32, #tpu.memory_space<hbm>>
      %dma_wait3A_328 = tpu.memref_squeeze %dma_wait3A_327 : memref<1x2x128xi32, #tpu.memory_space<hbm>> -> memref<2x128xi32, #tpu.memory_space<hbm>>
      %dma_wait3A_329 = arith.constant 0 : i32
      %dma_wait3A_330 = arith.constant 0 : i32
      %dma_wait3A_331 = tpu.memref_slice %arg3[%mul3A_2, %dma_wait3A_329, %dma_wait3A_330] : memref<2560x2x128xi32, #tpu.memory_space<hbm>> -> memref<1x2x128xi32, #tpu.memory_space<hbm>>
      %dma_wait3A_332 = tpu.memref_squeeze %dma_wait3A_331 : memref<1x2x128xi32, #tpu.memory_space<hbm>> -> memref<2x128xi32, #tpu.memory_space<hbm>>
      tpu.wait_dma2 semaphore(%run_scoped3A : memref<!tpu.dma_semaphore, #tpu.memory_space<semaphore_mem>>) src(%dma_wait3A_332 : memref<2x128xi32, #tpu.memory_space<hbm>>) dst(%arg6 : memref<2x128xi32, #tpu.memory_space<vmem>>)
      tpu.yield
    }) : () -> ()
    %dma_start3A = arith.constant 0 : i32
    %dma_start3A_27 = arith.constant 0 : i32
    %dma_start3A_28 = tpu.memref_slice %arg6[%dma_start3A, %dma_start3A_27] : memref<2x128xi32, #tpu.memory_space<vmem>> -> memref<1x128xi32, #tpu.memory_space<vmem>>
    %dma_start3A_29 = tpu.memref_squeeze %dma_start3A_28 : memref<1x128xi32, #tpu.memory_space<vmem>> -> memref<128xi32, #tpu.memory_space<vmem>>
    %dma_start3A_30 = arith.constant 0 : i32
    %dma_start3A_31 = arith.constant 0 : i32
    %dma_start3A_32 = tpu.memref_slice %arg2[%dma_start3A_30, %dma_start3A_31] : memref<10000x128xf32, #tpu.memory_space<hbm>> -> memref<10000x128xf32, #tpu.memory_space<hbm>>
    tpu.enqueue_indirect_dma source(%dma_start3A_32 : memref<10000x128xf32, #tpu.memory_space<hbm>>) target(%arg10 : memref<128x128xf32, #tpu.memory_space<vmem>>) offsets(%dma_start3A_29 : memref<128xi32, #tpu.memory_space<vmem>>) semaphore(%arg17 : memref<!tpu.dma_semaphore, #tpu.memory_space<semaphore_mem>>)
    %add3A_33 = arith.constant 1 : i32
    %add3A_34 = arith.addi %mul3A_2, %add3A_33 : i32
    %dma_start3A_35 = arith.constant 0 : i32
    %dma_start3A_36 = arith.constant 0 : i32
    %dma_start3A_37 = tpu.memref_slice %arg3[%add3A_34, %dma_start3A_35, %dma_start3A_36] : memref<2560x2x128xi32, #tpu.memory_space<hbm>> -> memref<1x2x128xi32, #tpu.memory_space<hbm>>
    %dma_start3A_38 = tpu.memref_squeeze %dma_start3A_37 : memref<1x2x128xi32, #tpu.memory_space<hbm>> -> memref<2x128xi32, #tpu.memory_space<hbm>>
    %dma_start3A_39 = arith.constant 0 : i32
    %dma_start3A_40 = arith.constant 0 : i32
    %dma_start3A_41 = tpu.memref_slice %arg3[%add3A_34, %dma_start3A_39, %dma_start3A_40] : memref<2560x2x128xi32, #tpu.memory_space<hbm>> -> memref<1x2x128xi32, #tpu.memory_space<hbm>>
    %dma_start3A_42 = tpu.memref_squeeze %dma_start3A_41 : memref<1x2x128xi32, #tpu.memory_space<hbm>> -> memref<2x128xi32, #tpu.memory_space<hbm>>
    tpu.enqueue_dma source(%dma_start3A_42 : memref<2x128xi32, #tpu.memory_space<hbm>>) target(%arg7 : memref<2x128xi32, #tpu.memory_space<vmem>>) target_semaphore(%arg14 : memref<!tpu.dma_semaphore, #tpu.memory_space<semaphore_mem>>)
    %add3A_43 = arith.constant 2 : i32
    %add3A_44 = arith.addi %mul3A_2, %add3A_43 : i32
    %dma_start3A_45 = arith.constant 0 : i32
    %dma_start3A_46 = arith.constant 0 : i32
    %dma_start3A_47 = tpu.memref_slice %arg3[%add3A_44, %dma_start3A_45, %dma_start3A_46] : memref<2560x2x128xi32, #tpu.memory_space<hbm>> -> memref<1x2x128xi32, #tpu.memory_space<hbm>>
    %dma_start3A_48 = tpu.memref_squeeze %dma_start3A_47 : memref<1x2x128xi32, #tpu.memory_space<hbm>> -> memref<2x128xi32, #tpu.memory_space<hbm>>
    %dma_start3A_49 = arith.constant 0 : i32
    %dma_start3A_50 = arith.constant 0 : i32
    %dma_start3A_51 = tpu.memref_slice %arg3[%add3A_44, %dma_start3A_49, %dma_start3A_50] : memref<2560x2x128xi32, #tpu.memory_space<hbm>> -> memref<1x2x128xi32, #tpu.memory_space<hbm>>
    %dma_start3A_52 = tpu.memref_squeeze %dma_start3A_51 : memref<1x2x128xi32, #tpu.memory_space<hbm>> -> memref<2x128xi32, #tpu.memory_space<hbm>>
    tpu.enqueue_dma source(%dma_start3A_52 : memref<2x128xi32, #tpu.memory_space<hbm>>) target(%arg8 : memref<2x128xi32, #tpu.memory_space<vmem>>) target_semaphore(%arg15 : memref<!tpu.dma_semaphore, #tpu.memory_space<semaphore_mem>>)
    %scan3A_53 = arith.constant 0 : i32
    %scan3A_54 = arith.constant 20 : i32
    %scan3A_55 = arith.addi %scan3A_53, %scan3A_54 : i32
    %scan3A_56 = arith.constant 1 : i32
    scf.for %scan3A_317 = %scan3A_53 to %scan3A_55 step %scan3A_56  : i32 {
      %mul3A_318 = arith.constant 4 : i32
      %mul3A_319 = arith.muli %mul3A_318, %scan3A_317 : i32
      %add3A_320 = arith.constant 0 : i32
      %add3A_321 = arith.addi %mul3A_319, %add3A_320 : i32
      %dma_wait3A_322 = arith.constant 0 : i32
      %dma_wait3A_323 = arith.constant 0 : i32
      %dma_wait3A_324 = tpu.memref_slice %arg6[%dma_wait3A_322, %dma_wait3A_323] : memref<2x128xi32, #tpu.memory_space<vmem>> -> memref<1x128xi32, #tpu.memory_space<vmem>>
      %dma_wait3A_325 = tpu.memref_squeeze %dma_wait3A_324 : memref<1x128xi32, #tpu.memory_space<vmem>> -> memref<128xi32, #tpu.memory_space<vmem>>
      %dma_wait3A_326 = arith.constant 0 : i32
      %dma_wait3A_327 = arith.constant 0 : i32
      %dma_wait3A_328 = tpu.memref_slice %arg2[%dma_wait3A_326, %dma_wait3A_327] : memref<10000x128xf32, #tpu.memory_space<hbm>> -> memref<10000x128xf32, #tpu.memory_space<hbm>>
      tpu.wait_indirect_dma semaphore(%arg17 : memref<!tpu.dma_semaphore, #tpu.memory_space<semaphore_mem>>) src(%dma_wait3A_328 : memref<10000x128xf32, #tpu.memory_space<hbm>>) dst(%arg10 : memref<128x128xf32, #tpu.memory_space<vmem>>)
      %dma_start3A_329 = arith.constant 1 : i32
      %dma_start3A_330 = arith.constant 0 : i32
      %dma_start3A_331 = tpu.memref_slice %arg6[%dma_start3A_329, %dma_start3A_330] : memref<2x128xi32, #tpu.memory_space<vmem>> -> memref<1x128xi32, #tpu.memory_space<vmem>>
      %dma_start3A_332 = tpu.memref_squeeze %dma_start3A_331 : memref<1x128xi32, #tpu.memory_space<vmem>> -> memref<128xi32, #tpu.memory_space<vmem>>
      %dma_start3A_333 = arith.constant 0 : i32
      %dma_start3A_334 = arith.constant 0 : i32
      %dma_start3A_335 = tpu.memref_slice %arg12[%dma_start3A_333, %dma_start3A_334] : memref<10240x128xf32, #tpu.memory_space<vmem_shared>> -> memref<10240x128xf32, #tpu.memory_space<vmem_shared>>
      tpu.enqueue_indirect_dma source(%arg10 : memref<128x128xf32, #tpu.memory_space<vmem>>) target(%dma_start3A_335 : memref<10240x128xf32, #tpu.memory_space<vmem_shared>>) offsets(%dma_start3A_332 : memref<128xi32, #tpu.memory_space<vmem>>) semaphore(%arg19 : memref<!tpu.dma_semaphore, #tpu.memory_space<semaphore_mem>>) {add = true}
      %gt3A = arith.constant 0 : i32
      %gt3A_336 = arith.cmpi sgt, %add3A_321, %gt3A : i32
      %convert_element_type3A_337 = arith.extui %gt3A_336 : i1 to i32
      %cond3A_338 = arith.constant 0 : i32
      %cond3A_339 = arith.cmpi ne, %convert_element_type3A_337, %cond3A_338 : i32
      scf.if %cond3A_339 {
        %dma_wait3A_464 = arith.constant 1 : i32
        %dma_wait3A_465 = arith.constant 0 : i32
        %dma_wait3A_466 = tpu.memref_slice %arg9[%dma_wait3A_464, %dma_wait3A_465] : memref<2x128xi32, #tpu.memory_space<vmem>> -> memref<1x128xi32, #tpu.memory_space<vmem>>
        %dma_wait3A_467 = tpu.memref_squeeze %dma_wait3A_466 : memref<1x128xi32, #tpu.memory_space<vmem>> -> memref<128xi32, #tpu.memory_space<vmem>>
        %dma_wait3A_468 = arith.constant 0 : i32
        %dma_wait3A_469 = arith.constant 0 : i32
        %dma_wait3A_470 = tpu.memref_slice %arg12[%dma_wait3A_468, %dma_wait3A_469] : memref<10240x128xf32, #tpu.memory_space<vmem_shared>> -> memref<10240x128xf32, #tpu.memory_space<vmem_shared>>
        tpu.wait_indirect_dma semaphore(%arg20 : memref<!tpu.dma_semaphore, #tpu.memory_space<semaphore_mem>>) src(%arg11 : memref<128x128xf32, #tpu.memory_space<vmem>>) dst(%dma_wait3A_470 : memref<10240x128xf32, #tpu.memory_space<vmem_shared>>)
      } else {
      }
      %add3A_340 = arith.constant 1 : i32
      %add3A_341 = arith.addi %add3A_321, %add3A_340 : i32
      %lt3A = arith.constant 80 : i32
      %lt3A_342 = arith.cmpi slt, %add3A_341, %lt3A : i32
      %convert_element_type3A_343 = arith.extui %lt3A_342 : i1 to i32
      %cond3A_344 = arith.constant 0 : i32
      %cond3A_345 = arith.cmpi ne, %convert_element_type3A_343, %cond3A_344 : i32
      scf.if %cond3A_345 {
        %dma_wait3A_464 = arith.constant 0 : i32
        %dma_wait3A_465 = arith.constant 0 : i32
        %dma_wait3A_466 = tpu.memref_slice %arg3[%mul3A_2, %dma_wait3A_464, %dma_wait3A_465] : memref<2560x2x128xi32, #tpu.memory_space<hbm>> -> memref<1x2x128xi32, #tpu.memory_space<hbm>>
        %dma_wait3A_467 = tpu.memref_squeeze %dma_wait3A_466 : memref<1x2x128xi32, #tpu.memory_space<hbm>> -> memref<2x128xi32, #tpu.memory_space<hbm>>
        %dma_wait3A_468 = arith.constant 0 : i32
        %dma_wait3A_469 = arith.constant 0 : i32
        %dma_wait3A_470 = tpu.memref_slice %arg3[%mul3A_2, %dma_wait3A_468, %dma_wait3A_469] : memref<2560x2x128xi32, #tpu.memory_space<hbm>> -> memref<1x2x128xi32, #tpu.memory_space<hbm>>
        %dma_wait3A_471 = tpu.memref_squeeze %dma_wait3A_470 : memref<1x2x128xi32, #tpu.memory_space<hbm>> -> memref<2x128xi32, #tpu.memory_space<hbm>>
        tpu.wait_dma2 semaphore(%arg14 : memref<!tpu.dma_semaphore, #tpu.memory_space<semaphore_mem>>) src(%dma_wait3A_471 : memref<2x128xi32, #tpu.memory_space<hbm>>) dst(%arg7 : memref<2x128xi32, #tpu.memory_space<vmem>>)
        %dma_start3A_472 = arith.constant 0 : i32
        %dma_start3A_473 = arith.constant 0 : i32
        %dma_start3A_474 = tpu.memref_slice %arg7[%dma_start3A_472, %dma_start3A_473] : memref<2x128xi32, #tpu.memory_space<vmem>> -> memref<1x128xi32, #tpu.memory_space<vmem>>
        %dma_start3A_475 = tpu.memref_squeeze %dma_start3A_474 : memref<1x128xi32, #tpu.memory_space<vmem>> -> memref<128xi32, #tpu.memory_space<vmem>>
        %dma_start3A_476 = arith.constant 0 : i32
        %dma_start3A_477 = arith.constant 0 : i32
        %dma_start3A_478 = tpu.memref_slice %arg2[%dma_start3A_476, %dma_start3A_477] : memref<10000x128xf32, #tpu.memory_space<hbm>> -> memref<10000x128xf32, #tpu.memory_space<hbm>>
        tpu.enqueue_indirect_dma source(%dma_start3A_478 : memref<10000x128xf32, #tpu.memory_space<hbm>>) target(%arg11 : memref<128x128xf32, #tpu.memory_space<vmem>>) offsets(%dma_start3A_475 : memref<128xi32, #tpu.memory_space<vmem>>) semaphore(%arg18 : memref<!tpu.dma_semaphore, #tpu.memory_space<semaphore_mem>>)
      } else {
      }
      %add3A_346 = arith.constant 3 : i32
      %add3A_347 = arith.addi %add3A_321, %add3A_346 : i32
      %lt3A_348 = arith.constant 80 : i32
      %lt3A_349 = arith.cmpi slt, %add3A_347, %lt3A_348 : i32
      %convert_element_type3A_350 = arith.extui %lt3A_349 : i1 to i32
      %cond3A_351 = arith.constant 0 : i32
      %cond3A_352 = arith.cmpi ne, %convert_element_type3A_350, %cond3A_351 : i32
      scf.if %cond3A_352 {
        %add3A_464 = arith.constant 3 : i32
        %add3A_465 = arith.addi %add3A_321, %add3A_464 : i32
        %add3A_466 = arith.addi %mul3A_2, %add3A_465 : i32
        %dma_start3A_467 = arith.constant 0 : i32
        %dma_start3A_468 = arith.constant 0 : i32
        %dma_start3A_469 = tpu.memref_slice %arg3[%add3A_466, %dma_start3A_467, %dma_start3A_468] : memref<2560x2x128xi32, #tpu.memory_space<hbm>> -> memref<1x2x128xi32, #tpu.memory_space<hbm>>
        %dma_start3A_470 = tpu.memref_squeeze %dma_start3A_469 : memref<1x2x128xi32, #tpu.memory_space<hbm>> -> memref<2x128xi32, #tpu.memory_space<hbm>>
        %dma_start3A_471 = arith.constant 0 : i32
        %dma_start3A_472 = arith.constant 0 : i32
        %dma_start3A_473 = tpu.memref_slice %arg3[%add3A_466, %dma_start3A_471, %dma_start3A_472] : memref<2560x2x128xi32, #tpu.memory_space<hbm>> -> memref<1x2x128xi32, #tpu.memory_space<hbm>>
        %dma_start3A_474 = tpu.memref_squeeze %dma_start3A_473 : memref<1x2x128xi32, #tpu.memory_space<hbm>> -> memref<2x128xi32, #tpu.memory_space<hbm>>
        tpu.enqueue_dma source(%dma_start3A_474 : memref<2x128xi32, #tpu.memory_space<hbm>>) target(%arg9 : memref<2x128xi32, #tpu.memory_space<vmem>>) target_semaphore(%arg16 : memref<!tpu.dma_semaphore, #tpu.memory_space<semaphore_mem>>)
      } else {
      }
      %mul3A_353 = arith.constant 4 : i32
      %mul3A_354 = arith.muli %mul3A_353, %scan3A_317 : i32
      %add3A_355 = arith.constant 1 : i32
      %add3A_356 = arith.addi %mul3A_354, %add3A_355 : i32
      %dma_wait3A_357 = arith.constant 0 : i32
      %dma_wait3A_358 = arith.constant 0 : i32
      %dma_wait3A_359 = tpu.memref_slice %arg7[%dma_wait3A_357, %dma_wait3A_358] : memref<2x128xi32, #tpu.memory_space<vmem>> -> memref<1x128xi32, #tpu.memory_space<vmem>>
      %dma_wait3A_360 = tpu.memref_squeeze %dma_wait3A_359 : memref<1x128xi32, #tpu.memory_space<vmem>> -> memref<128xi32, #tpu.memory_space<vmem>>
      %dma_wait3A_361 = arith.constant 0 : i32
      %dma_wait3A_362 = arith.constant 0 : i32
      %dma_wait3A_363 = tpu.memref_slice %arg2[%dma_wait3A_361, %dma_wait3A_362] : memref<10000x128xf32, #tpu.memory_space<hbm>> -> memref<10000x128xf32, #tpu.memory_space<hbm>>
      tpu.wait_indirect_dma semaphore(%arg18 : memref<!tpu.dma_semaphore, #tpu.memory_space<semaphore_mem>>) src(%dma_wait3A_363 : memref<10000x128xf32, #tpu.memory_space<hbm>>) dst(%arg11 : memref<128x128xf32, #tpu.memory_space<vmem>>)
      %dma_start3A_364 = arith.constant 1 : i32
      %dma_start3A_365 = arith.constant 0 : i32
      %dma_start3A_366 = tpu.memref_slice %arg7[%dma_start3A_364, %dma_start3A_365] : memref<2x128xi32, #tpu.memory_space<vmem>> -> memref<1x128xi32, #tpu.memory_space<vmem>>
      %dma_start3A_367 = tpu.memref_squeeze %dma_start3A_366 : memref<1x128xi32, #tpu.memory_space<vmem>> -> memref<128xi32, #tpu.memory_space<vmem>>
      %dma_start3A_368 = arith.constant 0 : i32
      %dma_start3A_369 = arith.constant 0 : i32
      %dma_start3A_370 = tpu.memref_slice %arg12[%dma_start3A_368, %dma_start3A_369] : memref<10240x128xf32, #tpu.memory_space<vmem_shared>> -> memref<10240x128xf32, #tpu.memory_space<vmem_shared>>
      tpu.enqueue_indirect_dma source(%arg11 : memref<128x128xf32, #tpu.memory_space<vmem>>) target(%dma_start3A_370 : memref<10240x128xf32, #tpu.memory_space<vmem_shared>>) offsets(%dma_start3A_367 : memref<128xi32, #tpu.memory_space<vmem>>) semaphore(%arg20 : memref<!tpu.dma_semaphore, #tpu.memory_space<semaphore_mem>>) {add = true}
      %gt3A_371 = arith.constant 0 : i32
      %gt3A_372 = arith.cmpi sgt, %add3A_356, %gt3A_371 : i32
      %convert_element_type3A_373 = arith.extui %gt3A_372 : i1 to i32
      %cond3A_374 = arith.constant 0 : i32
      %cond3A_375 = arith.cmpi ne, %convert_element_type3A_373, %cond3A_374 : i32
      scf.if %cond3A_375 {
        %dma_wait3A_464 = arith.constant 1 : i32
        %dma_wait3A_465 = arith.constant 0 : i32
        %dma_wait3A_466 = tpu.memref_slice %arg6[%dma_wait3A_464, %dma_wait3A_465] : memref<2x128xi32, #tpu.memory_space<vmem>> -> memref<1x128xi32, #tpu.memory_space<vmem>>
        %dma_wait3A_467 = tpu.memref_squeeze %dma_wait3A_466 : memref<1x128xi32, #tpu.memory_space<vmem>> -> memref<128xi32, #tpu.memory_space<vmem>>
        %dma_wait3A_468 = arith.constant 0 : i32
        %dma_wait3A_469 = arith.constant 0 : i32
        %dma_wait3A_470 = tpu.memref_slice %arg12[%dma_wait3A_468, %dma_wait3A_469] : memref<10240x128xf32, #tpu.memory_space<vmem_shared>> -> memref<10240x128xf32, #tpu.memory_space<vmem_shared>>
        tpu.wait_indirect_dma semaphore(%arg19 : memref<!tpu.dma_semaphore, #tpu.memory_space<semaphore_mem>>) src(%arg10 : memref<128x128xf32, #tpu.memory_space<vmem>>) dst(%dma_wait3A_470 : memref<10240x128xf32, #tpu.memory_space<vmem_shared>>)
      } else {
      }
      %add3A_376 = arith.constant 1 : i32
      %add3A_377 = arith.addi %add3A_356, %add3A_376 : i32
      %lt3A_378 = arith.constant 80 : i32
      %lt3A_379 = arith.cmpi slt, %add3A_377, %lt3A_378 : i32
      %convert_element_type3A_380 = arith.extui %lt3A_379 : i1 to i32
      %cond3A_381 = arith.constant 0 : i32
      %cond3A_382 = arith.cmpi ne, %convert_element_type3A_380, %cond3A_381 : i32
      scf.if %cond3A_382 {
        %dma_wait3A_464 = arith.constant 0 : i32
        %dma_wait3A_465 = arith.constant 0 : i32
        %dma_wait3A_466 = tpu.memref_slice %arg3[%mul3A_2, %dma_wait3A_464, %dma_wait3A_465] : memref<2560x2x128xi32, #tpu.memory_space<hbm>> -> memref<1x2x128xi32, #tpu.memory_space<hbm>>
        %dma_wait3A_467 = tpu.memref_squeeze %dma_wait3A_466 : memref<1x2x128xi32, #tpu.memory_space<hbm>> -> memref<2x128xi32, #tpu.memory_space<hbm>>
        %dma_wait3A_468 = arith.constant 0 : i32
        %dma_wait3A_469 = arith.constant 0 : i32
        %dma_wait3A_470 = tpu.memref_slice %arg3[%mul3A_2, %dma_wait3A_468, %dma_wait3A_469] : memref<2560x2x128xi32, #tpu.memory_space<hbm>> -> memref<1x2x128xi32, #tpu.memory_space<hbm>>
        %dma_wait3A_471 = tpu.memref_squeeze %dma_wait3A_470 : memref<1x2x128xi32, #tpu.memory_space<hbm>> -> memref<2x128xi32, #tpu.memory_space<hbm>>
        tpu.wait_dma2 semaphore(%arg15 : memref<!tpu.dma_semaphore, #tpu.memory_space<semaphore_mem>>) src(%dma_wait3A_471 : memref<2x128xi32, #tpu.memory_space<hbm>>) dst(%arg8 : memref<2x128xi32, #tpu.memory_space<vmem>>)
        %dma_start3A_472 = arith.constant 0 : i32
        %dma_start3A_473 = arith.constant 0 : i32
        %dma_start3A_474 = tpu.memref_slice %arg8[%dma_start3A_472, %dma_start3A_473] : memref<2x128xi32, #tpu.memory_space<vmem>> -> memref<1x128xi32, #tpu.memory_space<vmem>>
        %dma_start3A_475 = tpu.memref_squeeze %dma_start3A_474 : memref<1x128xi32, #tpu.memory_space<vmem>> -> memref<128xi32, #tpu.memory_space<vmem>>
        %dma_start3A_476 = arith.constant 0 : i32
        %dma_start3A_477 = arith.constant 0 : i32
        %dma_start3A_478 = tpu.memref_slice %arg2[%dma_start3A_476, %dma_start3A_477] : memref<10000x128xf32, #tpu.memory_space<hbm>> -> memref<10000x128xf32, #tpu.memory_space<hbm>>
        tpu.enqueue_indirect_dma source(%dma_start3A_478 : memref<10000x128xf32, #tpu.memory_space<hbm>>) target(%arg10 : memref<128x128xf32, #tpu.memory_space<vmem>>) offsets(%dma_start3A_475 : memref<128xi32, #tpu.memory_space<vmem>>) semaphore(%arg17 : memref<!tpu.dma_semaphore, #tpu.memory_space<semaphore_mem>>)
      } else {
      }
      %add3A_383 = arith.constant 3 : i32
      %add3A_384 = arith.addi %add3A_356, %add3A_383 : i32
      %lt3A_385 = arith.constant 80 : i32
      %lt3A_386 = arith.cmpi slt, %add3A_384, %lt3A_385 : i32
      %convert_element_type3A_387 = arith.extui %lt3A_386 : i1 to i32
      %cond3A_388 = arith.constant 0 : i32
      %cond3A_389 = arith.cmpi ne, %convert_element_type3A_387, %cond3A_388 : i32
      scf.if %cond3A_389 {
        %add3A_464 = arith.constant 3 : i32
        %add3A_465 = arith.addi %add3A_356, %add3A_464 : i32
        %add3A_466 = arith.addi %mul3A_2, %add3A_465 : i32
        %dma_start3A_467 = arith.constant 0 : i32
        %dma_start3A_468 = arith.constant 0 : i32
        %dma_start3A_469 = tpu.memref_slice %arg3[%add3A_466, %dma_start3A_467, %dma_start3A_468] : memref<2560x2x128xi32, #tpu.memory_space<hbm>> -> memref<1x2x128xi32, #tpu.memory_space<hbm>>
        %dma_start3A_470 = tpu.memref_squeeze %dma_start3A_469 : memref<1x2x128xi32, #tpu.memory_space<hbm>> -> memref<2x128xi32, #tpu.memory_space<hbm>>
        %dma_start3A_471 = arith.constant 0 : i32
        %dma_start3A_472 = arith.constant 0 : i32
        %dma_start3A_473 = tpu.memref_slice %arg3[%add3A_466, %dma_start3A_471, %dma_start3A_472] : memref<2560x2x128xi32, #tpu.memory_space<hbm>> -> memref<1x2x128xi32, #tpu.memory_space<hbm>>
        %dma_start3A_474 = tpu.memref_squeeze %dma_start3A_473 : memref<1x2x128xi32, #tpu.memory_space<hbm>> -> memref<2x128xi32, #tpu.memory_space<hbm>>
        tpu.enqueue_dma source(%dma_start3A_474 : memref<2x128xi32, #tpu.memory_space<hbm>>) target(%arg6 : memref<2x128xi32, #tpu.memory_space<vmem>>) target_semaphore(%arg13 : memref<!tpu.dma_semaphore, #tpu.memory_space<semaphore_mem>>)
      } else {
      }
      %mul3A_390 = arith.constant 4 : i32
      %mul3A_391 = arith.muli %mul3A_390, %scan3A_317 : i32
      %add3A_392 = arith.constant 2 : i32
      %add3A_393 = arith.addi %mul3A_391, %add3A_392 : i32
      %dma_wait3A_394 = arith.constant 0 : i32
      %dma_wait3A_395 = arith.constant 0 : i32
      %dma_wait3A_396 = tpu.memref_slice %arg8[%dma_wait3A_394, %dma_wait3A_395] : memref<2x128xi32, #tpu.memory_space<vmem>> -> memref<1x128xi32, #tpu.memory_space<vmem>>
      %dma_wait3A_397 = tpu.memref_squeeze %dma_wait3A_396 : memref<1x128xi32, #tpu.memory_space<vmem>> -> memref<128xi32, #tpu.memory_space<vmem>>
      %dma_wait3A_398 = arith.constant 0 : i32
      %dma_wait3A_399 = arith.constant 0 : i32
      %dma_wait3A_400 = tpu.memref_slice %arg2[%dma_wait3A_398, %dma_wait3A_399] : memref<10000x128xf32, #tpu.memory_space<hbm>> -> memref<10000x128xf32, #tpu.memory_space<hbm>>
      tpu.wait_indirect_dma semaphore(%arg17 : memref<!tpu.dma_semaphore, #tpu.memory_space<semaphore_mem>>) src(%dma_wait3A_400 : memref<10000x128xf32, #tpu.memory_space<hbm>>) dst(%arg10 : memref<128x128xf32, #tpu.memory_space<vmem>>)
      %dma_start3A_401 = arith.constant 1 : i32
      %dma_start3A_402 = arith.constant 0 : i32
      %dma_start3A_403 = tpu.memref_slice %arg8[%dma_start3A_401, %dma_start3A_402] : memref<2x128xi32, #tpu.memory_space<vmem>> -> memref<1x128xi32, #tpu.memory_space<vmem>>
      %dma_start3A_404 = tpu.memref_squeeze %dma_start3A_403 : memref<1x128xi32, #tpu.memory_space<vmem>> -> memref<128xi32, #tpu.memory_space<vmem>>
      %dma_start3A_405 = arith.constant 0 : i32
      %dma_start3A_406 = arith.constant 0 : i32
      %dma_start3A_407 = tpu.memref_slice %arg12[%dma_start3A_405, %dma_start3A_406] : memref<10240x128xf32, #tpu.memory_space<vmem_shared>> -> memref<10240x128xf32, #tpu.memory_space<vmem_shared>>
      tpu.enqueue_indirect_dma source(%arg10 : memref<128x128xf32, #tpu.memory_space<vmem>>) target(%dma_start3A_407 : memref<10240x128xf32, #tpu.memory_space<vmem_shared>>) offsets(%dma_start3A_404 : memref<128xi32, #tpu.memory_space<vmem>>) semaphore(%arg19 : memref<!tpu.dma_semaphore, #tpu.memory_space<semaphore_mem>>) {add = true}
      %gt3A_408 = arith.constant 0 : i32
      %gt3A_409 = arith.cmpi sgt, %add3A_393, %gt3A_408 : i32
      %convert_element_type3A_410 = arith.extui %gt3A_409 : i1 to i32
      %cond3A_411 = arith.constant 0 : i32
      %cond3A_412 = arith.cmpi ne, %convert_element_type3A_410, %cond3A_411 : i32
      scf.if %cond3A_412 {
        %dma_wait3A_464 = arith.constant 1 : i32
        %dma_wait3A_465 = arith.constant 0 : i32
        %dma_wait3A_466 = tpu.memref_slice %arg7[%dma_wait3A_464, %dma_wait3A_465] : memref<2x128xi32, #tpu.memory_space<vmem>> -> memref<1x128xi32, #tpu.memory_space<vmem>>
        %dma_wait3A_467 = tpu.memref_squeeze %dma_wait3A_466 : memref<1x128xi32, #tpu.memory_space<vmem>> -> memref<128xi32, #tpu.memory_space<vmem>>
        %dma_wait3A_468 = arith.constant 0 : i32
        %dma_wait3A_469 = arith.constant 0 : i32
        %dma_wait3A_470 = tpu.memref_slice %arg12[%dma_wait3A_468, %dma_wait3A_469] : memref<10240x128xf32, #tpu.memory_space<vmem_shared>> -> memref<10240x128xf32, #tpu.memory_space<vmem_shared>>
        tpu.wait_indirect_dma semaphore(%arg20 : memref<!tpu.dma_semaphore, #tpu.memory_space<semaphore_mem>>) src(%arg11 : memref<128x128xf32, #tpu.memory_space<vmem>>) dst(%dma_wait3A_470 : memref<10240x128xf32, #tpu.memory_space<vmem_shared>>)
      } else {
      }
      %add3A_413 = arith.constant 1 : i32
      %add3A_414 = arith.addi %add3A_393, %add3A_413 : i32
      %lt3A_415 = arith.constant 80 : i32
      %lt3A_416 = arith.cmpi slt, %add3A_414, %lt3A_415 : i32
      %convert_element_type3A_417 = arith.extui %lt3A_416 : i1 to i32
      %cond3A_418 = arith.constant 0 : i32
      %cond3A_419 = arith.cmpi ne, %convert_element_type3A_417, %cond3A_418 : i32
      scf.if %cond3A_419 {
        %dma_wait3A_464 = arith.constant 0 : i32
        %dma_wait3A_465 = arith.constant 0 : i32
        %dma_wait3A_466 = tpu.memref_slice %arg3[%mul3A_2, %dma_wait3A_464, %dma_wait3A_465] : memref<2560x2x128xi32, #tpu.memory_space<hbm>> -> memref<1x2x128xi32, #tpu.memory_space<hbm>>
        %dma_wait3A_467 = tpu.memref_squeeze %dma_wait3A_466 : memref<1x2x128xi32, #tpu.memory_space<hbm>> -> memref<2x128xi32, #tpu.memory_space<hbm>>
        %dma_wait3A_468 = arith.constant 0 : i32
        %dma_wait3A_469 = arith.constant 0 : i32
        %dma_wait3A_470 = tpu.memref_slice %arg3[%mul3A_2, %dma_wait3A_468, %dma_wait3A_469] : memref<2560x2x128xi32, #tpu.memory_space<hbm>> -> memref<1x2x128xi32, #tpu.memory_space<hbm>>
        %dma_wait3A_471 = tpu.memref_squeeze %dma_wait3A_470 : memref<1x2x128xi32, #tpu.memory_space<hbm>> -> memref<2x128xi32, #tpu.memory_space<hbm>>
        tpu.wait_dma2 semaphore(%arg16 : memref<!tpu.dma_semaphore, #tpu.memory_space<semaphore_mem>>) src(%dma_wait3A_471 : memref<2x128xi32, #tpu.memory_space<hbm>>) dst(%arg9 : memref<2x128xi32, #tpu.memory_space<vmem>>)
        %dma_start3A_472 = arith.constant 0 : i32
        %dma_start3A_473 = arith.constant 0 : i32
        %dma_start3A_474 = tpu.memref_slice %arg9[%dma_start3A_472, %dma_start3A_473] : memref<2x128xi32, #tpu.memory_space<vmem>> -> memref<1x128xi32, #tpu.memory_space<vmem>>
        %dma_start3A_475 = tpu.memref_squeeze %dma_start3A_474 : memref<1x128xi32, #tpu.memory_space<vmem>> -> memref<128xi32, #tpu.memory_space<vmem>>
        %dma_start3A_476 = arith.constant 0 : i32
        %dma_start3A_477 = arith.constant 0 : i32
        %dma_start3A_478 = tpu.memref_slice %arg2[%dma_start3A_476, %dma_start3A_477] : memref<10000x128xf32, #tpu.memory_space<hbm>> -> memref<10000x128xf32, #tpu.memory_space<hbm>>
        tpu.enqueue_indirect_dma source(%dma_start3A_478 : memref<10000x128xf32, #tpu.memory_space<hbm>>) target(%arg11 : memref<128x128xf32, #tpu.memory_space<vmem>>) offsets(%dma_start3A_475 : memref<128xi32, #tpu.memory_space<vmem>>) semaphore(%arg18 : memref<!tpu.dma_semaphore, #tpu.memory_space<semaphore_mem>>)
      } else {
      }
      %add3A_420 = arith.constant 3 : i32
      %add3A_421 = arith.addi %add3A_393, %add3A_420 : i32
      %lt3A_422 = arith.constant 80 : i32
      %lt3A_423 = arith.cmpi slt, %add3A_421, %lt3A_422 : i32
      %convert_element_type3A_424 = arith.extui %lt3A_423 : i1 to i32
      %cond3A_425 = arith.constant 0 : i32
      %cond3A_426 = arith.cmpi ne, %convert_element_type3A_424, %cond3A_425 : i32
      scf.if %cond3A_426 {
        %add3A_464 = arith.constant 3 : i32
        %add3A_465 = arith.addi %add3A_393, %add3A_464 : i32
        %add3A_466 = arith.addi %mul3A_2, %add3A_465 : i32
        %dma_start3A_467 = arith.constant 0 : i32
        %dma_start3A_468 = arith.constant 0 : i32
        %dma_start3A_469 = tpu.memref_slice %arg3[%add3A_466, %dma_start3A_467, %dma_start3A_468] : memref<2560x2x128xi32, #tpu.memory_space<hbm>> -> memref<1x2x128xi32, #tpu.memory_space<hbm>>
        %dma_start3A_470 = tpu.memref_squeeze %dma_start3A_469 : memref<1x2x128xi32, #tpu.memory_space<hbm>> -> memref<2x128xi32, #tpu.memory_space<hbm>>
        %dma_start3A_471 = arith.constant 0 : i32
        %dma_start3A_472 = arith.constant 0 : i32
        %dma_start3A_473 = tpu.memref_slice %arg3[%add3A_466, %dma_start3A_471, %dma_start3A_472] : memref<2560x2x128xi32, #tpu.memory_space<hbm>> -> memref<1x2x128xi32, #tpu.memory_space<hbm>>
        %dma_start3A_474 = tpu.memref_squeeze %dma_start3A_473 : memref<1x2x128xi32, #tpu.memory_space<hbm>> -> memref<2x128xi32, #tpu.memory_space<hbm>>
        tpu.enqueue_dma source(%dma_start3A_474 : memref<2x128xi32, #tpu.memory_space<hbm>>) target(%arg7 : memref<2x128xi32, #tpu.memory_space<vmem>>) target_semaphore(%arg14 : memref<!tpu.dma_semaphore, #tpu.memory_space<semaphore_mem>>)
      } else {
      }
      %mul3A_427 = arith.constant 4 : i32
      %mul3A_428 = arith.muli %mul3A_427, %scan3A_317 : i32
      %add3A_429 = arith.constant 3 : i32
      %add3A_430 = arith.addi %mul3A_428, %add3A_429 : i32
      %dma_wait3A_431 = arith.constant 0 : i32
      %dma_wait3A_432 = arith.constant 0 : i32
      %dma_wait3A_433 = tpu.memref_slice %arg9[%dma_wait3A_431, %dma_wait3A_432] : memref<2x128xi32, #tpu.memory_space<vmem>> -> memref<1x128xi32, #tpu.memory_space<vmem>>
      %dma_wait3A_434 = tpu.memref_squeeze %dma_wait3A_433 : memref<1x128xi32, #tpu.memory_space<vmem>> -> memref<128xi32, #tpu.memory_space<vmem>>
      %dma_wait3A_435 = arith.constant 0 : i32
      %dma_wait3A_436 = arith.constant 0 : i32
      %dma_wait3A_437 = tpu.memref_slice %arg2[%dma_wait3A_435, %dma_wait3A_436] : memref<10000x128xf32, #tpu.memory_space<hbm>> -> memref<10000x128xf32, #tpu.memory_space<hbm>>
      tpu.wait_indirect_dma semaphore(%arg18 : memref<!tpu.dma_semaphore, #tpu.memory_space<semaphore_mem>>) src(%dma_wait3A_437 : memref<10000x128xf32, #tpu.memory_space<hbm>>) dst(%arg11 : memref<128x128xf32, #tpu.memory_space<vmem>>)
      %dma_start3A_438 = arith.constant 1 : i32
      %dma_start3A_439 = arith.constant 0 : i32
      %dma_start3A_440 = tpu.memref_slice %arg9[%dma_start3A_438, %dma_start3A_439] : memref<2x128xi32, #tpu.memory_space<vmem>> -> memref<1x128xi32, #tpu.memory_space<vmem>>
      %dma_start3A_441 = tpu.memref_squeeze %dma_start3A_440 : memref<1x128xi32, #tpu.memory_space<vmem>> -> memref<128xi32, #tpu.memory_space<vmem>>
      %dma_start3A_442 = arith.constant 0 : i32
      %dma_start3A_443 = arith.constant 0 : i32
      %dma_start3A_444 = tpu.memref_slice %arg12[%dma_start3A_442, %dma_start3A_443] : memref<10240x128xf32, #tpu.memory_space<vmem_shared>> -> memref<10240x128xf32, #tpu.memory_space<vmem_shared>>
      tpu.enqueue_indirect_dma source(%arg11 : memref<128x128xf32, #tpu.memory_space<vmem>>) target(%dma_start3A_444 : memref<10240x128xf32, #tpu.memory_space<vmem_shared>>) offsets(%dma_start3A_441 : memref<128xi32, #tpu.memory_space<vmem>>) semaphore(%arg20 : memref<!tpu.dma_semaphore, #tpu.memory_space<semaphore_mem>>) {add = true}
      %gt3A_445 = arith.constant 0 : i32
      %gt3A_446 = arith.cmpi sgt, %add3A_430, %gt3A_445 : i32
      %convert_element_type3A_447 = arith.extui %gt3A_446 : i1 to i32
      %cond3A_448 = arith.constant 0 : i32
      %cond3A_449 = arith.cmpi ne, %convert_element_type3A_447, %cond3A_448 : i32
      scf.if %cond3A_449 {
        %dma_wait3A_464 = arith.constant 1 : i32
        %dma_wait3A_465 = arith.constant 0 : i32
        %dma_wait3A_466 = tpu.memref_slice %arg8[%dma_wait3A_464, %dma_wait3A_465] : memref<2x128xi32, #tpu.memory_space<vmem>> -> memref<1x128xi32, #tpu.memory_space<vmem>>
        %dma_wait3A_467 = tpu.memref_squeeze %dma_wait3A_466 : memref<1x128xi32, #tpu.memory_space<vmem>> -> memref<128xi32, #tpu.memory_space<vmem>>
        %dma_wait3A_468 = arith.constant 0 : i32
        %dma_wait3A_469 = arith.constant 0 : i32
        %dma_wait3A_470 = tpu.memref_slice %arg12[%dma_wait3A_468, %dma_wait3A_469] : memref<10240x128xf32, #tpu.memory_space<vmem_shared>> -> memref<10240x128xf32, #tpu.memory_space<vmem_shared>>
        tpu.wait_indirect_dma semaphore(%arg19 : memref<!tpu.dma_semaphore, #tpu.memory_space<semaphore_mem>>) src(%arg10 : memref<128x128xf32, #tpu.memory_space<vmem>>) dst(%dma_wait3A_470 : memref<10240x128xf32, #tpu.memory_space<vmem_shared>>)
      } else {
      }
      %add3A_450 = arith.constant 1 : i32
      %add3A_451 = arith.addi %add3A_430, %add3A_450 : i32
      %lt3A_452 = arith.constant 80 : i32
      %lt3A_453 = arith.cmpi slt, %add3A_451, %lt3A_452 : i32
      %convert_element_type3A_454 = arith.extui %lt3A_453 : i1 to i32
      %cond3A_455 = arith.constant 0 : i32
      %cond3A_456 = arith.cmpi ne, %convert_element_type3A_454, %cond3A_455 : i32
      scf.if %cond3A_456 {
        %dma_wait3A_464 = arith.constant 0 : i32
        %dma_wait3A_465 = arith.constant 0 : i32
        %dma_wait3A_466 = tpu.memref_slice %arg3[%mul3A_2, %dma_wait3A_464, %dma_wait3A_465] : memref<2560x2x128xi32, #tpu.memory_space<hbm>> -> memref<1x2x128xi32, #tpu.memory_space<hbm>>
        %dma_wait3A_467 = tpu.memref_squeeze %dma_wait3A_466 : memref<1x2x128xi32, #tpu.memory_space<hbm>> -> memref<2x128xi32, #tpu.memory_space<hbm>>
        %dma_wait3A_468 = arith.constant 0 : i32
        %dma_wait3A_469 = arith.constant 0 : i32
        %dma_wait3A_470 = tpu.memref_slice %arg3[%mul3A_2, %dma_wait3A_468, %dma_wait3A_469] : memref<2560x2x128xi32, #tpu.memory_space<hbm>> -> memref<1x2x128xi32, #tpu.memory_space<hbm>>
        %dma_wait3A_471 = tpu.memref_squeeze %dma_wait3A_470 : memref<1x2x128xi32, #tpu.memory_space<hbm>> -> memref<2x128xi32, #tpu.memory_space<hbm>>
        tpu.wait_dma2 semaphore(%arg13 : memref<!tpu.dma_semaphore, #tpu.memory_space<semaphore_mem>>) src(%dma_wait3A_471 : memref<2x128xi32, #tpu.memory_space<hbm>>) dst(%arg6 : memref<2x128xi32, #tpu.memory_space<vmem>>)
        %dma_start3A_472 = arith.constant 0 : i32
        %dma_start3A_473 = arith.constant 0 : i32
        %dma_start3A_474 = tpu.memref_slice %arg6[%dma_start3A_472, %dma_start3A_473] : memref<2x128xi32, #tpu.memory_space<vmem>> -> memref<1x128xi32, #tpu.memory_space<vmem>>
        %dma_start3A_475 = tpu.memref_squeeze %dma_start3A_474 : memref<1x128xi32, #tpu.memory_space<vmem>> -> memref<128xi32, #tpu.memory_space<vmem>>
        %dma_start3A_476 = arith.constant 0 : i32
        %dma_start3A_477 = arith.constant 0 : i32
        %dma_start3A_478 = tpu.memref_slice %arg2[%dma_start3A_476, %dma_start3A_477] : memref<10000x128xf32, #tpu.memory_space<hbm>> -> memref<10000x128xf32, #tpu.memory_space<hbm>>
        tpu.enqueue_indirect_dma source(%dma_start3A_478 : memref<10000x128xf32, #tpu.memory_space<hbm>>) target(%arg10 : memref<128x128xf32, #tpu.memory_space<vmem>>) offsets(%dma_start3A_475 : memref<128xi32, #tpu.memory_space<vmem>>) semaphore(%arg17 : memref<!tpu.dma_semaphore, #tpu.memory_space<semaphore_mem>>)
      } else {
      }
      %add3A_457 = arith.constant 3 : i32
      %add3A_458 = arith.addi %add3A_430, %add3A_457 : i32
      %lt3A_459 = arith.constant 80 : i32
      %lt3A_460 = arith.cmpi slt, %add3A_458, %lt3A_459 : i32
      %convert_element_type3A_461 = arith.extui %lt3A_460 : i1 to i32
      %cond3A_462 = arith.constant 0 : i32
      %cond3A_463 = arith.cmpi ne, %convert_element_type3A_461, %cond3A_462 : i32
      scf.if %cond3A_463 {
        %add3A_464 = arith.constant 3 : i32
        %add3A_465 = arith.addi %add3A_430, %add3A_464 : i32
        %add3A_466 = arith.addi %mul3A_2, %add3A_465 : i32
        %dma_start3A_467 = arith.constant 0 : i32
        %dma_start3A_468 = arith.constant 0 : i32
        %dma_start3A_469 = tpu.memref_slice %arg3[%add3A_466, %dma_start3A_467, %dma_start3A_468] : memref<2560x2x128xi32, #tpu.memory_space<hbm>> -> memref<1x2x128xi32, #tpu.memory_space<hbm>>
        %dma_start3A_470 = tpu.memref_squeeze %dma_start3A_469 : memref<1x2x128xi32, #tpu.memory_space<hbm>> -> memref<2x128xi32, #tpu.memory_space<hbm>>
        %dma_start3A_471 = arith.constant 0 : i32
        %dma_start3A_472 = arith.constant 0 : i32
        %dma_start3A_473 = tpu.memref_slice %arg3[%add3A_466, %dma_start3A_471, %dma_start3A_472] : memref<2560x2x128xi32, #tpu.memory_space<hbm>> -> memref<1x2x128xi32, #tpu.memory_space<hbm>>
        %dma_start3A_474 = tpu.memref_squeeze %dma_start3A_473 : memref<1x2x128xi32, #tpu.memory_space<hbm>> -> memref<2x128xi32, #tpu.memory_space<hbm>>
        tpu.enqueue_dma source(%dma_start3A_474 : memref<2x128xi32, #tpu.memory_space<hbm>>) target(%arg8 : memref<2x128xi32, #tpu.memory_space<vmem>>) target_semaphore(%arg15 : memref<!tpu.dma_semaphore, #tpu.memory_space<semaphore_mem>>)
      } else {
      }
    }
    %scan3A_57 = arith.constant 20 : i32
    %dma_wait3A = arith.constant 1 : i32
    %dma_wait3A_58 = arith.constant 0 : i32
    %dma_wait3A_59 = tpu.memref_slice %arg9[%dma_wait3A, %dma_wait3A_58] : memref<2x128xi32, #tpu.memory_space<vmem>> -> memref<1x128xi32, #tpu.memory_space<vmem>>
    %dma_wait3A_60 = tpu.memref_squeeze %dma_wait3A_59 : memref<1x128xi32, #tpu.memory_space<vmem>> -> memref<128xi32, #tpu.memory_space<vmem>>
    %dma_wait3A_61 = arith.constant 0 : i32
    %dma_wait3A_62 = arith.constant 0 : i32
    %dma_wait3A_63 = tpu.memref_slice %arg12[%dma_wait3A_61, %dma_wait3A_62] : memref<10240x128xf32, #tpu.memory_space<vmem_shared>> -> memref<10240x128xf32, #tpu.memory_space<vmem_shared>>
    tpu.wait_indirect_dma semaphore(%arg20 : memref<!tpu.dma_semaphore, #tpu.memory_space<semaphore_mem>>) src(%arg11 : memref<128x128xf32, #tpu.memory_space<vmem>>) dst(%dma_wait3A_63 : memref<10240x128xf32, #tpu.memory_space<vmem_shared>>)
    %barrier3A_64 = arith.constant 0 : index
    tpu.barrier barrier_id(%barrier3A_64)
    %eq3A = arith.constant 0 : i32
    %eq3A_65 = arith.cmpi eq, %arg1, %eq3A : i32
    %eq3A_66 = arith.constant 0 : i32
    %eq3A_67 = arith.cmpi eq, %arg0, %eq3A_66 : i32
    %and3A = arith.andi %eq3A_65, %eq3A_67 : i1
    %convert_element_type3A = arith.extui %and3A : i1 to i32
    %cond3A = arith.constant 0 : i32
    %cond3A_68 = arith.cmpi ne, %convert_element_type3A, %cond3A : i32
    scf.if %cond3A_68 {
      "tpu.region"() ({
        %run_scoped3A = tpu.sem_alloc : memref<!tpu.dma_semaphore, #tpu.memory_space<semaphore_mem>>
        %dma_start3A_317 = arith.constant 0 : i32
        %dma_start3A_318 = arith.constant 0 : i32
        %dma_start3A_319 = tpu.memref_slice %arg4[%dma_start3A_317, %dma_start3A_318] : memref<10000x128xf32, #tpu.memory_space<hbm>> -> memref<632x128xf32, #tpu.memory_space<hbm>>
        %dma_start3A_320 = arith.constant 0 : i32
        %dma_start3A_321 = arith.constant 0 : i32
        %dma_start3A_322 = tpu.memref_slice %arg12[%dma_start3A_320, %dma_start3A_321] : memref<10240x128xf32, #tpu.memory_space<vmem_shared>> -> memref<632x128xf32, #tpu.memory_space<vmem_shared>>
        tpu.enqueue_dma source(%dma_start3A_322 : memref<632x128xf32, #tpu.memory_space<vmem_shared>>) target(%dma_start3A_319 : memref<632x128xf32, #tpu.memory_space<hbm>>) target_semaphore(%run_scoped3A : memref<!tpu.dma_semaphore, #tpu.memory_space<semaphore_mem>>)
        %dma_wait3A_323 = arith.constant 0 : i32
        %dma_wait3A_324 = arith.constant 0 : i32
        %dma_wait3A_325 = tpu.memref_slice %arg4[%dma_wait3A_323, %dma_wait3A_324] : memref<10000x128xf32, #tpu.memory_space<hbm>> -> memref<632x128xf32, #tpu.memory_space<hbm>>
        %dma_wait3A_326 = arith.constant 0 : i32
        %dma_wait3A_327 = arith.constant 0 : i32
        %dma_wait3A_328 = tpu.memref_slice %arg12[%dma_wait3A_326, %dma_wait3A_327] : memref<10240x128xf32, #tpu.memory_space<vmem_shared>> -> memref<632x128xf32, #tpu.memory_space<vmem_shared>>
        tpu.wait_dma2 semaphore(%run_scoped3A : memref<!tpu.dma_semaphore, #tpu.memory_space<semaphore_mem>>) src(%dma_wait3A_328 : memref<632x128xf32, #tpu.memory_space<vmem_shared>>) dst(%dma_wait3A_325 : memref<632x128xf32, #tpu.memory_space<hbm>>)
        tpu.yield
      }) : () -> ()
    } else {
    }
    %eq3A_69 = arith.constant 0 : i32
    %eq3A_70 = arith.cmpi eq, %arg1, %eq3A_69 : i32
    %eq3A_71 = arith.constant 1 : i32
    %eq3A_72 = arith.cmpi eq, %arg0, %eq3A_71 : i32
    %and3A_73 = arith.andi %eq3A_70, %eq3A_72 : i1
    %convert_element_type3A_74 = arith.extui %and3A_73 : i1 to i32
    %cond3A_75 = arith.constant 0 : i32
    %cond3A_76 = arith.cmpi ne, %convert_element_type3A_74, %cond3A_75 : i32
    scf.if %cond3A_76 {
      "tpu.region"() ({
        %run_scoped3A = tpu.sem_alloc : memref<!tpu.dma_semaphore, #tpu.memory_space<semaphore_mem>>
        %dma_start3A_317 = arith.constant 0 : i32
        %dma_start3A_318 = arith.constant 0 : i32
        %dma_start3A_319 = tpu.memref_slice %arg5[%dma_start3A_317, %dma_start3A_318] : memref<10000x128xf32, #tpu.memory_space<hbm>> -> memref<632x128xf32, #tpu.memory_space<hbm>>
        %dma_start3A_320 = arith.constant 0 : i32
        %dma_start3A_321 = arith.constant 0 : i32
        %dma_start3A_322 = tpu.memref_slice %arg12[%dma_start3A_320, %dma_start3A_321] : memref<10240x128xf32, #tpu.memory_space<vmem_shared>> -> memref<632x128xf32, #tpu.memory_space<vmem_shared>>
        tpu.enqueue_dma source(%dma_start3A_322 : memref<632x128xf32, #tpu.memory_space<vmem_shared>>) target(%dma_start3A_319 : memref<632x128xf32, #tpu.memory_space<hbm>>) target_semaphore(%run_scoped3A : memref<!tpu.dma_semaphore, #tpu.memory_space<semaphore_mem>>)
        %dma_wait3A_323 = arith.constant 0 : i32
        %dma_wait3A_324 = arith.constant 0 : i32
        %dma_wait3A_325 = tpu.memref_slice %arg5[%dma_wait3A_323, %dma_wait3A_324] : memref<10000x128xf32, #tpu.memory_space<hbm>> -> memref<632x128xf32, #tpu.memory_space<hbm>>
        %dma_wait3A_326 = arith.constant 0 : i32
        %dma_wait3A_327 = arith.constant 0 : i32
        %dma_wait3A_328 = tpu.memref_slice %arg12[%dma_wait3A_326, %dma_wait3A_327] : memref<10240x128xf32, #tpu.memory_space<vmem_shared>> -> memref<632x128xf32, #tpu.memory_space<vmem_shared>>
        tpu.wait_dma2 semaphore(%run_scoped3A : memref<!tpu.dma_semaphore, #tpu.memory_space<semaphore_mem>>) src(%dma_wait3A_328 : memref<632x128xf32, #tpu.memory_space<vmem_shared>>) dst(%dma_wait3A_325 : memref<632x128xf32, #tpu.memory_space<hbm>>)
        tpu.yield
      }) : () -> ()
    } else {
    }
    %eq3A_77 = arith.constant 1 : i32
    %eq3A_78 = arith.cmpi eq, %arg1, %eq3A_77 : i32
    %eq3A_79 = arith.constant 0 : i32
    %eq3A_80 = arith.cmpi eq, %arg0, %eq3A_79 : i32
    %and3A_81 = arith.andi %eq3A_78, %eq3A_80 : i1
    %convert_element_type3A_82 = arith.extui %and3A_81 : i1 to i32
    %cond3A_83 = arith.constant 0 : i32
    %cond3A_84 = arith.cmpi ne, %convert_element_type3A_82, %cond3A_83 : i32
    scf.if %cond3A_84 {
      "tpu.region"() ({
        %run_scoped3A = tpu.sem_alloc : memref<!tpu.dma_semaphore, #tpu.memory_space<semaphore_mem>>
        %dma_start3A_317 = arith.constant 632 : i32
        %dma_start3A_318 = arith.constant 0 : i32
        %dma_start3A_319 = tpu.memref_slice %arg4[%dma_start3A_317, %dma_start3A_318] : memref<10000x128xf32, #tpu.memory_space<hbm>> -> memref<632x128xf32, #tpu.memory_space<hbm>>
        %dma_start3A_320 = arith.constant 632 : i32
        %dma_start3A_321 = arith.constant 0 : i32
        %dma_start3A_322 = tpu.memref_slice %arg12[%dma_start3A_320, %dma_start3A_321] : memref<10240x128xf32, #tpu.memory_space<vmem_shared>> -> memref<632x128xf32, #tpu.memory_space<vmem_shared>>
        tpu.enqueue_dma source(%dma_start3A_322 : memref<632x128xf32, #tpu.memory_space<vmem_shared>>) target(%dma_start3A_319 : memref<632x128xf32, #tpu.memory_space<hbm>>) target_semaphore(%run_scoped3A : memref<!tpu.dma_semaphore, #tpu.memory_space<semaphore_mem>>)
        %dma_wait3A_323 = arith.constant 632 : i32
        %dma_wait3A_324 = arith.constant 0 : i32
        %dma_wait3A_325 = tpu.memref_slice %arg4[%dma_wait3A_323, %dma_wait3A_324] : memref<10000x128xf32, #tpu.memory_space<hbm>> -> memref<632x128xf32, #tpu.memory_space<hbm>>
        %dma_wait3A_326 = arith.constant 632 : i32
        %dma_wait3A_327 = arith.constant 0 : i32
        %dma_wait3A_328 = tpu.memref_slice %arg12[%dma_wait3A_326, %dma_wait3A_327] : memref<10240x128xf32, #tpu.memory_space<vmem_shared>> -> memref<632x128xf32, #tpu.memory_space<vmem_shared>>
        tpu.wait_dma2 semaphore(%run_scoped3A : memref<!tpu.dma_semaphore, #tpu.memory_space<semaphore_mem>>) src(%dma_wait3A_328 : memref<632x128xf32, #tpu.memory_space<vmem_shared>>) dst(%dma_wait3A_325 : memref<632x128xf32, #tpu.memory_space<hbm>>)
        tpu.yield
      }) : () -> ()
    } else {
    }
    %eq3A_85 = arith.constant 1 : i32
    %eq3A_86 = arith.cmpi eq, %arg1, %eq3A_85 : i32
    %eq3A_87 = arith.constant 1 : i32
    %eq3A_88 = arith.cmpi eq, %arg0, %eq3A_87 : i32
    %and3A_89 = arith.andi %eq3A_86, %eq3A_88 : i1
    %convert_element_type3A_90 = arith.extui %and3A_89 : i1 to i32
    %cond3A_91 = arith.constant 0 : i32
    %cond3A_92 = arith.cmpi ne, %convert_element_type3A_90, %cond3A_91 : i32
    scf.if %cond3A_92 {
      "tpu.region"() ({
        %run_scoped3A = tpu.sem_alloc : memref<!tpu.dma_semaphore, #tpu.memory_space<semaphore_mem>>
        %dma_start3A_317 = arith.constant 632 : i32
        %dma_start3A_318 = arith.constant 0 : i32
        %dma_start3A_319 = tpu.memref_slice %arg5[%dma_start3A_317, %dma_start3A_318] : memref<10000x128xf32, #tpu.memory_space<hbm>> -> memref<632x128xf32, #tpu.memory_space<hbm>>
        %dma_start3A_320 = arith.constant 632 : i32
        %dma_start3A_321 = arith.constant 0 : i32
        %dma_start3A_322 = tpu.memref_slice %arg12[%dma_start3A_320, %dma_start3A_321] : memref<10240x128xf32, #tpu.memory_space<vmem_shared>> -> memref<632x128xf32, #tpu.memory_space<vmem_shared>>
        tpu.enqueue_dma source(%dma_start3A_322 : memref<632x128xf32, #tpu.memory_space<vmem_shared>>) target(%dma_start3A_319 : memref<632x128xf32, #tpu.memory_space<hbm>>) target_semaphore(%run_scoped3A : memref<!tpu.dma_semaphore, #tpu.memory_space<semaphore_mem>>)
        %dma_wait3A_323 = arith.constant 632 : i32
        %dma_wait3A_324 = arith.constant 0 : i32
        %dma_wait3A_325 = tpu.memref_slice %arg5[%dma_wait3A_323, %dma_wait3A_324] : memref<10000x128xf32, #tpu.memory_space<hbm>> -> memref<632x128xf32, #tpu.memory_space<hbm>>
        %dma_wait3A_326 = arith.constant 632 : i32
        %dma_wait3A_327 = arith.constant 0 : i32
        %dma_wait3A_328 = tpu.memref_slice %arg12[%dma_wait3A_326, %dma_wait3A_327] : memref<10240x128xf32, #tpu.memory_space<vmem_shared>> -> memref<632x128xf32, #tpu.memory_space<vmem_shared>>
        tpu.wait_dma2 semaphore(%run_scoped3A : memref<!tpu.dma_semaphore, #tpu.memory_space<semaphore_mem>>) src(%dma_wait3A_328 : memref<632x128xf32, #tpu.memory_space<vmem_shared>>) dst(%dma_wait3A_325 : memref<632x128xf32, #tpu.memory_space<hbm>>)
        tpu.yield
      }) : () -> ()
    } else {
    }
    %eq3A_93 = arith.constant 2 : i32
    %eq3A_94 = arith.cmpi eq, %arg1, %eq3A_93 : i32
    %eq3A_95 = arith.constant 0 : i32
    %eq3A_96 = arith.cmpi eq, %arg0, %eq3A_95 : i32
    %and3A_97 = arith.andi %eq3A_94, %eq3A_96 : i1
    %convert_element_type3A_98 = arith.extui %and3A_97 : i1 to i32
    %cond3A_99 = arith.constant 0 : i32
    %cond3A_100 = arith.cmpi ne, %convert_element_type3A_98, %cond3A_99 : i32
    scf.if %cond3A_100 {
      "tpu.region"() ({
        %run_scoped3A = tpu.sem_alloc : memref<!tpu.dma_semaphore, #tpu.memory_space<semaphore_mem>>
        %dma_start3A_317 = arith.constant 1264 : i32
        %dma_start3A_318 = arith.constant 0 : i32
        %dma_start3A_319 = tpu.memref_slice %arg4[%dma_start3A_317, %dma_start3A_318] : memref<10000x128xf32, #tpu.memory_space<hbm>> -> memref<632x128xf32, #tpu.memory_space<hbm>>
        %dma_start3A_320 = arith.constant 1264 : i32
        %dma_start3A_321 = arith.constant 0 : i32
        %dma_start3A_322 = tpu.memref_slice %arg12[%dma_start3A_320, %dma_start3A_321] : memref<10240x128xf32, #tpu.memory_space<vmem_shared>> -> memref<632x128xf32, #tpu.memory_space<vmem_shared>>
        tpu.enqueue_dma source(%dma_start3A_322 : memref<632x128xf32, #tpu.memory_space<vmem_shared>>) target(%dma_start3A_319 : memref<632x128xf32, #tpu.memory_space<hbm>>) target_semaphore(%run_scoped3A : memref<!tpu.dma_semaphore, #tpu.memory_space<semaphore_mem>>)
        %dma_wait3A_323 = arith.constant 1264 : i32
        %dma_wait3A_324 = arith.constant 0 : i32
        %dma_wait3A_325 = tpu.memref_slice %arg4[%dma_wait3A_323, %dma_wait3A_324] : memref<10000x128xf32, #tpu.memory_space<hbm>> -> memref<632x128xf32, #tpu.memory_space<hbm>>
        %dma_wait3A_326 = arith.constant 1264 : i32
        %dma_wait3A_327 = arith.constant 0 : i32
        %dma_wait3A_328 = tpu.memref_slice %arg12[%dma_wait3A_326, %dma_wait3A_327] : memref<10240x128xf32, #tpu.memory_space<vmem_shared>> -> memref<632x128xf32, #tpu.memory_space<vmem_shared>>
        tpu.wait_dma2 semaphore(%run_scoped3A : memref<!tpu.dma_semaphore, #tpu.memory_space<semaphore_mem>>) src(%dma_wait3A_328 : memref<632x128xf32, #tpu.memory_space<vmem_shared>>) dst(%dma_wait3A_325 : memref<632x128xf32, #tpu.memory_space<hbm>>)
        tpu.yield
      }) : () -> ()
    } else {
    }
    %eq3A_101 = arith.constant 2 : i32
    %eq3A_102 = arith.cmpi eq, %arg1, %eq3A_101 : i32
    %eq3A_103 = arith.constant 1 : i32
    %eq3A_104 = arith.cmpi eq, %arg0, %eq3A_103 : i32
    %and3A_105 = arith.andi %eq3A_102, %eq3A_104 : i1
    %convert_element_type3A_106 = arith.extui %and3A_105 : i1 to i32
    %cond3A_107 = arith.constant 0 : i32
    %cond3A_108 = arith.cmpi ne, %convert_element_type3A_106, %cond3A_107 : i32
    scf.if %cond3A_108 {
      "tpu.region"() ({
        %run_scoped3A = tpu.sem_alloc : memref<!tpu.dma_semaphore, #tpu.memory_space<semaphore_mem>>
        %dma_start3A_317 = arith.constant 1264 : i32
        %dma_start3A_318 = arith.constant 0 : i32
        %dma_start3A_319 = tpu.memref_slice %arg5[%dma_start3A_317, %dma_start3A_318] : memref<10000x128xf32, #tpu.memory_space<hbm>> -> memref<632x128xf32, #tpu.memory_space<hbm>>
        %dma_start3A_320 = arith.constant 1264 : i32
        %dma_start3A_321 = arith.constant 0 : i32
        %dma_start3A_322 = tpu.memref_slice %arg12[%dma_start3A_320, %dma_start3A_321] : memref<10240x128xf32, #tpu.memory_space<vmem_shared>> -> memref<632x128xf32, #tpu.memory_space<vmem_shared>>
        tpu.enqueue_dma source(%dma_start3A_322 : memref<632x128xf32, #tpu.memory_space<vmem_shared>>) target(%dma_start3A_319 : memref<632x128xf32, #tpu.memory_space<hbm>>) target_semaphore(%run_scoped3A : memref<!tpu.dma_semaphore, #tpu.memory_space<semaphore_mem>>)
        %dma_wait3A_323 = arith.constant 1264 : i32
        %dma_wait3A_324 = arith.constant 0 : i32
        %dma_wait3A_325 = tpu.memref_slice %arg5[%dma_wait3A_323, %dma_wait3A_324] : memref<10000x128xf32, #tpu.memory_space<hbm>> -> memref<632x128xf32, #tpu.memory_space<hbm>>
        %dma_wait3A_326 = arith.constant 1264 : i32
        %dma_wait3A_327 = arith.constant 0 : i32
        %dma_wait3A_328 = tpu.memref_slice %arg12[%dma_wait3A_326, %dma_wait3A_327] : memref<10240x128xf32, #tpu.memory_space<vmem_shared>> -> memref<632x128xf32, #tpu.memory_space<vmem_shared>>
        tpu.wait_dma2 semaphore(%run_scoped3A : memref<!tpu.dma_semaphore, #tpu.memory_space<semaphore_mem>>) src(%dma_wait3A_328 : memref<632x128xf32, #tpu.memory_space<vmem_shared>>) dst(%dma_wait3A_325 : memref<632x128xf32, #tpu.memory_space<hbm>>)
        tpu.yield
      }) : () -> ()
    } else {
    }
    %eq3A_109 = arith.constant 3 : i32
    %eq3A_110 = arith.cmpi eq, %arg1, %eq3A_109 : i32
    %eq3A_111 = arith.constant 0 : i32
    %eq3A_112 = arith.cmpi eq, %arg0, %eq3A_111 : i32
    %and3A_113 = arith.andi %eq3A_110, %eq3A_112 : i1
    %convert_element_type3A_114 = arith.extui %and3A_113 : i1 to i32
    %cond3A_115 = arith.constant 0 : i32
    %cond3A_116 = arith.cmpi ne, %convert_element_type3A_114, %cond3A_115 : i32
    scf.if %cond3A_116 {
      "tpu.region"() ({
        %run_scoped3A = tpu.sem_alloc : memref<!tpu.dma_semaphore, #tpu.memory_space<semaphore_mem>>
        %dma_start3A_317 = arith.constant 1896 : i32
        %dma_start3A_318 = arith.constant 0 : i32
        %dma_start3A_319 = tpu.memref_slice %arg4[%dma_start3A_317, %dma_start3A_318] : memref<10000x128xf32, #tpu.memory_space<hbm>> -> memref<632x128xf32, #tpu.memory_space<hbm>>
        %dma_start3A_320 = arith.constant 1896 : i32
        %dma_start3A_321 = arith.constant 0 : i32
        %dma_start3A_322 = tpu.memref_slice %arg12[%dma_start3A_320, %dma_start3A_321] : memref<10240x128xf32, #tpu.memory_space<vmem_shared>> -> memref<632x128xf32, #tpu.memory_space<vmem_shared>>
        tpu.enqueue_dma source(%dma_start3A_322 : memref<632x128xf32, #tpu.memory_space<vmem_shared>>) target(%dma_start3A_319 : memref<632x128xf32, #tpu.memory_space<hbm>>) target_semaphore(%run_scoped3A : memref<!tpu.dma_semaphore, #tpu.memory_space<semaphore_mem>>)
        %dma_wait3A_323 = arith.constant 1896 : i32
        %dma_wait3A_324 = arith.constant 0 : i32
        %dma_wait3A_325 = tpu.memref_slice %arg4[%dma_wait3A_323, %dma_wait3A_324] : memref<10000x128xf32, #tpu.memory_space<hbm>> -> memref<632x128xf32, #tpu.memory_space<hbm>>
        %dma_wait3A_326 = arith.constant 1896 : i32
        %dma_wait3A_327 = arith.constant 0 : i32
        %dma_wait3A_328 = tpu.memref_slice %arg12[%dma_wait3A_326, %dma_wait3A_327] : memref<10240x128xf32, #tpu.memory_space<vmem_shared>> -> memref<632x128xf32, #tpu.memory_space<vmem_shared>>
        tpu.wait_dma2 semaphore(%run_scoped3A : memref<!tpu.dma_semaphore, #tpu.memory_space<semaphore_mem>>) src(%dma_wait3A_328 : memref<632x128xf32, #tpu.memory_space<vmem_shared>>) dst(%dma_wait3A_325 : memref<632x128xf32, #tpu.memory_space<hbm>>)
        tpu.yield
      }) : () -> ()
    } else {
    }
    %eq3A_117 = arith.constant 3 : i32
    %eq3A_118 = arith.cmpi eq, %arg1, %eq3A_117 : i32
    %eq3A_119 = arith.constant 1 : i32
    %eq3A_120 = arith.cmpi eq, %arg0, %eq3A_119 : i32
    %and3A_121 = arith.andi %eq3A_118, %eq3A_120 : i1
    %convert_element_type3A_122 = arith.extui %and3A_121 : i1 to i32
    %cond3A_123 = arith.constant 0 : i32
    %cond3A_124 = arith.cmpi ne, %convert_element_type3A_122, %cond3A_123 : i32
    scf.if %cond3A_124 {
      "tpu.region"() ({
        %run_scoped3A = tpu.sem_alloc : memref<!tpu.dma_semaphore, #tpu.memory_space<semaphore_mem>>
        %dma_start3A_317 = arith.constant 1896 : i32
        %dma_start3A_318 = arith.constant 0 : i32
        %dma_start3A_319 = tpu.memref_slice %arg5[%dma_start3A_317, %dma_start3A_318] : memref<10000x128xf32, #tpu.memory_space<hbm>> -> memref<632x128xf32, #tpu.memory_space<hbm>>
        %dma_start3A_320 = arith.constant 1896 : i32
        %dma_start3A_321 = arith.constant 0 : i32
        %dma_start3A_322 = tpu.memref_slice %arg12[%dma_start3A_320, %dma_start3A_321] : memref<10240x128xf32, #tpu.memory_space<vmem_shared>> -> memref<632x128xf32, #tpu.memory_space<vmem_shared>>
        tpu.enqueue_dma source(%dma_start3A_322 : memref<632x128xf32, #tpu.memory_space<vmem_shared>>) target(%dma_start3A_319 : memref<632x128xf32, #tpu.memory_space<hbm>>) target_semaphore(%run_scoped3A : memref<!tpu.dma_semaphore, #tpu.memory_space<semaphore_mem>>)
        %dma_wait3A_323 = arith.constant 1896 : i32
        %dma_wait3A_324 = arith.constant 0 : i32
        %dma_wait3A_325 = tpu.memref_slice %arg5[%dma_wait3A_323, %dma_wait3A_324] : memref<10000x128xf32, #tpu.memory_space<hbm>> -> memref<632x128xf32, #tpu.memory_space<hbm>>
        %dma_wait3A_326 = arith.constant 1896 : i32
        %dma_wait3A_327 = arith.constant 0 : i32
        %dma_wait3A_328 = tpu.memref_slice %arg12[%dma_wait3A_326, %dma_wait3A_327] : memref<10240x128xf32, #tpu.memory_space<vmem_shared>> -> memref<632x128xf32, #tpu.memory_space<vmem_shared>>
        tpu.wait_dma2 semaphore(%run_scoped3A : memref<!tpu.dma_semaphore, #tpu.memory_space<semaphore_mem>>) src(%dma_wait3A_328 : memref<632x128xf32, #tpu.memory_space<vmem_shared>>) dst(%dma_wait3A_325 : memref<632x128xf32, #tpu.memory_space<hbm>>)
        tpu.yield
      }) : () -> ()
    } else {
    }
    %eq3A_125 = arith.constant 4 : i32
    %eq3A_126 = arith.cmpi eq, %arg1, %eq3A_125 : i32
    %eq3A_127 = arith.constant 0 : i32
    %eq3A_128 = arith.cmpi eq, %arg0, %eq3A_127 : i32
    %and3A_129 = arith.andi %eq3A_126, %eq3A_128 : i1
    %convert_element_type3A_130 = arith.extui %and3A_129 : i1 to i32
    %cond3A_131 = arith.constant 0 : i32
    %cond3A_132 = arith.cmpi ne, %convert_element_type3A_130, %cond3A_131 : i32
    scf.if %cond3A_132 {
      "tpu.region"() ({
        %run_scoped3A = tpu.sem_alloc : memref<!tpu.dma_semaphore, #tpu.memory_space<semaphore_mem>>
        %dma_start3A_317 = arith.constant 2528 : i32
        %dma_start3A_318 = arith.constant 0 : i32
        %dma_start3A_319 = tpu.memref_slice %arg4[%dma_start3A_317, %dma_start3A_318] : memref<10000x128xf32, #tpu.memory_space<hbm>> -> memref<632x128xf32, #tpu.memory_space<hbm>>
        %dma_start3A_320 = arith.constant 2528 : i32
        %dma_start3A_321 = arith.constant 0 : i32
        %dma_start3A_322 = tpu.memref_slice %arg12[%dma_start3A_320, %dma_start3A_321] : memref<10240x128xf32, #tpu.memory_space<vmem_shared>> -> memref<632x128xf32, #tpu.memory_space<vmem_shared>>
        tpu.enqueue_dma source(%dma_start3A_322 : memref<632x128xf32, #tpu.memory_space<vmem_shared>>) target(%dma_start3A_319 : memref<632x128xf32, #tpu.memory_space<hbm>>) target_semaphore(%run_scoped3A : memref<!tpu.dma_semaphore, #tpu.memory_space<semaphore_mem>>)
        %dma_wait3A_323 = arith.constant 2528 : i32
        %dma_wait3A_324 = arith.constant 0 : i32
        %dma_wait3A_325 = tpu.memref_slice %arg4[%dma_wait3A_323, %dma_wait3A_324] : memref<10000x128xf32, #tpu.memory_space<hbm>> -> memref<632x128xf32, #tpu.memory_space<hbm>>
        %dma_wait3A_326 = arith.constant 2528 : i32
        %dma_wait3A_327 = arith.constant 0 : i32
        %dma_wait3A_328 = tpu.memref_slice %arg12[%dma_wait3A_326, %dma_wait3A_327] : memref<10240x128xf32, #tpu.memory_space<vmem_shared>> -> memref<632x128xf32, #tpu.memory_space<vmem_shared>>
        tpu.wait_dma2 semaphore(%run_scoped3A : memref<!tpu.dma_semaphore, #tpu.memory_space<semaphore_mem>>) src(%dma_wait3A_328 : memref<632x128xf32, #tpu.memory_space<vmem_shared>>) dst(%dma_wait3A_325 : memref<632x128xf32, #tpu.memory_space<hbm>>)
        tpu.yield
      }) : () -> ()
    } else {
    }
    %eq3A_133 = arith.constant 4 : i32
    %eq3A_134 = arith.cmpi eq, %arg1, %eq3A_133 : i32
    %eq3A_135 = arith.constant 1 : i32
    %eq3A_136 = arith.cmpi eq, %arg0, %eq3A_135 : i32
    %and3A_137 = arith.andi %eq3A_134, %eq3A_136 : i1
    %convert_element_type3A_138 = arith.extui %and3A_137 : i1 to i32
    %cond3A_139 = arith.constant 0 : i32
    %cond3A_140 = arith.cmpi ne, %convert_element_type3A_138, %cond3A_139 : i32
    scf.if %cond3A_140 {
      "tpu.region"() ({
        %run_scoped3A = tpu.sem_alloc : memref<!tpu.dma_semaphore, #tpu.memory_space<semaphore_mem>>
        %dma_start3A_317 = arith.constant 2528 : i32
        %dma_start3A_318 = arith.constant 0 : i32
        %dma_start3A_319 = tpu.memref_slice %arg5[%dma_start3A_317, %dma_start3A_318] : memref<10000x128xf32, #tpu.memory_space<hbm>> -> memref<632x128xf32, #tpu.memory_space<hbm>>
        %dma_start3A_320 = arith.constant 2528 : i32
        %dma_start3A_321 = arith.constant 0 : i32
        %dma_start3A_322 = tpu.memref_slice %arg12[%dma_start3A_320, %dma_start3A_321] : memref<10240x128xf32, #tpu.memory_space<vmem_shared>> -> memref<632x128xf32, #tpu.memory_space<vmem_shared>>
        tpu.enqueue_dma source(%dma_start3A_322 : memref<632x128xf32, #tpu.memory_space<vmem_shared>>) target(%dma_start3A_319 : memref<632x128xf32, #tpu.memory_space<hbm>>) target_semaphore(%run_scoped3A : memref<!tpu.dma_semaphore, #tpu.memory_space<semaphore_mem>>)
        %dma_wait3A_323 = arith.constant 2528 : i32
        %dma_wait3A_324 = arith.constant 0 : i32
        %dma_wait3A_325 = tpu.memref_slice %arg5[%dma_wait3A_323, %dma_wait3A_324] : memref<10000x128xf32, #tpu.memory_space<hbm>> -> memref<632x128xf32, #tpu.memory_space<hbm>>
        %dma_wait3A_326 = arith.constant 2528 : i32
        %dma_wait3A_327 = arith.constant 0 : i32
        %dma_wait3A_328 = tpu.memref_slice %arg12[%dma_wait3A_326, %dma_wait3A_327] : memref<10240x128xf32, #tpu.memory_space<vmem_shared>> -> memref<632x128xf32, #tpu.memory_space<vmem_shared>>
        tpu.wait_dma2 semaphore(%run_scoped3A : memref<!tpu.dma_semaphore, #tpu.memory_space<semaphore_mem>>) src(%dma_wait3A_328 : memref<632x128xf32, #tpu.memory_space<vmem_shared>>) dst(%dma_wait3A_325 : memref<632x128xf32, #tpu.memory_space<hbm>>)
        tpu.yield
      }) : () -> ()
    } else {
    }
    %eq3A_141 = arith.constant 5 : i32
    %eq3A_142 = arith.cmpi eq, %arg1, %eq3A_141 : i32
    %eq3A_143 = arith.constant 0 : i32
    %eq3A_144 = arith.cmpi eq, %arg0, %eq3A_143 : i32
    %and3A_145 = arith.andi %eq3A_142, %eq3A_144 : i1
    %convert_element_type3A_146 = arith.extui %and3A_145 : i1 to i32
    %cond3A_147 = arith.constant 0 : i32
    %cond3A_148 = arith.cmpi ne, %convert_element_type3A_146, %cond3A_147 : i32
    scf.if %cond3A_148 {
      "tpu.region"() ({
        %run_scoped3A = tpu.sem_alloc : memref<!tpu.dma_semaphore, #tpu.memory_space<semaphore_mem>>
        %dma_start3A_317 = arith.constant 3160 : i32
        %dma_start3A_318 = arith.constant 0 : i32
        %dma_start3A_319 = tpu.memref_slice %arg4[%dma_start3A_317, %dma_start3A_318] : memref<10000x128xf32, #tpu.memory_space<hbm>> -> memref<632x128xf32, #tpu.memory_space<hbm>>
        %dma_start3A_320 = arith.constant 3160 : i32
        %dma_start3A_321 = arith.constant 0 : i32
        %dma_start3A_322 = tpu.memref_slice %arg12[%dma_start3A_320, %dma_start3A_321] : memref<10240x128xf32, #tpu.memory_space<vmem_shared>> -> memref<632x128xf32, #tpu.memory_space<vmem_shared>>
        tpu.enqueue_dma source(%dma_start3A_322 : memref<632x128xf32, #tpu.memory_space<vmem_shared>>) target(%dma_start3A_319 : memref<632x128xf32, #tpu.memory_space<hbm>>) target_semaphore(%run_scoped3A : memref<!tpu.dma_semaphore, #tpu.memory_space<semaphore_mem>>)
        %dma_wait3A_323 = arith.constant 3160 : i32
        %dma_wait3A_324 = arith.constant 0 : i32
        %dma_wait3A_325 = tpu.memref_slice %arg4[%dma_wait3A_323, %dma_wait3A_324] : memref<10000x128xf32, #tpu.memory_space<hbm>> -> memref<632x128xf32, #tpu.memory_space<hbm>>
        %dma_wait3A_326 = arith.constant 3160 : i32
        %dma_wait3A_327 = arith.constant 0 : i32
        %dma_wait3A_328 = tpu.memref_slice %arg12[%dma_wait3A_326, %dma_wait3A_327] : memref<10240x128xf32, #tpu.memory_space<vmem_shared>> -> memref<632x128xf32, #tpu.memory_space<vmem_shared>>
        tpu.wait_dma2 semaphore(%run_scoped3A : memref<!tpu.dma_semaphore, #tpu.memory_space<semaphore_mem>>) src(%dma_wait3A_328 : memref<632x128xf32, #tpu.memory_space<vmem_shared>>) dst(%dma_wait3A_325 : memref<632x128xf32, #tpu.memory_space<hbm>>)
        tpu.yield
      }) : () -> ()
    } else {
    }
    %eq3A_149 = arith.constant 5 : i32
    %eq3A_150 = arith.cmpi eq, %arg1, %eq3A_149 : i32
    %eq3A_151 = arith.constant 1 : i32
    %eq3A_152 = arith.cmpi eq, %arg0, %eq3A_151 : i32
    %and3A_153 = arith.andi %eq3A_150, %eq3A_152 : i1
    %convert_element_type3A_154 = arith.extui %and3A_153 : i1 to i32
    %cond3A_155 = arith.constant 0 : i32
    %cond3A_156 = arith.cmpi ne, %convert_element_type3A_154, %cond3A_155 : i32
    scf.if %cond3A_156 {
      "tpu.region"() ({
        %run_scoped3A = tpu.sem_alloc : memref<!tpu.dma_semaphore, #tpu.memory_space<semaphore_mem>>
        %dma_start3A_317 = arith.constant 3160 : i32
        %dma_start3A_318 = arith.constant 0 : i32
        %dma_start3A_319 = tpu.memref_slice %arg5[%dma_start3A_317, %dma_start3A_318] : memref<10000x128xf32, #tpu.memory_space<hbm>> -> memref<632x128xf32, #tpu.memory_space<hbm>>
        %dma_start3A_320 = arith.constant 3160 : i32
        %dma_start3A_321 = arith.constant 0 : i32
        %dma_start3A_322 = tpu.memref_slice %arg12[%dma_start3A_320, %dma_start3A_321] : memref<10240x128xf32, #tpu.memory_space<vmem_shared>> -> memref<632x128xf32, #tpu.memory_space<vmem_shared>>
        tpu.enqueue_dma source(%dma_start3A_322 : memref<632x128xf32, #tpu.memory_space<vmem_shared>>) target(%dma_start3A_319 : memref<632x128xf32, #tpu.memory_space<hbm>>) target_semaphore(%run_scoped3A : memref<!tpu.dma_semaphore, #tpu.memory_space<semaphore_mem>>)
        %dma_wait3A_323 = arith.constant 3160 : i32
        %dma_wait3A_324 = arith.constant 0 : i32
        %dma_wait3A_325 = tpu.memref_slice %arg5[%dma_wait3A_323, %dma_wait3A_324] : memref<10000x128xf32, #tpu.memory_space<hbm>> -> memref<632x128xf32, #tpu.memory_space<hbm>>
        %dma_wait3A_326 = arith.constant 3160 : i32
        %dma_wait3A_327 = arith.constant 0 : i32
        %dma_wait3A_328 = tpu.memref_slice %arg12[%dma_wait3A_326, %dma_wait3A_327] : memref<10240x128xf32, #tpu.memory_space<vmem_shared>> -> memref<632x128xf32, #tpu.memory_space<vmem_shared>>
        tpu.wait_dma2 semaphore(%run_scoped3A : memref<!tpu.dma_semaphore, #tpu.memory_space<semaphore_mem>>) src(%dma_wait3A_328 : memref<632x128xf32, #tpu.memory_space<vmem_shared>>) dst(%dma_wait3A_325 : memref<632x128xf32, #tpu.memory_space<hbm>>)
        tpu.yield
      }) : () -> ()
    } else {
    }
    %eq3A_157 = arith.constant 6 : i32
    %eq3A_158 = arith.cmpi eq, %arg1, %eq3A_157 : i32
    %eq3A_159 = arith.constant 0 : i32
    %eq3A_160 = arith.cmpi eq, %arg0, %eq3A_159 : i32
    %and3A_161 = arith.andi %eq3A_158, %eq3A_160 : i1
    %convert_element_type3A_162 = arith.extui %and3A_161 : i1 to i32
    %cond3A_163 = arith.constant 0 : i32
    %cond3A_164 = arith.cmpi ne, %convert_element_type3A_162, %cond3A_163 : i32
    scf.if %cond3A_164 {
      "tpu.region"() ({
        %run_scoped3A = tpu.sem_alloc : memref<!tpu.dma_semaphore, #tpu.memory_space<semaphore_mem>>
        %dma_start3A_317 = arith.constant 3792 : i32
        %dma_start3A_318 = arith.constant 0 : i32
        %dma_start3A_319 = tpu.memref_slice %arg4[%dma_start3A_317, %dma_start3A_318] : memref<10000x128xf32, #tpu.memory_space<hbm>> -> memref<632x128xf32, #tpu.memory_space<hbm>>
        %dma_start3A_320 = arith.constant 3792 : i32
        %dma_start3A_321 = arith.constant 0 : i32
        %dma_start3A_322 = tpu.memref_slice %arg12[%dma_start3A_320, %dma_start3A_321] : memref<10240x128xf32, #tpu.memory_space<vmem_shared>> -> memref<632x128xf32, #tpu.memory_space<vmem_shared>>
        tpu.enqueue_dma source(%dma_start3A_322 : memref<632x128xf32, #tpu.memory_space<vmem_shared>>) target(%dma_start3A_319 : memref<632x128xf32, #tpu.memory_space<hbm>>) target_semaphore(%run_scoped3A : memref<!tpu.dma_semaphore, #tpu.memory_space<semaphore_mem>>)
        %dma_wait3A_323 = arith.constant 3792 : i32
        %dma_wait3A_324 = arith.constant 0 : i32
        %dma_wait3A_325 = tpu.memref_slice %arg4[%dma_wait3A_323, %dma_wait3A_324] : memref<10000x128xf32, #tpu.memory_space<hbm>> -> memref<632x128xf32, #tpu.memory_space<hbm>>
        %dma_wait3A_326 = arith.constant 3792 : i32
        %dma_wait3A_327 = arith.constant 0 : i32
        %dma_wait3A_328 = tpu.memref_slice %arg12[%dma_wait3A_326, %dma_wait3A_327] : memref<10240x128xf32, #tpu.memory_space<vmem_shared>> -> memref<632x128xf32, #tpu.memory_space<vmem_shared>>
        tpu.wait_dma2 semaphore(%run_scoped3A : memref<!tpu.dma_semaphore, #tpu.memory_space<semaphore_mem>>) src(%dma_wait3A_328 : memref<632x128xf32, #tpu.memory_space<vmem_shared>>) dst(%dma_wait3A_325 : memref<632x128xf32, #tpu.memory_space<hbm>>)
        tpu.yield
      }) : () -> ()
    } else {
    }
    %eq3A_165 = arith.constant 6 : i32
    %eq3A_166 = arith.cmpi eq, %arg1, %eq3A_165 : i32
    %eq3A_167 = arith.constant 1 : i32
    %eq3A_168 = arith.cmpi eq, %arg0, %eq3A_167 : i32
    %and3A_169 = arith.andi %eq3A_166, %eq3A_168 : i1
    %convert_element_type3A_170 = arith.extui %and3A_169 : i1 to i32
    %cond3A_171 = arith.constant 0 : i32
    %cond3A_172 = arith.cmpi ne, %convert_element_type3A_170, %cond3A_171 : i32
    scf.if %cond3A_172 {
      "tpu.region"() ({
        %run_scoped3A = tpu.sem_alloc : memref<!tpu.dma_semaphore, #tpu.memory_space<semaphore_mem>>
        %dma_start3A_317 = arith.constant 3792 : i32
        %dma_start3A_318 = arith.constant 0 : i32
        %dma_start3A_319 = tpu.memref_slice %arg5[%dma_start3A_317, %dma_start3A_318] : memref<10000x128xf32, #tpu.memory_space<hbm>> -> memref<632x128xf32, #tpu.memory_space<hbm>>
        %dma_start3A_320 = arith.constant 3792 : i32
        %dma_start3A_321 = arith.constant 0 : i32
        %dma_start3A_322 = tpu.memref_slice %arg12[%dma_start3A_320, %dma_start3A_321] : memref<10240x128xf32, #tpu.memory_space<vmem_shared>> -> memref<632x128xf32, #tpu.memory_space<vmem_shared>>
        tpu.enqueue_dma source(%dma_start3A_322 : memref<632x128xf32, #tpu.memory_space<vmem_shared>>) target(%dma_start3A_319 : memref<632x128xf32, #tpu.memory_space<hbm>>) target_semaphore(%run_scoped3A : memref<!tpu.dma_semaphore, #tpu.memory_space<semaphore_mem>>)
        %dma_wait3A_323 = arith.constant 3792 : i32
        %dma_wait3A_324 = arith.constant 0 : i32
        %dma_wait3A_325 = tpu.memref_slice %arg5[%dma_wait3A_323, %dma_wait3A_324] : memref<10000x128xf32, #tpu.memory_space<hbm>> -> memref<632x128xf32, #tpu.memory_space<hbm>>
        %dma_wait3A_326 = arith.constant 3792 : i32
        %dma_wait3A_327 = arith.constant 0 : i32
        %dma_wait3A_328 = tpu.memref_slice %arg12[%dma_wait3A_326, %dma_wait3A_327] : memref<10240x128xf32, #tpu.memory_space<vmem_shared>> -> memref<632x128xf32, #tpu.memory_space<vmem_shared>>
        tpu.wait_dma2 semaphore(%run_scoped3A : memref<!tpu.dma_semaphore, #tpu.memory_space<semaphore_mem>>) src(%dma_wait3A_328 : memref<632x128xf32, #tpu.memory_space<vmem_shared>>) dst(%dma_wait3A_325 : memref<632x128xf32, #tpu.memory_space<hbm>>)
        tpu.yield
      }) : () -> ()
    } else {
    }
    %eq3A_173 = arith.constant 7 : i32
    %eq3A_174 = arith.cmpi eq, %arg1, %eq3A_173 : i32
    %eq3A_175 = arith.constant 0 : i32
    %eq3A_176 = arith.cmpi eq, %arg0, %eq3A_175 : i32
    %and3A_177 = arith.andi %eq3A_174, %eq3A_176 : i1
    %convert_element_type3A_178 = arith.extui %and3A_177 : i1 to i32
    %cond3A_179 = arith.constant 0 : i32
    %cond3A_180 = arith.cmpi ne, %convert_element_type3A_178, %cond3A_179 : i32
    scf.if %cond3A_180 {
      "tpu.region"() ({
        %run_scoped3A = tpu.sem_alloc : memref<!tpu.dma_semaphore, #tpu.memory_space<semaphore_mem>>
        %dma_start3A_317 = arith.constant 4424 : i32
        %dma_start3A_318 = arith.constant 0 : i32
        %dma_start3A_319 = tpu.memref_slice %arg4[%dma_start3A_317, %dma_start3A_318] : memref<10000x128xf32, #tpu.memory_space<hbm>> -> memref<632x128xf32, #tpu.memory_space<hbm>>
        %dma_start3A_320 = arith.constant 4424 : i32
        %dma_start3A_321 = arith.constant 0 : i32
        %dma_start3A_322 = tpu.memref_slice %arg12[%dma_start3A_320, %dma_start3A_321] : memref<10240x128xf32, #tpu.memory_space<vmem_shared>> -> memref<632x128xf32, #tpu.memory_space<vmem_shared>>
        tpu.enqueue_dma source(%dma_start3A_322 : memref<632x128xf32, #tpu.memory_space<vmem_shared>>) target(%dma_start3A_319 : memref<632x128xf32, #tpu.memory_space<hbm>>) target_semaphore(%run_scoped3A : memref<!tpu.dma_semaphore, #tpu.memory_space<semaphore_mem>>)
        %dma_wait3A_323 = arith.constant 4424 : i32
        %dma_wait3A_324 = arith.constant 0 : i32
        %dma_wait3A_325 = tpu.memref_slice %arg4[%dma_wait3A_323, %dma_wait3A_324] : memref<10000x128xf32, #tpu.memory_space<hbm>> -> memref<632x128xf32, #tpu.memory_space<hbm>>
        %dma_wait3A_326 = arith.constant 4424 : i32
        %dma_wait3A_327 = arith.constant 0 : i32
        %dma_wait3A_328 = tpu.memref_slice %arg12[%dma_wait3A_326, %dma_wait3A_327] : memref<10240x128xf32, #tpu.memory_space<vmem_shared>> -> memref<632x128xf32, #tpu.memory_space<vmem_shared>>
        tpu.wait_dma2 semaphore(%run_scoped3A : memref<!tpu.dma_semaphore, #tpu.memory_space<semaphore_mem>>) src(%dma_wait3A_328 : memref<632x128xf32, #tpu.memory_space<vmem_shared>>) dst(%dma_wait3A_325 : memref<632x128xf32, #tpu.memory_space<hbm>>)
        tpu.yield
      }) : () -> ()
    } else {
    }
    %eq3A_181 = arith.constant 7 : i32
    %eq3A_182 = arith.cmpi eq, %arg1, %eq3A_181 : i32
    %eq3A_183 = arith.constant 1 : i32
    %eq3A_184 = arith.cmpi eq, %arg0, %eq3A_183 : i32
    %and3A_185 = arith.andi %eq3A_182, %eq3A_184 : i1
    %convert_element_type3A_186 = arith.extui %and3A_185 : i1 to i32
    %cond3A_187 = arith.constant 0 : i32
    %cond3A_188 = arith.cmpi ne, %convert_element_type3A_186, %cond3A_187 : i32
    scf.if %cond3A_188 {
      "tpu.region"() ({
        %run_scoped3A = tpu.sem_alloc : memref<!tpu.dma_semaphore, #tpu.memory_space<semaphore_mem>>
        %dma_start3A_317 = arith.constant 4424 : i32
        %dma_start3A_318 = arith.constant 0 : i32
        %dma_start3A_319 = tpu.memref_slice %arg5[%dma_start3A_317, %dma_start3A_318] : memref<10000x128xf32, #tpu.memory_space<hbm>> -> memref<632x128xf32, #tpu.memory_space<hbm>>
        %dma_start3A_320 = arith.constant 4424 : i32
        %dma_start3A_321 = arith.constant 0 : i32
        %dma_start3A_322 = tpu.memref_slice %arg12[%dma_start3A_320, %dma_start3A_321] : memref<10240x128xf32, #tpu.memory_space<vmem_shared>> -> memref<632x128xf32, #tpu.memory_space<vmem_shared>>
        tpu.enqueue_dma source(%dma_start3A_322 : memref<632x128xf32, #tpu.memory_space<vmem_shared>>) target(%dma_start3A_319 : memref<632x128xf32, #tpu.memory_space<hbm>>) target_semaphore(%run_scoped3A : memref<!tpu.dma_semaphore, #tpu.memory_space<semaphore_mem>>)
        %dma_wait3A_323 = arith.constant 4424 : i32
        %dma_wait3A_324 = arith.constant 0 : i32
        %dma_wait3A_325 = tpu.memref_slice %arg5[%dma_wait3A_323, %dma_wait3A_324] : memref<10000x128xf32, #tpu.memory_space<hbm>> -> memref<632x128xf32, #tpu.memory_space<hbm>>
        %dma_wait3A_326 = arith.constant 4424 : i32
        %dma_wait3A_327 = arith.constant 0 : i32
        %dma_wait3A_328 = tpu.memref_slice %arg12[%dma_wait3A_326, %dma_wait3A_327] : memref<10240x128xf32, #tpu.memory_space<vmem_shared>> -> memref<632x128xf32, #tpu.memory_space<vmem_shared>>
        tpu.wait_dma2 semaphore(%run_scoped3A : memref<!tpu.dma_semaphore, #tpu.memory_space<semaphore_mem>>) src(%dma_wait3A_328 : memref<632x128xf32, #tpu.memory_space<vmem_shared>>) dst(%dma_wait3A_325 : memref<632x128xf32, #tpu.memory_space<hbm>>)
        tpu.yield
      }) : () -> ()
    } else {
    }
    %eq3A_189 = arith.constant 8 : i32
    %eq3A_190 = arith.cmpi eq, %arg1, %eq3A_189 : i32
    %eq3A_191 = arith.constant 0 : i32
    %eq3A_192 = arith.cmpi eq, %arg0, %eq3A_191 : i32
    %and3A_193 = arith.andi %eq3A_190, %eq3A_192 : i1
    %convert_element_type3A_194 = arith.extui %and3A_193 : i1 to i32
    %cond3A_195 = arith.constant 0 : i32
    %cond3A_196 = arith.cmpi ne, %convert_element_type3A_194, %cond3A_195 : i32
    scf.if %cond3A_196 {
      "tpu.region"() ({
        %run_scoped3A = tpu.sem_alloc : memref<!tpu.dma_semaphore, #tpu.memory_space<semaphore_mem>>
        %dma_start3A_317 = arith.constant 5056 : i32
        %dma_start3A_318 = arith.constant 0 : i32
        %dma_start3A_319 = tpu.memref_slice %arg4[%dma_start3A_317, %dma_start3A_318] : memref<10000x128xf32, #tpu.memory_space<hbm>> -> memref<632x128xf32, #tpu.memory_space<hbm>>
        %dma_start3A_320 = arith.constant 5056 : i32
        %dma_start3A_321 = arith.constant 0 : i32
        %dma_start3A_322 = tpu.memref_slice %arg12[%dma_start3A_320, %dma_start3A_321] : memref<10240x128xf32, #tpu.memory_space<vmem_shared>> -> memref<632x128xf32, #tpu.memory_space<vmem_shared>>
        tpu.enqueue_dma source(%dma_start3A_322 : memref<632x128xf32, #tpu.memory_space<vmem_shared>>) target(%dma_start3A_319 : memref<632x128xf32, #tpu.memory_space<hbm>>) target_semaphore(%run_scoped3A : memref<!tpu.dma_semaphore, #tpu.memory_space<semaphore_mem>>)
        %dma_wait3A_323 = arith.constant 5056 : i32
        %dma_wait3A_324 = arith.constant 0 : i32
        %dma_wait3A_325 = tpu.memref_slice %arg4[%dma_wait3A_323, %dma_wait3A_324] : memref<10000x128xf32, #tpu.memory_space<hbm>> -> memref<632x128xf32, #tpu.memory_space<hbm>>
        %dma_wait3A_326 = arith.constant 5056 : i32
        %dma_wait3A_327 = arith.constant 0 : i32
        %dma_wait3A_328 = tpu.memref_slice %arg12[%dma_wait3A_326, %dma_wait3A_327] : memref<10240x128xf32, #tpu.memory_space<vmem_shared>> -> memref<632x128xf32, #tpu.memory_space<vmem_shared>>
        tpu.wait_dma2 semaphore(%run_scoped3A : memref<!tpu.dma_semaphore, #tpu.memory_space<semaphore_mem>>) src(%dma_wait3A_328 : memref<632x128xf32, #tpu.memory_space<vmem_shared>>) dst(%dma_wait3A_325 : memref<632x128xf32, #tpu.memory_space<hbm>>)
        tpu.yield
      }) : () -> ()
    } else {
    }
    %eq3A_197 = arith.constant 8 : i32
    %eq3A_198 = arith.cmpi eq, %arg1, %eq3A_197 : i32
    %eq3A_199 = arith.constant 1 : i32
    %eq3A_200 = arith.cmpi eq, %arg0, %eq3A_199 : i32
    %and3A_201 = arith.andi %eq3A_198, %eq3A_200 : i1
    %convert_element_type3A_202 = arith.extui %and3A_201 : i1 to i32
    %cond3A_203 = arith.constant 0 : i32
    %cond3A_204 = arith.cmpi ne, %convert_element_type3A_202, %cond3A_203 : i32
    scf.if %cond3A_204 {
      "tpu.region"() ({
        %run_scoped3A = tpu.sem_alloc : memref<!tpu.dma_semaphore, #tpu.memory_space<semaphore_mem>>
        %dma_start3A_317 = arith.constant 5056 : i32
        %dma_start3A_318 = arith.constant 0 : i32
        %dma_start3A_319 = tpu.memref_slice %arg5[%dma_start3A_317, %dma_start3A_318] : memref<10000x128xf32, #tpu.memory_space<hbm>> -> memref<632x128xf32, #tpu.memory_space<hbm>>
        %dma_start3A_320 = arith.constant 5056 : i32
        %dma_start3A_321 = arith.constant 0 : i32
        %dma_start3A_322 = tpu.memref_slice %arg12[%dma_start3A_320, %dma_start3A_321] : memref<10240x128xf32, #tpu.memory_space<vmem_shared>> -> memref<632x128xf32, #tpu.memory_space<vmem_shared>>
        tpu.enqueue_dma source(%dma_start3A_322 : memref<632x128xf32, #tpu.memory_space<vmem_shared>>) target(%dma_start3A_319 : memref<632x128xf32, #tpu.memory_space<hbm>>) target_semaphore(%run_scoped3A : memref<!tpu.dma_semaphore, #tpu.memory_space<semaphore_mem>>)
        %dma_wait3A_323 = arith.constant 5056 : i32
        %dma_wait3A_324 = arith.constant 0 : i32
        %dma_wait3A_325 = tpu.memref_slice %arg5[%dma_wait3A_323, %dma_wait3A_324] : memref<10000x128xf32, #tpu.memory_space<hbm>> -> memref<632x128xf32, #tpu.memory_space<hbm>>
        %dma_wait3A_326 = arith.constant 5056 : i32
        %dma_wait3A_327 = arith.constant 0 : i32
        %dma_wait3A_328 = tpu.memref_slice %arg12[%dma_wait3A_326, %dma_wait3A_327] : memref<10240x128xf32, #tpu.memory_space<vmem_shared>> -> memref<632x128xf32, #tpu.memory_space<vmem_shared>>
        tpu.wait_dma2 semaphore(%run_scoped3A : memref<!tpu.dma_semaphore, #tpu.memory_space<semaphore_mem>>) src(%dma_wait3A_328 : memref<632x128xf32, #tpu.memory_space<vmem_shared>>) dst(%dma_wait3A_325 : memref<632x128xf32, #tpu.memory_space<hbm>>)
        tpu.yield
      }) : () -> ()
    } else {
    }
    %eq3A_205 = arith.constant 9 : i32
    %eq3A_206 = arith.cmpi eq, %arg1, %eq3A_205 : i32
    %eq3A_207 = arith.constant 0 : i32
    %eq3A_208 = arith.cmpi eq, %arg0, %eq3A_207 : i32
    %and3A_209 = arith.andi %eq3A_206, %eq3A_208 : i1
    %convert_element_type3A_210 = arith.extui %and3A_209 : i1 to i32
    %cond3A_211 = arith.constant 0 : i32
    %cond3A_212 = arith.cmpi ne, %convert_element_type3A_210, %cond3A_211 : i32
    scf.if %cond3A_212 {
      "tpu.region"() ({
        %run_scoped3A = tpu.sem_alloc : memref<!tpu.dma_semaphore, #tpu.memory_space<semaphore_mem>>
        %dma_start3A_317 = arith.constant 5688 : i32
        %dma_start3A_318 = arith.constant 0 : i32
        %dma_start3A_319 = tpu.memref_slice %arg4[%dma_start3A_317, %dma_start3A_318] : memref<10000x128xf32, #tpu.memory_space<hbm>> -> memref<632x128xf32, #tpu.memory_space<hbm>>
        %dma_start3A_320 = arith.constant 5688 : i32
        %dma_start3A_321 = arith.constant 0 : i32
        %dma_start3A_322 = tpu.memref_slice %arg12[%dma_start3A_320, %dma_start3A_321] : memref<10240x128xf32, #tpu.memory_space<vmem_shared>> -> memref<632x128xf32, #tpu.memory_space<vmem_shared>>
        tpu.enqueue_dma source(%dma_start3A_322 : memref<632x128xf32, #tpu.memory_space<vmem_shared>>) target(%dma_start3A_319 : memref<632x128xf32, #tpu.memory_space<hbm>>) target_semaphore(%run_scoped3A : memref<!tpu.dma_semaphore, #tpu.memory_space<semaphore_mem>>)
        %dma_wait3A_323 = arith.constant 5688 : i32
        %dma_wait3A_324 = arith.constant 0 : i32
        %dma_wait3A_325 = tpu.memref_slice %arg4[%dma_wait3A_323, %dma_wait3A_324] : memref<10000x128xf32, #tpu.memory_space<hbm>> -> memref<632x128xf32, #tpu.memory_space<hbm>>
        %dma_wait3A_326 = arith.constant 5688 : i32
        %dma_wait3A_327 = arith.constant 0 : i32
        %dma_wait3A_328 = tpu.memref_slice %arg12[%dma_wait3A_326, %dma_wait3A_327] : memref<10240x128xf32, #tpu.memory_space<vmem_shared>> -> memref<632x128xf32, #tpu.memory_space<vmem_shared>>
        tpu.wait_dma2 semaphore(%run_scoped3A : memref<!tpu.dma_semaphore, #tpu.memory_space<semaphore_mem>>) src(%dma_wait3A_328 : memref<632x128xf32, #tpu.memory_space<vmem_shared>>) dst(%dma_wait3A_325 : memref<632x128xf32, #tpu.memory_space<hbm>>)
        tpu.yield
      }) : () -> ()
    } else {
    }
    %eq3A_213 = arith.constant 9 : i32
    %eq3A_214 = arith.cmpi eq, %arg1, %eq3A_213 : i32
    %eq3A_215 = arith.constant 1 : i32
    %eq3A_216 = arith.cmpi eq, %arg0, %eq3A_215 : i32
    %and3A_217 = arith.andi %eq3A_214, %eq3A_216 : i1
    %convert_element_type3A_218 = arith.extui %and3A_217 : i1 to i32
    %cond3A_219 = arith.constant 0 : i32
    %cond3A_220 = arith.cmpi ne, %convert_element_type3A_218, %cond3A_219 : i32
    scf.if %cond3A_220 {
      "tpu.region"() ({
        %run_scoped3A = tpu.sem_alloc : memref<!tpu.dma_semaphore, #tpu.memory_space<semaphore_mem>>
        %dma_start3A_317 = arith.constant 5688 : i32
        %dma_start3A_318 = arith.constant 0 : i32
        %dma_start3A_319 = tpu.memref_slice %arg5[%dma_start3A_317, %dma_start3A_318] : memref<10000x128xf32, #tpu.memory_space<hbm>> -> memref<632x128xf32, #tpu.memory_space<hbm>>
        %dma_start3A_320 = arith.constant 5688 : i32
        %dma_start3A_321 = arith.constant 0 : i32
        %dma_start3A_322 = tpu.memref_slice %arg12[%dma_start3A_320, %dma_start3A_321] : memref<10240x128xf32, #tpu.memory_space<vmem_shared>> -> memref<632x128xf32, #tpu.memory_space<vmem_shared>>
        tpu.enqueue_dma source(%dma_start3A_322 : memref<632x128xf32, #tpu.memory_space<vmem_shared>>) target(%dma_start3A_319 : memref<632x128xf32, #tpu.memory_space<hbm>>) target_semaphore(%run_scoped3A : memref<!tpu.dma_semaphore, #tpu.memory_space<semaphore_mem>>)
        %dma_wait3A_323 = arith.constant 5688 : i32
        %dma_wait3A_324 = arith.constant 0 : i32
        %dma_wait3A_325 = tpu.memref_slice %arg5[%dma_wait3A_323, %dma_wait3A_324] : memref<10000x128xf32, #tpu.memory_space<hbm>> -> memref<632x128xf32, #tpu.memory_space<hbm>>
        %dma_wait3A_326 = arith.constant 5688 : i32
        %dma_wait3A_327 = arith.constant 0 : i32
        %dma_wait3A_328 = tpu.memref_slice %arg12[%dma_wait3A_326, %dma_wait3A_327] : memref<10240x128xf32, #tpu.memory_space<vmem_shared>> -> memref<632x128xf32, #tpu.memory_space<vmem_shared>>
        tpu.wait_dma2 semaphore(%run_scoped3A : memref<!tpu.dma_semaphore, #tpu.memory_space<semaphore_mem>>) src(%dma_wait3A_328 : memref<632x128xf32, #tpu.memory_space<vmem_shared>>) dst(%dma_wait3A_325 : memref<632x128xf32, #tpu.memory_space<hbm>>)
        tpu.yield
      }) : () -> ()
    } else {
    }
    %eq3A_221 = arith.constant 10 : i32
    %eq3A_222 = arith.cmpi eq, %arg1, %eq3A_221 : i32
    %eq3A_223 = arith.constant 0 : i32
    %eq3A_224 = arith.cmpi eq, %arg0, %eq3A_223 : i32
    %and3A_225 = arith.andi %eq3A_222, %eq3A_224 : i1
    %convert_element_type3A_226 = arith.extui %and3A_225 : i1 to i32
    %cond3A_227 = arith.constant 0 : i32
    %cond3A_228 = arith.cmpi ne, %convert_element_type3A_226, %cond3A_227 : i32
    scf.if %cond3A_228 {
      "tpu.region"() ({
        %run_scoped3A = tpu.sem_alloc : memref<!tpu.dma_semaphore, #tpu.memory_space<semaphore_mem>>
        %dma_start3A_317 = arith.constant 6320 : i32
        %dma_start3A_318 = arith.constant 0 : i32
        %dma_start3A_319 = tpu.memref_slice %arg4[%dma_start3A_317, %dma_start3A_318] : memref<10000x128xf32, #tpu.memory_space<hbm>> -> memref<632x128xf32, #tpu.memory_space<hbm>>
        %dma_start3A_320 = arith.constant 6320 : i32
        %dma_start3A_321 = arith.constant 0 : i32
        %dma_start3A_322 = tpu.memref_slice %arg12[%dma_start3A_320, %dma_start3A_321] : memref<10240x128xf32, #tpu.memory_space<vmem_shared>> -> memref<632x128xf32, #tpu.memory_space<vmem_shared>>
        tpu.enqueue_dma source(%dma_start3A_322 : memref<632x128xf32, #tpu.memory_space<vmem_shared>>) target(%dma_start3A_319 : memref<632x128xf32, #tpu.memory_space<hbm>>) target_semaphore(%run_scoped3A : memref<!tpu.dma_semaphore, #tpu.memory_space<semaphore_mem>>)
        %dma_wait3A_323 = arith.constant 6320 : i32
        %dma_wait3A_324 = arith.constant 0 : i32
        %dma_wait3A_325 = tpu.memref_slice %arg4[%dma_wait3A_323, %dma_wait3A_324] : memref<10000x128xf32, #tpu.memory_space<hbm>> -> memref<632x128xf32, #tpu.memory_space<hbm>>
        %dma_wait3A_326 = arith.constant 6320 : i32
        %dma_wait3A_327 = arith.constant 0 : i32
        %dma_wait3A_328 = tpu.memref_slice %arg12[%dma_wait3A_326, %dma_wait3A_327] : memref<10240x128xf32, #tpu.memory_space<vmem_shared>> -> memref<632x128xf32, #tpu.memory_space<vmem_shared>>
        tpu.wait_dma2 semaphore(%run_scoped3A : memref<!tpu.dma_semaphore, #tpu.memory_space<semaphore_mem>>) src(%dma_wait3A_328 : memref<632x128xf32, #tpu.memory_space<vmem_shared>>) dst(%dma_wait3A_325 : memref<632x128xf32, #tpu.memory_space<hbm>>)
        tpu.yield
      }) : () -> ()
    } else {
    }
    %eq3A_229 = arith.constant 10 : i32
    %eq3A_230 = arith.cmpi eq, %arg1, %eq3A_229 : i32
    %eq3A_231 = arith.constant 1 : i32
    %eq3A_232 = arith.cmpi eq, %arg0, %eq3A_231 : i32
    %and3A_233 = arith.andi %eq3A_230, %eq3A_232 : i1
    %convert_element_type3A_234 = arith.extui %and3A_233 : i1 to i32
    %cond3A_235 = arith.constant 0 : i32
    %cond3A_236 = arith.cmpi ne, %convert_element_type3A_234, %cond3A_235 : i32
    scf.if %cond3A_236 {
      "tpu.region"() ({
        %run_scoped3A = tpu.sem_alloc : memref<!tpu.dma_semaphore, #tpu.memory_space<semaphore_mem>>
        %dma_start3A_317 = arith.constant 6320 : i32
        %dma_start3A_318 = arith.constant 0 : i32
        %dma_start3A_319 = tpu.memref_slice %arg5[%dma_start3A_317, %dma_start3A_318] : memref<10000x128xf32, #tpu.memory_space<hbm>> -> memref<632x128xf32, #tpu.memory_space<hbm>>
        %dma_start3A_320 = arith.constant 6320 : i32
        %dma_start3A_321 = arith.constant 0 : i32
        %dma_start3A_322 = tpu.memref_slice %arg12[%dma_start3A_320, %dma_start3A_321] : memref<10240x128xf32, #tpu.memory_space<vmem_shared>> -> memref<632x128xf32, #tpu.memory_space<vmem_shared>>
        tpu.enqueue_dma source(%dma_start3A_322 : memref<632x128xf32, #tpu.memory_space<vmem_shared>>) target(%dma_start3A_319 : memref<632x128xf32, #tpu.memory_space<hbm>>) target_semaphore(%run_scoped3A : memref<!tpu.dma_semaphore, #tpu.memory_space<semaphore_mem>>)
        %dma_wait3A_323 = arith.constant 6320 : i32
        %dma_wait3A_324 = arith.constant 0 : i32
        %dma_wait3A_325 = tpu.memref_slice %arg5[%dma_wait3A_323, %dma_wait3A_324] : memref<10000x128xf32, #tpu.memory_space<hbm>> -> memref<632x128xf32, #tpu.memory_space<hbm>>
        %dma_wait3A_326 = arith.constant 6320 : i32
        %dma_wait3A_327 = arith.constant 0 : i32
        %dma_wait3A_328 = tpu.memref_slice %arg12[%dma_wait3A_326, %dma_wait3A_327] : memref<10240x128xf32, #tpu.memory_space<vmem_shared>> -> memref<632x128xf32, #tpu.memory_space<vmem_shared>>
        tpu.wait_dma2 semaphore(%run_scoped3A : memref<!tpu.dma_semaphore, #tpu.memory_space<semaphore_mem>>) src(%dma_wait3A_328 : memref<632x128xf32, #tpu.memory_space<vmem_shared>>) dst(%dma_wait3A_325 : memref<632x128xf32, #tpu.memory_space<hbm>>)
        tpu.yield
      }) : () -> ()
    } else {
    }
    %eq3A_237 = arith.constant 11 : i32
    %eq3A_238 = arith.cmpi eq, %arg1, %eq3A_237 : i32
    %eq3A_239 = arith.constant 0 : i32
    %eq3A_240 = arith.cmpi eq, %arg0, %eq3A_239 : i32
    %and3A_241 = arith.andi %eq3A_238, %eq3A_240 : i1
    %convert_element_type3A_242 = arith.extui %and3A_241 : i1 to i32
    %cond3A_243 = arith.constant 0 : i32
    %cond3A_244 = arith.cmpi ne, %convert_element_type3A_242, %cond3A_243 : i32
    scf.if %cond3A_244 {
      "tpu.region"() ({
        %run_scoped3A = tpu.sem_alloc : memref<!tpu.dma_semaphore, #tpu.memory_space<semaphore_mem>>
        %dma_start3A_317 = arith.constant 6952 : i32
        %dma_start3A_318 = arith.constant 0 : i32
        %dma_start3A_319 = tpu.memref_slice %arg4[%dma_start3A_317, %dma_start3A_318] : memref<10000x128xf32, #tpu.memory_space<hbm>> -> memref<632x128xf32, #tpu.memory_space<hbm>>
        %dma_start3A_320 = arith.constant 6952 : i32
        %dma_start3A_321 = arith.constant 0 : i32
        %dma_start3A_322 = tpu.memref_slice %arg12[%dma_start3A_320, %dma_start3A_321] : memref<10240x128xf32, #tpu.memory_space<vmem_shared>> -> memref<632x128xf32, #tpu.memory_space<vmem_shared>>
        tpu.enqueue_dma source(%dma_start3A_322 : memref<632x128xf32, #tpu.memory_space<vmem_shared>>) target(%dma_start3A_319 : memref<632x128xf32, #tpu.memory_space<hbm>>) target_semaphore(%run_scoped3A : memref<!tpu.dma_semaphore, #tpu.memory_space<semaphore_mem>>)
        %dma_wait3A_323 = arith.constant 6952 : i32
        %dma_wait3A_324 = arith.constant 0 : i32
        %dma_wait3A_325 = tpu.memref_slice %arg4[%dma_wait3A_323, %dma_wait3A_324] : memref<10000x128xf32, #tpu.memory_space<hbm>> -> memref<632x128xf32, #tpu.memory_space<hbm>>
        %dma_wait3A_326 = arith.constant 6952 : i32
        %dma_wait3A_327 = arith.constant 0 : i32
        %dma_wait3A_328 = tpu.memref_slice %arg12[%dma_wait3A_326, %dma_wait3A_327] : memref<10240x128xf32, #tpu.memory_space<vmem_shared>> -> memref<632x128xf32, #tpu.memory_space<vmem_shared>>
        tpu.wait_dma2 semaphore(%run_scoped3A : memref<!tpu.dma_semaphore, #tpu.memory_space<semaphore_mem>>) src(%dma_wait3A_328 : memref<632x128xf32, #tpu.memory_space<vmem_shared>>) dst(%dma_wait3A_325 : memref<632x128xf32, #tpu.memory_space<hbm>>)
        tpu.yield
      }) : () -> ()
    } else {
    }
    %eq3A_245 = arith.constant 11 : i32
    %eq3A_246 = arith.cmpi eq, %arg1, %eq3A_245 : i32
    %eq3A_247 = arith.constant 1 : i32
    %eq3A_248 = arith.cmpi eq, %arg0, %eq3A_247 : i32
    %and3A_249 = arith.andi %eq3A_246, %eq3A_248 : i1
    %convert_element_type3A_250 = arith.extui %and3A_249 : i1 to i32
    %cond3A_251 = arith.constant 0 : i32
    %cond3A_252 = arith.cmpi ne, %convert_element_type3A_250, %cond3A_251 : i32
    scf.if %cond3A_252 {
      "tpu.region"() ({
        %run_scoped3A = tpu.sem_alloc : memref<!tpu.dma_semaphore, #tpu.memory_space<semaphore_mem>>
        %dma_start3A_317 = arith.constant 6952 : i32
        %dma_start3A_318 = arith.constant 0 : i32
        %dma_start3A_319 = tpu.memref_slice %arg5[%dma_start3A_317, %dma_start3A_318] : memref<10000x128xf32, #tpu.memory_space<hbm>> -> memref<632x128xf32, #tpu.memory_space<hbm>>
        %dma_start3A_320 = arith.constant 6952 : i32
        %dma_start3A_321 = arith.constant 0 : i32
        %dma_start3A_322 = tpu.memref_slice %arg12[%dma_start3A_320, %dma_start3A_321] : memref<10240x128xf32, #tpu.memory_space<vmem_shared>> -> memref<632x128xf32, #tpu.memory_space<vmem_shared>>
        tpu.enqueue_dma source(%dma_start3A_322 : memref<632x128xf32, #tpu.memory_space<vmem_shared>>) target(%dma_start3A_319 : memref<632x128xf32, #tpu.memory_space<hbm>>) target_semaphore(%run_scoped3A : memref<!tpu.dma_semaphore, #tpu.memory_space<semaphore_mem>>)
        %dma_wait3A_323 = arith.constant 6952 : i32
        %dma_wait3A_324 = arith.constant 0 : i32
        %dma_wait3A_325 = tpu.memref_slice %arg5[%dma_wait3A_323, %dma_wait3A_324] : memref<10000x128xf32, #tpu.memory_space<hbm>> -> memref<632x128xf32, #tpu.memory_space<hbm>>
        %dma_wait3A_326 = arith.constant 6952 : i32
        %dma_wait3A_327 = arith.constant 0 : i32
        %dma_wait3A_328 = tpu.memref_slice %arg12[%dma_wait3A_326, %dma_wait3A_327] : memref<10240x128xf32, #tpu.memory_space<vmem_shared>> -> memref<632x128xf32, #tpu.memory_space<vmem_shared>>
        tpu.wait_dma2 semaphore(%run_scoped3A : memref<!tpu.dma_semaphore, #tpu.memory_space<semaphore_mem>>) src(%dma_wait3A_328 : memref<632x128xf32, #tpu.memory_space<vmem_shared>>) dst(%dma_wait3A_325 : memref<632x128xf32, #tpu.memory_space<hbm>>)
        tpu.yield
      }) : () -> ()
    } else {
    }
    %eq3A_253 = arith.constant 12 : i32
    %eq3A_254 = arith.cmpi eq, %arg1, %eq3A_253 : i32
    %eq3A_255 = arith.constant 0 : i32
    %eq3A_256 = arith.cmpi eq, %arg0, %eq3A_255 : i32
    %and3A_257 = arith.andi %eq3A_254, %eq3A_256 : i1
    %convert_element_type3A_258 = arith.extui %and3A_257 : i1 to i32
    %cond3A_259 = arith.constant 0 : i32
    %cond3A_260 = arith.cmpi ne, %convert_element_type3A_258, %cond3A_259 : i32
    scf.if %cond3A_260 {
      "tpu.region"() ({
        %run_scoped3A = tpu.sem_alloc : memref<!tpu.dma_semaphore, #tpu.memory_space<semaphore_mem>>
        %dma_start3A_317 = arith.constant 7584 : i32
        %dma_start3A_318 = arith.constant 0 : i32
        %dma_start3A_319 = tpu.memref_slice %arg4[%dma_start3A_317, %dma_start3A_318] : memref<10000x128xf32, #tpu.memory_space<hbm>> -> memref<632x128xf32, #tpu.memory_space<hbm>>
        %dma_start3A_320 = arith.constant 7584 : i32
        %dma_start3A_321 = arith.constant 0 : i32
        %dma_start3A_322 = tpu.memref_slice %arg12[%dma_start3A_320, %dma_start3A_321] : memref<10240x128xf32, #tpu.memory_space<vmem_shared>> -> memref<632x128xf32, #tpu.memory_space<vmem_shared>>
        tpu.enqueue_dma source(%dma_start3A_322 : memref<632x128xf32, #tpu.memory_space<vmem_shared>>) target(%dma_start3A_319 : memref<632x128xf32, #tpu.memory_space<hbm>>) target_semaphore(%run_scoped3A : memref<!tpu.dma_semaphore, #tpu.memory_space<semaphore_mem>>)
        %dma_wait3A_323 = arith.constant 7584 : i32
        %dma_wait3A_324 = arith.constant 0 : i32
        %dma_wait3A_325 = tpu.memref_slice %arg4[%dma_wait3A_323, %dma_wait3A_324] : memref<10000x128xf32, #tpu.memory_space<hbm>> -> memref<632x128xf32, #tpu.memory_space<hbm>>
        %dma_wait3A_326 = arith.constant 7584 : i32
        %dma_wait3A_327 = arith.constant 0 : i32
        %dma_wait3A_328 = tpu.memref_slice %arg12[%dma_wait3A_326, %dma_wait3A_327] : memref<10240x128xf32, #tpu.memory_space<vmem_shared>> -> memref<632x128xf32, #tpu.memory_space<vmem_shared>>
        tpu.wait_dma2 semaphore(%run_scoped3A : memref<!tpu.dma_semaphore, #tpu.memory_space<semaphore_mem>>) src(%dma_wait3A_328 : memref<632x128xf32, #tpu.memory_space<vmem_shared>>) dst(%dma_wait3A_325 : memref<632x128xf32, #tpu.memory_space<hbm>>)
        tpu.yield
      }) : () -> ()
    } else {
    }
    %eq3A_261 = arith.constant 12 : i32
    %eq3A_262 = arith.cmpi eq, %arg1, %eq3A_261 : i32
    %eq3A_263 = arith.constant 1 : i32
    %eq3A_264 = arith.cmpi eq, %arg0, %eq3A_263 : i32
    %and3A_265 = arith.andi %eq3A_262, %eq3A_264 : i1
    %convert_element_type3A_266 = arith.extui %and3A_265 : i1 to i32
    %cond3A_267 = arith.constant 0 : i32
    %cond3A_268 = arith.cmpi ne, %convert_element_type3A_266, %cond3A_267 : i32
    scf.if %cond3A_268 {
      "tpu.region"() ({
        %run_scoped3A = tpu.sem_alloc : memref<!tpu.dma_semaphore, #tpu.memory_space<semaphore_mem>>
        %dma_start3A_317 = arith.constant 7584 : i32
        %dma_start3A_318 = arith.constant 0 : i32
        %dma_start3A_319 = tpu.memref_slice %arg5[%dma_start3A_317, %dma_start3A_318] : memref<10000x128xf32, #tpu.memory_space<hbm>> -> memref<632x128xf32, #tpu.memory_space<hbm>>
        %dma_start3A_320 = arith.constant 7584 : i32
        %dma_start3A_321 = arith.constant 0 : i32
        %dma_start3A_322 = tpu.memref_slice %arg12[%dma_start3A_320, %dma_start3A_321] : memref<10240x128xf32, #tpu.memory_space<vmem_shared>> -> memref<632x128xf32, #tpu.memory_space<vmem_shared>>
        tpu.enqueue_dma source(%dma_start3A_322 : memref<632x128xf32, #tpu.memory_space<vmem_shared>>) target(%dma_start3A_319 : memref<632x128xf32, #tpu.memory_space<hbm>>) target_semaphore(%run_scoped3A : memref<!tpu.dma_semaphore, #tpu.memory_space<semaphore_mem>>)
        %dma_wait3A_323 = arith.constant 7584 : i32
        %dma_wait3A_324 = arith.constant 0 : i32
        %dma_wait3A_325 = tpu.memref_slice %arg5[%dma_wait3A_323, %dma_wait3A_324] : memref<10000x128xf32, #tpu.memory_space<hbm>> -> memref<632x128xf32, #tpu.memory_space<hbm>>
        %dma_wait3A_326 = arith.constant 7584 : i32
        %dma_wait3A_327 = arith.constant 0 : i32
        %dma_wait3A_328 = tpu.memref_slice %arg12[%dma_wait3A_326, %dma_wait3A_327] : memref<10240x128xf32, #tpu.memory_space<vmem_shared>> -> memref<632x128xf32, #tpu.memory_space<vmem_shared>>
        tpu.wait_dma2 semaphore(%run_scoped3A : memref<!tpu.dma_semaphore, #tpu.memory_space<semaphore_mem>>) src(%dma_wait3A_328 : memref<632x128xf32, #tpu.memory_space<vmem_shared>>) dst(%dma_wait3A_325 : memref<632x128xf32, #tpu.memory_space<hbm>>)
        tpu.yield
      }) : () -> ()
    } else {
    }
    %eq3A_269 = arith.constant 13 : i32
    %eq3A_270 = arith.cmpi eq, %arg1, %eq3A_269 : i32
    %eq3A_271 = arith.constant 0 : i32
    %eq3A_272 = arith.cmpi eq, %arg0, %eq3A_271 : i32
    %and3A_273 = arith.andi %eq3A_270, %eq3A_272 : i1
    %convert_element_type3A_274 = arith.extui %and3A_273 : i1 to i32
    %cond3A_275 = arith.constant 0 : i32
    %cond3A_276 = arith.cmpi ne, %convert_element_type3A_274, %cond3A_275 : i32
    scf.if %cond3A_276 {
      "tpu.region"() ({
        %run_scoped3A = tpu.sem_alloc : memref<!tpu.dma_semaphore, #tpu.memory_space<semaphore_mem>>
        %dma_start3A_317 = arith.constant 8216 : i32
        %dma_start3A_318 = arith.constant 0 : i32
        %dma_start3A_319 = tpu.memref_slice %arg4[%dma_start3A_317, %dma_start3A_318] : memref<10000x128xf32, #tpu.memory_space<hbm>> -> memref<632x128xf32, #tpu.memory_space<hbm>>
        %dma_start3A_320 = arith.constant 8216 : i32
        %dma_start3A_321 = arith.constant 0 : i32
        %dma_start3A_322 = tpu.memref_slice %arg12[%dma_start3A_320, %dma_start3A_321] : memref<10240x128xf32, #tpu.memory_space<vmem_shared>> -> memref<632x128xf32, #tpu.memory_space<vmem_shared>>
        tpu.enqueue_dma source(%dma_start3A_322 : memref<632x128xf32, #tpu.memory_space<vmem_shared>>) target(%dma_start3A_319 : memref<632x128xf32, #tpu.memory_space<hbm>>) target_semaphore(%run_scoped3A : memref<!tpu.dma_semaphore, #tpu.memory_space<semaphore_mem>>)
        %dma_wait3A_323 = arith.constant 8216 : i32
        %dma_wait3A_324 = arith.constant 0 : i32
        %dma_wait3A_325 = tpu.memref_slice %arg4[%dma_wait3A_323, %dma_wait3A_324] : memref<10000x128xf32, #tpu.memory_space<hbm>> -> memref<632x128xf32, #tpu.memory_space<hbm>>
        %dma_wait3A_326 = arith.constant 8216 : i32
        %dma_wait3A_327 = arith.constant 0 : i32
        %dma_wait3A_328 = tpu.memref_slice %arg12[%dma_wait3A_326, %dma_wait3A_327] : memref<10240x128xf32, #tpu.memory_space<vmem_shared>> -> memref<632x128xf32, #tpu.memory_space<vmem_shared>>
        tpu.wait_dma2 semaphore(%run_scoped3A : memref<!tpu.dma_semaphore, #tpu.memory_space<semaphore_mem>>) src(%dma_wait3A_328 : memref<632x128xf32, #tpu.memory_space<vmem_shared>>) dst(%dma_wait3A_325 : memref<632x128xf32, #tpu.memory_space<hbm>>)
        tpu.yield
      }) : () -> ()
    } else {
    }
    %eq3A_277 = arith.constant 13 : i32
    %eq3A_278 = arith.cmpi eq, %arg1, %eq3A_277 : i32
    %eq3A_279 = arith.constant 1 : i32
    %eq3A_280 = arith.cmpi eq, %arg0, %eq3A_279 : i32
    %and3A_281 = arith.andi %eq3A_278, %eq3A_280 : i1
    %convert_element_type3A_282 = arith.extui %and3A_281 : i1 to i32
    %cond3A_283 = arith.constant 0 : i32
    %cond3A_284 = arith.cmpi ne, %convert_element_type3A_282, %cond3A_283 : i32
    scf.if %cond3A_284 {
      "tpu.region"() ({
        %run_scoped3A = tpu.sem_alloc : memref<!tpu.dma_semaphore, #tpu.memory_space<semaphore_mem>>
        %dma_start3A_317 = arith.constant 8216 : i32
        %dma_start3A_318 = arith.constant 0 : i32
        %dma_start3A_319 = tpu.memref_slice %arg5[%dma_start3A_317, %dma_start3A_318] : memref<10000x128xf32, #tpu.memory_space<hbm>> -> memref<632x128xf32, #tpu.memory_space<hbm>>
        %dma_start3A_320 = arith.constant 8216 : i32
        %dma_start3A_321 = arith.constant 0 : i32
        %dma_start3A_322 = tpu.memref_slice %arg12[%dma_start3A_320, %dma_start3A_321] : memref<10240x128xf32, #tpu.memory_space<vmem_shared>> -> memref<632x128xf32, #tpu.memory_space<vmem_shared>>
        tpu.enqueue_dma source(%dma_start3A_322 : memref<632x128xf32, #tpu.memory_space<vmem_shared>>) target(%dma_start3A_319 : memref<632x128xf32, #tpu.memory_space<hbm>>) target_semaphore(%run_scoped3A : memref<!tpu.dma_semaphore, #tpu.memory_space<semaphore_mem>>)
        %dma_wait3A_323 = arith.constant 8216 : i32
        %dma_wait3A_324 = arith.constant 0 : i32
        %dma_wait3A_325 = tpu.memref_slice %arg5[%dma_wait3A_323, %dma_wait3A_324] : memref<10000x128xf32, #tpu.memory_space<hbm>> -> memref<632x128xf32, #tpu.memory_space<hbm>>
        %dma_wait3A_326 = arith.constant 8216 : i32
        %dma_wait3A_327 = arith.constant 0 : i32
        %dma_wait3A_328 = tpu.memref_slice %arg12[%dma_wait3A_326, %dma_wait3A_327] : memref<10240x128xf32, #tpu.memory_space<vmem_shared>> -> memref<632x128xf32, #tpu.memory_space<vmem_shared>>
        tpu.wait_dma2 semaphore(%run_scoped3A : memref<!tpu.dma_semaphore, #tpu.memory_space<semaphore_mem>>) src(%dma_wait3A_328 : memref<632x128xf32, #tpu.memory_space<vmem_shared>>) dst(%dma_wait3A_325 : memref<632x128xf32, #tpu.memory_space<hbm>>)
        tpu.yield
      }) : () -> ()
    } else {
    }
    %eq3A_285 = arith.constant 14 : i32
    %eq3A_286 = arith.cmpi eq, %arg1, %eq3A_285 : i32
    %eq3A_287 = arith.constant 0 : i32
    %eq3A_288 = arith.cmpi eq, %arg0, %eq3A_287 : i32
    %and3A_289 = arith.andi %eq3A_286, %eq3A_288 : i1
    %convert_element_type3A_290 = arith.extui %and3A_289 : i1 to i32
    %cond3A_291 = arith.constant 0 : i32
    %cond3A_292 = arith.cmpi ne, %convert_element_type3A_290, %cond3A_291 : i32
    scf.if %cond3A_292 {
      "tpu.region"() ({
        %run_scoped3A = tpu.sem_alloc : memref<!tpu.dma_semaphore, #tpu.memory_space<semaphore_mem>>
        %dma_start3A_317 = arith.constant 8848 : i32
        %dma_start3A_318 = arith.constant 0 : i32
        %dma_start3A_319 = tpu.memref_slice %arg4[%dma_start3A_317, %dma_start3A_318] : memref<10000x128xf32, #tpu.memory_space<hbm>> -> memref<632x128xf32, #tpu.memory_space<hbm>>
        %dma_start3A_320 = arith.constant 8848 : i32
        %dma_start3A_321 = arith.constant 0 : i32
        %dma_start3A_322 = tpu.memref_slice %arg12[%dma_start3A_320, %dma_start3A_321] : memref<10240x128xf32, #tpu.memory_space<vmem_shared>> -> memref<632x128xf32, #tpu.memory_space<vmem_shared>>
        tpu.enqueue_dma source(%dma_start3A_322 : memref<632x128xf32, #tpu.memory_space<vmem_shared>>) target(%dma_start3A_319 : memref<632x128xf32, #tpu.memory_space<hbm>>) target_semaphore(%run_scoped3A : memref<!tpu.dma_semaphore, #tpu.memory_space<semaphore_mem>>)
        %dma_wait3A_323 = arith.constant 8848 : i32
        %dma_wait3A_324 = arith.constant 0 : i32
        %dma_wait3A_325 = tpu.memref_slice %arg4[%dma_wait3A_323, %dma_wait3A_324] : memref<10000x128xf32, #tpu.memory_space<hbm>> -> memref<632x128xf32, #tpu.memory_space<hbm>>
        %dma_wait3A_326 = arith.constant 8848 : i32
        %dma_wait3A_327 = arith.constant 0 : i32
        %dma_wait3A_328 = tpu.memref_slice %arg12[%dma_wait3A_326, %dma_wait3A_327] : memref<10240x128xf32, #tpu.memory_space<vmem_shared>> -> memref<632x128xf32, #tpu.memory_space<vmem_shared>>
        tpu.wait_dma2 semaphore(%run_scoped3A : memref<!tpu.dma_semaphore, #tpu.memory_space<semaphore_mem>>) src(%dma_wait3A_328 : memref<632x128xf32, #tpu.memory_space<vmem_shared>>) dst(%dma_wait3A_325 : memref<632x128xf32, #tpu.memory_space<hbm>>)
        tpu.yield
      }) : () -> ()
    } else {
    }
    %eq3A_293 = arith.constant 14 : i32
    %eq3A_294 = arith.cmpi eq, %arg1, %eq3A_293 : i32
    %eq3A_295 = arith.constant 1 : i32
    %eq3A_296 = arith.cmpi eq, %arg0, %eq3A_295 : i32
    %and3A_297 = arith.andi %eq3A_294, %eq3A_296 : i1
    %convert_element_type3A_298 = arith.extui %and3A_297 : i1 to i32
    %cond3A_299 = arith.constant 0 : i32
    %cond3A_300 = arith.cmpi ne, %convert_element_type3A_298, %cond3A_299 : i32
    scf.if %cond3A_300 {
      "tpu.region"() ({
        %run_scoped3A = tpu.sem_alloc : memref<!tpu.dma_semaphore, #tpu.memory_space<semaphore_mem>>
        %dma_start3A_317 = arith.constant 8848 : i32
        %dma_start3A_318 = arith.constant 0 : i32
        %dma_start3A_319 = tpu.memref_slice %arg5[%dma_start3A_317, %dma_start3A_318] : memref<10000x128xf32, #tpu.memory_space<hbm>> -> memref<632x128xf32, #tpu.memory_space<hbm>>
        %dma_start3A_320 = arith.constant 8848 : i32
        %dma_start3A_321 = arith.constant 0 : i32
        %dma_start3A_322 = tpu.memref_slice %arg12[%dma_start3A_320, %dma_start3A_321] : memref<10240x128xf32, #tpu.memory_space<vmem_shared>> -> memref<632x128xf32, #tpu.memory_space<vmem_shared>>
        tpu.enqueue_dma source(%dma_start3A_322 : memref<632x128xf32, #tpu.memory_space<vmem_shared>>) target(%dma_start3A_319 : memref<632x128xf32, #tpu.memory_space<hbm>>) target_semaphore(%run_scoped3A : memref<!tpu.dma_semaphore, #tpu.memory_space<semaphore_mem>>)
        %dma_wait3A_323 = arith.constant 8848 : i32
        %dma_wait3A_324 = arith.constant 0 : i32
        %dma_wait3A_325 = tpu.memref_slice %arg5[%dma_wait3A_323, %dma_wait3A_324] : memref<10000x128xf32, #tpu.memory_space<hbm>> -> memref<632x128xf32, #tpu.memory_space<hbm>>
        %dma_wait3A_326 = arith.constant 8848 : i32
        %dma_wait3A_327 = arith.constant 0 : i32
        %dma_wait3A_328 = tpu.memref_slice %arg12[%dma_wait3A_326, %dma_wait3A_327] : memref<10240x128xf32, #tpu.memory_space<vmem_shared>> -> memref<632x128xf32, #tpu.memory_space<vmem_shared>>
        tpu.wait_dma2 semaphore(%run_scoped3A : memref<!tpu.dma_semaphore, #tpu.memory_space<semaphore_mem>>) src(%dma_wait3A_328 : memref<632x128xf32, #tpu.memory_space<vmem_shared>>) dst(%dma_wait3A_325 : memref<632x128xf32, #tpu.memory_space<hbm>>)
        tpu.yield
      }) : () -> ()
    } else {
    }
    %eq3A_301 = arith.constant 15 : i32
    %eq3A_302 = arith.cmpi eq, %arg1, %eq3A_301 : i32
    %eq3A_303 = arith.constant 0 : i32
    %eq3A_304 = arith.cmpi eq, %arg0, %eq3A_303 : i32
    %and3A_305 = arith.andi %eq3A_302, %eq3A_304 : i1
    %convert_element_type3A_306 = arith.extui %and3A_305 : i1 to i32
    %cond3A_307 = arith.constant 0 : i32
    %cond3A_308 = arith.cmpi ne, %convert_element_type3A_306, %cond3A_307 : i32
    scf.if %cond3A_308 {
      "tpu.region"() ({
        %run_scoped3A = tpu.sem_alloc : memref<!tpu.dma_semaphore, #tpu.memory_space<semaphore_mem>>
        %dma_start3A_317 = arith.constant 9480 : i32
        %dma_start3A_318 = arith.constant 0 : i32
        %dma_start3A_319 = tpu.memref_slice %arg4[%dma_start3A_317, %dma_start3A_318] : memref<10000x128xf32, #tpu.memory_space<hbm>> -> memref<520x128xf32, #tpu.memory_space<hbm>>
        %dma_start3A_320 = arith.constant 9480 : i32
        %dma_start3A_321 = arith.constant 0 : i32
        %dma_start3A_322 = tpu.memref_slice %arg12[%dma_start3A_320, %dma_start3A_321] : memref<10240x128xf32, #tpu.memory_space<vmem_shared>> -> memref<520x128xf32, #tpu.memory_space<vmem_shared>>
        tpu.enqueue_dma source(%dma_start3A_322 : memref<520x128xf32, #tpu.memory_space<vmem_shared>>) target(%dma_start3A_319 : memref<520x128xf32, #tpu.memory_space<hbm>>) target_semaphore(%run_scoped3A : memref<!tpu.dma_semaphore, #tpu.memory_space<semaphore_mem>>)
        %dma_wait3A_323 = arith.constant 9480 : i32
        %dma_wait3A_324 = arith.constant 0 : i32
        %dma_wait3A_325 = tpu.memref_slice %arg4[%dma_wait3A_323, %dma_wait3A_324] : memref<10000x128xf32, #tpu.memory_space<hbm>> -> memref<520x128xf32, #tpu.memory_space<hbm>>
        %dma_wait3A_326 = arith.constant 9480 : i32
        %dma_wait3A_327 = arith.constant 0 : i32
        %dma_wait3A_328 = tpu.memref_slice %arg12[%dma_wait3A_326, %dma_wait3A_327] : memref<10240x128xf32, #tpu.memory_space<vmem_shared>> -> memref<520x128xf32, #tpu.memory_space<vmem_shared>>
        tpu.wait_dma2 semaphore(%run_scoped3A : memref<!tpu.dma_semaphore, #tpu.memory_space<semaphore_mem>>) src(%dma_wait3A_328 : memref<520x128xf32, #tpu.memory_space<vmem_shared>>) dst(%dma_wait3A_325 : memref<520x128xf32, #tpu.memory_space<hbm>>)
        tpu.yield
      }) : () -> ()
    } else {
    }
    %eq3A_309 = arith.constant 15 : i32
    %eq3A_310 = arith.cmpi eq, %arg1, %eq3A_309 : i32
    %eq3A_311 = arith.constant 1 : i32
    %eq3A_312 = arith.cmpi eq, %arg0, %eq3A_311 : i32
    %and3A_313 = arith.andi %eq3A_310, %eq3A_312 : i1
    %convert_element_type3A_314 = arith.extui %and3A_313 : i1 to i32
    %cond3A_315 = arith.constant 0 : i32
    %cond3A_316 = arith.cmpi ne, %convert_element_type3A_314, %cond3A_315 : i32
    scf.if %cond3A_316 {
      "tpu.region"() ({
        %run_scoped3A = tpu.sem_alloc : memref<!tpu.dma_semaphore, #tpu.memory_space<semaphore_mem>>
        %dma_start3A_317 = arith.constant 9480 : i32
        %dma_start3A_318 = arith.constant 0 : i32
        %dma_start3A_319 = tpu.memref_slice %arg5[%dma_start3A_317, %dma_start3A_318] : memref<10000x128xf32, #tpu.memory_space<hbm>> -> memref<520x128xf32, #tpu.memory_space<hbm>>
        %dma_start3A_320 = arith.constant 9480 : i32
        %dma_start3A_321 = arith.constant 0 : i32
        %dma_start3A_322 = tpu.memref_slice %arg12[%dma_start3A_320, %dma_start3A_321] : memref<10240x128xf32, #tpu.memory_space<vmem_shared>> -> memref<520x128xf32, #tpu.memory_space<vmem_shared>>
        tpu.enqueue_dma source(%dma_start3A_322 : memref<520x128xf32, #tpu.memory_space<vmem_shared>>) target(%dma_start3A_319 : memref<520x128xf32, #tpu.memory_space<hbm>>) target_semaphore(%run_scoped3A : memref<!tpu.dma_semaphore, #tpu.memory_space<semaphore_mem>>)
        %dma_wait3A_323 = arith.constant 9480 : i32
        %dma_wait3A_324 = arith.constant 0 : i32
        %dma_wait3A_325 = tpu.memref_slice %arg5[%dma_wait3A_323, %dma_wait3A_324] : memref<10000x128xf32, #tpu.memory_space<hbm>> -> memref<520x128xf32, #tpu.memory_space<hbm>>
        %dma_wait3A_326 = arith.constant 9480 : i32
        %dma_wait3A_327 = arith.constant 0 : i32
        %dma_wait3A_328 = tpu.memref_slice %arg12[%dma_wait3A_326, %dma_wait3A_327] : memref<10240x128xf32, #tpu.memory_space<vmem_shared>> -> memref<520x128xf32, #tpu.memory_space<vmem_shared>>
        tpu.wait_dma2 semaphore(%run_scoped3A : memref<!tpu.dma_semaphore, #tpu.memory_space<semaphore_mem>>) src(%dma_wait3A_328 : memref<520x128xf32, #tpu.memory_space<vmem_shared>>) dst(%dma_wait3A_325 : memref<520x128xf32, #tpu.memory_space<hbm>>)
        tpu.yield
      }) : () -> ()
    } else {
    }
    return
  }
}

module attributes {stable_mosaic.version = 14 : i64} {
  func.func @body(%arg0: i32, %arg1: memref<2000x128xf32, #tpu.memory_space<vmem>>, %arg2: memref<128x128xf32, #tpu.memory_space<vmem>>, %arg3: memref<1x1x2000xf32, #tpu.memory_space<vmem>>, %arg4: memref<1x1x2000xf32, #tpu.memory_space<vmem>>, %arg5: memref<2000x128xf32, #tpu.memory_space<vmem>>) attributes {dimension_semantics = [#tpu.dimension_semantics<arbitrary>], iteration_bounds = array<i64: 5>, scalar_prefetch = 0 : i64, scratch_operands = 0 : i64, tpu.core_type = #tpu.core_type<tc>, window_params = [{transform_indices = @transform_0, window_bounds = array<i64: 2000, 128>}, {pipeline_mode = #tpu.pipeline_mode<synchronous>, transform_indices = @transform_1, window_bounds = array<i64: 128, 128>}, {transform_indices = @transform_2, window_bounds = array<i64: 1, 1, 2000>}, {transform_indices = @transform_3, window_bounds = array<i64: 1, 1, 2000>}, {transform_indices = @transform_4, window_bounds = array<i64: 2000, 128>}]} {
    %get3A = arith.constant 0 : index
    %get3A_0 = arith.constant 0 : index
    %get3A_1 = arith.constant 0 : index
    %get3A_2 = vector.load %arg3[%get3A, %get3A_0, %get3A_1] : memref<1x1x2000xf32, #tpu.memory_space<vmem>>, vector<1x1x2000xf32>
    %get3A_3 = vector.shape_cast %get3A_2 : vector<1x1x2000xf32> to vector<2000xf32>
    %get3A_4 = arith.constant 0 : index
    %get3A_5 = arith.constant 0 : index
    %get3A_6 = arith.constant 0 : index
    %get3A_7 = vector.load %arg4[%get3A_4, %get3A_5, %get3A_6] : memref<1x1x2000xf32, #tpu.memory_space<vmem>>, vector<1x1x2000xf32>
    %get3A_8 = vector.shape_cast %get3A_7 : vector<1x1x2000xf32> to vector<2000xf32>
    %add3A = arith.addf %get3A_3, %get3A_8 : vector<2000xf32>
    %add3A_9 = arith.constant 1.000000e+00 : f32
    %add3A_10 = vector.broadcast %add3A_9 : f32 to vector<2000xf32>
    %add3A_11 = arith.addf %add3A, %add3A_10 : vector<2000xf32>
    %rsqrt3A = math.rsqrt %add3A_11 : vector<2000xf32>
    %get3A_12 = arith.constant 0 : index
    %get3A_13 = arith.constant 0 : index
    %get3A_14 = vector.load %arg1[%get3A_12, %get3A_13] : memref<2000x128xf32, #tpu.memory_space<vmem>>, vector<2000x128xf32>
    %get3A_15 = arith.constant 0 : index
    %get3A_16 = arith.constant 0 : index
    %get3A_17 = vector.load %arg2[%get3A_15, %get3A_16] : memref<128x128xf32, #tpu.memory_space<vmem>>, vector<128x128xf32>
    %dot_general3A = arith.constant dense<0.000000e+00> : vector<2000x128xf32>
    %dot_general3A_18 = tpu.matmul %get3A_14, %get3A_17, %dot_general3A {dimension_numbers = #tpu.dot_dimension_numbers<[1], [0], [0], [1], [0, 0, 1, 1], [], []>, transpose_lhs_hint = false} : vector<2000x128xf32>, vector<128x128xf32>, vector<2000x128xf32> -> vector<2000x128xf32>
    %broadcast_in_dim3A = vector.shape_cast %rsqrt3A : vector<2000xf32> to vector<2000x1xf32>
    %mul3A = vector.broadcast %broadcast_in_dim3A : vector<2000x1xf32> to vector<2000x128xf32>
    %mul3A_19 = arith.mulf %dot_general3A_18, %mul3A : vector<2000x128xf32>
    %swap3A = arith.constant 0 : index
    %swap3A_20 = arith.constant 0 : index
    %swap3A_21 = vector.load %arg5[%swap3A, %swap3A_20] : memref<2000x128xf32, #tpu.memory_space<vmem>>, vector<2000x128xf32>
    tpu.vector_store %arg5[%swap3A, %swap3A_20], %mul3A_19 {strides = array<i32>} : memref<2000x128xf32, #tpu.memory_space<vmem>>, vector<2000x128xf32>,
    return
  }
  func.func @transform_0(%arg0: i32) -> (i32, i32) {
    %c0_i32 = arith.constant 0 : i32
    %c0_i32_0 = arith.constant 0 : i32
    return %arg0, %c0_i32 : i32, i32
  }
  func.func @transform_1(%arg0: i32) -> (i32, i32) {
    %c0_i32 = arith.constant 0 : i32
    %c0_i32_0 = arith.constant 0 : i32
    %c0_i32_1 = arith.constant 0 : i32
    return %c0_i32, %c0_i32_0 : i32, i32
  }
  func.func @transform_2(%arg0: i32) -> (i32, i32, i32) {
    %c0_i32 = arith.constant 0 : i32
    %c0_i32_0 = arith.constant 0 : i32
    %c0_i32_1 = arith.constant 0 : i32
    return %arg0, %c0_i32, %c0_i32_0 : i32, i32, i32
  }
  func.func @transform_3(%arg0: i32) -> (i32, i32, i32) {
    %c0_i32 = arith.constant 0 : i32
    %c0_i32_0 = arith.constant 0 : i32
    %c0_i32_1 = arith.constant 0 : i32
    return %arg0, %c0_i32, %c0_i32_0 : i32, i32, i32
  }
  func.func @transform_4(%arg0: i32) -> (i32, i32) {
    %c0_i32 = arith.constant 0 : i32
    %c0_i32_0 = arith.constant 0 : i32
    return %arg0, %c0_i32 : i32, i32
  }
}

module attributes {stable_mosaic.version = 14 : i64} {
  func.func @body(%arg0: i32, %arg1: memref<2000x128xf32, #tpu.memory_space<vmem>>, %arg2: memref<2000x128xf32, #tpu.memory_space<vmem>>, %arg3: memref<2000x128xf32, #tpu.memory_space<vmem>>, %arg4: memref<1x128xf32, #tpu.memory_space<vmem>>, %arg5: memref<128x128xf32, #tpu.memory_space<vmem>>, %arg6: memref<1x1x2000xf32, #tpu.memory_space<vmem>>, %arg7: memref<1x1x2000xf32, #tpu.memory_space<vmem>>, %arg8: memref<2000x128xf32, #tpu.memory_space<vmem>>) attributes {dimension_semantics = [#tpu.dimension_semantics<arbitrary>], iteration_bounds = array<i64: 5>, scalar_prefetch = 0 : i64, scratch_operands = 0 : i64, tpu.core_type = #tpu.core_type<tc>, window_params = [{transform_indices = @transform_0, window_bounds = array<i64: 2000, 128>}, {transform_indices = @transform_1, window_bounds = array<i64: 2000, 128>}, {transform_indices = @transform_2, window_bounds = array<i64: 2000, 128>}, {pipeline_mode = #tpu.pipeline_mode<synchronous>, transform_indices = @transform_3, window_bounds = array<i64: 1, 128>}, {pipeline_mode = #tpu.pipeline_mode<synchronous>, transform_indices = @transform_4, window_bounds = array<i64: 128, 128>}, {transform_indices = @transform_5, window_bounds = array<i64: 1, 1, 2000>}, {transform_indices = @transform_6, window_bounds = array<i64: 1, 1, 2000>}, {transform_indices = @transform_7, window_bounds = array<i64: 2000, 128>}]} {
    %get3A = arith.constant 0 : index
    %get3A_0 = arith.constant 0 : index
    %get3A_1 = arith.constant 0 : index
    %get3A_2 = vector.load %arg6[%get3A, %get3A_0, %get3A_1] : memref<1x1x2000xf32, #tpu.memory_space<vmem>>, vector<1x1x2000xf32>
    %get3A_3 = vector.shape_cast %get3A_2 : vector<1x1x2000xf32> to vector<2000xf32>
    %get3A_4 = arith.constant 0 : index
    %get3A_5 = arith.constant 0 : index
    %get3A_6 = arith.constant 0 : index
    %get3A_7 = vector.load %arg7[%get3A_4, %get3A_5, %get3A_6] : memref<1x1x2000xf32, #tpu.memory_space<vmem>>, vector<1x1x2000xf32>
    %get3A_8 = vector.shape_cast %get3A_7 : vector<1x1x2000xf32> to vector<2000xf32>
    %add3A = arith.addf %get3A_3, %get3A_8 : vector<2000xf32>
    %add3A_9 = arith.constant 1.000000e+00 : f32
    %add3A_10 = vector.broadcast %add3A_9 : f32 to vector<2000xf32>
    %add3A_11 = arith.addf %add3A, %add3A_10 : vector<2000xf32>
    %rsqrt3A = math.rsqrt %add3A_11 : vector<2000xf32>
    %get3A_12 = arith.constant 0 : index
    %get3A_13 = arith.constant 0 : index
    %get3A_14 = vector.load %arg1[%get3A_12, %get3A_13] : memref<2000x128xf32, #tpu.memory_space<vmem>>, vector<2000x128xf32>
    %get3A_15 = arith.constant 0 : index
    %get3A_16 = arith.constant 0 : index
    %get3A_17 = vector.load %arg2[%get3A_15, %get3A_16] : memref<2000x128xf32, #tpu.memory_space<vmem>>, vector<2000x128xf32>
    %add3A_18 = arith.addf %get3A_14, %get3A_17 : vector<2000x128xf32>
    %get3A_19 = arith.constant 0 : index
    %get3A_20 = arith.constant 0 : index
    %get3A_21 = vector.load %arg3[%get3A_19, %get3A_20] : memref<2000x128xf32, #tpu.memory_space<vmem>>, vector<2000x128xf32>
    %add3A_22 = arith.addf %add3A_18, %get3A_21 : vector<2000x128xf32>
    %broadcast_in_dim3A = vector.shape_cast %rsqrt3A : vector<2000xf32> to vector<2000x1xf32>
    %mul3A = vector.broadcast %broadcast_in_dim3A : vector<2000x1xf32> to vector<2000x128xf32>
    %mul3A_23 = arith.mulf %add3A_22, %mul3A : vector<2000x128xf32>
    %get3A_24 = arith.constant 0 : index
    %get3A_25 = arith.constant 0 : index
    %get3A_26 = vector.load %arg4[%get3A_24, %get3A_25] : memref<1x128xf32, #tpu.memory_space<vmem>>, vector<1x128xf32>
    %add3A_27 = vector.broadcast %get3A_26 : vector<1x128xf32> to vector<2000x128xf32>
    %add3A_28 = arith.addf %mul3A_23, %add3A_27 : vector<2000x128xf32>
    %max3A = arith.constant 0.000000e+00 : f32
    %max3A_29 = vector.broadcast %max3A : f32 to vector<2000x128xf32>
    %max3A_30 = arith.maximumf %add3A_28, %max3A_29 : vector<2000x128xf32>
    %get3A_31 = arith.constant 0 : index
    %get3A_32 = arith.constant 0 : index
    %get3A_33 = vector.load %arg5[%get3A_31, %get3A_32] : memref<128x128xf32, #tpu.memory_space<vmem>>, vector<128x128xf32>
    %dot_general3A = arith.constant dense<0.000000e+00> : vector<2000x128xf32>
    %dot_general3A_34 = tpu.matmul %max3A_30, %get3A_33, %dot_general3A {dimension_numbers = #tpu.dot_dimension_numbers<[1], [0], [0], [1], [0, 0, 1, 1], [], []>, transpose_lhs_hint = false} : vector<2000x128xf32>, vector<128x128xf32>, vector<2000x128xf32> -> vector<2000x128xf32>
    %broadcast_in_dim3A_35 = vector.shape_cast %rsqrt3A : vector<2000xf32> to vector<2000x1xf32>
    %mul3A_36 = vector.broadcast %broadcast_in_dim3A_35 : vector<2000x1xf32> to vector<2000x128xf32>
    %mul3A_37 = arith.mulf %dot_general3A_34, %mul3A_36 : vector<2000x128xf32>
    %swap3A = arith.constant 0 : index
    %swap3A_38 = arith.constant 0 : index
    %swap3A_39 = vector.load %arg8[%swap3A, %swap3A_38] : memref<2000x128xf32, #tpu.memory_space<vmem>>, vector<2000x128xf32>
    tpu.vector_store %arg8[%swap3A, %swap3A_38], %mul3A_37 {strides = array<i32>} : memref<2000x128xf32, #tpu.memory_space<vmem>>, vector<2000x128xf32>,
    return
  }
  func.func @transform_0(%arg0: i32) -> (i32, i32) {
    %c0_i32 = arith.constant 0 : i32
    %c0_i32_0 = arith.constant 0 : i32
    return %arg0, %c0_i32 : i32, i32
  }
  func.func @transform_1(%arg0: i32) -> (i32, i32) {
    %c0_i32 = arith.constant 0 : i32
    %c0_i32_0 = arith.constant 0 : i32
    return %arg0, %c0_i32 : i32, i32
  }
  func.func @transform_2(%arg0: i32) -> (i32, i32) {
    %c0_i32 = arith.constant 0 : i32
    %c0_i32_0 = arith.constant 0 : i32
    return %arg0, %c0_i32 : i32, i32
  }
  func.func @transform_3(%arg0: i32) -> (i32, i32) {
    %c0_i32 = arith.constant 0 : i32
    %c0_i32_0 = arith.constant 0 : i32
    %c0_i32_1 = arith.constant 0 : i32
    return %c0_i32, %c0_i32_0 : i32, i32
  }
  func.func @transform_4(%arg0: i32) -> (i32, i32) {
    %c0_i32 = arith.constant 0 : i32
    %c0_i32_0 = arith.constant 0 : i32
    %c0_i32_1 = arith.constant 0 : i32
    return %c0_i32, %c0_i32_0 : i32, i32
  }
  func.func @transform_5(%arg0: i32) -> (i32, i32, i32) {
    %c0_i32 = arith.constant 0 : i32
    %c0_i32_0 = arith.constant 0 : i32
    %c0_i32_1 = arith.constant 0 : i32
    return %arg0, %c0_i32, %c0_i32_0 : i32, i32, i32
  }
  func.func @transform_6(%arg0: i32) -> (i32, i32, i32) {
    %c0_i32 = arith.constant 0 : i32
    %c0_i32_0 = arith.constant 0 : i32
    %c0_i32_1 = arith.constant 0 : i32
    return %arg0, %c0_i32, %c0_i32_0 : i32, i32, i32
  }
  func.func @transform_7(%arg0: i32) -> (i32, i32) {
    %c0_i32 = arith.constant 0 : i32
    %c0_i32_0 = arith.constant 0 : i32
    return %arg0, %c0_i32 : i32, i32
  }
}

module attributes {stable_mosaic.version = 14 : i64} {
  func.func @body(%arg0: i32, %arg1: memref<2000x128xf32, #tpu.memory_space<vmem>>, %arg2: memref<2000x128xf32, #tpu.memory_space<vmem>>, %arg3: memref<2000x128xf32, #tpu.memory_space<vmem>>, %arg4: memref<1x128xf32, #tpu.memory_space<vmem>>, %arg5: memref<1x1x2000xi32, #tpu.memory_space<vmem>>, %arg6: memref<128x128xf32, #tpu.memory_space<vmem>>, %arg7: memref<1x128xf32, #tpu.memory_space<vmem>>, %arg8: memref<1x1x2000xf32, #tpu.memory_space<vmem>>, %arg9: memref<1x1x2000xf32, #tpu.memory_space<vmem>>, %arg10: memref<64x128xf32, #tpu.memory_space<vmem>>, %arg11: memref<64x128xf32, #tpu.memory_space<vmem>>, %arg12: memref<64x128xf32, #tpu.memory_space<vmem>>) attributes {dimension_semantics = [#tpu.dimension_semantics<arbitrary>], iteration_bounds = array<i64: 5>, scalar_prefetch = 0 : i64, scratch_operands = 2 : i64, tpu.core_type = #tpu.core_type<tc>, window_params = [{transform_indices = @transform_0, window_bounds = array<i64: 2000, 128>}, {transform_indices = @transform_1, window_bounds = array<i64: 2000, 128>}, {transform_indices = @transform_2, window_bounds = array<i64: 2000, 128>}, {pipeline_mode = #tpu.pipeline_mode<synchronous>, transform_indices = @transform_3, window_bounds = array<i64: 1, 128>}, {transform_indices = @transform_4, window_bounds = array<i64: 1, 1, 2000>}, {pipeline_mode = #tpu.pipeline_mode<synchronous>, transform_indices = @transform_5, window_bounds = array<i64: 128, 128>}, {pipeline_mode = #tpu.pipeline_mode<synchronous>, transform_indices = @transform_6, window_bounds = array<i64: 1, 128>}, {transform_indices = @transform_7, window_bounds = array<i64: 1, 1, 2000>}, {transform_indices = @transform_8, window_bounds = array<i64: 1, 1, 2000>}, {pipeline_mode = #tpu.pipeline_mode<synchronous>, transform_indices = @transform_9, window_bounds = array<i64: 64, 128>}]} {
    %eq3A = arith.constant 0 : i32
    %eq3A_0 = arith.cmpi eq, %arg0, %eq3A : i32
    %convert_element_type3A = arith.extui %eq3A_0 : i1 to i32
    %cond3A = arith.constant 0 : i32
    %cond3A_1 = arith.cmpi ne, %convert_element_type3A, %cond3A : i32
    scf.if %cond3A_1 {
      %broadcast_in_dim3A_65 = arith.constant 0.000000e+00 : f32
      %broadcast_in_dim3A_66 = vector.broadcast %broadcast_in_dim3A_65 : f32 to vector<64x128xf32>
      %swap3A_67 = arith.constant 0 : index
      %swap3A_68 = arith.constant 0 : index
      %swap3A_69 = vector.load %arg11[%swap3A_67, %swap3A_68] : memref<64x128xf32, #tpu.memory_space<vmem>>, vector<64x128xf32>
      tpu.vector_store %arg11[%swap3A_67, %swap3A_68], %broadcast_in_dim3A_66 {strides = array<i32>} : memref<64x128xf32, #tpu.memory_space<vmem>>, vector<64x128xf32>,
      %broadcast_in_dim3A_70 = arith.constant 0.000000e+00 : f32
      %broadcast_in_dim3A_71 = vector.broadcast %broadcast_in_dim3A_70 : f32 to vector<64x128xf32>
      %swap3A_72 = arith.constant 0 : index
      %swap3A_73 = arith.constant 0 : index
      %swap3A_74 = vector.load %arg12[%swap3A_72, %swap3A_73] : memref<64x128xf32, #tpu.memory_space<vmem>>, vector<64x128xf32>
      tpu.vector_store %arg12[%swap3A_72, %swap3A_73], %broadcast_in_dim3A_71 {strides = array<i32>} : memref<64x128xf32, #tpu.memory_space<vmem>>, vector<64x128xf32>,
    } else {
    }
    %get3A = arith.constant 0 : index
    %get3A_2 = arith.constant 0 : index
    %get3A_3 = arith.constant 0 : index
    %get3A_4 = vector.load %arg8[%get3A, %get3A_2, %get3A_3] : memref<1x1x2000xf32, #tpu.memory_space<vmem>>, vector<1x1x2000xf32>
    %get3A_5 = vector.shape_cast %get3A_4 : vector<1x1x2000xf32> to vector<2000xf32>
    %get3A_6 = arith.constant 0 : index
    %get3A_7 = arith.constant 0 : index
    %get3A_8 = arith.constant 0 : index
    %get3A_9 = vector.load %arg9[%get3A_6, %get3A_7, %get3A_8] : memref<1x1x2000xf32, #tpu.memory_space<vmem>>, vector<1x1x2000xf32>
    %get3A_10 = vector.shape_cast %get3A_9 : vector<1x1x2000xf32> to vector<2000xf32>
    %add3A = arith.addf %get3A_5, %get3A_10 : vector<2000xf32>
    %add3A_11 = arith.constant 1.000000e+00 : f32
    %add3A_12 = vector.broadcast %add3A_11 : f32 to vector<2000xf32>
    %add3A_13 = arith.addf %add3A, %add3A_12 : vector<2000xf32>
    %rsqrt3A = math.rsqrt %add3A_13 : vector<2000xf32>
    %get3A_14 = arith.constant 0 : index
    %get3A_15 = arith.constant 0 : index
    %get3A_16 = vector.load %arg1[%get3A_14, %get3A_15] : memref<2000x128xf32, #tpu.memory_space<vmem>>, vector<2000x128xf32>
    %get3A_17 = arith.constant 0 : index
    %get3A_18 = arith.constant 0 : index
    %get3A_19 = vector.load %arg2[%get3A_17, %get3A_18] : memref<2000x128xf32, #tpu.memory_space<vmem>>, vector<2000x128xf32>
    %add3A_20 = arith.addf %get3A_16, %get3A_19 : vector<2000x128xf32>
    %get3A_21 = arith.constant 0 : index
    %get3A_22 = arith.constant 0 : index
    %get3A_23 = vector.load %arg3[%get3A_21, %get3A_22] : memref<2000x128xf32, #tpu.memory_space<vmem>>, vector<2000x128xf32>
    %add3A_24 = arith.addf %add3A_20, %get3A_23 : vector<2000x128xf32>
    %broadcast_in_dim3A = vector.shape_cast %rsqrt3A : vector<2000xf32> to vector<2000x1xf32>
    %mul3A = vector.broadcast %broadcast_in_dim3A : vector<2000x1xf32> to vector<2000x128xf32>
    %mul3A_25 = arith.mulf %add3A_24, %mul3A : vector<2000x128xf32>
    %get3A_26 = arith.constant 0 : index
    %get3A_27 = arith.constant 0 : index
    %get3A_28 = vector.load %arg4[%get3A_26, %get3A_27] : memref<1x128xf32, #tpu.memory_space<vmem>>, vector<1x128xf32>
    %add3A_29 = vector.broadcast %get3A_28 : vector<1x128xf32> to vector<2000x128xf32>
    %add3A_30 = arith.addf %mul3A_25, %add3A_29 : vector<2000x128xf32>
    %max3A = arith.constant 0.000000e+00 : f32
    %max3A_31 = vector.broadcast %max3A : f32 to vector<2000x128xf32>
    %max3A_32 = arith.maximumf %add3A_30, %max3A_31 : vector<2000x128xf32>
    %get3A_33 = arith.constant 0 : index
    %get3A_34 = arith.constant 0 : index
    %get3A_35 = arith.constant 0 : index
    %get3A_36 = vector.load %arg5[%get3A_33, %get3A_34, %get3A_35] : memref<1x1x2000xi32, #tpu.memory_space<vmem>>, vector<1x1x2000xi32>
    %get3A_37 = vector.shape_cast %get3A_36 : vector<1x1x2000xi32> to vector<2000xi32>
    %broadcast_in_dim3A_38 = vector.shape_cast %get3A_37 : vector<2000xi32> to vector<2000x1xi32>
    %iota3A = tpu.iota {dimensions = array<i32: 1>} : vector<2000x64xi32>
    %eq3A_39 = vector.broadcast %broadcast_in_dim3A_38 : vector<2000x1xi32> to vector<2000x64xi32>
    %eq3A_40 = arith.cmpi eq, %eq3A_39, %iota3A : vector<2000x64xi32>
    %convert_element_type3A_41 = arith.extui %eq3A_40 : vector<2000x64xi1> to vector<2000x64xi32>
    %convert_element_type3A_42 = arith.sitofp %convert_element_type3A_41 : vector<2000x64xi32> to vector<2000x64xf32>
    %get3A_43 = arith.constant 0 : index
    %get3A_44 = arith.constant 0 : index
    %get3A_45 = vector.load %arg11[%get3A_43, %get3A_44] : memref<64x128xf32, #tpu.memory_space<vmem>>, vector<64x128xf32>
    %dot_general3A = arith.constant dense<0.000000e+00> : vector<64x128xf32>
    %dot_general3A_46 = tpu.matmul %convert_element_type3A_42, %max3A_32, %dot_general3A {dimension_numbers = #tpu.dot_dimension_numbers<[0], [0], [1], [1], [0, 1, 1, 1], [], []>, transpose_lhs_hint = false} : vector<2000x64xf32>, vector<2000x128xf32>, vector<64x128xf32> -> vector<64x128xf32>
    %add3A_47 = arith.addf %get3A_45, %dot_general3A_46 : vector<64x128xf32>
    %swap3A = arith.constant 0 : index
    %swap3A_48 = arith.constant 0 : index
    %swap3A_49 = vector.load %arg11[%swap3A, %swap3A_48] : memref<64x128xf32, #tpu.memory_space<vmem>>, vector<64x128xf32>
    tpu.vector_store %arg11[%swap3A, %swap3A_48], %add3A_47 {strides = array<i32>} : memref<64x128xf32, #tpu.memory_space<vmem>>, vector<64x128xf32>,
    %get3A_50 = arith.constant 0 : index
    %get3A_51 = arith.constant 0 : index
    %get3A_52 = vector.load %arg12[%get3A_50, %get3A_51] : memref<64x128xf32, #tpu.memory_space<vmem>>, vector<64x128xf32>
    %reduce_sum3A = arith.constant dense<0.000000e+00> : vector<64xf32>
    %reduce_sum3A_53 = vector.multi_reduction <add>, %convert_element_type3A_42, %reduce_sum3A [0] : vector<2000x64xf32> to vector<64xf32>
    %broadcast_in_dim3A_54 = vector.shape_cast %reduce_sum3A_53 : vector<64xf32> to vector<64x1xf32>
    %add3A_55 = vector.broadcast %broadcast_in_dim3A_54 : vector<64x1xf32> to vector<64x128xf32>
    %add3A_56 = arith.addf %get3A_52, %add3A_55 : vector<64x128xf32>
    %swap3A_57 = arith.constant 0 : index
    %swap3A_58 = arith.constant 0 : index
    %swap3A_59 = vector.load %arg12[%swap3A_57, %swap3A_58] : memref<64x128xf32, #tpu.memory_space<vmem>>, vector<64x128xf32>
    tpu.vector_store %arg12[%swap3A_57, %swap3A_58], %add3A_56 {strides = array<i32>} : memref<64x128xf32, #tpu.memory_space<vmem>>, vector<64x128xf32>,
    %eq3A_60 = arith.constant 4 : i32
    %eq3A_61 = arith.cmpi eq, %arg0, %eq3A_60 : i32
    %convert_element_type3A_62 = arith.extui %eq3A_61 : i1 to i32
    %cond3A_63 = arith.constant 0 : i32
    %cond3A_64 = arith.cmpi ne, %convert_element_type3A_62, %cond3A_63 : i32
    scf.if %cond3A_64 {
      %get3A_65 = arith.constant 0 : index
      %get3A_66 = arith.constant 0 : index
      %get3A_67 = vector.load %arg11[%get3A_65, %get3A_66] : memref<64x128xf32, #tpu.memory_space<vmem>>, vector<64x128xf32>
      %get3A_68 = arith.constant 0 : index
      %get3A_69 = arith.constant 0 : index
      %get3A_70 = vector.load %arg12[%get3A_68, %get3A_69] : memref<64x128xf32, #tpu.memory_space<vmem>>, vector<64x128xf32>
      %max3A_71 = arith.constant 1.000000e+00 : f32
      %max3A_72 = vector.broadcast %max3A_71 : f32 to vector<64x128xf32>
      %max3A_73 = arith.maximumf %get3A_70, %max3A_72 : vector<64x128xf32>
      %div3A = arith.divf %get3A_67, %max3A_73 : vector<64x128xf32>
      %get3A_74 = arith.constant 0 : index
      %get3A_75 = arith.constant 0 : index
      %get3A_76 = vector.load %arg6[%get3A_74, %get3A_75] : memref<128x128xf32, #tpu.memory_space<vmem>>, vector<128x128xf32>
      %dot_general3A_77 = arith.constant dense<0.000000e+00> : vector<64x128xf32>
      %dot_general3A_78 = tpu.matmul %div3A, %get3A_76, %dot_general3A_77 {dimension_numbers = #tpu.dot_dimension_numbers<[1], [0], [0], [1], [0, 0, 1, 1], [], []>, transpose_lhs_hint = false} : vector<64x128xf32>, vector<128x128xf32>, vector<64x128xf32> -> vector<64x128xf32>
      %get3A_79 = arith.constant 0 : index
      %get3A_80 = arith.constant 0 : index
      %get3A_81 = vector.load %arg7[%get3A_79, %get3A_80] : memref<1x128xf32, #tpu.memory_space<vmem>>, vector<1x128xf32>
      %add3A_82 = vector.broadcast %get3A_81 : vector<1x128xf32> to vector<64x128xf32>
      %add3A_83 = arith.addf %dot_general3A_78, %add3A_82 : vector<64x128xf32>
      %swap3A_84 = arith.constant 0 : index
      %swap3A_85 = arith.constant 0 : index
      %swap3A_86 = vector.load %arg10[%swap3A_84, %swap3A_85] : memref<64x128xf32, #tpu.memory_space<vmem>>, vector<64x128xf32>
      tpu.vector_store %arg10[%swap3A_84, %swap3A_85], %add3A_83 {strides = array<i32>} : memref<64x128xf32, #tpu.memory_space<vmem>>, vector<64x128xf32>,
    } else {
    }
    return
  }
  func.func @transform_0(%arg0: i32) -> (i32, i32) {
    %c0_i32 = arith.constant 0 : i32
    %c0_i32_0 = arith.constant 0 : i32
    return %arg0, %c0_i32 : i32, i32
  }
  func.func @transform_1(%arg0: i32) -> (i32, i32) {
    %c0_i32 = arith.constant 0 : i32
    %c0_i32_0 = arith.constant 0 : i32
    return %arg0, %c0_i32 : i32, i32
  }
  func.func @transform_2(%arg0: i32) -> (i32, i32) {
    %c0_i32 = arith.constant 0 : i32
    %c0_i32_0 = arith.constant 0 : i32
    return %arg0, %c0_i32 : i32, i32
  }
  func.func @transform_3(%arg0: i32) -> (i32, i32) {
    %c0_i32 = arith.constant 0 : i32
    %c0_i32_0 = arith.constant 0 : i32
    %c0_i32_1 = arith.constant 0 : i32
    return %c0_i32, %c0_i32_0 : i32, i32
  }
  func.func @transform_4(%arg0: i32) -> (i32, i32, i32) {
    %c0_i32 = arith.constant 0 : i32
    %c0_i32_0 = arith.constant 0 : i32
    %c0_i32_1 = arith.constant 0 : i32
    return %arg0, %c0_i32, %c0_i32_0 : i32, i32, i32
  }
  func.func @transform_5(%arg0: i32) -> (i32, i32) {
    %c0_i32 = arith.constant 0 : i32
    %c0_i32_0 = arith.constant 0 : i32
    %c0_i32_1 = arith.constant 0 : i32
    return %c0_i32, %c0_i32_0 : i32, i32
  }
  func.func @transform_6(%arg0: i32) -> (i32, i32) {
    %c0_i32 = arith.constant 0 : i32
    %c0_i32_0 = arith.constant 0 : i32
    %c0_i32_1 = arith.constant 0 : i32
    return %c0_i32, %c0_i32_0 : i32, i32
  }
  func.func @transform_7(%arg0: i32) -> (i32, i32, i32) {
    %c0_i32 = arith.constant 0 : i32
    %c0_i32_0 = arith.constant 0 : i32
    %c0_i32_1 = arith.constant 0 : i32
    return %arg0, %c0_i32, %c0_i32_0 : i32, i32, i32
  }
  func.func @transform_8(%arg0: i32) -> (i32, i32, i32) {
    %c0_i32 = arith.constant 0 : i32
    %c0_i32_0 = arith.constant 0 : i32
    %c0_i32_1 = arith.constant 0 : i32
    return %arg0, %c0_i32, %c0_i32_0 : i32, i32, i32
  }
  func.func @transform_9(%arg0: i32) -> (i32, i32) {
    %c0_i32 = arith.constant 0 : i32
    %c0_i32_0 = arith.constant 0 : i32
    %c0_i32_1 = arith.constant 0 : i32
    return %c0_i32, %c0_i32_0 : i32, i32
  }
}

</mosaic_0001>

<sc_bundles>
// kernel: kernel.11.cloned.1.call-start
scs
__scs_entry_jumppad:
0x0: {  	(pc) =	sbr.rel $0x88, $3  }
0x1: {  	(tag) =	ssettag $0x0;
	lr =	simm.s32 $0x1  }
0x2: {  	[smem:$0x3F98] =	sst lr;
	_ =	strace $0xD0000000  }
0x3: {  	_ = 	snop  }
0x4: {  	_ = 	snop  }
0x5: {  	_ = 	snop  }
0x6: {  	_ = 	snop  }
0x7: {  	_ = 	snop  }
__scs_overlays_trampoline_lowered:
0x8: {  	[smem:$0x3FA7] =	sst s0  }
0x9: {  	[smem:$0x3FA8] =	sst s1  }
0xa: {  	[smem:$0x3FA9] =	sst s2  }
0xb: {  	[smem:$0x3FAA] =	sst s3  }
0xc: {  	[smem:$0x3FAB] =	sst s4  }
0xd: {  	[smem:$0x3FAC] =	sst s5  }
0xe: {  	[smem:$0x3FAD] =	sst s6  }
0xf: {  	[smem:$0x3FAE] =	sst s7  }
0x10: {  	[smem:$0x3FAF] =	sst s8  }
0x11: {  	[smem:$0x3FB0] =	sst s9;
	s0 =	simm.s32 @!p0 $0x0  }
0x12: {  	s1 =	sld [smem:$0x3F96];
	s0 =	simm.s32 @p0 $0x1  }
0x13: {  	[smem:$0x3FB1] =	sst s0;
	s0 =	simm.s32 @!p1 $0x0  }
0x14: {  	s2 =	sld [smem:$0x3F95];
	s0 =	simm.s32 @p1 $0x1  }
0x15: {  	[smem:$0x3FB2] =	sst s0;
	s0 =	simm.s32 @!p2 $0x0  }
0x16: {  	s3 =	sld [smem:$0x3FDB];
	s0 =	simm.s32 @p2 $0x1  }
0x17: {  	s4 =	simm.s32 $0x1BF5;
	[smem:$0x3FB4] =	sst s0  }
0x18: {  	s0 =	sld [smem:$0x3F97];
	_ =	swait.ge [sflag:s4], $0x0  }
0x19: {  	s7 =	sld [smem:$0x3F98]  }
0x1a: {  	s8 =	sadd.s32 $0xFFFFE003, lr  }
0x1b: {  	s9 =	sadd.s32 $0xFFFFFEF7, lr;
	s5 =	simm.s32 $0xFFFFFFFF;
	p2 =	slt.u32 s8, $0xFFFFF086  }
0x1c: {  	p1 =	slt.u32 s9, $0xF7A;
	s5 =	simm.s32 @!p2 $0x0  }
0x1d: {  	s5 =	simm.s32 @p1 $0x1;
	p0 =	seq.s32 s7, s2  }
0x1e: {  	s7 =	smul.u32 @!p0 $0xF7A, s2;
	p2 =	seq.s32 @!p0 s5, $0x0  }
0x1f: {  	s9 =	smul.u32 $0xF7A, s1;
	s8 =	simm.s32 @!p0 $0x1BF5;
	p2 =	por !p2, p0  }
0x20: {  	[sflag:s8] =	ssyncset.s32 @!p0 $0xFFFFF086;
	s6 =	sadd.s32 @!p0 s3, s7;
	s7 =	simm.s32 @!p0 $0x108  }
0x21: {  	s3 =	sadd.s32 s3, s9;
	s6 =	sadd.s32 @!p0 $0x88, s6;
	s7 =	simm.s32 @p2 $0x1082  }
0x22: {  	[simem:s7], [sflag:s8] =	dma.local @!p0 [hbm:s6], $0xF7A  }
0x23: {  	s9 =	sor.u32 $0xD0000000, s2;
	s6 =	simm.s32 $0x108;
	_ =	swait.ge @!p0 [sflag:s8], $0x0  }
0x24: {  	s3 =	sadd.s32 $0x88, s3;
	s6 =	simm.s32 @!p1 $0x1082;
	[sflag:s4] =	ssyncset.s32 $0xFFFFF086  }
0x25: {  	[simem:s6], [sflag:s4] =	dma.local [hbm:s3], $0xF7A  }
0x26: {  	[smem:$0x3F98] =	sst s1;
	(tag) =	ssettag s2;
	_ =	strace s9  }
0x27: {  	s1 =	sld [smem:$0x3FA8]  }
0x28: {  	s2 =	sld [smem:$0x3FA9]  }
0x29: {  	s4 =	sld [smem:$0x3FAB]  }
0x2a: {  	p0 =	seq.s32 s5, $0x0;
	s5 =	sld [smem:$0x3FAC]  }
0x2b: {  	s6 =	sld [smem:$0x3FAD]  }
0x2c: {  	s7 =	sld [smem:$0x3FAE]  }
0x2d: {  	s3 =	simm.s32 $0x108;
	s8 =	sld [smem:$0x3FAF]  }
0x2e: {  	s3 =	simm.s32 @!p0 $0x1082;
	s9 =	sld [smem:$0x3FB0]  }
0x2f: {  	lr =	sadd.s32 s0, s3;
	s0 =	sld [smem:$0x3FA7]  }
0x30: {  	s3 =	sld [smem:$0x3FAA]  }
0x31: {  	[smem:$0x3FB3] =	sst s10  }
0x32: {  	s10 =	sld [smem:$0x3FB1];
	_ =	sdelay $0x3  }
0x33: {  	p0 =	seq.s32 s10, $0x1;
	s10 =	sld [smem:$0x3FB3];
	_ =	sdelay $0x3  }
0x34: {  	[smem:$0x3FB3] =	sst s10  }
0x35: {  	s10 =	sld [smem:$0x3FB2];
	_ =	sdelay $0x3  }
0x36: {  	p1 =	seq.s32 s10, $0x1;
	s10 =	sld [smem:$0x3FB3];
	_ =	sdelay $0x3  }
0x37: {  	[smem:$0x3FB3] =	sst s10  }
0x38: {  	s10 =	sld [smem:$0x3FB4]  }
0x39: {  	_ = 	snop;
	(pc) =	sbr.ind lr, $3  }
0x3a: {  	_ = 	snop  }
0x3b: {  	_ = 	snop  }
0x3c: {  	p2 =	seq.s32 s10, $0x1;
	s10 =	sld [smem:$0x3FB3]  }
0x3d: {  	_ =	shalt  }
0x3e: {  	_ =	shalt  }
0x3f: {  	_ =	shalt  }
0x40: {  	_ =	shalt  }
0x41: {  	_ =	shalt  }
0x42: {  	_ =	shalt  }
0x43: {  	_ =	shalt  }
0x44: {  	_ =	shalt  }
0x45: {  	_ =	shalt  }
0x46: {  	_ =	shalt  }
0x47: {  	_ =	shalt  }
0x48: {  	_ =	shalt  }
0x49: {  	_ =	shalt  }
0x4a: {  	_ =	shalt  }
0x4b: {  	_ =	shalt  }
0x4c: {  	_ =	shalt  }
0x4d: {  	_ =	shalt  }
0x4e: {  	_ =	shalt  }
0x4f: {  	_ =	shalt  }
0x50: {  	_ =	shalt  }
0x51: {  	_ =	shalt  }
0x52: {  	_ =	shalt  }
0x53: {  	_ =	shalt  }
0x54: {  	_ =	shalt  }
0x55: {  	_ =	shalt  }
0x56: {  	_ =	shalt  }
0x57: {  	_ =	shalt  }
0x58: {  	_ =	shalt  }
0x59: {  	_ =	shalt  }
0x5a: {  	_ =	shalt  }
0x5b: {  	_ =	shalt  }
0x5c: {  	_ =	shalt  }
0x5d: {  	_ =	shalt  }
0x5e: {  	_ =	shalt  }
0x5f: {  	_ =	shalt  }
0x60: {  	_ =	shalt  }
0x61: {  	_ =	shalt  }
0x62: {  	_ =	shalt  }
0x63: {  	_ =	shalt  }
0x64: {  	_ =	shalt  }
0x65: {  	_ =	shalt  }
0x66: {  	_ =	shalt  }
0x67: {  	_ =	shalt  }
0x68: {  	_ =	shalt  }
0x69: {  	_ =	shalt  }
0x6a: {  	_ =	shalt  }
0x6b: {  	_ =	shalt  }
0x6c: {  	_ =	shalt  }
0x6d: {  	_ =	shalt  }
0x6e: {  	_ =	shalt  }
0x6f: {  	_ =	shalt  }
0x70: {  	_ =	shalt  }
0x71: {  	_ =	shalt  }
0x72: {  	_ =	shalt  }
0x73: {  	_ =	shalt  }
0x74: {  	_ =	shalt  }
0x75: {  	_ =	shalt  }
0x76: {  	_ =	shalt  }
0x77: {  	_ =	shalt  }
0x78: {  	_ =	shalt  }
0x79: {  	_ =	shalt  }
0x7a: {  	_ =	shalt  }
0x7b: {  	_ =	shalt  }
0x7c: {  	_ =	shalt  }
0x7d: {  	_ =	shalt  }
0x7e: {  	_ =	shalt  }
0x7f: {  	_ =	shalt  }
0x80: {  	_ =	shalt  }
0x81: {  	_ =	shalt  }
0x82: {  	_ =	shalt  }
0x83: {  	_ =	shalt  }
0x84: {  	_ =	shalt  }
0x85: {  	_ =	shalt  }
0x86: {  	_ =	shalt  }
0x87: {  	_ =	shalt  }
.Lfunc_end0:
.L_simem_size_0:
called_computation.1_lowered:
.L_overlay_start_0:
0x88: {  	s2 =	sld [smem:$0x3FD9]  }
0x89: {  	s3 =	sld [smem:$0x3FFE];
	_ =	sdelay $0x1  }
0x8a: {  	s1 =	srdreg.scid  }
0x8b: {  	s0 =	sand.u32 $0x1, s1  }
0x8c: {  	s16 =	sshll.u32 s0, $0xA;
	s2 =	sadd.s32 s3, s2  }
0x8d: {  	s2 =	sadd.s32 s2, s16  }
0x8e: {  	[smem:$0x3FBF] =	sst s2  }
0x8f: {  	_ = 	snop  }
0x90: {  	(tm) =	ssettm $0x1  }
0x91: {  	s17 =	sld [smem:$0x3FFB];
	_ =	sdelay $0x3  }
0x92: {  	_ =	strace s17  }
0x93: {  	s2 =	sld [smem:$0x3FFC];
	_ =	sdelay $0x3  }
0x94: {  	_ =	strace s2  }
0x95: {  	s2 =	sld [smem:$0x3FFD];
	_ =	sdelay $0x3  }
0x96: {  	_ =	strace s2  }
0x97: {  	_ =	strace $0x8FFFFFFF  }
0x98: {  	s18 =	sld [smem:$0x3FDB];
	_ =	sdelay $0x1  }
0x99: {  	s19 =	simm.s32 $_scs_section_size  }
0x9a: {  	s4 =	simm.s32 $_size__tile_overlayer_lowered;
	s5 =	simm.s32 $_tile_overlayer_lowered  }
0x9b: {  	s22 =	simm.s32 $0x1BFF;
	s21 =	sshll.u32 s5, $0x1;
	s2 =	sadd.s32 s19, s18  }
0x9c: {  	s6 =	simm.s32 $0x0;
	s20 =	sshll.u32 s4, $0x1;
	s4 =	sadd.s32 s21, s2  }
0x9d: {  	[timem:s6], [sflag:s22] =	dma.local [hbm:s4], s20  }
0x9e: {  	_ =	swait.ge [sflag:s22], s20  }
0x9f: {  	s3 =	ssub.s32 $0x0, s20;
	[sflag:s22] =	ssyncset.done $0x0  }
0xa0: {  	[sflag:s22] =	ssyncadd.s32 s3;
	_ =	sdelay $0x1  }
0xa1: {  	s23 =	simm.s32 $0x1B8B  }
0xa2: {  	_ =	swait.ge [sflag:s23], $0x1  }
0xa3: {  	[sflag:s23] =	ssyncset.done $0x0  }
0xa4: {  	s25 =	simm.s32 $0x1B8E;
	s24 =	sld [smem:$0x3FFE];
	[sflag:s23] =	ssyncadd.s32 $0xFFFFFFFF  }
0xa5: {  	s26 =	simm.s32 $execute0_lowered;
	[smem:$0x3FD2] =	sst s25  }
0xa6: {  	s4 =	sshll.u32 s26, $0x1;
	_ =	strace $0x80000049;
	[dreg:$0x1] =	wrdreg $0xFFFFFFFF  }
0xa7: {  	s28 =	simm.s32 $_size_execute0_lowered;
	s2 =	sadd.s32 s2, s4;
	[dreg:$0x0] =	wrdreg $0x0  }
0xa8: {  	s4 =	sshll.u32 s28, $0x1;
	[dreg:$0x2] =	wrdreg s2  }
0xa9: {  	[dreg:$0x3] =	wrdreg s4  }
0xaa: {  	[dreg:$0x4] =	wrdreg $0xC0  }
0xab: {  	_ =	task [dreg:s6], $0x5FFFF  }
0xac: {  	[dreg:$0x1] =	wrdreg $0xFFFFFFFF  }
0xad: {  	[dreg:$0x0] =	wrdreg $0x60  }
0xae: {  	[dreg:$0x2] =	wrdreg s24  }
0xaf: {  	[dreg:$0x3] =	wrdreg $0x84000  }
0xb0: {  	[dreg:$0x4] =	wrdreg $0x9  }
0xb1: {  	_ =	task.clear_ibuf [dreg:s6], $0x5FFFF;
	_ =	strace $0x90000049  }
0xb2: {  	s29 =	simm.s32 $0x9;
	_ =	strace $0x8000004B  }
0xb3: {  	_ =	swait.ge [sflag:s29], $0x1  }
0xb4: {  	[sflag:s29] =	ssyncadd.s32 $0xFFFFFFFF  }
0xb5: {  	_ =	strace $0x9000004B  }
0xb6: {  	_ =	sfence  }
0xb7: {  	s30 =	sld [smem:$0x0];
	_ =	sdelay $0x2  }
0xb8: {  	s31 =	sshll.u32 s1, $0xD;
	s1 =	sshrl.u32 s1, $0x2  }
0xb9: {  	s3 =	sand.u32 $0x4000, s31;
	s1 =	sadd.s32 s1, s30  }
0xba: {  	s0 =	sor.u32 s3, s0;
	s1 =	sshll.u32 s1, $0x11  }
0xbb: {  	s0 =	sor.u32 s1, s0  }
0xbc: {  	s0 =	sadd.s32 $0x8F2B, s0  }
0xbd: {  	[sflag:s0] =	ssyncadd.remote.s32 $0x1  }
0xbe: {  	_ =	sfence.sel $0xFFFF  }
0xbf: {  	[dreg:$0x0] =	wrdreg $0xFFFFFFFF;
	(pc) =	sbr.abs _section_cstart, $3  }
0xc0: {  	[dreg:$0x1] =	wrdreg $0xFFFFFFFF  }
0xc1: {  	_ =	task.clear_ibuf [dreg:s6], $0x2FFFF;
	_ =	strace $0x9FFFFFFF  }
0xc2: {  	(tm) =	ssettm $0x7FFFFFFF  }
0xc3: {  	_ =	shalt  }
tec
execute0_lowered:
.L_overlay_start_1:
0x0: {  	(tag) =	ssettag $0x1  }
0x1: {  	s0 =	rddreg [dreg:$0x0]  }
0x2: {  	s1 =	rddreg [dreg:$0x1];
	s2 =	simm.s32 $0x0;
	s3 =	srdreg.scid  }
0x3: {  	s11 =	stileid.u32;
	[smem:$0x7FF] =	sst s2;
	s4 =	sadd.s32 $0x3000, s0  }
0x4: {  	s5 =	sadd.s32 $0x5D000, s0;
	s6 =	sand.u32 $0x1, s3;
	s16 =	sshll.u32 s11, $0x1  }
0x5: {  	s7 =	smul.u32 $0x50000, s11;
	s8 =	sadd.s32 $0x2A200, s0;
	s18 =	sadd.s32 $0x71000, s0  }
0x6: {  	p2 =	seq.s32 s11, $0x0;
	p3 =	seq.s32 s11, $0x1;
	s20 =	sadd.s32 $0x2C980, s0  }
0x7: {  	p6 =	seq.s32 s11, $0x2;
	_ =	strace $0x8000004A;
	[dreg:$0x3] =	wrdreg s8  }
0x8: {  	s21 =	sadd.s32 $0x73780, s0;
	p4 =	seq.s32 s11, $0x3;
	[dreg:$0x4] =	wrdreg s18  }
0x9: {  	s22 =	sadd.s32 $0x2F100, s0;
	s23 =	sadd.s32 $0x31880, s0;
	[dreg:$0x8] =	wrdreg s20  }
0xa: {  	s14 =	sadd.s32 $0x78680, s0;
	s24 =	sadd.s32 $0x34000, s0;
	[dreg:$0x9] =	wrdreg s21  }
0xb: {  	s25 =	sadd.s32 $0x36780, s0;
	s15 =	sadd.s32 $0x7D580, s0;
	[dreg:$0xa] =	wrdreg s22  }
0xc: {  	s26 =	smul.u32 $0xA0, s11;
	s28 =	sadd.s32 $0x114800, s1;
	[dreg:$0xb] =	wrdreg s23  }
0xd: {  	s30 =	sadd.s32 $0x128400, s1;
	s17 =	ssub.s32 $0x2, s6;
	[dreg:$0xd] =	wrdreg s24  }
0xe: {  	s3 =	sor.u32 s6, s16;
	s19 =	sor.u32 s6, s11;
	[dreg:$0xe] =	wrdreg s25  }
0xf: {  	p0 =	seq.s32 s6, $0x1;
	s18 =	sadd.s32 $0x42D00, s0;
	[dreg:$0x7] =	wrdreg s19  }
0x10: {  	p1 =	seq.s32 s6, $0x0;
	s20 =	sadd.s32 $0x45480, s0;
	[dreg:$0x18] =	wrdreg s18  }
0x11: {  	s6 =	smul.u32 $0x50, s6;
	s21 =	sadd.s32 $0x47C00, s0;
	[dreg:$0x19] =	wrdreg s20  }
0x12: {  	s22 =	sadd.s32 $0x4A380, s0;
	s23 =	sadd.s32 $0x4CB00, s0;
	[dreg:$0x1a] =	wrdreg s21  }
0x13: {  	s24 =	sadd.s32 $0x4F280, s0;
	s25 =	sadd.s32 $0x93900, s0;
	[dreg:$0x1b] =	wrdreg s22  }
0x14: {  	s9 =	sshrl.u32 s17, $0x1;
	s7 =	sshrl.u32 s7, $0x2;
	[dreg:$0x1c] =	wrdreg s23  }
0x15: {  	s10 =	smul.u32 $0xA00, s3;
	p2 =	por !p2, !p0;
	[dreg:$0x1d] =	wrdreg s24  }
0x16: {  	p5 =	por !p3, !p1;
	[dreg:$0x1e] =	wrdreg s25;
	s18 =	sadd.s32 $0x76800, s1  }
0x17: {  	s20 =	sadd.s32 $0x8A400, s1;
	s21 =	sadd.s32 $0x9E000, s1;
	[smem:$0x7F5] =	sst s18  }
0x18: {  	s22 =	sadd.s32 $0xB1C00, s1;
	s23 =	sadd.s32 $0xC5800, s1;
	[smem:$0x7F6] =	sst s20  }
0x19: {  	s24 =	sadd.s32 $0xD9400, s1;
	s3 =	ssub.s32 s17, s9;
	[smem:$0x7F7] =	sst s21  }
0x1a: {  	s12 =	sadd.s32 s7, s1;
	p2 =	por !p2, !p2;
	[smem:$0x7F8] =	sst s22  }
0x1b: {  	s6 =	sadd.s32 s6, s26;
	s9 =	sadd.s32 $0x82480, s0;
	[smem:$0x7F9] =	sst s23  }
0x1c: {  	s17 =	sadd.s32 $0x40580, s0;
	[smem:$0x7FA] =	sst s24;
	s20 =	simm.s32 $0x200  }
0x1d: {  	s18 =	simm.s32 $0x2;
	s21 =	simm.s32 $0x4400;
	s22 =	simm.s32 $0x300  }
0x1e: {  	s23 =	simm.s32 $0x1;
	s7 =	simm.s32 @!p2 $0x0;
	[dreg:$0x17] =	wrdreg s17  }
0x1f: {  	s13 =	sadd.s32 s5, s10;
	[dreg:$0x5] =	wrdreg s12;
	s7 =	simm.s32 @p2 $0x1  }
0x20: {  	s6 =	sshll.u32 s6, $0x5;
	[smem:$0x7C8] =	sst s7;
	s7 =	simm.s32 @!p3 $0x0  }
0x21: {  	s17 =	sadd.s32 $0x62C00, s1;
	p2 =	por !p5, !p5;
	s7 =	simm.s32 @p3 $0x1  }
0x22: {  	p5 =	por !p6, !p1;
	[smem:$0x7C9] =	sst s7;
	s7 =	simm.s32 @!p2 $0x0  }
0x23: {  	[smem:$0x7F4] =	sst s17;
	p3 =	por !p5, !p5;
	s7 =	simm.s32 @p2 $0x1  }
0x24: {  	s19 =	sadd.s32 s6, s5;
	[smem:$0x7CA] =	sst s7;
	s7 =	simm.s32 @!p3 $0x0  }
0x25: {  	[dreg:$0x6] =	wrdreg s13;
	s25 =	sadd.s32 $0x40, s13;
	s7 =	simm.s32 @p3 $0x1  }
0x26: {  	p2 =	por !p6, !p0;
	[smem:$0x7CB] =	sst s7;
	s7 =	simm.s32 @!p4 $0x0  }
0x27: {  	[smem:$0x7FB] =	sst s25;
	p2 =	por !p2, !p2;
	s7 =	simm.s32 @p4 $0x1  }
0x28: {  	p6 =	por !p4, !p1;
	[smem:$0x7CC] =	sst s7;
	s7 =	simm.s32 @!p2 $0x0  }
0x29: {  	p4 =	seq.s32 s11, $0x4;
	s7 =	simm.s32 @p2 $0x1;
	p2 =	por !p6, !p6  }
0x2a: {  	p6 =	por !p4, !p1;
	[smem:$0x7D2] =	sst s7;
	s7 =	simm.s32 @!p2 $0x0  }
0x2b: {  	p5 =	seq.s32 s11, $0x5;
	p3 =	por !p6, !p6;
	s7 =	simm.s32 @p2 $0x1  }
0x2c: {  	s8 =	simm.s32 @!p3 $0x0;
	p2 =	por !p4, !p0;
	s29 =	sld [smem:$0x7D2]  }
0x2d: {  	p4 =	por !p5, !p1;
	[smem:$0x7CD] =	sst s7;
	s8 =	simm.s32 @p3 $0x1  }
0x2e: {  	p6 =	por !p2, !p2;
	[smem:$0x7CE] =	sst s8;
	s8 =	simm.s32 @!p5 $0x0  }
0x2f: {  	p2 =	por !p4, !p4;
	s8 =	simm.s32 @p5 $0x1;
	p5 =	seq.s32 s11, $0x6  }
0x30: {  	[smem:$0x7CF] =	sst s8;
	s8 =	simm.s32 @!p2 $0x0;
	p4 =	por !p5, !p1  }
0x31: {  	s8 =	simm.s32 @p2 $0x1;
	p3 =	por !p4, !p4;
	p2 =	por !p5, !p0  }
0x32: {  	[smem:$0x7D0] =	sst s8;
	s8 =	sadd.s32 $0x7AE00, s0;
	s10 =	simm.s32 @!p3 $0x0  }
0x33: {  	p5 =	por !p2, !p2;
	p2 =	seq.s32 s11, $0x8;
	s10 =	simm.s32 @p3 $0x1  }
0x34: {  	s16 =	simm.s32 @!p2 $0x0;
	s15 =	smov.u32 @p6 s8;
	[smem:$0x7D1] =	sst s10  }
0x35: {  	p3 =	seq.s32 s29, $0x1;
	s29 =	smax.u32 s3, $0x1;
	[dreg:$0xf] =	wrdreg s15  }
0x36: {  	s7 =	sadd.s32 $0x75F00, s0;
	s16 =	simm.s32 @p2 $0x1;
	[smem:$0x7E8] =	sst s29  }
0x37: {  	s8 =	simm.s32 @!p5 $0x0;
	s14 =	smov.u32 @p3 s7;
	[smem:$0x7D8] =	sst s16  }
0x38: {  	s5 =	sadd.s32 $0x84C00, s0;
	s8 =	simm.s32 @p5 $0x1;
	[dreg:$0xc] =	wrdreg s14  }
0x39: {  	s17 =	simm.s32 $0x5;
	s15 =	sadd.s32 $0x3B680, s0;
	[smem:$0x7D4] =	sst s8  }
0x3a: {  	s10 =	sadd.s32 $0x7FD00, s0;
	s29 =	sadd.s32 $0xED000, s1;
	[dreg:$0x15] =	wrdreg s15  }
0x3b: {  	p2 =	por !p2, !p0;
	s9 =	smov.u32 @p5 s10;
	[smem:$0x7FD] =	sst s29  }
0x3c: {  	s7 =	sadd.s32 $0x87380, s0;
	p4 =	por !p2, !p2;
	[dreg:$0x10] =	wrdreg s9  }
0x3d: {  	p2 =	seq.s32 s11, $0xA;
	s15 =	sadd.s32 $0x3B400, s1;
	s10 =	sld [smem:$0x7D8]  }
0x3e: {  	s16 =	simm.s32 @!p2 $0x0;
	s7 =	smov.u32 @p4 s5;
	[smem:$0x7F2] =	sst s15  }
0x3f: {  	s9 =	simm.s32 @!p4 $0x0;
	s16 =	simm.s32 @p2 $0x1;
	[dreg:$0x11] =	wrdreg s7  }
0x40: {  	s31 =	sadd.s32 $0xC0, s19;
	s9 =	simm.s32 @p4 $0x1;
	[smem:$0x7DA] =	sst s16  }
0x41: {  	s25 =	simm.s32 $0x6;
	s7 =	sadd.s32 $0x4000, s12;
	[smem:$0x7D5] =	sst s9  }
0x42: {  	s8 =	sadd.s32 $0x8C280, s0;
	s9 =	sadd.s32 $0x38F00, s0;
	[smem:$0x7EB] =	sst s7  }
0x43: {  	s5 =	sadd.s32 $0x8EA00, s0;
	s15 =	simm.s32 $0x280;
	[dreg:$0x14] =	wrdreg s9  }
0x44: {  	p2 =	por !p2, !p0;
	s16 =	sadd.s32 $0x3DE00, s0;
	s14 =	sld [smem:$0x7DA]  }
0x45: {  	p3 =	por !p2, !p2;
	[dreg:$0x16] =	wrdreg s16;
	s9 =	sadd.s32 $0xC000, s12  }
0x46: {  	s6 =	simm.s32 @!p3 $0x0;
	s16 =	sadd.s32 $0x4F000, s1;
	[smem:$0x7ED] =	sst s9  }
0x47: {  	p2 =	seq.s32 s11, $0x7;
	s6 =	simm.s32 @p3 $0x1;
	[smem:$0x7F3] =	sst s16  }
0x48: {  	s9 =	simm.s32 $0x8;
	[smem:$0x7E6] =	sst s6;
	s6 =	simm.s32 @!p6 $0x0  }
0x49: {  	s16 =	simm.s32 $0x0;
	s6 =	simm.s32 @p6 $0x1;
	p6 =	seq.s32 s11, $0xC  }
0x4a: {  	[smem:$0x7D3] =	sst s6;
	s6 =	sadd.s32 $0x89B00, s0;
	p5 =	por !p6, !p0  }
0x4b: {  	s26 =	sld [smem:$0x7E6];
	p5 =	por !p5, !p5;
	s8 =	smov.u32 @p3 s6  }
0x4c: {  	s6 =	sadd.s32 $0x91180, s0;
	p3 =	seq.s32 s10, $0x1;
	s0 =	sadd.s32 $0x96080, s0  }
0x4d: {  	s10 =	sadd.s32 $0x10000, s12;
	s6 =	smov.u32 @p5 s5;
	s5 =	simm.s32 @!p2 $0x0  }
0x4e: {  	[dreg:$0x12] =	wrdreg s8;
	s5 =	simm.s32 @p2 $0x1;
	p2 =	por !p2, !p1  }
0x4f: {  	p4 =	por p5, p5;
	[dreg:$0x1f] =	wrdreg s0;
	p2 =	por !p2, !p2  }
0x50: {  	p5 =	seq.s32 s14, $0x1;
	[smem:$0x7D6] =	sst s5;
	s5 =	simm.s32 @!p2 $0x0  }
0x51: {  	s8 =	sadd.s32 $0x8000, s12;
	s5 =	simm.s32 @p2 $0x1;
	p2 =	por !p3, !p1  }
0x52: {  	[smem:$0x7EE] =	sst s10;
	s12 =	sadd.s32 $0x13C00, s1;
	p2 =	por !p2, !p2  }
0x53: {  	s14 =	sadd.s32 $0x27800, s1;
	[smem:$0x7D7] =	sst s5;
	s5 =	simm.s32 @!p2 $0x0  }
0x54: {  	[dreg:$0x13] =	wrdreg s6;
	p3 =	seq.s32 s11, $0x9;
	s5 =	simm.s32 @p2 $0x1  }
0x55: {  	s10 =	simm.s32 $0x80;
	[smem:$0x7D9] =	sst s5;
	s5 =	simm.s32 @!p3 $0x0  }
0x56: {  	[smem:$0x7EC] =	sst s8;
	s5 =	simm.s32 @p3 $0x1;
	p3 =	por !p3, !p1  }
0x57: {  	s6 =	stileid.u32;
	[smem:$0x7F0] =	sst s12;
	p3 =	por !p3, !p3  }
0x58: {  	p2 =	por !p5, !p1;
	[smem:$0x7DB] =	sst s5;
	s5 =	simm.s32 @!p3 $0x0  }
0x59: {  	[smem:$0x7F1] =	sst s14;
	p2 =	por !p2, !p2;
	s5 =	simm.s32 @p3 $0x1  }
0x5a: {  	s0 =	simm.s32 @!p4 $0x0;
	[smem:$0x7DC] =	sst s5;
	s5 =	simm.s32 @!p2 $0x0  }
0x5b: {  	p3 =	seq.s32 s11, $0xB;
	s5 =	simm.s32 @p2 $0x1;
	p2 =	por !p6, !p1  }
0x5c: {  	p6 =	por !p3, !p1;
	[smem:$0x7DD] =	sst s5;
	s5 =	simm.s32 @!p3 $0x0  }
0x5d: {  	s14 =	simm.s32 $0x100;
	p5 =	por !p6, !p6;
	s5 =	simm.s32 @p3 $0x1  }
0x5e: {  	s12 =	simm.s32 $0x3;
	[smem:$0x7DE] =	sst s5;
	s5 =	simm.s32 @!p5 $0x0  }
0x5f: {  	s8 =	simm.s32 $0x4;
	p2 =	por !p2, !p2;
	s5 =	simm.s32 @p5 $0x1  }
0x60: {  	s0 =	simm.s32 @p4 $0x1;
	[smem:$0x7DF] =	sst s5;
	s5 =	simm.s32 @!p2 $0x0  }
0x61: {  	s6 =	simm.s32 @p4 $0xC;
	p3 =	seq.s32 s11, $0xD;
	s5 =	simm.s32 @p2 $0x1  }
0x62: {  	p6 =	por !p3, !p1;
	[smem:$0x7E0] =	sst s5;
	s5 =	simm.s32 @!p3 $0x0  }
0x63: {  	[smem:$0x7E7] =	sst s0;
	p2 =	por !p6, !p6;
	s5 =	simm.s32 @p3 $0x1  }
0x64: {  	p6 =	seq.s32 s11, $0xF;
	[smem:$0x7E1] =	sst s5;
	s5 =	simm.s32 @!p2 $0x0  }
0x65: {  	p3 =	por p0, p0;
	s5 =	simm.s32 @p2 $0x1;
	p2 =	seq.s32 s11, $0xE  }
0x66: {  	[smem:$0x7E2] =	sst s5;
	p5 =	por !p2, !p1;
	s5 =	simm.s32 @!p6 $0x0  }
0x67: {  	p2 =	por !p2, !p0;
	s5 =	simm.s32 @p6 $0x1;
	p0 =	por !p5, !p5  }
0x68: {  	p6 =	por !p6, !p1;
	[smem:$0x7E3] =	sst s5;
	s5 =	simm.s32 @!p0 $0x0  }
0x69: {  	s11 =	sadd.s32 $0x20, s13;
	s5 =	simm.s32 @p0 $0x1;
	p0 =	por !p6, !p6  }
0x6a: {  	s13 =	simm.s32 $0x380;
	[smem:$0x7E4] =	sst s5;
	s5 =	simm.s32 @!p0 $0x0  }
0x6b: {  	[smem:$0x7EF] =	sst s11;
	s11 =	simm.s32 $0x400;
	s5 =	simm.s32 @p0 $0x1  }
0x6c: {  	p0 =	seq.s32 s26, $0x1;
	[smem:$0x7E5] =	sst s5;
	s5 =	stileid.u32  }
.Ltmp0:
0x6d: {  	p1 =	por !p2, !p2;
	s5 =	simm.s32 @p0 $0xA;
	(pc) =	sbr.rel .LBB2_1-.Ltmp0, $4  }
0x6e: {  	s26 =	sadd.s32 $0x100C00, s1;
	s3 =	sshll.u32 s5, $0x6;
	s5 =	sshll.u32 s6, $0x6  }
0x6f: {  	[smem:$0x7FC] =	sst s26;
	s0 =	sor.u32 $0x1C09, s3;
	s6 =	sor.u32 $0x1C09, s5  }
0x70: {  	s3 =	simm.s32 $0x180;
	s5 =	simm.s32 $0x7;
	[smem:$0x7E9] =	sst s0  }
0x71: {  	v0 =	vimm.f32 $0.0e+00;
	[smem:$0x7EA] =	sst s6;
	s0 =	sadd.s32 $0x80, s19;
	s6 =	simm.s32 $0x9  }
.LBB2_23:
0x72: {  	s7 =	sld [smem:$0x7E4];
	_ =	sdelay $0x2  }
0x73: {  	p5 =	seq.s32 s7, $0x1  }
0x74: {  	s29 =	rddreg [dreg:$0x1c];
	s7 =	sshrl.u32 @p5 s28, $0x3;
	s24 =	simm.s32 @p5 $0x1F89  }
0x75: {  	[hbm:s29], [sflag:s24] =	dma.local @p5 [spmem:s7], $0x2780  }
0x76: {  	s7 =	simm.s32 @p5 $0x9;
	s24 =	sld [smem:$0x7E5]  }
0x77: {  	_ =	swait.ge @p5 [sflag:s7], $0x2780  }
0x78: {  	s29 =	sld [smem:$0x7E3]  }
0x79: {  	[sflag:s7] =	ssyncset.done @p5 $0x0;
	p0 =	seq.s32 s24, $0x1  }
0x7a: {  	[sflag:s7] =	ssyncadd.s32 @p5 $0xFFFFD880;
	p2 =	por !p0, p1  }
0x7b: {  	p4 =	seq.s32 s29, $0x1;
	s29 =	rddreg [dreg:$0x1d];
	p0 =	por @!p2 $0x1, $0x1  }
0x7c: {  	s7 =	sshrl.u32 @!p2 s30, $0x3;
	s24 =	simm.s32 @!p2 $0x1FC9;
	p4 =	por @!p2 p0, p0  }
0x7d: {  	[hbm:s29], [sflag:s24] =	dma.local @!p2 [spmem:s7], $0x2080  }
0x7e: {  	p0 =	por @!p1 !p4, !p3  }
0x7f: {  	s7 =	simm.s32 @!p2 $0x9;
	p0 =	por @!p1 !p0, !p0  }
0x80: {  	_ =	swait.ge @!p2 [sflag:s7], $0x2080;
	p0 =	por !p0, p1  }
0x81: {  	[sflag:s7] =	ssyncset.done @!p2 $0x0;
	s29 =	rddreg [dreg:$0x1f];
	s24 =	sshll.u32 @!p0 s26, $0x6  }
0x82: {  	[sflag:s7] =	ssyncadd.s32 @!p2 $0xFFFFDF80;
	s7 =	sor.u32 @!p0 $0x1C09, s24;
	s24 =	sshrl.u32 @!p0 s30, $0x3  }
0x83: {  	[hbm:s29], [sflag:s7] =	dma.local @!p0 [spmem:s24], $0x2080  }
0x84: {  	s7 =	simm.s32 @!p0 $0x9  }
0x85: {  	_ =	swait.ge @!p0 [sflag:s7], $0x2080  }
0x86: {  	s24 =	simm.s32 @p1 $0x1F89;
	[sflag:s7] =	ssyncset.done @!p0 $0x0  }
0x87: {  	s29 =	rddreg [dreg:$0x1e];
	[sflag:s7] =	ssyncadd.s32 @!p0 $0xFFFFDF80;
	s7 =	sshrl.u32 @p1 s28, $0x3  }
0x88: {  	[hbm:s29], [sflag:s24] =	dma.local @p1 [spmem:s7], $0x2780  }
0x89: {  	s7 =	simm.s32 @p1 $0x9  }
0x8a: {  	_ =	swait.ge @p1 [sflag:s7], $0x2780  }
0x8b: {  	s29 =	sld [smem:$0x7E8];
	_ =	sdelay $0x1  }
0x8c: {  	s16 =	sadd.s32 $0x1, s16  }
0x8d: {  	p0 =	sne.s32 s16, s29  }
.Ltmp1:
0x8e: {  	_ = 	snop;
	(pc) =	sbr.rel @!p0 .LBB2_24-.Ltmp1, $3  }
0x8f: {  	_ =	sdelay $0x1  }
0x90: {  	[sflag:s7] =	ssyncset.done @p1 $0x0  }
0x91: {  	[sflag:s7] =	ssyncadd.s32 @p1 $0xFFFFD880  }
.LBB2_1:
0x92: {  	s7 =	simm.s32 $0x0;
	s29 =	simm.s32 $0x200  }
.LBB2_2:
0x93: {  	p2 =	sne.s32 s29, $0xFE00;
	[tilespmem:s7+$0x470] =	vst v0  }
0x94: {  	[tilespmem:s7+$0x400] =	vst v0  }
0x95: {  	[tilespmem:s7+$0x410] =	vst v0  }
.Ltmp2:
0x96: {  	[tilespmem:s7+$0x420] =	vst v0;
	(pc) =	sbr.rel @p2 .LBB2_2-.Ltmp2, $4  }
0x97: {  	[tilespmem:s7+$0x430] =	vst v0  }
0x98: {  	[tilespmem:s7+$0x440] =	vst v0  }
0x99: {  	[tilespmem:s7+$0x450] =	vst v0  }
0x9a: {  	[tilespmem:s7+$0x460] =	vst v0;
	s7 =	sshra.s32 s29, $0x2;
	s29 =	sadd.s32 $0x200, s29  }
0x9b: {  	[tilespmem:s7+$0x470] =	vst v0  }
0x9c: {  	[tilespmem:s7+$0x400] =	vst v0  }
0x9d: {  	[tilespmem:s7+$0x410] =	vst v0  }
0x9e: {  	[tilespmem:s7+$0x420] =	vst v0  }
0x9f: {  	[tilespmem:s7+$0x430] =	vst v0  }
0xa0: {  	[tilespmem:s7+$0x440] =	vst v0  }
0xa1: {  	[tilespmem:s7+$0x450] =	vst v0  }
0xa2: {  	[tilespmem:s7+$0x460] =	vst v0;
	s29 =	rddreg [dreg:$0x5]  }
0xa3: {  	[spmem:s29] =	stream.linear.scatter [tilespmem:s11], [sflag:$0x9], $0x4000, $0x38;
	[tilespmem:$0x1C400] =	vst v63  }
0xa4: {  	_ =	swait.ge [sflag:s6], $0x4000  }
0xa5: {  	s24 =	sld [smem:$0x7EB]  }
0xa6: {  	[sflag:s6] =	ssyncset.done $0x0  }
0xa7: {  	[sflag:s6] =	ssyncadd.s32 $0xFFFFC000  }
0xa8: {  	[spmem:s24] =	stream.linear.scatter [tilespmem:s11], [sflag:$0x9], $0x4000, $0x38;
	[tilespmem:$0x1C400] =	vst v63  }
0xa9: {  	_ =	swait.ge [sflag:s6], $0x4000  }
0xaa: {  	s26 =	sld [smem:$0x7EC]  }
0xab: {  	[sflag:s6] =	ssyncset.done $0x0  }
0xac: {  	[sflag:s6] =	ssyncadd.s32 $0xFFFFC000  }
0xad: {  	[spmem:s26] =	stream.linear.scatter [tilespmem:s11], [sflag:$0x9], $0x4000, $0x38;
	[tilespmem:$0x1C400] =	vst v63  }
0xae: {  	_ =	swait.ge [sflag:s6], $0x4000  }
0xaf: {  	s29 =	sld [smem:$0x7ED]  }
0xb0: {  	[sflag:s6] =	ssyncset.done $0x0  }
0xb1: {  	[sflag:s6] =	ssyncadd.s32 $0xFFFFC000  }
0xb2: {  	[spmem:s29] =	stream.linear.scatter [tilespmem:s11], [sflag:$0x9], $0x4000, $0x38;
	[tilespmem:$0x1C400] =	vst v63  }
0xb3: {  	_ =	swait.ge [sflag:s6], $0x4000  }
0xb4: {  	s24 =	sld [smem:$0x7EE]  }
0xb5: {  	[sflag:s6] =	ssyncset.done $0x0  }
0xb6: {  	[sflag:s6] =	ssyncadd.s32 $0xFFFFC000  }
0xb7: {  	[spmem:s24] =	stream.linear.scatter [tilespmem:s11], [sflag:$0x9], $0x4000, $0x38;
	[tilespmem:$0x1C400] =	vst v63  }
0xb8: {  	_ =	swait.ge [sflag:s6], $0x4000  }
0xb9: {  	[sflag:s6] =	ssyncset.done $0x0  }
0xba: {  	[sflag:s6] =	ssyncadd.s32 $0xFFFFC000  }
0xbb: {  	[bflag:$0x0] =	sbarrier.arrive $0xFFFF  }
0xbc: {  	s7 =	simm.s32 $0x0;
	s24 =	rddreg [dreg:$0x6]  }
0xbd: {  	[tilespmem:s7], [sflag:$0x9] =	stream.linear.gather [hbm4b:s24+s7], $0x100, $0x38;
	[tilespmem:$0x1C400] =	vst v63  }
0xbe: {  	_ =	swait.ge [sflag:s6], $0x100  }
0xbf: {  	[sflag:s6] =	ssyncset.done $0x0  }
0xc0: {  	s26 =	sld [smem:$0x7EF];
	[sflag:s6] =	ssyncadd.s32 $0xFFFFFF00  }
0xc1: {  	[tilespmem:s11], [sflag:$0x5] =	stream.indirect.gather [hbm4b:s4+s10], $0x80, s7, s10, $0xb8;
	[tilespmem:$0x1C400] =	vst v63  }
0xc2: {  	s29 =	sld [smem:$0x7FB]  }
0xc3: {  	[tilespmem:s14], [sflag:$0x2] =	stream.linear.gather [hbm4b:s26+s7], $0x100, $0x38;
	[tilespmem:$0x1C400] =	vst v63  }
0xc4: {  	_ = 	snop  }
0xc5: {  	[tilespmem:s20], [sflag:$0x3] =	stream.linear.gather [hbm4b:s29+s7], $0x100, $0x38;
	[tilespmem:$0x1C400] =	vst v63  }
.LBB2_4:
0xc6: {  	_ =	swait.ge [sflag:s17], $0x4000  }
0xc7: {  	p2 =	seq.s32 s7, $0x0;
	[sflag:s17] =	ssyncset.done $0x0  }
0xc8: {  	s29 =	simm.s32 @!p2 $0x8;
	[sflag:s17] =	ssyncadd.s32 $0xFFFFC000  }
0xc9: {  	[spmem:s1] =	stream.indirect.scatter.add.f32 [tilespmem:s11], [sflag:$0x7], $0x80, s10, s10, $0xb8;
	[tilespmem:$0x1C400] =	vst v63  }
0xca: {  	_ =	swait.ge @!p2 [sflag:s29], $0x4000  }
0xcb: {  	[sflag:s29] =	ssyncset.done @!p2 $0x0  }
0xcc: {  	[sflag:s29] =	ssyncadd.s32 @!p2 $0xFFFFC000  }
0xcd: {  	_ =	swait.ge [sflag:s18], $0x100  }
0xce: {  	[sflag:s18] =	ssyncset.done $0x0  }
0xcf: {  	s29 =	sadd.s32 s7, s19;
	[sflag:s18] =	ssyncadd.s32 $0xFFFFFF00  }
0xd0: {  	[tilespmem:s21], [sflag:$0x6] =	stream.indirect.gather [hbm4b:s4+s10], $0x80, s14, s10, $0xb8;
	[tilespmem:$0x1C400] =	vst v63  }
0xd1: {  	s24 =	sadd.s32 $0x60, s29  }
0xd2: {  	[tilespmem:s22], [sflag:$0x4] =	stream.linear.gather [hbm4b:s24+s2], $0x100, $0x38;
	[tilespmem:$0x1C400] =	vst v63  }
0xd3: {  	_ =	swait.ge [sflag:s25], $0x4000  }
0xd4: {  	[sflag:s25] =	ssyncset.done $0x0  }
0xd5: {  	[sflag:s25] =	ssyncadd.s32 $0xFFFFC000  }
0xd6: {  	[spmem:s1] =	stream.indirect.scatter.add.f32 [tilespmem:s21], [sflag:$0x8], $0x80, s3, s10, $0xb8;
	[tilespmem:$0x1C400] =	vst v63  }
0xd7: {  	_ =	swait.ge [sflag:s5], $0x4000  }
0xd8: {  	[sflag:s5] =	ssyncset.done $0x0  }
0xd9: {  	[sflag:s5] =	ssyncadd.s32 $0xFFFFC000  }
0xda: {  	_ =	swait.ge [sflag:s12], $0x100  }
0xdb: {  	[sflag:s12] =	ssyncset.done $0x0  }
0xdc: {  	p2 =	seq.s32 s7, $0x980;
	[sflag:s12] =	ssyncadd.s32 $0xFFFFFF00  }
0xdd: {  	[tilespmem:s11], [sflag:$0x5] =	stream.indirect.gather [hbm4b:s4+s10], $0x80, s20, s10, $0xb8;
	[tilespmem:$0x1C400] =	vst v63  }
0xde: {  	s26 =	simm.s32 @!p2 $0x0;
	s24 =	sadd.s32 @!p2 s7, s0  }
0xdf: {  	[tilespmem:s26], [sflag:$0x1] =	stream.linear.gather @!p2 [hbm4b:s24+s26], $0x100, $0x38;
	[tilespmem:$0x1C400] =	vst v63  }
0xe0: {  	_ =	swait.ge [sflag:s17], $0x4000  }
0xe1: {  	[sflag:s17] =	ssyncset.done $0x0  }
0xe2: {  	[sflag:s17] =	ssyncadd.s32 $0xFFFFC000  }
0xe3: {  	[spmem:s1] =	stream.indirect.scatter.add.f32 [tilespmem:s11], [sflag:$0x7], $0x80, s15, s10, $0xb8;
	[tilespmem:$0x1C400] =	vst v63  }
0xe4: {  	_ =	swait.ge [sflag:s9], $0x4000  }
0xe5: {  	[sflag:s9] =	ssyncset.done $0x0  }
.Ltmp3:
0xe6: {  	[sflag:s9] =	ssyncadd.s32 $0xFFFFC000;
	(pc) =	sbr.rel @p2 .LBB2_6-.Ltmp3, $4  }
0xe7: {  	_ =	swait.ge [sflag:s8], $0x100  }
0xe8: {  	[sflag:s8] =	ssyncset.done $0x0  }
0xe9: {  	[sflag:s8] =	ssyncadd.s32 $0xFFFFFF00  }
0xea: {  	[tilespmem:s21], [sflag:$0x6] =	stream.indirect.gather [hbm4b:s4+s10], $0x80, s22, s10, $0xb8;
	[tilespmem:$0x1C400] =	vst v63  }
0xeb: {  	s24 =	sadd.s32 $0xA0, s29  }
0xec: {  	[tilespmem:s14], [sflag:$0x2] =	stream.linear.gather [hbm4b:s24+s2], $0x100, $0x38;
	[tilespmem:$0x1C400] =	vst v63  }
0xed: {  	_ =	swait.ge [sflag:s25], $0x4000  }
0xee: {  	[sflag:s25] =	ssyncset.done $0x0  }
0xef: {  	[sflag:s25] =	ssyncadd.s32 $0xFFFFC000  }
0xf0: {  	[spmem:s1] =	stream.indirect.scatter.add.f32 [tilespmem:s21], [sflag:$0x8], $0x80, s13, s10, $0xb8;
	[tilespmem:$0x1C400] =	vst v63  }
0xf1: {  	_ =	swait.ge [sflag:s5], $0x4000  }
0xf2: {  	[sflag:s5] =	ssyncset.done $0x0  }
0xf3: {  	[sflag:s5] =	ssyncadd.s32 $0xFFFFC000  }
0xf4: {  	_ =	swait.ge [sflag:s23], $0x100  }
.Ltmp4:
0xf5: {  	[sflag:s23] =	ssyncset.done $0x0;
	(pc) =	sbr.rel .LBB2_4-.Ltmp4, $4  }
0xf6: {  	[sflag:s23] =	ssyncadd.s32 $0xFFFFFF00  }
0xf7: {  	[tilespmem:s11], [sflag:$0x5] =	stream.indirect.gather [hbm4b:s4+s10], $0x80, s2, s10, $0xb8;
	[tilespmem:$0x1C400] =	vst v63  }
0xf8: {  	s29 =	sadd.s32 s7, s31;
	s7 =	sadd.s32 $0x80, s7  }
0xf9: {  	[tilespmem:s20], [sflag:$0x3] =	stream.linear.gather [hbm4b:s29+s2], $0x100, $0x38;
	[tilespmem:$0x1C400] =	vst v63  }
.LBB2_6:
0xfa: {  	_ =	swait.ge [sflag:s25], $0x4000  }
0xfb: {  	[sflag:s25] =	ssyncset.done $0x0  }
0xfc: {  	[sflag:s25] =	ssyncadd.s32 $0xFFFFC000  }
0xfd: {  	[spmem:s1] =	stream.indirect.scatter.add.f32 [tilespmem:s21], [sflag:$0x8], $0x80, s13, s10, $0xb8;
	[tilespmem:$0x1C400] =	vst v63  }
0xfe: {  	_ =	swait.ge [sflag:s5], $0x4000  }
0xff: {  	[sflag:s5] =	ssyncset.done $0x0  }
0x100: {  	[sflag:s5] =	ssyncadd.s32 $0xFFFFC000  }
0x101: {  	_ =	swait.ge [sflag:s9], $0x4000  }
0x102: {  	s7 =	rddreg [dreg:$0x7];
	[sflag:s9] =	ssyncset.done $0x0  }
0x103: {  	s26 =	stileid.u32;
	p2 =	sne.s32 s7, $0x0;
	[sflag:s9] =	ssyncadd.s32 $0xFFFFC000  }
0x104: {  	s7 =	sshll.u32 @!p2 s26, $0x6;
	[bflag:$0x0] =	sbarrier.arrive $0xFFFF  }
0x105: {  	s24 =	sshrl.u32 @!p2 s1, $0x3;
	s7 =	sor.u32 @!p2 $0x1C09, s7;
	s29 =	rddreg [dreg:$0x3]  }
0x106: {  	[hbm:s29], [sflag:s7] =	dma.local @!p2 [spmem:s24], $0x2780  }
0x107: {  	s7 =	simm.s32 @!p2 $0x9  }
0x108: {  	_ =	swait.ge @!p2 [sflag:s7], $0x2780  }
0x109: {  	s29 =	sld [smem:$0x7C8];
	_ =	sdelay $0x2  }
0x10a: {  	p0 =	seq.s32 s29, $0x1  }
.Ltmp5:
0x10b: {  	_ = 	snop;
	(pc) =	sbr.rel @!p0 .LBB2_8-.Ltmp5, $3  }
0x10c: {  	_ =	sdelay $0x1  }
0x10d: {  	[sflag:s7] =	ssyncset.done @!p2 $0x0  }
0x10e: {  	[sflag:s7] =	ssyncadd.s32 @!p2 $0xFFFFD880  }
.Ltmp6:
0x10f: {  	(pc) =	sbr.rel .LBB2_10-.Ltmp6, $3  }
0x110: {  	_ =	sdelay $0x1  }
0x111: {  	s7 =	sshrl.u32 s1, $0x3;
	s24 =	rddreg [dreg:$0x4];
	s29 =	simm.s32 $0x1C09  }
0x112: {  	[hbm:s24], [sflag:s29] =	dma.local [spmem:s7], $0x2780  }
.LBB2_8:
0x113: {  	s7 =	sld [smem:$0x7CA];
	_ =	sdelay $0x2  }
0x114: {  	p4 =	seq.s32 s7, $0x1;
	s7 =	sld [smem:$0x7F0];
	_ =	sdelay $0x2  }
0x115: {  	s29 =	rddreg [dreg:$0x8];
	s24 =	simm.s32 @p4 $0x1C49;
	s7 =	sshrl.u32 @p4 s7, $0x3  }
0x116: {  	[hbm:s29], [sflag:s24] =	dma.local @p4 [spmem:s7], $0x2780  }
0x117: {  	s24 =	sld [smem:$0x7C9];
	_ =	sdelay $0x2  }
0x118: {  	p2 =	por @p4 $0x1, $0x1;
	p0 =	seq.s32 s24, $0x1  }
0x119: {  	p2 =	por @!p4 p0, p0  }
0x11a: {  	p2 =	por !p2, !p3  }
0x11b: {  	p2 =	por !p2, !p2  }
.Ltmp7:
0x11c: {  	_ = 	snop;
	(pc) =	sbr.rel @!p2 .LBB2_11-.Ltmp7, $4  }
0x11d: {  	s7 =	simm.s32 @p4 $0x9  }
0x11e: {  	_ =	swait.ge @p4 [sflag:s7], $0x2780  }
0x11f: {  	[sflag:s7] =	ssyncset.done @p4 $0x0  }
0x120: {  	[sflag:s7] =	ssyncadd.s32 @p4 $0xFFFFD880  }
0x121: {  	s24 =	sld [smem:$0x7F0];
	_ =	sdelay $0x1  }
0x122: {  	s7 =	sshll.u32 s26, $0x6  }
0x123: {  	s29 =	rddreg [dreg:$0x9];
	s7 =	sor.u32 $0x1C09, s7;
	s24 =	sshrl.u32 s24, $0x3  }
0x124: {  	[hbm:s29], [sflag:s7] =	dma.local [spmem:s24], $0x2780  }
.LBB2_10:
0x125: {  	_ =	swait.ge [sflag:s6], $0x2780  }
0x126: {  	[sflag:s6] =	ssyncset.done $0x0  }
0x127: {  	[sflag:s6] =	ssyncadd.s32 $0xFFFFD880  }
.LBB2_11:
0x128: {  	s7 =	sld [smem:$0x7CB];
	_ =	sdelay $0x2  }
0x129: {  	p6 =	seq.s32 s7, $0x1;
	s7 =	sld [smem:$0x7F1];
	_ =	sdelay $0x2  }
0x12a: {  	s29 =	rddreg [dreg:$0xa];
	s24 =	simm.s32 @p6 $0x1C89;
	s7 =	sshrl.u32 @p6 s7, $0x3  }
0x12b: {  	[hbm:s29], [sflag:s24] =	dma.local @p6 [spmem:s7], $0x2780  }
0x12c: {  	s7 =	simm.s32 @p6 $0x9;
	s24 =	sld [smem:$0x7D2]  }
0x12d: {  	s29 =	sld [smem:$0x7CD];
	_ =	swait.ge @p6 [sflag:s7], $0x2780  }
0x12e: {  	[sflag:s7] =	ssyncset.done @p6 $0x0  }
0x12f: {  	[sflag:s7] =	ssyncadd.s32 @p6 $0xFFFFD880;
	s7 =	sld [smem:$0x7F2]  }
0x130: {  	p0 =	seq.s32 s29, $0x1;
	s29 =	sld [smem:$0x7CC]  }
0x131: {  	p5 =	seq.s32 s24, $0x1  }
0x132: {  	p2 =	por !p0, p5  }
0x133: {  	p0 =	por @!p2 $0x1, $0x1;
	s7 =	sshrl.u32 @!p2 s7, $0x3;
	p4 =	seq.s32 s29, $0x1  }
0x134: {  	s24 =	simm.s32 @!p2 $0x1CC9;
	s29 =	rddreg [dreg:$0xb];
	p4 =	por @!p2 p0, p0  }
0x135: {  	[hbm:s29], [sflag:s24] =	dma.local @!p2 [spmem:s7], $0x2780  }
0x136: {  	p0 =	por @!p5 !p4, !p3  }
0x137: {  	p0 =	por @!p5 !p0, !p0  }
0x138: {  	p0 =	por p5, p0  }
.Ltmp8:
0x139: {  	_ = 	snop;
	(pc) =	sbr.rel @!p0 .LBB2_13-.Ltmp8, $4  }
0x13a: {  	s7 =	simm.s32 @!p2 $0x9  }
0x13b: {  	_ =	swait.ge @!p2 [sflag:s7], $0x2780  }
0x13c: {  	[sflag:s7] =	ssyncset.done @!p2 $0x0  }
0x13d: {  	[sflag:s7] =	ssyncadd.s32 @!p2 $0xFFFFD880  }
0x13e: {  	s24 =	sld [smem:$0x7D2];
	_ =	sdelay $0x1  }
0x13f: {  	s29 =	sld [smem:$0x7F1]  }
0x140: {  	p0 =	seq.s32 s24, $0x1;
	s24 =	sld [smem:$0x7F2]  }
0x141: {  	s7 =	stileid.u32  }
0x142: {  	s7 =	simm.s32 @p0 $0x2  }
0x143: {  	s7 =	sshll.u32 s7, $0x6;
	s24 =	smov.u32 @p0 s29  }
0x144: {  	s7 =	sor.u32 $0x1C09, s7;
	s29 =	rddreg [dreg:$0xc];
	s24 =	sshrl.u32 s24, $0x3  }
0x145: {  	[hbm:s29], [sflag:s7] =	dma.local [spmem:s24], $0x2780  }
0x146: {  	_ =	swait.ge [sflag:s6], $0x2780  }
0x147: {  	[sflag:s6] =	ssyncset.done $0x0  }
0x148: {  	[sflag:s6] =	ssyncadd.s32 $0xFFFFD880  }
.LBB2_13:
0x149: {  	s7 =	sld [smem:$0x7CE];
	_ =	sdelay $0x2  }
0x14a: {  	p5 =	seq.s32 s7, $0x1;
	s7 =	sld [smem:$0x7F3];
	_ =	sdelay $0x2  }
0x14b: {  	s29 =	rddreg [dreg:$0xd];
	s24 =	simm.s32 @p5 $0x1D09;
	s7 =	sshrl.u32 @p5 s7, $0x3  }
0x14c: {  	[hbm:s29], [sflag:s24] =	dma.local @p5 [spmem:s7], $0x2780  }
0x14d: {  	s7 =	simm.s32 @p5 $0x9;
	s24 =	sld [smem:$0x7D3]  }
0x14e: {  	s29 =	sld [smem:$0x7D0];
	_ =	swait.ge @p5 [sflag:s7], $0x2780  }
0x14f: {  	[sflag:s7] =	ssyncset.done @p5 $0x0  }
0x150: {  	[sflag:s7] =	ssyncadd.s32 @p5 $0xFFFFD880;
	s7 =	sld [smem:$0x7F4]  }
0x151: {  	p0 =	seq.s32 s29, $0x1;
	s29 =	sld [smem:$0x7CF]  }
0x152: {  	p6 =	seq.s32 s24, $0x1  }
0x153: {  	p2 =	por !p0, p6  }
0x154: {  	p0 =	por @!p2 $0x1, $0x1;
	s7 =	sshrl.u32 @!p2 s7, $0x3;
	p4 =	seq.s32 s29, $0x1  }
0x155: {  	s24 =	simm.s32 @!p2 $0x1D49;
	s29 =	rddreg [dreg:$0xe];
	p4 =	por @!p2 p0, p0  }
0x156: {  	[hbm:s29], [sflag:s24] =	dma.local @!p2 [spmem:s7], $0x2780  }
0x157: {  	p0 =	por @!p6 !p4, !p3  }
0x158: {  	p0 =	por @!p6 !p0, !p0  }
0x159: {  	p0 =	por p6, p0  }
.Ltmp9:
0x15a: {  	_ = 	snop;
	(pc) =	sbr.rel @!p0 .LBB2_15-.Ltmp9, $4  }
0x15b: {  	s7 =	simm.s32 @!p2 $0x9  }
0x15c: {  	_ =	swait.ge @!p2 [sflag:s7], $0x2780  }
0x15d: {  	[sflag:s7] =	ssyncset.done @!p2 $0x0  }
0x15e: {  	[sflag:s7] =	ssyncadd.s32 @!p2 $0xFFFFD880  }
0x15f: {  	s24 =	sld [smem:$0x7D3];
	_ =	sdelay $0x1  }
0x160: {  	s29 =	sld [smem:$0x7F3]  }
0x161: {  	p0 =	seq.s32 s24, $0x1;
	s24 =	sld [smem:$0x7F4]  }
0x162: {  	s7 =	stileid.u32  }
0x163: {  	s7 =	simm.s32 @p0 $0x4  }
0x164: {  	s7 =	sshll.u32 s7, $0x6;
	s24 =	smov.u32 @p0 s29  }
0x165: {  	s7 =	sor.u32 $0x1C09, s7;
	s29 =	rddreg [dreg:$0xf];
	s24 =	sshrl.u32 s24, $0x3  }
0x166: {  	[hbm:s29], [sflag:s7] =	dma.local [spmem:s24], $0x2780  }
0x167: {  	_ =	swait.ge [sflag:s6], $0x2780  }
0x168: {  	[sflag:s6] =	ssyncset.done $0x0  }
0x169: {  	[sflag:s6] =	ssyncadd.s32 $0xFFFFD880  }
.LBB2_15:
0x16a: {  	s7 =	sld [smem:$0x7D1];
	_ =	sdelay $0x2  }
0x16b: {  	p5 =	seq.s32 s7, $0x1;
	s7 =	sld [smem:$0x7F5];
	_ =	sdelay $0x2  }
0x16c: {  	s29 =	rddreg [dreg:$0x14];
	s24 =	simm.s32 @p5 $0x1D89;
	s7 =	sshrl.u32 @p5 s7, $0x3  }
0x16d: {  	[hbm:s29], [sflag:s24] =	dma.local @p5 [spmem:s7], $0x2780  }
0x16e: {  	s7 =	simm.s32 @p5 $0x9;
	s24 =	sld [smem:$0x7D4]  }
0x16f: {  	s29 =	sld [smem:$0x7D7];
	_ =	swait.ge @p5 [sflag:s7], $0x2780  }
0x170: {  	[sflag:s7] =	ssyncset.done @p5 $0x0  }
0x171: {  	[sflag:s7] =	ssyncadd.s32 @p5 $0xFFFFD880;
	s7 =	sld [smem:$0x7F6]  }
0x172: {  	p0 =	seq.s32 s29, $0x1;
	s29 =	sld [smem:$0x7D6]  }
0x173: {  	p6 =	seq.s32 s24, $0x1  }
0x174: {  	p2 =	por !p0, p6  }
0x175: {  	p0 =	por @!p2 $0x1, $0x1;
	s7 =	sshrl.u32 @!p2 s7, $0x3;
	p4 =	seq.s32 s29, $0x1  }
0x176: {  	s24 =	simm.s32 @!p2 $0x1DC9;
	s29 =	rddreg [dreg:$0x15];
	p4 =	por @!p2 p0, p0  }
0x177: {  	[hbm:s29], [sflag:s24] =	dma.local @!p2 [spmem:s7], $0x2780  }
0x178: {  	p0 =	por @!p6 !p4, !p3  }
0x179: {  	p0 =	por @!p6 !p0, !p0  }
0x17a: {  	p0 =	por p6, p0  }
.Ltmp10:
0x17b: {  	_ = 	snop;
	(pc) =	sbr.rel @!p0 .LBB2_17-.Ltmp10, $4  }
0x17c: {  	s7 =	simm.s32 @!p2 $0x9  }
0x17d: {  	_ =	swait.ge @!p2 [sflag:s7], $0x2780  }
0x17e: {  	[sflag:s7] =	ssyncset.done @!p2 $0x0  }
0x17f: {  	[sflag:s7] =	ssyncadd.s32 @!p2 $0xFFFFD880  }
0x180: {  	s24 =	sld [smem:$0x7D4];
	_ =	sdelay $0x1  }
0x181: {  	s29 =	sld [smem:$0x7F5]  }
0x182: {  	p0 =	seq.s32 s24, $0x1;
	s24 =	sld [smem:$0x7F6]  }
0x183: {  	s7 =	stileid.u32  }
0x184: {  	s7 =	simm.s32 @p0 $0x6  }
0x185: {  	s7 =	sshll.u32 s7, $0x6;
	s24 =	smov.u32 @p0 s29  }
0x186: {  	s7 =	sor.u32 $0x1C09, s7;
	s29 =	rddreg [dreg:$0x10];
	s24 =	sshrl.u32 s24, $0x3  }
0x187: {  	[hbm:s29], [sflag:s7] =	dma.local [spmem:s24], $0x2780  }
0x188: {  	_ =	swait.ge [sflag:s6], $0x2780  }
0x189: {  	[sflag:s6] =	ssyncset.done $0x0  }
0x18a: {  	[sflag:s6] =	ssyncadd.s32 $0xFFFFD880  }
.LBB2_17:
0x18b: {  	s7 =	sld [smem:$0x7D9];
	_ =	sdelay $0x2  }
0x18c: {  	p6 =	seq.s32 s7, $0x1;
	s7 =	sld [smem:$0x7F7];
	_ =	sdelay $0x2  }
0x18d: {  	s29 =	rddreg [dreg:$0x16];
	s24 =	simm.s32 @p6 $0x1E09;
	s7 =	sshrl.u32 @p6 s7, $0x3  }
0x18e: {  	[hbm:s29], [sflag:s24] =	dma.local @p6 [spmem:s7], $0x2780  }
0x18f: {  	s7 =	simm.s32 @p6 $0x9;
	s24 =	sld [smem:$0x7D5]  }
0x190: {  	s29 =	sld [smem:$0x7DC];
	_ =	swait.ge @p6 [sflag:s7], $0x2780  }
0x191: {  	[sflag:s7] =	ssyncset.done @p6 $0x0  }
0x192: {  	[sflag:s7] =	ssyncadd.s32 @p6 $0xFFFFD880;
	s7 =	sld [smem:$0x7F8]  }
0x193: {  	p0 =	seq.s32 s29, $0x1;
	s29 =	sld [smem:$0x7DB]  }
0x194: {  	p5 =	seq.s32 s24, $0x1  }
0x195: {  	p2 =	por !p0, p5  }
0x196: {  	p0 =	por @!p2 $0x1, $0x1;
	s7 =	sshrl.u32 @!p2 s7, $0x3;
	p4 =	seq.s32 s29, $0x1  }
0x197: {  	s24 =	simm.s32 @!p2 $0x1E49;
	s29 =	rddreg [dreg:$0x17];
	p4 =	por @!p2 p0, p0  }
0x198: {  	[hbm:s29], [sflag:s24] =	dma.local @!p2 [spmem:s7], $0x2780  }
0x199: {  	p0 =	por @!p5 !p4, !p3  }
0x19a: {  	p0 =	por @!p5 !p0, !p0  }
0x19b: {  	p0 =	por p5, p0  }
.Ltmp11:
0x19c: {  	_ = 	snop;
	(pc) =	sbr.rel @!p0 .LBB2_19-.Ltmp11, $4  }
0x19d: {  	s7 =	simm.s32 @!p2 $0x9  }
0x19e: {  	_ =	swait.ge @!p2 [sflag:s7], $0x2780  }
0x19f: {  	[sflag:s7] =	ssyncset.done @!p2 $0x0  }
0x1a0: {  	[sflag:s7] =	ssyncadd.s32 @!p2 $0xFFFFD880  }
0x1a1: {  	s24 =	sld [smem:$0x7D5];
	_ =	sdelay $0x1  }
0x1a2: {  	s29 =	sld [smem:$0x7F7]  }
0x1a3: {  	p0 =	seq.s32 s24, $0x1;
	s24 =	sld [smem:$0x7F8]  }
0x1a4: {  	s7 =	stileid.u32  }
0x1a5: {  	s7 =	simm.s32 @p0 $0x8  }
0x1a6: {  	s7 =	sshll.u32 s7, $0x6;
	s24 =	smov.u32 @p0 s29  }
0x1a7: {  	s7 =	sor.u32 $0x1C09, s7;
	s29 =	rddreg [dreg:$0x11];
	s24 =	sshrl.u32 s24, $0x3  }
0x1a8: {  	[hbm:s29], [sflag:s7] =	dma.local [spmem:s24], $0x2780  }
0x1a9: {  	_ =	swait.ge [sflag:s6], $0x2780  }
0x1aa: {  	[sflag:s6] =	ssyncset.done $0x0  }
0x1ab: {  	[sflag:s6] =	ssyncadd.s32 $0xFFFFD880  }
.LBB2_19:
0x1ac: {  	s7 =	sld [smem:$0x7DD];
	_ =	sdelay $0x2  }
0x1ad: {  	p6 =	seq.s32 s7, $0x1;
	s7 =	sld [smem:$0x7F9];
	_ =	sdelay $0x2  }
0x1ae: {  	s29 =	rddreg [dreg:$0x18];
	s24 =	simm.s32 @p6 $0x1E89;
	s7 =	sshrl.u32 @p6 s7, $0x3  }
0x1af: {  	[hbm:s29], [sflag:s24] =	dma.local @p6 [spmem:s7], $0x2780  }
0x1b0: {  	s7 =	simm.s32 @p6 $0x9;
	s24 =	sld [smem:$0x7E6]  }
0x1b1: {  	s29 =	sld [smem:$0x7DF];
	_ =	swait.ge @p6 [sflag:s7], $0x2780  }
0x1b2: {  	[sflag:s7] =	ssyncset.done @p6 $0x0  }
0x1b3: {  	[sflag:s7] =	ssyncadd.s32 @p6 $0xFFFFD880;
	s7 =	sld [smem:$0x7FA]  }
0x1b4: {  	p0 =	seq.s32 s29, $0x1;
	s29 =	sld [smem:$0x7DE]  }
0x1b5: {  	p5 =	seq.s32 s24, $0x1  }
0x1b6: {  	p2 =	por !p0, p5  }
0x1b7: {  	p0 =	por @!p2 $0x1, $0x1;
	s7 =	sshrl.u32 @!p2 s7, $0x3;
	p4 =	seq.s32 s29, $0x1  }
0x1b8: {  	s24 =	simm.s32 @!p2 $0x1EC9;
	s29 =	rddreg [dreg:$0x19];
	p4 =	por @!p2 p0, p0  }
0x1b9: {  	[hbm:s29], [sflag:s24] =	dma.local @!p2 [spmem:s7], $0x2780  }
0x1ba: {  	p0 =	por @!p5 !p4, !p3  }
0x1bb: {  	p0 =	por @!p5 !p0, !p0  }
0x1bc: {  	p0 =	por p5, p0  }
.Ltmp12:
0x1bd: {  	_ = 	snop;
	(pc) =	sbr.rel @!p0 .LBB2_21-.Ltmp12, $4  }
0x1be: {  	s7 =	simm.s32 @!p2 $0x9  }
0x1bf: {  	_ =	swait.ge @!p2 [sflag:s7], $0x2780  }
0x1c0: {  	[sflag:s7] =	ssyncset.done @!p2 $0x0  }
0x1c1: {  	[sflag:s7] =	ssyncadd.s32 @!p2 $0xFFFFD880  }
0x1c2: {  	s24 =	sld [smem:$0x7E6];
	_ =	sdelay $0x1  }
0x1c3: {  	s7 =	sld [smem:$0x7FA]  }
0x1c4: {  	p0 =	seq.s32 s24, $0x1;
	s24 =	sld [smem:$0x7F9];
	_ =	sdelay $0x1  }
0x1c5: {  	s29 =	sld [smem:$0x7E9]  }
0x1c6: {  	s7 =	smov.u32 @p0 s24  }
0x1c7: {  	s24 =	rddreg [dreg:$0x12];
	s7 =	sshrl.u32 s7, $0x3  }
0x1c8: {  	[hbm:s24], [sflag:s29] =	dma.local [spmem:s7], $0x2780  }
0x1c9: {  	_ =	swait.ge [sflag:s6], $0x2780  }
0x1ca: {  	[sflag:s6] =	ssyncset.done $0x0  }
0x1cb: {  	[sflag:s6] =	ssyncadd.s32 $0xFFFFD880  }
.LBB2_21:
0x1cc: {  	s7 =	sld [smem:$0x7E0];
	_ =	sdelay $0x2  }
0x1cd: {  	p6 =	seq.s32 s7, $0x1;
	s7 =	sld [smem:$0x7FD];
	_ =	sdelay $0x2  }
0x1ce: {  	s29 =	rddreg [dreg:$0x1a];
	s24 =	simm.s32 @p6 $0x1F09;
	s7 =	sshrl.u32 @p6 s7, $0x3  }
0x1cf: {  	[hbm:s29], [sflag:s24] =	dma.local @p6 [spmem:s7], $0x2780  }
0x1d0: {  	s7 =	simm.s32 @p6 $0x9;
	s24 =	sld [smem:$0x7E7]  }
0x1d1: {  	s29 =	sld [smem:$0x7E2];
	_ =	swait.ge @p6 [sflag:s7], $0x2780  }
0x1d2: {  	[sflag:s7] =	ssyncset.done @p6 $0x0  }
0x1d3: {  	[sflag:s7] =	ssyncadd.s32 @p6 $0xFFFFD880;
	s7 =	sld [smem:$0x7FC]  }
0x1d4: {  	p0 =	seq.s32 s29, $0x1;
	s29 =	sld [smem:$0x7E1]  }
0x1d5: {  	p5 =	seq.s32 s24, $0x1  }
0x1d6: {  	p2 =	por !p0, p5  }
0x1d7: {  	p0 =	por @!p2 $0x1, $0x1;
	s7 =	sshrl.u32 @!p2 s7, $0x3;
	p4 =	seq.s32 s29, $0x1  }
0x1d8: {  	s24 =	simm.s32 @!p2 $0x1F49;
	s29 =	rddreg [dreg:$0x1b];
	p4 =	por @!p2 p0, p0  }
0x1d9: {  	[hbm:s29], [sflag:s24] =	dma.local @!p2 [spmem:s7], $0x2780  }
0x1da: {  	p0 =	por @!p5 !p4, !p3  }
0x1db: {  	p0 =	por @!p5 !p0, !p0  }
0x1dc: {  	p0 =	por p5, p0  }
.Ltmp13:
0x1dd: {  	_ = 	snop;
	(pc) =	sbr.rel @!p0 .LBB2_23-.Ltmp13, $4  }
0x1de: {  	s7 =	simm.s32 @!p2 $0x9  }
0x1df: {  	_ =	swait.ge @!p2 [sflag:s7], $0x2780  }
0x1e0: {  	[sflag:s7] =	ssyncset.done @!p2 $0x0  }
0x1e1: {  	[sflag:s7] =	ssyncadd.s32 @!p2 $0xFFFFD880  }
0x1e2: {  	s24 =	sld [smem:$0x7E7];
	_ =	sdelay $0x1  }
0x1e3: {  	s7 =	sld [smem:$0x7FC]  }
0x1e4: {  	p0 =	seq.s32 s24, $0x1;
	s24 =	sld [smem:$0x7FD];
	_ =	sdelay $0x1  }
0x1e5: {  	s29 =	sld [smem:$0x7EA]  }
0x1e6: {  	s7 =	smov.u32 @p0 s24  }
.Ltmp14:
0x1e7: {  	s24 =	rddreg [dreg:$0x13];
	s7 =	sshrl.u32 s7, $0x3;
	(pc) =	sbr.rel .LBB2_23-.Ltmp14, $4  }
0x1e8: {  	[hbm:s24], [sflag:s29] =	dma.local [spmem:s7], $0x2780  }
0x1e9: {  	_ =	swait.ge [sflag:s6], $0x2780  }
0x1ea: {  	[sflag:s6] =	ssyncset.done $0x0  }
0x1eb: {  	[sflag:s6] =	ssyncadd.s32 $0xFFFFD880  }
.LBB2_24:
0x1ec: {  	_ =	sfence.sel $0x180000  }
0x1ed: {  	[bflag:$0x0] =	sbarrier.arrive $0xFFFF  }
0x1ee: {  	_ =	strace $0x9000004A  }
0x1ef: {  	[bflag:$0x2] =	sbarrier.arrive $0xFFFF  }
0x1f0: {  	p0 =	sne.s32 s26, $0x0;
	s0 =	rddreg [dreg:$0x2]  }
0x1f1: {  	s0 =	sadd.s32 @!p0 $0x100000, s0  }
0x1f2: {  	[sflag:s0] =	ssyncadd.tile.s32 @!p0 $0x1;
	_ =	shalt  }
.Lfunc_end2:
_tile_overlayer_lowered:
.L_overlay_start_2:
0x1f3: {  	(tag) =	ssettag $0x2  }
0x1f4: {  	s0 =	rddreg [dreg:$0x0];
	s2 =	stileid.u32  }
0x1f5: {  	s1 =	rddreg [dreg:$0x1];
	p0 =	sne.s32 s2, $0x0  }
0x1f6: {  	s3 =	rddreg [dreg:$0x2];
	[bflag:$0x3] =	sbarrier.arrive $0xFFFF;
	s2 =	simm.s32 @!p0 $0x1C09  }
0x1f7: {  	[timem:s3], [sflag:s2] =	dma.local @!p0 [hbm:s0], s1  }
0x1f8: {  	s0 =	simm.s32 @!p0 $0x9  }
0x1f9: {  	_ =	swait.ge @!p0 [sflag:s0], s1  }
0x1fa: {  	s1 =	ssub.s32 @!p0 $0x0, s1;
	[sflag:s0] =	ssyncset.done @!p0 $0x0  }
0x1fb: {  	[sflag:s0] =	ssyncadd.s32 @!p0 s1  }
0x1fc: {  	[bflag:$0x3] =	sbarrier.arrive $0xFFFF  }
0x1fd: {  	_ =	shalt  }

// kernel: kernel.14.cloned.1.call-start
scs
__scs_entry_jumppad:
0x0: {  	(pc) =	sbr.rel $0x88, $3  }
0x1: {  	(tag) =	ssettag $0x0;
	lr =	simm.s32 $0x1  }
0x2: {  	[smem:$0x3F98] =	sst lr;
	_ =	strace $0xD0000000  }
0x3: {  	_ = 	snop  }
0x4: {  	_ = 	snop  }
0x5: {  	_ = 	snop  }
0x6: {  	_ = 	snop  }
0x7: {  	_ = 	snop  }
__scs_overlays_trampoline_lowered:
0x8: {  	[smem:$0x3FA7] =	sst s0  }
0x9: {  	[smem:$0x3FA8] =	sst s1  }
0xa: {  	[smem:$0x3FA9] =	sst s2  }
0xb: {  	[smem:$0x3FAA] =	sst s3  }
0xc: {  	[smem:$0x3FAB] =	sst s4  }
0xd: {  	[smem:$0x3FAC] =	sst s5  }
0xe: {  	[smem:$0x3FAD] =	sst s6  }
0xf: {  	[smem:$0x3FAE] =	sst s7  }
0x10: {  	[smem:$0x3FAF] =	sst s8  }
0x11: {  	[smem:$0x3FB0] =	sst s9;
	s0 =	simm.s32 @!p0 $0x0  }
0x12: {  	s1 =	sld [smem:$0x3F96];
	s0 =	simm.s32 @p0 $0x1  }
0x13: {  	[smem:$0x3FB1] =	sst s0;
	s0 =	simm.s32 @!p1 $0x0  }
0x14: {  	s2 =	sld [smem:$0x3F95];
	s0 =	simm.s32 @p1 $0x1  }
0x15: {  	[smem:$0x3FB2] =	sst s0;
	s0 =	simm.s32 @!p2 $0x0  }
0x16: {  	s3 =	sld [smem:$0x3FDB];
	s0 =	simm.s32 @p2 $0x1  }
0x17: {  	s4 =	simm.s32 $0x1BF5;
	[smem:$0x3FB4] =	sst s0  }
0x18: {  	s0 =	sld [smem:$0x3F97];
	_ =	swait.ge [sflag:s4], $0x0  }
0x19: {  	s7 =	sld [smem:$0x3F98]  }
0x1a: {  	s8 =	sadd.s32 $0xFFFFE003, lr  }
0x1b: {  	s9 =	sadd.s32 $0xFFFFFEF7, lr;
	s5 =	simm.s32 $0xFFFFFFFF;
	p2 =	slt.u32 s8, $0xFFFFF086  }
0x1c: {  	p1 =	slt.u32 s9, $0xF7A;
	s5 =	simm.s32 @!p2 $0x0  }
0x1d: {  	s5 =	simm.s32 @p1 $0x1;
	p0 =	seq.s32 s7, s2  }
0x1e: {  	s7 =	smul.u32 @!p0 $0xF7A, s2;
	p2 =	seq.s32 @!p0 s5, $0x0  }
0x1f: {  	s9 =	smul.u32 $0xF7A, s1;
	s8 =	simm.s32 @!p0 $0x1BF5;
	p2 =	por !p2, p0  }
0x20: {  	[sflag:s8] =	ssyncset.s32 @!p0 $0xFFFFF086;
	s6 =	sadd.s32 @!p0 s3, s7;
	s7 =	simm.s32 @!p0 $0x108  }
0x21: {  	s3 =	sadd.s32 s3, s9;
	s6 =	sadd.s32 @!p0 $0x88, s6;
	s7 =	simm.s32 @p2 $0x1082  }
0x22: {  	[simem:s7], [sflag:s8] =	dma.local @!p0 [hbm:s6], $0xF7A  }
0x23: {  	s9 =	sor.u32 $0xD0000000, s2;
	s6 =	simm.s32 $0x108;
	_ =	swait.ge @!p0 [sflag:s8], $0x0  }
0x24: {  	s3 =	sadd.s32 $0x88, s3;
	s6 =	simm.s32 @!p1 $0x1082;
	[sflag:s4] =	ssyncset.s32 $0xFFFFF086  }
0x25: {  	[simem:s6], [sflag:s4] =	dma.local [hbm:s3], $0xF7A  }
0x26: {  	[smem:$0x3F98] =	sst s1;
	(tag) =	ssettag s2;
	_ =	strace s9  }
0x27: {  	s1 =	sld [smem:$0x3FA8]  }
0x28: {  	s2 =	sld [smem:$0x3FA9]  }
0x29: {  	s4 =	sld [smem:$0x3FAB]  }
0x2a: {  	p0 =	seq.s32 s5, $0x0;
	s5 =	sld [smem:$0x3FAC]  }
0x2b: {  	s6 =	sld [smem:$0x3FAD]  }
0x2c: {  	s7 =	sld [smem:$0x3FAE]  }
0x2d: {  	s3 =	simm.s32 $0x108;
	s8 =	sld [smem:$0x3FAF]  }
0x2e: {  	s3 =	simm.s32 @!p0 $0x1082;
	s9 =	sld [smem:$0x3FB0]  }
0x2f: {  	lr =	sadd.s32 s0, s3;
	s0 =	sld [smem:$0x3FA7]  }
0x30: {  	s3 =	sld [smem:$0x3FAA]  }
0x31: {  	[smem:$0x3FB3] =	sst s10  }
0x32: {  	s10 =	sld [smem:$0x3FB1];
	_ =	sdelay $0x3  }
0x33: {  	p0 =	seq.s32 s10, $0x1;
	s10 =	sld [smem:$0x3FB3];
	_ =	sdelay $0x3  }
0x34: {  	[smem:$0x3FB3] =	sst s10  }
0x35: {  	s10 =	sld [smem:$0x3FB2];
	_ =	sdelay $0x3  }
0x36: {  	p1 =	seq.s32 s10, $0x1;
	s10 =	sld [smem:$0x3FB3];
	_ =	sdelay $0x3  }
0x37: {  	[smem:$0x3FB3] =	sst s10  }
0x38: {  	s10 =	sld [smem:$0x3FB4]  }
0x39: {  	_ = 	snop;
	(pc) =	sbr.ind lr, $3  }
0x3a: {  	_ = 	snop  }
0x3b: {  	_ = 	snop  }
0x3c: {  	p2 =	seq.s32 s10, $0x1;
	s10 =	sld [smem:$0x3FB3]  }
0x3d: {  	_ =	shalt  }
0x3e: {  	_ =	shalt  }
0x3f: {  	_ =	shalt  }
0x40: {  	_ =	shalt  }
0x41: {  	_ =	shalt  }
0x42: {  	_ =	shalt  }
0x43: {  	_ =	shalt  }
0x44: {  	_ =	shalt  }
0x45: {  	_ =	shalt  }
0x46: {  	_ =	shalt  }
0x47: {  	_ =	shalt  }
0x48: {  	_ =	shalt  }
0x49: {  	_ =	shalt  }
0x4a: {  	_ =	shalt  }
0x4b: {  	_ =	shalt  }
0x4c: {  	_ =	shalt  }
0x4d: {  	_ =	shalt  }
0x4e: {  	_ =	shalt  }
0x4f: {  	_ =	shalt  }
0x50: {  	_ =	shalt  }
0x51: {  	_ =	shalt  }
0x52: {  	_ =	shalt  }
0x53: {  	_ =	shalt  }
0x54: {  	_ =	shalt  }
0x55: {  	_ =	shalt  }
0x56: {  	_ =	shalt  }
0x57: {  	_ =	shalt  }
0x58: {  	_ =	shalt  }
0x59: {  	_ =	shalt  }
0x5a: {  	_ =	shalt  }
0x5b: {  	_ =	shalt  }
0x5c: {  	_ =	shalt  }
0x5d: {  	_ =	shalt  }
0x5e: {  	_ =	shalt  }
0x5f: {  	_ =	shalt  }
0x60: {  	_ =	shalt  }
0x61: {  	_ =	shalt  }
0x62: {  	_ =	shalt  }
0x63: {  	_ =	shalt  }
0x64: {  	_ =	shalt  }
0x65: {  	_ =	shalt  }
0x66: {  	_ =	shalt  }
0x67: {  	_ =	shalt  }
0x68: {  	_ =	shalt  }
0x69: {  	_ =	shalt  }
0x6a: {  	_ =	shalt  }
0x6b: {  	_ =	shalt  }
0x6c: {  	_ =	shalt  }
0x6d: {  	_ =	shalt  }
0x6e: {  	_ =	shalt  }
0x6f: {  	_ =	shalt  }
0x70: {  	_ =	shalt  }
0x71: {  	_ =	shalt  }
0x72: {  	_ =	shalt  }
0x73: {  	_ =	shalt  }
0x74: {  	_ =	shalt  }
0x75: {  	_ =	shalt  }
0x76: {  	_ =	shalt  }
0x77: {  	_ =	shalt  }
0x78: {  	_ =	shalt  }
0x79: {  	_ =	shalt  }
0x7a: {  	_ =	shalt  }
0x7b: {  	_ =	shalt  }
0x7c: {  	_ =	shalt  }
0x7d: {  	_ =	shalt  }
0x7e: {  	_ =	shalt  }
0x7f: {  	_ =	shalt  }
0x80: {  	_ =	shalt  }
0x81: {  	_ =	shalt  }
0x82: {  	_ =	shalt  }
0x83: {  	_ =	shalt  }
0x84: {  	_ =	shalt  }
0x85: {  	_ =	shalt  }
0x86: {  	_ =	shalt  }
0x87: {  	_ =	shalt  }
.Lfunc_end0:
.L_simem_size_0:
called_computation.2_lowered:
.L_overlay_start_0:
0x88: {  	s2 =	sld [smem:$0x3FD9]  }
0x89: {  	s3 =	sld [smem:$0x3FFE];
	_ =	sdelay $0x1  }
0x8a: {  	s1 =	srdreg.scid  }
0x8b: {  	s0 =	sand.u32 $0x1, s1  }
0x8c: {  	s16 =	sshll.u32 s0, $0xA;
	s2 =	sadd.s32 s3, s2  }
0x8d: {  	s2 =	sadd.s32 s2, s16  }
0x8e: {  	[smem:$0x3FBF] =	sst s2  }
0x8f: {  	_ = 	snop  }
0x90: {  	(tm) =	ssettm $0x1  }
0x91: {  	s17 =	sld [smem:$0x3FFB];
	_ =	sdelay $0x3  }
0x92: {  	_ =	strace s17  }
0x93: {  	s2 =	sld [smem:$0x3FFC];
	_ =	sdelay $0x3  }
0x94: {  	_ =	strace s2  }
0x95: {  	s2 =	sld [smem:$0x3FFD];
	_ =	sdelay $0x3  }
0x96: {  	_ =	strace s2  }
0x97: {  	_ =	strace $0x8FFFFFFF  }
0x98: {  	s18 =	sld [smem:$0x3FDB];
	_ =	sdelay $0x1  }
0x99: {  	s19 =	simm.s32 $_scs_section_size  }
0x9a: {  	s4 =	simm.s32 $_size__tile_overlayer_lowered;
	s5 =	simm.s32 $_tile_overlayer_lowered  }
0x9b: {  	s22 =	simm.s32 $0x1BFF;
	s21 =	sshll.u32 s5, $0x1;
	s2 =	sadd.s32 s19, s18  }
0x9c: {  	s6 =	simm.s32 $0x0;
	s20 =	sshll.u32 s4, $0x1;
	s4 =	sadd.s32 s21, s2  }
0x9d: {  	[timem:s6], [sflag:s22] =	dma.local [hbm:s4], s20  }
0x9e: {  	_ =	swait.ge [sflag:s22], s20  }
0x9f: {  	s3 =	ssub.s32 $0x0, s20;
	[sflag:s22] =	ssyncset.done $0x0  }
0xa0: {  	[sflag:s22] =	ssyncadd.s32 s3;
	_ =	sdelay $0x1  }
0xa1: {  	s23 =	simm.s32 $0x1B8B  }
0xa2: {  	_ =	swait.ge [sflag:s23], $0x1  }
0xa3: {  	[sflag:s23] =	ssyncset.done $0x0  }
0xa4: {  	s25 =	simm.s32 $0x1B8E;
	s24 =	sld [smem:$0x3FFE];
	[sflag:s23] =	ssyncadd.s32 $0xFFFFFFFF  }
0xa5: {  	s26 =	simm.s32 $execute0_lowered;
	[smem:$0x3FD2] =	sst s25  }
0xa6: {  	s4 =	sshll.u32 s26, $0x1;
	_ =	strace $0x8000004C;
	[dreg:$0x1] =	wrdreg $0xFFFFFFFF  }
0xa7: {  	s28 =	simm.s32 $_size_execute0_lowered;
	s2 =	sadd.s32 s2, s4;
	[dreg:$0x0] =	wrdreg $0x0  }
0xa8: {  	s4 =	sshll.u32 s28, $0x1;
	[dreg:$0x2] =	wrdreg s2  }
0xa9: {  	[dreg:$0x3] =	wrdreg s4  }
0xaa: {  	[dreg:$0x4] =	wrdreg $0xC0  }
0xab: {  	_ =	task [dreg:s6], $0x5FFFF  }
0xac: {  	[dreg:$0x1] =	wrdreg $0xFFFFFFFF  }
0xad: {  	[dreg:$0x0] =	wrdreg $0x60  }
0xae: {  	[dreg:$0x2] =	wrdreg s24  }
0xaf: {  	[dreg:$0x3] =	wrdreg $0x84000  }
0xb0: {  	[dreg:$0x4] =	wrdreg $0x9  }
0xb1: {  	_ =	task.clear_ibuf [dreg:s6], $0x5FFFF;
	_ =	strace $0x9000004C  }
0xb2: {  	s29 =	simm.s32 $0x9;
	_ =	strace $0x8000004E  }
0xb3: {  	_ =	swait.ge [sflag:s29], $0x1  }
0xb4: {  	[sflag:s29] =	ssyncadd.s32 $0xFFFFFFFF  }
0xb5: {  	_ =	strace $0x9000004E  }
0xb6: {  	_ =	sfence  }
0xb7: {  	s30 =	sld [smem:$0x0];
	_ =	sdelay $0x2  }
0xb8: {  	s31 =	sshll.u32 s1, $0xD;
	s1 =	sshrl.u32 s1, $0x2  }
0xb9: {  	s3 =	sand.u32 $0x4000, s31;
	s1 =	sadd.s32 s1, s30  }
0xba: {  	s0 =	sor.u32 s3, s0;
	s1 =	sshll.u32 s1, $0x11  }
0xbb: {  	s0 =	sor.u32 s1, s0  }
0xbc: {  	s0 =	sadd.s32 $0x8F2B, s0  }
0xbd: {  	[sflag:s0] =	ssyncadd.remote.s32 $0x1  }
0xbe: {  	_ =	sfence.sel $0xFFFF  }
0xbf: {  	[dreg:$0x0] =	wrdreg $0xFFFFFFFF;
	(pc) =	sbr.abs _section_cstart, $3  }
0xc0: {  	[dreg:$0x1] =	wrdreg $0xFFFFFFFF  }
0xc1: {  	_ =	task.clear_ibuf [dreg:s6], $0x2FFFF;
	_ =	strace $0x9FFFFFFF  }
0xc2: {  	(tm) =	ssettm $0x7FFFFFFF  }
0xc3: {  	_ =	shalt  }
tec
execute0_lowered:
.L_overlay_start_1:
0x0: {  	(tag) =	ssettag $0x1  }
0x1: {  	s0 =	rddreg [dreg:$0x0]  }
0x2: {  	s1 =	rddreg [dreg:$0x1];
	s2 =	simm.s32 $0x0;
	s3 =	srdreg.scid  }
0x3: {  	s11 =	stileid.u32;
	[smem:$0x7FF] =	sst s2;
	s4 =	sadd.s32 $0x3000, s0  }
0x4: {  	s5 =	sadd.s32 $0x5D000, s0;
	s6 =	sand.u32 $0x1, s3;
	s16 =	sshll.u32 s11, $0x1  }
0x5: {  	s7 =	smul.u32 $0x50000, s11;
	s8 =	sadd.s32 $0x2A200, s0;
	s18 =	sadd.s32 $0x71000, s0  }
0x6: {  	p2 =	seq.s32 s11, $0x0;
	p3 =	seq.s32 s11, $0x1;
	s20 =	sadd.s32 $0x2C980, s0  }
0x7: {  	p6 =	seq.s32 s11, $0x2;
	_ =	strace $0x8000004D;
	[dreg:$0x3] =	wrdreg s8  }
0x8: {  	s21 =	sadd.s32 $0x73780, s0;
	p4 =	seq.s32 s11, $0x3;
	[dreg:$0x4] =	wrdreg s18  }
0x9: {  	s22 =	sadd.s32 $0x2F100, s0;
	s23 =	sadd.s32 $0x31880, s0;
	[dreg:$0x8] =	wrdreg s20  }
0xa: {  	s14 =	sadd.s32 $0x78680, s0;
	s24 =	sadd.s32 $0x34000, s0;
	[dreg:$0x9] =	wrdreg s21  }
0xb: {  	s25 =	sadd.s32 $0x36780, s0;
	s15 =	sadd.s32 $0x7D580, s0;
	[dreg:$0xa] =	wrdreg s22  }
0xc: {  	s26 =	smul.u32 $0xA0, s11;
	s28 =	sadd.s32 $0x114800, s1;
	[dreg:$0xb] =	wrdreg s23  }
0xd: {  	s30 =	sadd.s32 $0x128400, s1;
	s17 =	ssub.s32 $0x2, s6;
	[dreg:$0xd] =	wrdreg s24  }
0xe: {  	s3 =	sor.u32 s6, s16;
	s19 =	sor.u32 s6, s11;
	[dreg:$0xe] =	wrdreg s25  }
0xf: {  	p0 =	seq.s32 s6, $0x1;
	s18 =	sadd.s32 $0x42D00, s0;
	[dreg:$0x7] =	wrdreg s19  }
0x10: {  	p1 =	seq.s32 s6, $0x0;
	s20 =	sadd.s32 $0x45480, s0;
	[dreg:$0x18] =	wrdreg s18  }
0x11: {  	s6 =	smul.u32 $0x50, s6;
	s21 =	sadd.s32 $0x47C00, s0;
	[dreg:$0x19] =	wrdreg s20  }
0x12: {  	s22 =	sadd.s32 $0x4A380, s0;
	s23 =	sadd.s32 $0x4CB00, s0;
	[dreg:$0x1a] =	wrdreg s21  }
0x13: {  	s24 =	sadd.s32 $0x4F280, s0;
	s25 =	sadd.s32 $0x93900, s0;
	[dreg:$0x1b] =	wrdreg s22  }
0x14: {  	s9 =	sshrl.u32 s17, $0x1;
	s7 =	sshrl.u32 s7, $0x2;
	[dreg:$0x1c] =	wrdreg s23  }
0x15: {  	s10 =	smul.u32 $0xA00, s3;
	p2 =	por !p2, !p0;
	[dreg:$0x1d] =	wrdreg s24  }
0x16: {  	p5 =	por !p3, !p1;
	[dreg:$0x1e] =	wrdreg s25;
	s18 =	sadd.s32 $0x76800, s1  }
0x17: {  	s20 =	sadd.s32 $0x8A400, s1;
	s21 =	sadd.s32 $0x9E000, s1;
	[smem:$0x7F5] =	sst s18  }
0x18: {  	s22 =	sadd.s32 $0xB1C00, s1;
	s23 =	sadd.s32 $0xC5800, s1;
	[smem:$0x7F6] =	sst s20  }
0x19: {  	s24 =	sadd.s32 $0xD9400, s1;
	s3 =	ssub.s32 s17, s9;
	[smem:$0x7F7] =	sst s21  }
0x1a: {  	s12 =	sadd.s32 s7, s1;
	p2 =	por !p2, !p2;
	[smem:$0x7F8] =	sst s22  }
0x1b: {  	s6 =	sadd.s32 s6, s26;
	s9 =	sadd.s32 $0x82480, s0;
	[smem:$0x7F9] =	sst s23  }
0x1c: {  	s17 =	sadd.s32 $0x40580, s0;
	[smem:$0x7FA] =	sst s24;
	s20 =	simm.s32 $0x200  }
0x1d: {  	s18 =	simm.s32 $0x2;
	s21 =	simm.s32 $0x4400;
	s22 =	simm.s32 $0x300  }
0x1e: {  	s23 =	simm.s32 $0x1;
	s7 =	simm.s32 @!p2 $0x0;
	[dreg:$0x17] =	wrdreg s17  }
0x1f: {  	s13 =	sadd.s32 s5, s10;
	[dreg:$0x5] =	wrdreg s12;
	s7 =	simm.s32 @p2 $0x1  }
0x20: {  	s6 =	sshll.u32 s6, $0x5;
	[smem:$0x7C8] =	sst s7;
	s7 =	simm.s32 @!p3 $0x0  }
0x21: {  	s17 =	sadd.s32 $0x62C00, s1;
	p2 =	por !p5, !p5;
	s7 =	simm.s32 @p3 $0x1  }
0x22: {  	p5 =	por !p6, !p1;
	[smem:$0x7C9] =	sst s7;
	s7 =	simm.s32 @!p2 $0x0  }
0x23: {  	[smem:$0x7F4] =	sst s17;
	p3 =	por !p5, !p5;
	s7 =	simm.s32 @p2 $0x1  }
0x24: {  	s19 =	sadd.s32 s6, s5;
	[smem:$0x7CA] =	sst s7;
	s7 =	simm.s32 @!p3 $0x0  }
0x25: {  	[dreg:$0x6] =	wrdreg s13;
	s25 =	sadd.s32 $0x40, s13;
	s7 =	simm.s32 @p3 $0x1  }
0x26: {  	p2 =	por !p6, !p0;
	[smem:$0x7CB] =	sst s7;
	s7 =	simm.s32 @!p4 $0x0  }
0x27: {  	[smem:$0x7FB] =	sst s25;
	p2 =	por !p2, !p2;
	s7 =	simm.s32 @p4 $0x1  }
0x28: {  	p6 =	por !p4, !p1;
	[smem:$0x7CC] =	sst s7;
	s7 =	simm.s32 @!p2 $0x0  }
0x29: {  	p4 =	seq.s32 s11, $0x4;
	s7 =	simm.s32 @p2 $0x1;
	p2 =	por !p6, !p6  }
0x2a: {  	p6 =	por !p4, !p1;
	[smem:$0x7D2] =	sst s7;
	s7 =	simm.s32 @!p2 $0x0  }
0x2b: {  	p5 =	seq.s32 s11, $0x5;
	p3 =	por !p6, !p6;
	s7 =	simm.s32 @p2 $0x1  }
0x2c: {  	s8 =	simm.s32 @!p3 $0x0;
	p2 =	por !p4, !p0;
	s29 =	sld [smem:$0x7D2]  }
0x2d: {  	p4 =	por !p5, !p1;
	[smem:$0x7CD] =	sst s7;
	s8 =	simm.s32 @p3 $0x1  }
0x2e: {  	p6 =	por !p2, !p2;
	[smem:$0x7CE] =	sst s8;
	s8 =	simm.s32 @!p5 $0x0  }
0x2f: {  	p2 =	por !p4, !p4;
	s8 =	simm.s32 @p5 $0x1;
	p5 =	seq.s32 s11, $0x6  }
0x30: {  	[smem:$0x7CF] =	sst s8;
	s8 =	simm.s32 @!p2 $0x0;
	p4 =	por !p5, !p1  }
0x31: {  	s8 =	simm.s32 @p2 $0x1;
	p3 =	por !p4, !p4;
	p2 =	por !p5, !p0  }
0x32: {  	[smem:$0x7D0] =	sst s8;
	s8 =	sadd.s32 $0x7AE00, s0;
	s10 =	simm.s32 @!p3 $0x0  }
0x33: {  	p5 =	por !p2, !p2;
	p2 =	seq.s32 s11, $0x8;
	s10 =	simm.s32 @p3 $0x1  }
0x34: {  	s16 =	simm.s32 @!p2 $0x0;
	s15 =	smov.u32 @p6 s8;
	[smem:$0x7D1] =	sst s10  }
0x35: {  	p3 =	seq.s32 s29, $0x1;
	s29 =	smax.u32 s3, $0x1;
	[dreg:$0xf] =	wrdreg s15  }
0x36: {  	s7 =	sadd.s32 $0x75F00, s0;
	s16 =	simm.s32 @p2 $0x1;
	[smem:$0x7E8] =	sst s29  }
0x37: {  	s8 =	simm.s32 @!p5 $0x0;
	s14 =	smov.u32 @p3 s7;
	[smem:$0x7D8] =	sst s16  }
0x38: {  	s5 =	sadd.s32 $0x84C00, s0;
	s8 =	simm.s32 @p5 $0x1;
	[dreg:$0xc] =	wrdreg s14  }
0x39: {  	s17 =	simm.s32 $0x5;
	s15 =	sadd.s32 $0x3B680, s0;
	[smem:$0x7D4] =	sst s8  }
0x3a: {  	s10 =	sadd.s32 $0x7FD00, s0;
	s29 =	sadd.s32 $0xED000, s1;
	[dreg:$0x15] =	wrdreg s15  }
0x3b: {  	p2 =	por !p2, !p0;
	s9 =	smov.u32 @p5 s10;
	[smem:$0x7FD] =	sst s29  }
0x3c: {  	s7 =	sadd.s32 $0x87380, s0;
	p4 =	por !p2, !p2;
	[dreg:$0x10] =	wrdreg s9  }
0x3d: {  	p2 =	seq.s32 s11, $0xA;
	s15 =	sadd.s32 $0x3B400, s1;
	s10 =	sld [smem:$0x7D8]  }
0x3e: {  	s16 =	simm.s32 @!p2 $0x0;
	s7 =	smov.u32 @p4 s5;
	[smem:$0x7F2] =	sst s15  }
0x3f: {  	s9 =	simm.s32 @!p4 $0x0;
	s16 =	simm.s32 @p2 $0x1;
	[dreg:$0x11] =	wrdreg s7  }
0x40: {  	s31 =	sadd.s32 $0xC0, s19;
	s9 =	simm.s32 @p4 $0x1;
	[smem:$0x7DA] =	sst s16  }
0x41: {  	s25 =	simm.s32 $0x6;
	s7 =	sadd.s32 $0x4000, s12;
	[smem:$0x7D5] =	sst s9  }
0x42: {  	s8 =	sadd.s32 $0x8C280, s0;
	s9 =	sadd.s32 $0x38F00, s0;
	[smem:$0x7EB] =	sst s7  }
0x43: {  	s5 =	sadd.s32 $0x8EA00, s0;
	s15 =	simm.s32 $0x280;
	[dreg:$0x14] =	wrdreg s9  }
0x44: {  	p2 =	por !p2, !p0;
	s16 =	sadd.s32 $0x3DE00, s0;
	s14 =	sld [smem:$0x7DA]  }
0x45: {  	p3 =	por !p2, !p2;
	[dreg:$0x16] =	wrdreg s16;
	s9 =	sadd.s32 $0xC000, s12  }
0x46: {  	s6 =	simm.s32 @!p3 $0x0;
	s16 =	sadd.s32 $0x4F000, s1;
	[smem:$0x7ED] =	sst s9  }
0x47: {  	p2 =	seq.s32 s11, $0x7;
	s6 =	simm.s32 @p3 $0x1;
	[smem:$0x7F3] =	sst s16  }
0x48: {  	s9 =	simm.s32 $0x8;
	[smem:$0x7E6] =	sst s6;
	s6 =	simm.s32 @!p6 $0x0  }
0x49: {  	s16 =	simm.s32 $0x0;
	s6 =	simm.s32 @p6 $0x1;
	p6 =	seq.s32 s11, $0xC  }
0x4a: {  	[smem:$0x7D3] =	sst s6;
	s6 =	sadd.s32 $0x89B00, s0;
	p5 =	por !p6, !p0  }
0x4b: {  	s26 =	sld [smem:$0x7E6];
	p5 =	por !p5, !p5;
	s8 =	smov.u32 @p3 s6  }
0x4c: {  	s6 =	sadd.s32 $0x91180, s0;
	p3 =	seq.s32 s10, $0x1;
	s0 =	sadd.s32 $0x96080, s0  }
0x4d: {  	s10 =	sadd.s32 $0x10000, s12;
	s6 =	smov.u32 @p5 s5;
	s5 =	simm.s32 @!p2 $0x0  }
0x4e: {  	[dreg:$0x12] =	wrdreg s8;
	s5 =	simm.s32 @p2 $0x1;
	p2 =	por !p2, !p1  }
0x4f: {  	p4 =	por p5, p5;
	[dreg:$0x1f] =	wrdreg s0;
	p2 =	por !p2, !p2  }
0x50: {  	p5 =	seq.s32 s14, $0x1;
	[smem:$0x7D6] =	sst s5;
	s5 =	simm.s32 @!p2 $0x0  }
0x51: {  	s8 =	sadd.s32 $0x8000, s12;
	s5 =	simm.s32 @p2 $0x1;
	p2 =	por !p3, !p1  }
0x52: {  	[smem:$0x7EE] =	sst s10;
	s12 =	sadd.s32 $0x13C00, s1;
	p2 =	por !p2, !p2  }
0x53: {  	s14 =	sadd.s32 $0x27800, s1;
	[smem:$0x7D7] =	sst s5;
	s5 =	simm.s32 @!p2 $0x0  }
0x54: {  	[dreg:$0x13] =	wrdreg s6;
	p3 =	seq.s32 s11, $0x9;
	s5 =	simm.s32 @p2 $0x1  }
0x55: {  	s10 =	simm.s32 $0x80;
	[smem:$0x7D9] =	sst s5;
	s5 =	simm.s32 @!p3 $0x0  }
0x56: {  	[smem:$0x7EC] =	sst s8;
	s5 =	simm.s32 @p3 $0x1;
	p3 =	por !p3, !p1  }
0x57: {  	s6 =	stileid.u32;
	[smem:$0x7F0] =	sst s12;
	p3 =	por !p3, !p3  }
0x58: {  	p2 =	por !p5, !p1;
	[smem:$0x7DB] =	sst s5;
	s5 =	simm.s32 @!p3 $0x0  }
0x59: {  	[smem:$0x7F1] =	sst s14;
	p2 =	por !p2, !p2;
	s5 =	simm.s32 @p3 $0x1  }
0x5a: {  	s0 =	simm.s32 @!p4 $0x0;
	[smem:$0x7DC] =	sst s5;
	s5 =	simm.s32 @!p2 $0x0  }
0x5b: {  	p3 =	seq.s32 s11, $0xB;
	s5 =	simm.s32 @p2 $0x1;
	p2 =	por !p6, !p1  }
0x5c: {  	p6 =	por !p3, !p1;
	[smem:$0x7DD] =	sst s5;
	s5 =	simm.s32 @!p3 $0x0  }
0x5d: {  	s14 =	simm.s32 $0x100;
	p5 =	por !p6, !p6;
	s5 =	simm.s32 @p3 $0x1  }
0x5e: {  	s12 =	simm.s32 $0x3;
	[smem:$0x7DE] =	sst s5;
	s5 =	simm.s32 @!p5 $0x0  }
0x5f: {  	s8 =	simm.s32 $0x4;
	p2 =	por !p2, !p2;
	s5 =	simm.s32 @p5 $0x1  }
0x60: {  	s0 =	simm.s32 @p4 $0x1;
	[smem:$0x7DF] =	sst s5;
	s5 =	simm.s32 @!p2 $0x0  }
0x61: {  	s6 =	simm.s32 @p4 $0xC;
	p3 =	seq.s32 s11, $0xD;
	s5 =	simm.s32 @p2 $0x1  }
0x62: {  	p6 =	por !p3, !p1;
	[smem:$0x7E0] =	sst s5;
	s5 =	simm.s32 @!p3 $0x0  }
0x63: {  	[smem:$0x7E7] =	sst s0;
	p2 =	por !p6, !p6;
	s5 =	simm.s32 @p3 $0x1  }
0x64: {  	p6 =	seq.s32 s11, $0xF;
	[smem:$0x7E1] =	sst s5;
	s5 =	simm.s32 @!p2 $0x0  }
0x65: {  	p3 =	por p0, p0;
	s5 =	simm.s32 @p2 $0x1;
	p2 =	seq.s32 s11, $0xE  }
0x66: {  	[smem:$0x7E2] =	sst s5;
	p5 =	por !p2, !p1;
	s5 =	simm.s32 @!p6 $0x0  }
0x67: {  	p2 =	por !p2, !p0;
	s5 =	simm.s32 @p6 $0x1;
	p0 =	por !p5, !p5  }
0x68: {  	p6 =	por !p6, !p1;
	[smem:$0x7E3] =	sst s5;
	s5 =	simm.s32 @!p0 $0x0  }
0x69: {  	s11 =	sadd.s32 $0x20, s13;
	s5 =	simm.s32 @p0 $0x1;
	p0 =	por !p6, !p6  }
0x6a: {  	s13 =	simm.s32 $0x380;
	[smem:$0x7E4] =	sst s5;
	s5 =	simm.s32 @!p0 $0x0  }
0x6b: {  	[smem:$0x7EF] =	sst s11;
	s11 =	simm.s32 $0x400;
	s5 =	simm.s32 @p0 $0x1  }
0x6c: {  	p0 =	seq.s32 s26, $0x1;
	[smem:$0x7E5] =	sst s5;
	s5 =	stileid.u32  }
.Ltmp0:
0x6d: {  	p1 =	por !p2, !p2;
	s5 =	simm.s32 @p0 $0xA;
	(pc) =	sbr.rel .LBB2_1-.Ltmp0, $4  }
0x6e: {  	s26 =	sadd.s32 $0x100C00, s1;
	s3 =	sshll.u32 s5, $0x6;
	s5 =	sshll.u32 s6, $0x6  }
0x6f: {  	[smem:$0x7FC] =	sst s26;
	s0 =	sor.u32 $0x1C09, s3;
	s6 =	sor.u32 $0x1C09, s5  }
0x70: {  	s3 =	simm.s32 $0x180;
	s5 =	simm.s32 $0x7;
	[smem:$0x7E9] =	sst s0  }
0x71: {  	v0 =	vimm.f32 $0.0e+00;
	[smem:$0x7EA] =	sst s6;
	s0 =	sadd.s32 $0x80, s19;
	s6 =	simm.s32 $0x9  }
.LBB2_23:
0x72: {  	s7 =	sld [smem:$0x7E4];
	_ =	sdelay $0x2  }
0x73: {  	p5 =	seq.s32 s7, $0x1  }
0x74: {  	s29 =	rddreg [dreg:$0x1c];
	s7 =	sshrl.u32 @p5 s28, $0x3;
	s24 =	simm.s32 @p5 $0x1F89  }
0x75: {  	[hbm:s29], [sflag:s24] =	dma.local @p5 [spmem:s7], $0x2780  }
0x76: {  	s7 =	simm.s32 @p5 $0x9;
	s24 =	sld [smem:$0x7E5]  }
0x77: {  	_ =	swait.ge @p5 [sflag:s7], $0x2780  }
0x78: {  	s29 =	sld [smem:$0x7E3]  }
0x79: {  	[sflag:s7] =	ssyncset.done @p5 $0x0;
	p0 =	seq.s32 s24, $0x1  }
0x7a: {  	[sflag:s7] =	ssyncadd.s32 @p5 $0xFFFFD880;
	p2 =	por !p0, p1  }
0x7b: {  	p4 =	seq.s32 s29, $0x1;
	s29 =	rddreg [dreg:$0x1d];
	p0 =	por @!p2 $0x1, $0x1  }
0x7c: {  	s7 =	sshrl.u32 @!p2 s30, $0x3;
	s24 =	simm.s32 @!p2 $0x1FC9;
	p4 =	por @!p2 p0, p0  }
0x7d: {  	[hbm:s29], [sflag:s24] =	dma.local @!p2 [spmem:s7], $0x2080  }
0x7e: {  	p0 =	por @!p1 !p4, !p3  }
0x7f: {  	s7 =	simm.s32 @!p2 $0x9;
	p0 =	por @!p1 !p0, !p0  }
0x80: {  	_ =	swait.ge @!p2 [sflag:s7], $0x2080;
	p0 =	por !p0, p1  }
0x81: {  	[sflag:s7] =	ssyncset.done @!p2 $0x0;
	s29 =	rddreg [dreg:$0x1f];
	s24 =	sshll.u32 @!p0 s26, $0x6  }
0x82: {  	[sflag:s7] =	ssyncadd.s32 @!p2 $0xFFFFDF80;
	s7 =	sor.u32 @!p0 $0x1C09, s24;
	s24 =	sshrl.u32 @!p0 s30, $0x3  }
0x83: {  	[hbm:s29], [sflag:s7] =	dma.local @!p0 [spmem:s24], $0x2080  }
0x84: {  	s7 =	simm.s32 @!p0 $0x9  }
0x85: {  	_ =	swait.ge @!p0 [sflag:s7], $0x2080  }
0x86: {  	s24 =	simm.s32 @p1 $0x1F89;
	[sflag:s7] =	ssyncset.done @!p0 $0x0  }
0x87: {  	s29 =	rddreg [dreg:$0x1e];
	[sflag:s7] =	ssyncadd.s32 @!p0 $0xFFFFDF80;
	s7 =	sshrl.u32 @p1 s28, $0x3  }
0x88: {  	[hbm:s29], [sflag:s24] =	dma.local @p1 [spmem:s7], $0x2780  }
0x89: {  	s7 =	simm.s32 @p1 $0x9  }
0x8a: {  	_ =	swait.ge @p1 [sflag:s7], $0x2780  }
0x8b: {  	s29 =	sld [smem:$0x7E8];
	_ =	sdelay $0x1  }
0x8c: {  	s16 =	sadd.s32 $0x1, s16  }
0x8d: {  	p0 =	sne.s32 s16, s29  }
.Ltmp1:
0x8e: {  	_ = 	snop;
	(pc) =	sbr.rel @!p0 .LBB2_24-.Ltmp1, $3  }
0x8f: {  	_ =	sdelay $0x1  }
0x90: {  	[sflag:s7] =	ssyncset.done @p1 $0x0  }
0x91: {  	[sflag:s7] =	ssyncadd.s32 @p1 $0xFFFFD880  }
.LBB2_1:
0x92: {  	s7 =	simm.s32 $0x0;
	s29 =	simm.s32 $0x200  }
.LBB2_2:
0x93: {  	p2 =	sne.s32 s29, $0xFE00;
	[tilespmem:s7+$0x470] =	vst v0  }
0x94: {  	[tilespmem:s7+$0x400] =	vst v0  }
0x95: {  	[tilespmem:s7+$0x410] =	vst v0  }
.Ltmp2:
0x96: {  	[tilespmem:s7+$0x420] =	vst v0;
	(pc) =	sbr.rel @p2 .LBB2_2-.Ltmp2, $4  }
0x97: {  	[tilespmem:s7+$0x430] =	vst v0  }
0x98: {  	[tilespmem:s7+$0x440] =	vst v0  }
0x99: {  	[tilespmem:s7+$0x450] =	vst v0  }
0x9a: {  	[tilespmem:s7+$0x460] =	vst v0;
	s7 =	sshra.s32 s29, $0x2;
	s29 =	sadd.s32 $0x200, s29  }
0x9b: {  	[tilespmem:s7+$0x470] =	vst v0  }
0x9c: {  	[tilespmem:s7+$0x400] =	vst v0  }
0x9d: {  	[tilespmem:s7+$0x410] =	vst v0  }
0x9e: {  	[tilespmem:s7+$0x420] =	vst v0  }
0x9f: {  	[tilespmem:s7+$0x430] =	vst v0  }
0xa0: {  	[tilespmem:s7+$0x440] =	vst v0  }
0xa1: {  	[tilespmem:s7+$0x450] =	vst v0  }
0xa2: {  	[tilespmem:s7+$0x460] =	vst v0;
	s29 =	rddreg [dreg:$0x5]  }
0xa3: {  	[spmem:s29] =	stream.linear.scatter [tilespmem:s11], [sflag:$0x9], $0x4000, $0x38;
	[tilespmem:$0x1C400] =	vst v63  }
0xa4: {  	_ =	swait.ge [sflag:s6], $0x4000  }
0xa5: {  	s24 =	sld [smem:$0x7EB]  }
0xa6: {  	[sflag:s6] =	ssyncset.done $0x0  }
0xa7: {  	[sflag:s6] =	ssyncadd.s32 $0xFFFFC000  }
0xa8: {  	[spmem:s24] =	stream.linear.scatter [tilespmem:s11], [sflag:$0x9], $0x4000, $0x38;
	[tilespmem:$0x1C400] =	vst v63  }
0xa9: {  	_ =	swait.ge [sflag:s6], $0x4000  }
0xaa: {  	s26 =	sld [smem:$0x7EC]  }
0xab: {  	[sflag:s6] =	ssyncset.done $0x0  }
0xac: {  	[sflag:s6] =	ssyncadd.s32 $0xFFFFC000  }
0xad: {  	[spmem:s26] =	stream.linear.scatter [tilespmem:s11], [sflag:$0x9], $0x4000, $0x38;
	[tilespmem:$0x1C400] =	vst v63  }
0xae: {  	_ =	swait.ge [sflag:s6], $0x4000  }
0xaf: {  	s29 =	sld [smem:$0x7ED]  }
0xb0: {  	[sflag:s6] =	ssyncset.done $0x0  }
0xb1: {  	[sflag:s6] =	ssyncadd.s32 $0xFFFFC000  }
0xb2: {  	[spmem:s29] =	stream.linear.scatter [tilespmem:s11], [sflag:$0x9], $0x4000, $0x38;
	[tilespmem:$0x1C400] =	vst v63  }
0xb3: {  	_ =	swait.ge [sflag:s6], $0x4000  }
0xb4: {  	s24 =	sld [smem:$0x7EE]  }
0xb5: {  	[sflag:s6] =	ssyncset.done $0x0  }
0xb6: {  	[sflag:s6] =	ssyncadd.s32 $0xFFFFC000  }
0xb7: {  	[spmem:s24] =	stream.linear.scatter [tilespmem:s11], [sflag:$0x9], $0x4000, $0x38;
	[tilespmem:$0x1C400] =	vst v63  }
0xb8: {  	_ =	swait.ge [sflag:s6], $0x4000  }
0xb9: {  	[sflag:s6] =	ssyncset.done $0x0  }
0xba: {  	[sflag:s6] =	ssyncadd.s32 $0xFFFFC000  }
0xbb: {  	[bflag:$0x0] =	sbarrier.arrive $0xFFFF  }
0xbc: {  	s7 =	simm.s32 $0x0;
	s24 =	rddreg [dreg:$0x6]  }
0xbd: {  	[tilespmem:s7], [sflag:$0x9] =	stream.linear.gather [hbm4b:s24+s7], $0x100, $0x38;
	[tilespmem:$0x1C400] =	vst v63  }
0xbe: {  	_ =	swait.ge [sflag:s6], $0x100  }
0xbf: {  	[sflag:s6] =	ssyncset.done $0x0  }
0xc0: {  	s26 =	sld [smem:$0x7EF];
	[sflag:s6] =	ssyncadd.s32 $0xFFFFFF00  }
0xc1: {  	[tilespmem:s11], [sflag:$0x5] =	stream.indirect.gather [hbm4b:s4+s10], $0x80, s7, s10, $0xb8;
	[tilespmem:$0x1C400] =	vst v63  }
0xc2: {  	s29 =	sld [smem:$0x7FB]  }
0xc3: {  	[tilespmem:s14], [sflag:$0x2] =	stream.linear.gather [hbm4b:s26+s7], $0x100, $0x38;
	[tilespmem:$0x1C400] =	vst v63  }
0xc4: {  	_ = 	snop  }
0xc5: {  	[tilespmem:s20], [sflag:$0x3] =	stream.linear.gather [hbm4b:s29+s7], $0x100, $0x38;
	[tilespmem:$0x1C400] =	vst v63  }
.LBB2_4:
0xc6: {  	_ =	swait.ge [sflag:s17], $0x4000  }
0xc7: {  	p2 =	seq.s32 s7, $0x0;
	[sflag:s17] =	ssyncset.done $0x0  }
0xc8: {  	s29 =	simm.s32 @!p2 $0x8;
	[sflag:s17] =	ssyncadd.s32 $0xFFFFC000  }
0xc9: {  	[spmem:s1] =	stream.indirect.scatter.add.f32 [tilespmem:s11], [sflag:$0x7], $0x80, s10, s10, $0xb8;
	[tilespmem:$0x1C400] =	vst v63  }
0xca: {  	_ =	swait.ge @!p2 [sflag:s29], $0x4000  }
0xcb: {  	[sflag:s29] =	ssyncset.done @!p2 $0x0  }
0xcc: {  	[sflag:s29] =	ssyncadd.s32 @!p2 $0xFFFFC000  }
0xcd: {  	_ =	swait.ge [sflag:s18], $0x100  }
0xce: {  	[sflag:s18] =	ssyncset.done $0x0  }
0xcf: {  	s29 =	sadd.s32 s7, s19;
	[sflag:s18] =	ssyncadd.s32 $0xFFFFFF00  }
0xd0: {  	[tilespmem:s21], [sflag:$0x6] =	stream.indirect.gather [hbm4b:s4+s10], $0x80, s14, s10, $0xb8;
	[tilespmem:$0x1C400] =	vst v63  }
0xd1: {  	s24 =	sadd.s32 $0x60, s29  }
0xd2: {  	[tilespmem:s22], [sflag:$0x4] =	stream.linear.gather [hbm4b:s24+s2], $0x100, $0x38;
	[tilespmem:$0x1C400] =	vst v63  }
0xd3: {  	_ =	swait.ge [sflag:s25], $0x4000  }
0xd4: {  	[sflag:s25] =	ssyncset.done $0x0  }
0xd5: {  	[sflag:s25] =	ssyncadd.s32 $0xFFFFC000  }
0xd6: {  	[spmem:s1] =	stream.indirect.scatter.add.f32 [tilespmem:s21], [sflag:$0x8], $0x80, s3, s10, $0xb8;
	[tilespmem:$0x1C400] =	vst v63  }
0xd7: {  	_ =	swait.ge [sflag:s5], $0x4000  }
0xd8: {  	[sflag:s5] =	ssyncset.done $0x0  }
0xd9: {  	[sflag:s5] =	ssyncadd.s32 $0xFFFFC000  }
0xda: {  	_ =	swait.ge [sflag:s12], $0x100  }
0xdb: {  	[sflag:s12] =	ssyncset.done $0x0  }
0xdc: {  	p2 =	seq.s32 s7, $0x980;
	[sflag:s12] =	ssyncadd.s32 $0xFFFFFF00  }
0xdd: {  	[tilespmem:s11], [sflag:$0x5] =	stream.indirect.gather [hbm4b:s4+s10], $0x80, s20, s10, $0xb8;
	[tilespmem:$0x1C400] =	vst v63  }
0xde: {  	s26 =	simm.s32 @!p2 $0x0;
	s24 =	sadd.s32 @!p2 s7, s0  }
0xdf: {  	[tilespmem:s26], [sflag:$0x1] =	stream.linear.gather @!p2 [hbm4b:s24+s26], $0x100, $0x38;
	[tilespmem:$0x1C400] =	vst v63  }
0xe0: {  	_ =	swait.ge [sflag:s17], $0x4000  }
0xe1: {  	[sflag:s17] =	ssyncset.done $0x0  }
0xe2: {  	[sflag:s17] =	ssyncadd.s32 $0xFFFFC000  }
0xe3: {  	[spmem:s1] =	stream.indirect.scatter.add.f32 [tilespmem:s11], [sflag:$0x7], $0x80, s15, s10, $0xb8;
	[tilespmem:$0x1C400] =	vst v63  }
0xe4: {  	_ =	swait.ge [sflag:s9], $0x4000  }
0xe5: {  	[sflag:s9] =	ssyncset.done $0x0  }
.Ltmp3:
0xe6: {  	[sflag:s9] =	ssyncadd.s32 $0xFFFFC000;
	(pc) =	sbr.rel @p2 .LBB2_6-.Ltmp3, $4  }
0xe7: {  	_ =	swait.ge [sflag:s8], $0x100  }
0xe8: {  	[sflag:s8] =	ssyncset.done $0x0  }
0xe9: {  	[sflag:s8] =	ssyncadd.s32 $0xFFFFFF00  }
0xea: {  	[tilespmem:s21], [sflag:$0x6] =	stream.indirect.gather [hbm4b:s4+s10], $0x80, s22, s10, $0xb8;
	[tilespmem:$0x1C400] =	vst v63  }
0xeb: {  	s24 =	sadd.s32 $0xA0, s29  }
0xec: {  	[tilespmem:s14], [sflag:$0x2] =	stream.linear.gather [hbm4b:s24+s2], $0x100, $0x38;
	[tilespmem:$0x1C400] =	vst v63  }
0xed: {  	_ =	swait.ge [sflag:s25], $0x4000  }
0xee: {  	[sflag:s25] =	ssyncset.done $0x0  }
0xef: {  	[sflag:s25] =	ssyncadd.s32 $0xFFFFC000  }
0xf0: {  	[spmem:s1] =	stream.indirect.scatter.add.f32 [tilespmem:s21], [sflag:$0x8], $0x80, s13, s10, $0xb8;
	[tilespmem:$0x1C400] =	vst v63  }
0xf1: {  	_ =	swait.ge [sflag:s5], $0x4000  }
0xf2: {  	[sflag:s5] =	ssyncset.done $0x0  }
0xf3: {  	[sflag:s5] =	ssyncadd.s32 $0xFFFFC000  }
0xf4: {  	_ =	swait.ge [sflag:s23], $0x100  }
.Ltmp4:
0xf5: {  	[sflag:s23] =	ssyncset.done $0x0;
	(pc) =	sbr.rel .LBB2_4-.Ltmp4, $4  }
0xf6: {  	[sflag:s23] =	ssyncadd.s32 $0xFFFFFF00  }
0xf7: {  	[tilespmem:s11], [sflag:$0x5] =	stream.indirect.gather [hbm4b:s4+s10], $0x80, s2, s10, $0xb8;
	[tilespmem:$0x1C400] =	vst v63  }
0xf8: {  	s29 =	sadd.s32 s7, s31;
	s7 =	sadd.s32 $0x80, s7  }
0xf9: {  	[tilespmem:s20], [sflag:$0x3] =	stream.linear.gather [hbm4b:s29+s2], $0x100, $0x38;
	[tilespmem:$0x1C400] =	vst v63  }
.LBB2_6:
0xfa: {  	_ =	swait.ge [sflag:s25], $0x4000  }
0xfb: {  	[sflag:s25] =	ssyncset.done $0x0  }
0xfc: {  	[sflag:s25] =	ssyncadd.s32 $0xFFFFC000  }
0xfd: {  	[spmem:s1] =	stream.indirect.scatter.add.f32 [tilespmem:s21], [sflag:$0x8], $0x80, s13, s10, $0xb8;
	[tilespmem:$0x1C400] =	vst v63  }
0xfe: {  	_ =	swait.ge [sflag:s5], $0x4000  }
0xff: {  	[sflag:s5] =	ssyncset.done $0x0  }
0x100: {  	[sflag:s5] =	ssyncadd.s32 $0xFFFFC000  }
0x101: {  	_ =	swait.ge [sflag:s9], $0x4000  }
0x102: {  	s7 =	rddreg [dreg:$0x7];
	[sflag:s9] =	ssyncset.done $0x0  }
0x103: {  	s26 =	stileid.u32;
	p2 =	sne.s32 s7, $0x0;
	[sflag:s9] =	ssyncadd.s32 $0xFFFFC000  }
0x104: {  	s7 =	sshll.u32 @!p2 s26, $0x6;
	[bflag:$0x0] =	sbarrier.arrive $0xFFFF  }
0x105: {  	s24 =	sshrl.u32 @!p2 s1, $0x3;
	s7 =	sor.u32 @!p2 $0x1C09, s7;
	s29 =	rddreg [dreg:$0x3]  }
0x106: {  	[hbm:s29], [sflag:s7] =	dma.local @!p2 [spmem:s24], $0x2780  }
0x107: {  	s7 =	simm.s32 @!p2 $0x9  }
0x108: {  	_ =	swait.ge @!p2 [sflag:s7], $0x2780  }
0x109: {  	s29 =	sld [smem:$0x7C8];
	_ =	sdelay $0x2  }
0x10a: {  	p0 =	seq.s32 s29, $0x1  }
.Ltmp5:
0x10b: {  	_ = 	snop;
	(pc) =	sbr.rel @!p0 .LBB2_8-.Ltmp5, $3  }
0x10c: {  	_ =	sdelay $0x1  }
0x10d: {  	[sflag:s7] =	ssyncset.done @!p2 $0x0  }
0x10e: {  	[sflag:s7] =	ssyncadd.s32 @!p2 $0xFFFFD880  }
.Ltmp6:
0x10f: {  	(pc) =	sbr.rel .LBB2_10-.Ltmp6, $3  }
0x110: {  	_ =	sdelay $0x1  }
0x111: {  	s7 =	sshrl.u32 s1, $0x3;
	s24 =	rddreg [dreg:$0x4];
	s29 =	simm.s32 $0x1C09  }
0x112: {  	[hbm:s24], [sflag:s29] =	dma.local [spmem:s7], $0x2780  }
.LBB2_8:
0x113: {  	s7 =	sld [smem:$0x7CA];
	_ =	sdelay $0x2  }
0x114: {  	p4 =	seq.s32 s7, $0x1;
	s7 =	sld [smem:$0x7F0];
	_ =	sdelay $0x2  }
0x115: {  	s29 =	rddreg [dreg:$0x8];
	s24 =	simm.s32 @p4 $0x1C49;
	s7 =	sshrl.u32 @p4 s7, $0x3  }
0x116: {  	[hbm:s29], [sflag:s24] =	dma.local @p4 [spmem:s7], $0x2780  }
0x117: {  	s24 =	sld [smem:$0x7C9];
	_ =	sdelay $0x2  }
0x118: {  	p2 =	por @p4 $0x1, $0x1;
	p0 =	seq.s32 s24, $0x1  }
0x119: {  	p2 =	por @!p4 p0, p0  }
0x11a: {  	p2 =	por !p2, !p3  }
0x11b: {  	p2 =	por !p2, !p2  }
.Ltmp7:
0x11c: {  	_ = 	snop;
	(pc) =	sbr.rel @!p2 .LBB2_11-.Ltmp7, $4  }
0x11d: {  	s7 =	simm.s32 @p4 $0x9  }
0x11e: {  	_ =	swait.ge @p4 [sflag:s7], $0x2780  }
0x11f: {  	[sflag:s7] =	ssyncset.done @p4 $0x0  }
0x120: {  	[sflag:s7] =	ssyncadd.s32 @p4 $0xFFFFD880  }
0x121: {  	s24 =	sld [smem:$0x7F0];
	_ =	sdelay $0x1  }
0x122: {  	s7 =	sshll.u32 s26, $0x6  }
0x123: {  	s29 =	rddreg [dreg:$0x9];
	s7 =	sor.u32 $0x1C09, s7;
	s24 =	sshrl.u32 s24, $0x3  }
0x124: {  	[hbm:s29], [sflag:s7] =	dma.local [spmem:s24], $0x2780  }
.LBB2_10:
0x125: {  	_ =	swait.ge [sflag:s6], $0x2780  }
0x126: {  	[sflag:s6] =	ssyncset.done $0x0  }
0x127: {  	[sflag:s6] =	ssyncadd.s32 $0xFFFFD880  }
.LBB2_11:
0x128: {  	s7 =	sld [smem:$0x7CB];
	_ =	sdelay $0x2  }
0x129: {  	p6 =	seq.s32 s7, $0x1;
	s7 =	sld [smem:$0x7F1];
	_ =	sdelay $0x2  }
0x12a: {  	s29 =	rddreg [dreg:$0xa];
	s24 =	simm.s32 @p6 $0x1C89;
	s7 =	sshrl.u32 @p6 s7, $0x3  }
0x12b: {  	[hbm:s29], [sflag:s24] =	dma.local @p6 [spmem:s7], $0x2780  }
0x12c: {  	s7 =	simm.s32 @p6 $0x9;
	s24 =	sld [smem:$0x7D2]  }
0x12d: {  	s29 =	sld [smem:$0x7CD];
	_ =	swait.ge @p6 [sflag:s7], $0x2780  }
0x12e: {  	[sflag:s7] =	ssyncset.done @p6 $0x0  }
0x12f: {  	[sflag:s7] =	ssyncadd.s32 @p6 $0xFFFFD880;
	s7 =	sld [smem:$0x7F2]  }
0x130: {  	p0 =	seq.s32 s29, $0x1;
	s29 =	sld [smem:$0x7CC]  }
0x131: {  	p5 =	seq.s32 s24, $0x1  }
0x132: {  	p2 =	por !p0, p5  }
0x133: {  	p0 =	por @!p2 $0x1, $0x1;
	s7 =	sshrl.u32 @!p2 s7, $0x3;
	p4 =	seq.s32 s29, $0x1  }
0x134: {  	s24 =	simm.s32 @!p2 $0x1CC9;
	s29 =	rddreg [dreg:$0xb];
	p4 =	por @!p2 p0, p0  }
0x135: {  	[hbm:s29], [sflag:s24] =	dma.local @!p2 [spmem:s7], $0x2780  }
0x136: {  	p0 =	por @!p5 !p4, !p3  }
0x137: {  	p0 =	por @!p5 !p0, !p0  }
0x138: {  	p0 =	por p5, p0  }
.Ltmp8:
0x139: {  	_ = 	snop;
	(pc) =	sbr.rel @!p0 .LBB2_13-.Ltmp8, $4  }
0x13a: {  	s7 =	simm.s32 @!p2 $0x9  }
0x13b: {  	_ =	swait.ge @!p2 [sflag:s7], $0x2780  }
0x13c: {  	[sflag:s7] =	ssyncset.done @!p2 $0x0  }
0x13d: {  	[sflag:s7] =	ssyncadd.s32 @!p2 $0xFFFFD880  }
0x13e: {  	s24 =	sld [smem:$0x7D2];
	_ =	sdelay $0x1  }
0x13f: {  	s29 =	sld [smem:$0x7F1]  }
0x140: {  	p0 =	seq.s32 s24, $0x1;
	s24 =	sld [smem:$0x7F2]  }
0x141: {  	s7 =	stileid.u32  }
0x142: {  	s7 =	simm.s32 @p0 $0x2  }
0x143: {  	s7 =	sshll.u32 s7, $0x6;
	s24 =	smov.u32 @p0 s29  }
0x144: {  	s7 =	sor.u32 $0x1C09, s7;
	s29 =	rddreg [dreg:$0xc];
	s24 =	sshrl.u32 s24, $0x3  }
0x145: {  	[hbm:s29], [sflag:s7] =	dma.local [spmem:s24], $0x2780  }
0x146: {  	_ =	swait.ge [sflag:s6], $0x2780  }
0x147: {  	[sflag:s6] =	ssyncset.done $0x0  }
0x148: {  	[sflag:s6] =	ssyncadd.s32 $0xFFFFD880  }
.LBB2_13:
0x149: {  	s7 =	sld [smem:$0x7CE];
	_ =	sdelay $0x2  }
0x14a: {  	p5 =	seq.s32 s7, $0x1;
	s7 =	sld [smem:$0x7F3];
	_ =	sdelay $0x2  }
0x14b: {  	s29 =	rddreg [dreg:$0xd];
	s24 =	simm.s32 @p5 $0x1D09;
	s7 =	sshrl.u32 @p5 s7, $0x3  }
0x14c: {  	[hbm:s29], [sflag:s24] =	dma.local @p5 [spmem:s7], $0x2780  }
0x14d: {  	s7 =	simm.s32 @p5 $0x9;
	s24 =	sld [smem:$0x7D3]  }
0x14e: {  	s29 =	sld [smem:$0x7D0];
	_ =	swait.ge @p5 [sflag:s7], $0x2780  }
0x14f: {  	[sflag:s7] =	ssyncset.done @p5 $0x0  }
0x150: {  	[sflag:s7] =	ssyncadd.s32 @p5 $0xFFFFD880;
	s7 =	sld [smem:$0x7F4]  }
0x151: {  	p0 =	seq.s32 s29, $0x1;
	s29 =	sld [smem:$0x7CF]  }
0x152: {  	p6 =	seq.s32 s24, $0x1  }
0x153: {  	p2 =	por !p0, p6  }
0x154: {  	p0 =	por @!p2 $0x1, $0x1;
	s7 =	sshrl.u32 @!p2 s7, $0x3;
	p4 =	seq.s32 s29, $0x1  }
0x155: {  	s24 =	simm.s32 @!p2 $0x1D49;
	s29 =	rddreg [dreg:$0xe];
	p4 =	por @!p2 p0, p0  }
0x156: {  	[hbm:s29], [sflag:s24] =	dma.local @!p2 [spmem:s7], $0x2780  }
0x157: {  	p0 =	por @!p6 !p4, !p3  }
0x158: {  	p0 =	por @!p6 !p0, !p0  }
0x159: {  	p0 =	por p6, p0  }
.Ltmp9:
0x15a: {  	_ = 	snop;
	(pc) =	sbr.rel @!p0 .LBB2_15-.Ltmp9, $4  }
0x15b: {  	s7 =	simm.s32 @!p2 $0x9  }
0x15c: {  	_ =	swait.ge @!p2 [sflag:s7], $0x2780  }
0x15d: {  	[sflag:s7] =	ssyncset.done @!p2 $0x0  }
0x15e: {  	[sflag:s7] =	ssyncadd.s32 @!p2 $0xFFFFD880  }
0x15f: {  	s24 =	sld [smem:$0x7D3];
	_ =	sdelay $0x1  }
0x160: {  	s29 =	sld [smem:$0x7F3]  }
0x161: {  	p0 =	seq.s32 s24, $0x1;
	s24 =	sld [smem:$0x7F4]  }
0x162: {  	s7 =	stileid.u32  }
0x163: {  	s7 =	simm.s32 @p0 $0x4  }
0x164: {  	s7 =	sshll.u32 s7, $0x6;
	s24 =	smov.u32 @p0 s29  }
0x165: {  	s7 =	sor.u32 $0x1C09, s7;
	s29 =	rddreg [dreg:$0xf];
	s24 =	sshrl.u32 s24, $0x3  }
0x166: {  	[hbm:s29], [sflag:s7] =	dma.local [spmem:s24], $0x2780  }
0x167: {  	_ =	swait.ge [sflag:s6], $0x2780  }
0x168: {  	[sflag:s6] =	ssyncset.done $0x0  }
0x169: {  	[sflag:s6] =	ssyncadd.s32 $0xFFFFD880  }
.LBB2_15:
0x16a: {  	s7 =	sld [smem:$0x7D1];
	_ =	sdelay $0x2  }
0x16b: {  	p5 =	seq.s32 s7, $0x1;
	s7 =	sld [smem:$0x7F5];
	_ =	sdelay $0x2  }
0x16c: {  	s29 =	rddreg [dreg:$0x14];
	s24 =	simm.s32 @p5 $0x1D89;
	s7 =	sshrl.u32 @p5 s7, $0x3  }
0x16d: {  	[hbm:s29], [sflag:s24] =	dma.local @p5 [spmem:s7], $0x2780  }
0x16e: {  	s7 =	simm.s32 @p5 $0x9;
	s24 =	sld [smem:$0x7D4]  }
0x16f: {  	s29 =	sld [smem:$0x7D7];
	_ =	swait.ge @p5 [sflag:s7], $0x2780  }
0x170: {  	[sflag:s7] =	ssyncset.done @p5 $0x0  }
0x171: {  	[sflag:s7] =	ssyncadd.s32 @p5 $0xFFFFD880;
	s7 =	sld [smem:$0x7F6]  }
0x172: {  	p0 =	seq.s32 s29, $0x1;
	s29 =	sld [smem:$0x7D6]  }
0x173: {  	p6 =	seq.s32 s24, $0x1  }
0x174: {  	p2 =	por !p0, p6  }
0x175: {  	p0 =	por @!p2 $0x1, $0x1;
	s7 =	sshrl.u32 @!p2 s7, $0x3;
	p4 =	seq.s32 s29, $0x1  }
0x176: {  	s24 =	simm.s32 @!p2 $0x1DC9;
	s29 =	rddreg [dreg:$0x15];
	p4 =	por @!p2 p0, p0  }
0x177: {  	[hbm:s29], [sflag:s24] =	dma.local @!p2 [spmem:s7], $0x2780  }
0x178: {  	p0 =	por @!p6 !p4, !p3  }
0x179: {  	p0 =	por @!p6 !p0, !p0  }
0x17a: {  	p0 =	por p6, p0  }
.Ltmp10:
0x17b: {  	_ = 	snop;
	(pc) =	sbr.rel @!p0 .LBB2_17-.Ltmp10, $4  }
0x17c: {  	s7 =	simm.s32 @!p2 $0x9  }
0x17d: {  	_ =	swait.ge @!p2 [sflag:s7], $0x2780  }
0x17e: {  	[sflag:s7] =	ssyncset.done @!p2 $0x0  }
0x17f: {  	[sflag:s7] =	ssyncadd.s32 @!p2 $0xFFFFD880  }
0x180: {  	s24 =	sld [smem:$0x7D4];
	_ =	sdelay $0x1  }
0x181: {  	s29 =	sld [smem:$0x7F5]  }
0x182: {  	p0 =	seq.s32 s24, $0x1;
	s24 =	sld [smem:$0x7F6]  }
0x183: {  	s7 =	stileid.u32  }
0x184: {  	s7 =	simm.s32 @p0 $0x6  }
0x185: {  	s7 =	sshll.u32 s7, $0x6;
	s24 =	smov.u32 @p0 s29  }
0x186: {  	s7 =	sor.u32 $0x1C09, s7;
	s29 =	rddreg [dreg:$0x10];
	s24 =	sshrl.u32 s24, $0x3  }
0x187: {  	[hbm:s29], [sflag:s7] =	dma.local [spmem:s24], $0x2780  }
0x188: {  	_ =	swait.ge [sflag:s6], $0x2780  }
0x189: {  	[sflag:s6] =	ssyncset.done $0x0  }
0x18a: {  	[sflag:s6] =	ssyncadd.s32 $0xFFFFD880  }
.LBB2_17:
0x18b: {  	s7 =	sld [smem:$0x7D9];
	_ =	sdelay $0x2  }
0x18c: {  	p6 =	seq.s32 s7, $0x1;
	s7 =	sld [smem:$0x7F7];
	_ =	sdelay $0x2  }
0x18d: {  	s29 =	rddreg [dreg:$0x16];
	s24 =	simm.s32 @p6 $0x1E09;
	s7 =	sshrl.u32 @p6 s7, $0x3  }
0x18e: {  	[hbm:s29], [sflag:s24] =	dma.local @p6 [spmem:s7], $0x2780  }
0x18f: {  	s7 =	simm.s32 @p6 $0x9;
	s24 =	sld [smem:$0x7D5]  }
0x190: {  	s29 =	sld [smem:$0x7DC];
	_ =	swait.ge @p6 [sflag:s7], $0x2780  }
0x191: {  	[sflag:s7] =	ssyncset.done @p6 $0x0  }
0x192: {  	[sflag:s7] =	ssyncadd.s32 @p6 $0xFFFFD880;
	s7 =	sld [smem:$0x7F8]  }
0x193: {  	p0 =	seq.s32 s29, $0x1;
	s29 =	sld [smem:$0x7DB]  }
0x194: {  	p5 =	seq.s32 s24, $0x1  }
0x195: {  	p2 =	por !p0, p5  }
0x196: {  	p0 =	por @!p2 $0x1, $0x1;
	s7 =	sshrl.u32 @!p2 s7, $0x3;
	p4 =	seq.s32 s29, $0x1  }
0x197: {  	s24 =	simm.s32 @!p2 $0x1E49;
	s29 =	rddreg [dreg:$0x17];
	p4 =	por @!p2 p0, p0  }
0x198: {  	[hbm:s29], [sflag:s24] =	dma.local @!p2 [spmem:s7], $0x2780  }
0x199: {  	p0 =	por @!p5 !p4, !p3  }
0x19a: {  	p0 =	por @!p5 !p0, !p0  }
0x19b: {  	p0 =	por p5, p0  }
.Ltmp11:
0x19c: {  	_ = 	snop;
	(pc) =	sbr.rel @!p0 .LBB2_19-.Ltmp11, $4  }
0x19d: {  	s7 =	simm.s32 @!p2 $0x9  }
0x19e: {  	_ =	swait.ge @!p2 [sflag:s7], $0x2780  }
0x19f: {  	[sflag:s7] =	ssyncset.done @!p2 $0x0  }
0x1a0: {  	[sflag:s7] =	ssyncadd.s32 @!p2 $0xFFFFD880  }
0x1a1: {  	s24 =	sld [smem:$0x7D5];
	_ =	sdelay $0x1  }
0x1a2: {  	s29 =	sld [smem:$0x7F7]  }
0x1a3: {  	p0 =	seq.s32 s24, $0x1;
	s24 =	sld [smem:$0x7F8]  }
0x1a4: {  	s7 =	stileid.u32  }
0x1a5: {  	s7 =	simm.s32 @p0 $0x8  }
0x1a6: {  	s7 =	sshll.u32 s7, $0x6;
	s24 =	smov.u32 @p0 s29  }
0x1a7: {  	s7 =	sor.u32 $0x1C09, s7;
	s29 =	rddreg [dreg:$0x11];
	s24 =	sshrl.u32 s24, $0x3  }
0x1a8: {  	[hbm:s29], [sflag:s7] =	dma.local [spmem:s24], $0x2780  }
0x1a9: {  	_ =	swait.ge [sflag:s6], $0x2780  }
0x1aa: {  	[sflag:s6] =	ssyncset.done $0x0  }
0x1ab: {  	[sflag:s6] =	ssyncadd.s32 $0xFFFFD880  }
.LBB2_19:
0x1ac: {  	s7 =	sld [smem:$0x7DD];
	_ =	sdelay $0x2  }
0x1ad: {  	p6 =	seq.s32 s7, $0x1;
	s7 =	sld [smem:$0x7F9];
	_ =	sdelay $0x2  }
0x1ae: {  	s29 =	rddreg [dreg:$0x18];
	s24 =	simm.s32 @p6 $0x1E89;
	s7 =	sshrl.u32 @p6 s7, $0x3  }
0x1af: {  	[hbm:s29], [sflag:s24] =	dma.local @p6 [spmem:s7], $0x2780  }
0x1b0: {  	s7 =	simm.s32 @p6 $0x9;
	s24 =	sld [smem:$0x7E6]  }
0x1b1: {  	s29 =	sld [smem:$0x7DF];
	_ =	swait.ge @p6 [sflag:s7], $0x2780  }
0x1b2: {  	[sflag:s7] =	ssyncset.done @p6 $0x0  }
0x1b3: {  	[sflag:s7] =	ssyncadd.s32 @p6 $0xFFFFD880;
	s7 =	sld [smem:$0x7FA]  }
0x1b4: {  	p0 =	seq.s32 s29, $0x1;
	s29 =	sld [smem:$0x7DE]  }
0x1b5: {  	p5 =	seq.s32 s24, $0x1  }
0x1b6: {  	p2 =	por !p0, p5  }
0x1b7: {  	p0 =	por @!p2 $0x1, $0x1;
	s7 =	sshrl.u32 @!p2 s7, $0x3;
	p4 =	seq.s32 s29, $0x1  }
0x1b8: {  	s24 =	simm.s32 @!p2 $0x1EC9;
	s29 =	rddreg [dreg:$0x19];
	p4 =	por @!p2 p0, p0  }
0x1b9: {  	[hbm:s29], [sflag:s24] =	dma.local @!p2 [spmem:s7], $0x2780  }
0x1ba: {  	p0 =	por @!p5 !p4, !p3  }
0x1bb: {  	p0 =	por @!p5 !p0, !p0  }
0x1bc: {  	p0 =	por p5, p0  }
.Ltmp12:
0x1bd: {  	_ = 	snop;
	(pc) =	sbr.rel @!p0 .LBB2_21-.Ltmp12, $4  }
0x1be: {  	s7 =	simm.s32 @!p2 $0x9  }
0x1bf: {  	_ =	swait.ge @!p2 [sflag:s7], $0x2780  }
0x1c0: {  	[sflag:s7] =	ssyncset.done @!p2 $0x0  }
0x1c1: {  	[sflag:s7] =	ssyncadd.s32 @!p2 $0xFFFFD880  }
0x1c2: {  	s24 =	sld [smem:$0x7E6];
	_ =	sdelay $0x1  }
0x1c3: {  	s7 =	sld [smem:$0x7FA]  }
0x1c4: {  	p0 =	seq.s32 s24, $0x1;
	s24 =	sld [smem:$0x7F9];
	_ =	sdelay $0x1  }
0x1c5: {  	s29 =	sld [smem:$0x7E9]  }
0x1c6: {  	s7 =	smov.u32 @p0 s24  }
0x1c7: {  	s24 =	rddreg [dreg:$0x12];
	s7 =	sshrl.u32 s7, $0x3  }
0x1c8: {  	[hbm:s24], [sflag:s29] =	dma.local [spmem:s7], $0x2780  }
0x1c9: {  	_ =	swait.ge [sflag:s6], $0x2780  }
0x1ca: {  	[sflag:s6] =	ssyncset.done $0x0  }
0x1cb: {  	[sflag:s6] =	ssyncadd.s32 $0xFFFFD880  }
.LBB2_21:
0x1cc: {  	s7 =	sld [smem:$0x7E0];
	_ =	sdelay $0x2  }
0x1cd: {  	p6 =	seq.s32 s7, $0x1;
	s7 =	sld [smem:$0x7FD];
	_ =	sdelay $0x2  }
0x1ce: {  	s29 =	rddreg [dreg:$0x1a];
	s24 =	simm.s32 @p6 $0x1F09;
	s7 =	sshrl.u32 @p6 s7, $0x3  }
0x1cf: {  	[hbm:s29], [sflag:s24] =	dma.local @p6 [spmem:s7], $0x2780  }
0x1d0: {  	s7 =	simm.s32 @p6 $0x9;
	s24 =	sld [smem:$0x7E7]  }
0x1d1: {  	s29 =	sld [smem:$0x7E2];
	_ =	swait.ge @p6 [sflag:s7], $0x2780  }
0x1d2: {  	[sflag:s7] =	ssyncset.done @p6 $0x0  }
0x1d3: {  	[sflag:s7] =	ssyncadd.s32 @p6 $0xFFFFD880;
	s7 =	sld [smem:$0x7FC]  }
0x1d4: {  	p0 =	seq.s32 s29, $0x1;
	s29 =	sld [smem:$0x7E1]  }
0x1d5: {  	p5 =	seq.s32 s24, $0x1  }
0x1d6: {  	p2 =	por !p0, p5  }
0x1d7: {  	p0 =	por @!p2 $0x1, $0x1;
	s7 =	sshrl.u32 @!p2 s7, $0x3;
	p4 =	seq.s32 s29, $0x1  }
0x1d8: {  	s24 =	simm.s32 @!p2 $0x1F49;
	s29 =	rddreg [dreg:$0x1b];
	p4 =	por @!p2 p0, p0  }
0x1d9: {  	[hbm:s29], [sflag:s24] =	dma.local @!p2 [spmem:s7], $0x2780  }
0x1da: {  	p0 =	por @!p5 !p4, !p3  }
0x1db: {  	p0 =	por @!p5 !p0, !p0  }
0x1dc: {  	p0 =	por p5, p0  }
.Ltmp13:
0x1dd: {  	_ = 	snop;
	(pc) =	sbr.rel @!p0 .LBB2_23-.Ltmp13, $4  }
0x1de: {  	s7 =	simm.s32 @!p2 $0x9  }
0x1df: {  	_ =	swait.ge @!p2 [sflag:s7], $0x2780  }
0x1e0: {  	[sflag:s7] =	ssyncset.done @!p2 $0x0  }
0x1e1: {  	[sflag:s7] =	ssyncadd.s32 @!p2 $0xFFFFD880  }
0x1e2: {  	s24 =	sld [smem:$0x7E7];
	_ =	sdelay $0x1  }
0x1e3: {  	s7 =	sld [smem:$0x7FC]  }
0x1e4: {  	p0 =	seq.s32 s24, $0x1;
	s24 =	sld [smem:$0x7FD];
	_ =	sdelay $0x1  }
0x1e5: {  	s29 =	sld [smem:$0x7EA]  }
0x1e6: {  	s7 =	smov.u32 @p0 s24  }
.Ltmp14:
0x1e7: {  	s24 =	rddreg [dreg:$0x13];
	s7 =	sshrl.u32 s7, $0x3;
	(pc) =	sbr.rel .LBB2_23-.Ltmp14, $4  }
0x1e8: {  	[hbm:s24], [sflag:s29] =	dma.local [spmem:s7], $0x2780  }
0x1e9: {  	_ =	swait.ge [sflag:s6], $0x2780  }
0x1ea: {  	[sflag:s6] =	ssyncset.done $0x0  }
0x1eb: {  	[sflag:s6] =	ssyncadd.s32 $0xFFFFD880  }
.LBB2_24:
0x1ec: {  	_ =	sfence.sel $0x180000  }
0x1ed: {  	[bflag:$0x0] =	sbarrier.arrive $0xFFFF  }
0x1ee: {  	_ =	strace $0x9000004D  }
0x1ef: {  	[bflag:$0x2] =	sbarrier.arrive $0xFFFF  }
0x1f0: {  	p0 =	sne.s32 s26, $0x0;
	s0 =	rddreg [dreg:$0x2]  }
0x1f1: {  	s0 =	sadd.s32 @!p0 $0x100000, s0  }
0x1f2: {  	[sflag:s0] =	ssyncadd.tile.s32 @!p0 $0x1;
	_ =	shalt  }
.Lfunc_end2:
_tile_overlayer_lowered:
.L_overlay_start_2:
0x1f3: {  	(tag) =	ssettag $0x2  }
0x1f4: {  	s0 =	rddreg [dreg:$0x0];
	s2 =	stileid.u32  }
0x1f5: {  	s1 =	rddreg [dreg:$0x1];
	p0 =	sne.s32 s2, $0x0  }
0x1f6: {  	s3 =	rddreg [dreg:$0x2];
	[bflag:$0x3] =	sbarrier.arrive $0xFFFF;
	s2 =	simm.s32 @!p0 $0x1C09  }
0x1f7: {  	[timem:s3], [sflag:s2] =	dma.local @!p0 [hbm:s0], s1  }
0x1f8: {  	s0 =	simm.s32 @!p0 $0x9  }
0x1f9: {  	_ =	swait.ge @!p0 [sflag:s0], s1  }
0x1fa: {  	s1 =	ssub.s32 @!p0 $0x0, s1;
	[sflag:s0] =	ssyncset.done @!p0 $0x0  }
0x1fb: {  	[sflag:s0] =	ssyncadd.s32 @!p0 s1  }
0x1fc: {  	[bflag:$0x3] =	sbarrier.arrive $0xFFFF  }
0x1fd: {  	_ =	shalt  }

// kernel: kernel.8.cloned.1.call-start
scs
__scs_entry_jumppad:
0x0: {  	(pc) =	sbr.rel $0x88, $3  }
0x1: {  	(tag) =	ssettag $0x0;
	lr =	simm.s32 $0x1  }
0x2: {  	[smem:$0x3F98] =	sst lr;
	_ =	strace $0xD0000000  }
0x3: {  	_ = 	snop  }
0x4: {  	_ = 	snop  }
0x5: {  	_ = 	snop  }
0x6: {  	_ = 	snop  }
0x7: {  	_ = 	snop  }
__scs_overlays_trampoline_lowered:
0x8: {  	[smem:$0x3FA7] =	sst s0  }
0x9: {  	[smem:$0x3FA8] =	sst s1  }
0xa: {  	[smem:$0x3FA9] =	sst s2  }
0xb: {  	[smem:$0x3FAA] =	sst s3  }
0xc: {  	[smem:$0x3FAB] =	sst s4  }
0xd: {  	[smem:$0x3FAC] =	sst s5  }
0xe: {  	[smem:$0x3FAD] =	sst s6  }
0xf: {  	[smem:$0x3FAE] =	sst s7  }
0x10: {  	[smem:$0x3FAF] =	sst s8  }
0x11: {  	[smem:$0x3FB0] =	sst s9;
	s0 =	simm.s32 @!p0 $0x0  }
0x12: {  	s1 =	sld [smem:$0x3F96];
	s0 =	simm.s32 @p0 $0x1  }
0x13: {  	[smem:$0x3FB1] =	sst s0;
	s0 =	simm.s32 @!p1 $0x0  }
0x14: {  	s2 =	sld [smem:$0x3F95];
	s0 =	simm.s32 @p1 $0x1  }
0x15: {  	[smem:$0x3FB2] =	sst s0;
	s0 =	simm.s32 @!p2 $0x0  }
0x16: {  	s3 =	sld [smem:$0x3FDB];
	s0 =	simm.s32 @p2 $0x1  }
0x17: {  	s4 =	simm.s32 $0x1BF5;
	[smem:$0x3FB4] =	sst s0  }
0x18: {  	s0 =	sld [smem:$0x3F97];
	_ =	swait.ge [sflag:s4], $0x0  }
0x19: {  	s7 =	sld [smem:$0x3F98]  }
0x1a: {  	s8 =	sadd.s32 $0xFFFFE003, lr  }
0x1b: {  	s9 =	sadd.s32 $0xFFFFFEF7, lr;
	s5 =	simm.s32 $0xFFFFFFFF;
	p2 =	slt.u32 s8, $0xFFFFF086  }
0x1c: {  	p1 =	slt.u32 s9, $0xF7A;
	s5 =	simm.s32 @!p2 $0x0  }
0x1d: {  	s5 =	simm.s32 @p1 $0x1;
	p0 =	seq.s32 s7, s2  }
0x1e: {  	s7 =	smul.u32 @!p0 $0xF7A, s2;
	p2 =	seq.s32 @!p0 s5, $0x0  }
0x1f: {  	s9 =	smul.u32 $0xF7A, s1;
	s8 =	simm.s32 @!p0 $0x1BF5;
	p2 =	por !p2, p0  }
0x20: {  	[sflag:s8] =	ssyncset.s32 @!p0 $0xFFFFF086;
	s6 =	sadd.s32 @!p0 s3, s7;
	s7 =	simm.s32 @!p0 $0x108  }
0x21: {  	s3 =	sadd.s32 s3, s9;
	s6 =	sadd.s32 @!p0 $0x88, s6;
	s7 =	simm.s32 @p2 $0x1082  }
0x22: {  	[simem:s7], [sflag:s8] =	dma.local @!p0 [hbm:s6], $0xF7A  }
0x23: {  	s9 =	sor.u32 $0xD0000000, s2;
	s6 =	simm.s32 $0x108;
	_ =	swait.ge @!p0 [sflag:s8], $0x0  }
0x24: {  	s3 =	sadd.s32 $0x88, s3;
	s6 =	simm.s32 @!p1 $0x1082;
	[sflag:s4] =	ssyncset.s32 $0xFFFFF086  }
0x25: {  	[simem:s6], [sflag:s4] =	dma.local [hbm:s3], $0xF7A  }
0x26: {  	[smem:$0x3F98] =	sst s1;
	(tag) =	ssettag s2;
	_ =	strace s9  }
0x27: {  	s1 =	sld [smem:$0x3FA8]  }
0x28: {  	s2 =	sld [smem:$0x3FA9]  }
0x29: {  	s4 =	sld [smem:$0x3FAB]  }
0x2a: {  	p0 =	seq.s32 s5, $0x0;
	s5 =	sld [smem:$0x3FAC]  }
0x2b: {  	s6 =	sld [smem:$0x3FAD]  }
0x2c: {  	s7 =	sld [smem:$0x3FAE]  }
0x2d: {  	s3 =	simm.s32 $0x108;
	s8 =	sld [smem:$0x3FAF]  }
0x2e: {  	s3 =	simm.s32 @!p0 $0x1082;
	s9 =	sld [smem:$0x3FB0]  }
0x2f: {  	lr =	sadd.s32 s0, s3;
	s0 =	sld [smem:$0x3FA7]  }
0x30: {  	s3 =	sld [smem:$0x3FAA]  }
0x31: {  	[smem:$0x3FB3] =	sst s10  }
0x32: {  	s10 =	sld [smem:$0x3FB1];
	_ =	sdelay $0x3  }
0x33: {  	p0 =	seq.s32 s10, $0x1;
	s10 =	sld [smem:$0x3FB3];
	_ =	sdelay $0x3  }
0x34: {  	[smem:$0x3FB3] =	sst s10  }
0x35: {  	s10 =	sld [smem:$0x3FB2];
	_ =	sdelay $0x3  }
0x36: {  	p1 =	seq.s32 s10, $0x1;
	s10 =	sld [smem:$0x3FB3];
	_ =	sdelay $0x3  }
0x37: {  	[smem:$0x3FB3] =	sst s10  }
0x38: {  	s10 =	sld [smem:$0x3FB4]  }
0x39: {  	_ = 	snop;
	(pc) =	sbr.ind lr, $3  }
0x3a: {  	_ = 	snop  }
0x3b: {  	_ = 	snop  }
0x3c: {  	p2 =	seq.s32 s10, $0x1;
	s10 =	sld [smem:$0x3FB3]  }
0x3d: {  	_ =	shalt  }
0x3e: {  	_ =	shalt  }
0x3f: {  	_ =	shalt  }
0x40: {  	_ =	shalt  }
0x41: {  	_ =	shalt  }
0x42: {  	_ =	shalt  }
0x43: {  	_ =	shalt  }
0x44: {  	_ =	shalt  }
0x45: {  	_ =	shalt  }
0x46: {  	_ =	shalt  }
0x47: {  	_ =	shalt  }
0x48: {  	_ =	shalt  }
0x49: {  	_ =	shalt  }
0x4a: {  	_ =	shalt  }
0x4b: {  	_ =	shalt  }
0x4c: {  	_ =	shalt  }
0x4d: {  	_ =	shalt  }
0x4e: {  	_ =	shalt  }
0x4f: {  	_ =	shalt  }
0x50: {  	_ =	shalt  }
0x51: {  	_ =	shalt  }
0x52: {  	_ =	shalt  }
0x53: {  	_ =	shalt  }
0x54: {  	_ =	shalt  }
0x55: {  	_ =	shalt  }
0x56: {  	_ =	shalt  }
0x57: {  	_ =	shalt  }
0x58: {  	_ =	shalt  }
0x59: {  	_ =	shalt  }
0x5a: {  	_ =	shalt  }
0x5b: {  	_ =	shalt  }
0x5c: {  	_ =	shalt  }
0x5d: {  	_ =	shalt  }
0x5e: {  	_ =	shalt  }
0x5f: {  	_ =	shalt  }
0x60: {  	_ =	shalt  }
0x61: {  	_ =	shalt  }
0x62: {  	_ =	shalt  }
0x63: {  	_ =	shalt  }
0x64: {  	_ =	shalt  }
0x65: {  	_ =	shalt  }
0x66: {  	_ =	shalt  }
0x67: {  	_ =	shalt  }
0x68: {  	_ =	shalt  }
0x69: {  	_ =	shalt  }
0x6a: {  	_ =	shalt  }
0x6b: {  	_ =	shalt  }
0x6c: {  	_ =	shalt  }
0x6d: {  	_ =	shalt  }
0x6e: {  	_ =	shalt  }
0x6f: {  	_ =	shalt  }
0x70: {  	_ =	shalt  }
0x71: {  	_ =	shalt  }
0x72: {  	_ =	shalt  }
0x73: {  	_ =	shalt  }
0x74: {  	_ =	shalt  }
0x75: {  	_ =	shalt  }
0x76: {  	_ =	shalt  }
0x77: {  	_ =	shalt  }
0x78: {  	_ =	shalt  }
0x79: {  	_ =	shalt  }
0x7a: {  	_ =	shalt  }
0x7b: {  	_ =	shalt  }
0x7c: {  	_ =	shalt  }
0x7d: {  	_ =	shalt  }
0x7e: {  	_ =	shalt  }
0x7f: {  	_ =	shalt  }
0x80: {  	_ =	shalt  }
0x81: {  	_ =	shalt  }
0x82: {  	_ =	shalt  }
0x83: {  	_ =	shalt  }
0x84: {  	_ =	shalt  }
0x85: {  	_ =	shalt  }
0x86: {  	_ =	shalt  }
0x87: {  	_ =	shalt  }
.Lfunc_end0:
.L_simem_size_0:
called_computation_lowered:
.L_overlay_start_0:
0x88: {  	s2 =	sld [smem:$0x3FD9]  }
0x89: {  	s3 =	sld [smem:$0x3FFE];
	_ =	sdelay $0x1  }
0x8a: {  	s1 =	srdreg.scid  }
0x8b: {  	s0 =	sand.u32 $0x1, s1  }
0x8c: {  	s16 =	sshll.u32 s0, $0xA;
	s2 =	sadd.s32 s3, s2  }
0x8d: {  	s2 =	sadd.s32 s2, s16  }
0x8e: {  	[smem:$0x3FBF] =	sst s2  }
0x8f: {  	_ = 	snop  }
0x90: {  	(tm) =	ssettm $0x1  }
0x91: {  	s17 =	sld [smem:$0x3FFB];
	_ =	sdelay $0x3  }
0x92: {  	_ =	strace s17  }
0x93: {  	s2 =	sld [smem:$0x3FFC];
	_ =	sdelay $0x3  }
0x94: {  	_ =	strace s2  }
0x95: {  	s2 =	sld [smem:$0x3FFD];
	_ =	sdelay $0x3  }
0x96: {  	_ =	strace s2  }
0x97: {  	_ =	strace $0x8FFFFFFF  }
0x98: {  	s18 =	sld [smem:$0x3FDB];
	_ =	sdelay $0x1  }
0x99: {  	s19 =	simm.s32 $_scs_section_size  }
0x9a: {  	s4 =	simm.s32 $_size__tile_overlayer_lowered;
	s5 =	simm.s32 $_tile_overlayer_lowered  }
0x9b: {  	s22 =	simm.s32 $0x1BFF;
	s21 =	sshll.u32 s5, $0x1;
	s2 =	sadd.s32 s19, s18  }
0x9c: {  	s6 =	simm.s32 $0x0;
	s20 =	sshll.u32 s4, $0x1;
	s4 =	sadd.s32 s21, s2  }
0x9d: {  	[timem:s6], [sflag:s22] =	dma.local [hbm:s4], s20  }
0x9e: {  	_ =	swait.ge [sflag:s22], s20  }
0x9f: {  	s3 =	ssub.s32 $0x0, s20;
	[sflag:s22] =	ssyncset.done $0x0  }
0xa0: {  	[sflag:s22] =	ssyncadd.s32 s3;
	_ =	sdelay $0x1  }
0xa1: {  	s23 =	simm.s32 $0x1B8B  }
0xa2: {  	_ =	swait.ge [sflag:s23], $0x1  }
0xa3: {  	[sflag:s23] =	ssyncset.done $0x0  }
0xa4: {  	s25 =	simm.s32 $0x1B8E;
	s24 =	sld [smem:$0x3FFE];
	[sflag:s23] =	ssyncadd.s32 $0xFFFFFFFF  }
0xa5: {  	s26 =	simm.s32 $execute0_lowered;
	[smem:$0x3FD2] =	sst s25  }
0xa6: {  	s4 =	sshll.u32 s26, $0x1;
	_ =	strace $0x80000046;
	[dreg:$0x1] =	wrdreg $0xFFFFFFFF  }
0xa7: {  	s28 =	simm.s32 $_size_execute0_lowered;
	s2 =	sadd.s32 s2, s4;
	[dreg:$0x0] =	wrdreg $0x0  }
0xa8: {  	s4 =	sshll.u32 s28, $0x1;
	[dreg:$0x2] =	wrdreg s2  }
0xa9: {  	[dreg:$0x3] =	wrdreg s4  }
0xaa: {  	[dreg:$0x4] =	wrdreg $0xC0  }
0xab: {  	_ =	task [dreg:s6], $0x5FFFF  }
0xac: {  	[dreg:$0x1] =	wrdreg $0xFFFFFFFF  }
0xad: {  	[dreg:$0x0] =	wrdreg $0x60  }
0xae: {  	[dreg:$0x2] =	wrdreg s24  }
0xaf: {  	[dreg:$0x3] =	wrdreg $0xA8000  }
0xb0: {  	[dreg:$0x4] =	wrdreg $0x9  }
0xb1: {  	_ =	task.clear_ibuf [dreg:s6], $0x5FFFF;
	_ =	strace $0x90000046  }
0xb2: {  	s29 =	simm.s32 $0x9;
	_ =	strace $0x80000048  }
0xb3: {  	_ =	swait.ge [sflag:s29], $0x1  }
0xb4: {  	[sflag:s29] =	ssyncadd.s32 $0xFFFFFFFF  }
0xb5: {  	_ =	strace $0x90000048  }
0xb6: {  	_ =	sfence  }
0xb7: {  	s30 =	sld [smem:$0x0];
	_ =	sdelay $0x2  }
0xb8: {  	s31 =	sshll.u32 s1, $0xD;
	s1 =	sshrl.u32 s1, $0x2  }
0xb9: {  	s3 =	sand.u32 $0x4000, s31;
	s1 =	sadd.s32 s1, s30  }
0xba: {  	s0 =	sor.u32 s3, s0;
	s1 =	sshll.u32 s1, $0x11  }
0xbb: {  	s0 =	sor.u32 s1, s0  }
0xbc: {  	s0 =	sadd.s32 $0x8F2B, s0  }
0xbd: {  	[sflag:s0] =	ssyncadd.remote.s32 $0x1  }
0xbe: {  	_ =	sfence.sel $0xFFFF  }
0xbf: {  	[dreg:$0x0] =	wrdreg $0xFFFFFFFF;
	(pc) =	sbr.abs _section_cstart, $3  }
0xc0: {  	[dreg:$0x1] =	wrdreg $0xFFFFFFFF  }
0xc1: {  	_ =	task.clear_ibuf [dreg:s6], $0x2FFFF;
	_ =	strace $0x9FFFFFFF  }
0xc2: {  	(tm) =	ssettm $0x7FFFFFFF  }
0xc3: {  	_ =	shalt  }
tec
execute0_lowered:
.L_overlay_start_1:
0x0: {  	(tag) =	ssettag $0x1  }
0x1: {  	s10 =	rddreg [dreg:$0x0]  }
0x2: {  	s2 =	rddreg [dreg:$0x1]  }
0x3: {  	s0 =	rddreg [dreg:$0x2];
	s3 =	simm.s32 $0x0;
	s4 =	srdreg.scid  }
0x4: {  	s1 =	stileid.u32;
	s12 =	simm.s32 $0x35000;
	s14 =	simm.s32 $0x80  }
0x5: {  	s15 =	simm.s32 $0x2800;
	s7 =	sand.u32 $0x1, s4;
	s5 =	smul.u32 $0x50000, s1  }
0x6: {  	s29 =	sshll.u32 s1, $0x1;
	[smem:$0x7FF] =	sst s3;
	s13 =	smul.u32 $0x2800, s1  }
0x7: {  	s16 =	sshll.u32 s1, $0x6;
	s4 =	sor.u32 s7, s29;
	s8 =	ssub.s32 $0x2, s7  }
0x8: {  	_ =	strace $0x80000047;
	p0 =	seq.s32 s7, $0x1;
	s16 =	sor.u32 $0x1C01, s16  }
0x9: {  	s6 =	smul.u32 $0x500, s4;
	s30 =	sshrl.u32 s5, $0x2;
	s31 =	sshrl.u32 s8, $0x1  }
0xa: {  	s12 =	simm.s32 @!p0 $0xD000;
	s4 =	sadd.s32 s30, s2;
	s11 =	ssub.s32 s8, s31  }
0xb: {  	s12 =	sadd.s32 s12, s10;
	s9 =	sadd.s32 s6, s10;
	s5 =	sadd.s32 $0x4000, s4  }
0xc: {  	s6 =	sadd.s32 $0x8000, s4;
	s7 =	sadd.s32 $0xC000, s4;
	s8 =	sadd.s32 $0x10000, s4  }
0xd: {  	s10 =	smax.u32 s11, $0x1;
	s11 =	sadd.s32 s12, s13;
	s12 =	simm.s32 $0x6800  }
0xe: {  	v0 =	vimm.f32 $1.000000000e+00;
	v1 =	vimm.f32 $0.0e+00;
	s13 =	simm.s32 $0x1;
	s17 =	sshrl.u32 s4, $0x3;
	s9 =	sadd.s32 $0x3000, s9  }
.LBB2_1:
0xf: {  	s18 =	simm.s32 $0x200;
	s19 =	simm.s32 $0x0  }
.LBB2_2:
0x10: {  	p0 =	sne.s32 s18, $0xFE00;
	[tilespmem:s19+$0x2800] =	vst v0;
	s20 =	smov.u32 s18;
	s18 =	sadd.s32 $0x200, s18  }
.Ltmp0:
0x11: {  	[tilespmem:s19+$0x6800] =	vst v1;
	(pc) =	sbr.rel @p0 .LBB2_2-.Ltmp0, $2  }
0x12: {  	_ =	sdelay $0x2  }
0x13: {  	s19 =	sshra.s32 s20, $0x2  }
0x14: {  	[tilespmem:s19+$0x2800] =	vst v0  }
0x15: {  	[tilespmem:s19+$0x6800] =	vst v1  }
0x16: {  	[spmem:s4] =	stream.linear.scatter [tilespmem:s12], [sflag:$0x1], $0x4000, $0x38;
	[tilespmem:$0xD000] =	vst v63  }
0x17: {  	_ =	swait.ge [sflag:s13], $0x4000  }
0x18: {  	[sflag:s13] =	ssyncset.done $0x0  }
0x19: {  	[sflag:s13] =	ssyncadd.s32 $0xFFFFC000  }
0x1a: {  	[spmem:s5] =	stream.linear.scatter [tilespmem:s12], [sflag:$0x1], $0x4000, $0x38;
	[tilespmem:$0xD000] =	vst v63  }
0x1b: {  	_ =	swait.ge [sflag:s13], $0x4000  }
0x1c: {  	[sflag:s13] =	ssyncset.done $0x0  }
0x1d: {  	[sflag:s13] =	ssyncadd.s32 $0xFFFFC000  }
0x1e: {  	[spmem:s6] =	stream.linear.scatter [tilespmem:s12], [sflag:$0x1], $0x4000, $0x38;
	[tilespmem:$0xD000] =	vst v63  }
0x1f: {  	_ =	swait.ge [sflag:s13], $0x4000  }
0x20: {  	[sflag:s13] =	ssyncset.done $0x0  }
0x21: {  	[sflag:s13] =	ssyncadd.s32 $0xFFFFC000  }
0x22: {  	[spmem:s7] =	stream.linear.scatter [tilespmem:s12], [sflag:$0x1], $0x4000, $0x38;
	[tilespmem:$0xD000] =	vst v63  }
0x23: {  	_ =	swait.ge [sflag:s13], $0x4000  }
0x24: {  	[sflag:s13] =	ssyncset.done $0x0  }
0x25: {  	[sflag:s13] =	ssyncadd.s32 $0xFFFFC000  }
0x26: {  	[spmem:s8] =	stream.linear.scatter [tilespmem:s12], [sflag:$0x1], $0x4000, $0x38;
	[tilespmem:$0xD000] =	vst v63  }
0x27: {  	_ =	swait.ge [sflag:s13], $0x4000  }
0x28: {  	[sflag:s13] =	ssyncset.done $0x0  }
0x29: {  	s18 =	simm.s32 $0x0;
	[sflag:s13] =	ssyncadd.s32 $0xFFFFC000  }
0x2a: {  	[tilespmem:s18], [sflag:$0x1] =	stream.linear.gather [hbm4b:s9+s18], $0x2800, $0x38;
	[tilespmem:$0xD000] =	vst v63  }
0x2b: {  	_ =	swait.ge [sflag:s13], $0x2800  }
0x2c: {  	[sflag:s13] =	ssyncset.done $0x0  }
0x2d: {  	[sflag:s13] =	ssyncadd.s32 $0xFFFFD800  }
0x2e: {  	s31 =	simm.s32 $0x0;
	[bflag:$0x0] =	sbarrier.arrive $0xFFFF  }
0x2f: {  	[spmem:s2] =	stream.indirect.scatter.add.f32 [tilespmem:s15], [sflag:$0x1], $0x10, s31, s14, $0xb8;
	[tilespmem:$0xD000] =	vst v63  }
0x30: {  	_ =	swait.ge [sflag:s13], $0x800  }
0x31: {  	s18 =	simm.s32 $0x200;
	[sflag:s13] =	ssyncset.done $0x0  }
.LBB2_4:
0x32: {  	s19 =	sshra.s32 s18, $0x2;
	[sflag:s13] =	ssyncadd.s32 $0xFFFFF800;
	p0 =	sne.s32 s18, $0x9E00  }
0x33: {  	[spmem:s2] =	stream.indirect.scatter.add.f32 [tilespmem:s15], [sflag:$0x1], $0x10, s19, s14, $0xb8;
	[tilespmem:$0xD000] =	vst v63  }
.Ltmp1:
0x34: {  	_ = 	snop;
	(pc) =	sbr.rel @p0 .LBB2_4-.Ltmp1, $4  }
0x35: {  	_ = 	snop  }
0x36: {  	s18 =	sadd.s32 $0x200, s18  }
0x37: {  	_ =	swait.ge [sflag:s13], $0x800  }
0x38: {  	[sflag:s13] =	ssyncset.done $0x0  }
0x39: {  	s3 =	sadd.s32 $0x1, s3  }
0x3a: {  	[sflag:s13] =	ssyncadd.s32 $0xFFFFF800;
	p0 =	sne.s32 s3, s10  }
.Ltmp2:
0x3b: {  	[bflag:$0x0] =	sbarrier.arrive $0xFFFF;
	(pc) =	sbr.rel @p0 .LBB2_1-.Ltmp2, $4  }
0x3c: {  	[hbm:s11], [sflag:s16] =	dma.local [spmem:s17], $0x2800  }
0x3d: {  	_ =	swait.ge [sflag:s13], $0x2800  }
0x3e: {  	[sflag:s13] =	ssyncset.done $0x0  }
0x3f: {  	[sflag:s13] =	ssyncadd.s32 $0xFFFFD800  }
0x40: {  	_ =	sfence.sel $0x180000  }
0x41: {  	[bflag:$0x0] =	sbarrier.arrive $0xFFFF  }
0x42: {  	p0 =	sne.s32 s1, $0x0;
	_ =	strace $0x90000047  }
0x43: {  	s0 =	sadd.s32 @!p0 $0x100000, s0;
	[bflag:$0x2] =	sbarrier.arrive $0xFFFF  }
0x44: {  	[sflag:s0] =	ssyncadd.tile.s32 @!p0 $0x1;
	_ =	shalt  }
.Lfunc_end2:
_tile_overlayer_lowered:
.L_overlay_start_2:
0x45: {  	(tag) =	ssettag $0x2  }
0x46: {  	s0 =	rddreg [dreg:$0x0];
	s2 =	stileid.u32  }
0x47: {  	s1 =	rddreg [dreg:$0x1];
	p0 =	sne.s32 s2, $0x0  }
0x48: {  	s3 =	rddreg [dreg:$0x2];
	[bflag:$0x3] =	sbarrier.arrive $0xFFFF;
	s2 =	simm.s32 @!p0 $0x1C01  }
0x49: {  	[timem:s3], [sflag:s2] =	dma.local @!p0 [hbm:s0], s1  }
0x4a: {  	s0 =	simm.s32 @!p0 $0x1  }
0x4b: {  	_ =	swait.ge @!p0 [sflag:s0], s1  }
0x4c: {  	s1 =	ssub.s32 @!p0 $0x0, s1;
	[sflag:s0] =	ssyncset.done @!p0 $0x0  }
0x4d: {  	[sflag:s0] =	ssyncadd.s32 @!p0 s1  }
0x4e: {  	[bflag:$0x3] =	sbarrier.arrive $0xFFFF  }
0x4f: {  	_ =	shalt  }

</sc_bundles>
